<compile_context>
chip_gen: v7x
topology: tpu7x:2x2x1
jax: 0.10.2.dev20260603
libtpu: 0.0.44.dev20260713+nightly
codegen_flags: <defaults>
</compile_context>

<pallas_src>
import jax
import jax.numpy as jnp
from jax import lax
from jax.experimental import pallas as pl
from jax.experimental.pallas import tpu as pltpu
from jax.experimental.pallas import tpu_sc as plsc

N = 10000
E = 320000
HIDDEN = 128
TRANS = 16
MASK_DIM = 32
K = 3

NUM_CORES = 2
NUM_SUBCORES = 16
LANES = 16

N_PAD = 10240
SLICE = N_PAD // NUM_SUBCORES
EPT = E // NUM_SUBCORES
GCH = 80
NCH = EPT // GCH
NB = 10
BE = 16000
PACK = 8


def _mesh():
    return plsc.VectorSubcoreMesh(
        core_axis_name="c", subcore_axis_name="s",
        num_cores=NUM_CORES, num_subcores=NUM_SUBCORES)


_SC_PARAMS = pltpu.CompilerParams(
    use_tc_tiling_on_sc=False, needs_layout_passes=False)


def _proj_body(x_ref, ws_ref, wd_ref, bea_ref, ps_ref, pd_ref):
    x = x_ref[...]
    ps_ref[...] = jnp.dot(x, ws_ref[...], preferred_element_type=jnp.float32)
    pd_ref[...] = (jnp.dot(x, wd_ref[...], preferred_element_type=jnp.float32)
                   + bea_ref[...])


def _node_proj(x_pad, w_s, w_d, b_ea2):
    return pl.pallas_call(
        _proj_body,
        out_shape=[jax.ShapeDtypeStruct((N_PAD, TRANS), jnp.float32),
                   jax.ShapeDtypeStruct((N_PAD, TRANS), jnp.float32)],
    )(x_pad, w_s, w_d, b_ea2)


def _edge_gather_body(ps_hbm, pd_hbm, sp_hbm, dm_hbm, g_hbm,
                      sidx, didx, bufs, gsem, wsem, sh_ps, sh_pd):
    c = lax.axis_index("c")
    t = lax.axis_index("s")
    ebase = t * EPT
    nrow = N_PAD // NUM_SUBCORES
    pltpu.sync_copy(ps_hbm.at[pl.ds(t * nrow, nrow)],
                    sh_ps.at[pl.ds(t * nrow, nrow)])
    pltpu.sync_copy(pd_hbm.at[pl.ds(t * nrow, nrow)],
                    sh_pd.at[pl.ds(t * nrow, nrow)])

    @pl.when(c == 0)
    def _():
        pltpu.sync_copy(sp_hbm.at[pl.ds(ebase, EPT)], sidx)
        pltpu.sync_copy(sp_hbm.at[pl.ds(E + ebase, EPT)], didx)

    @pl.when(c == 1)
    def _():
        pltpu.sync_copy(dm_hbm.at[pl.ds(ebase, EPT)], sidx)
        pltpu.sync_copy(dm_hbm.at[pl.ds(E + ebase, EPT)], didx)

    plsc.subcore_barrier()
    bs, bd, ob = bufs
    grow = GCH * TRANS // 128

    def add_rows(rs, rd, ro):
        def body(i, _):
            ro[i // PACK, pl.ds((i % PACK) * TRANS, TRANS)] = rs[i] + rd[i]
            return 0
        lax.fori_loop(0, GCH, body, 0)

    def group(gi, _):
        j0 = gi * NB
        for b in range(NB):
            @pl.when(gi > 0)
            def _():
                pltpu.make_async_copy(
                    ob[b], g_hbm.at[c, pl.ds(0, grow)], wsem[b]).wait()
            o = (j0 + b) * GCH
            pltpu.async_copy(sh_ps.at[sidx.at[pl.ds(o, GCH)]], bs[b], gsem[b])
            pltpu.async_copy(sh_pd.at[didx.at[pl.ds(o, GCH)]], bd[b], gsem[b])
        for b in range(NB):
            o = (j0 + b) * GCH
            pltpu.make_async_copy(
                sh_ps.at[sidx.at[pl.ds(o, GCH)]], bs[b], gsem[b]).wait()
            pltpu.make_async_copy(
                sh_pd.at[didx.at[pl.ds(o, GCH)]], bd[b], gsem[b]).wait()
            add_rows(bs[b], bd[b], ob[b])
            pltpu.async_copy(
                ob[b], g_hbm.at[c, pl.ds((ebase + o) // PACK, grow)], wsem[b])
        return 0

    lax.fori_loop(0, NCH // NB, group, 0)
    for b in range(NB):
        pltpu.make_async_copy(
            ob[b], g_hbm.at[c, pl.ds(0, grow)], wsem[b]).wait()


def _edge_gather(ps, pd, sp1, dm1):
    kfn = pl.kernel(
        _edge_gather_body,
        out_type=jax.ShapeDtypeStruct((NUM_CORES, E * TRANS // 128, 128),
                                      jnp.float32),
        mesh=_mesh(),
        scratch_types=[
            pltpu.VMEM((EPT,), jnp.int32),
            pltpu.VMEM((EPT,), jnp.int32),
            ([pltpu.VMEM((GCH, TRANS), jnp.float32) for _ in range(NB)],
             [pltpu.VMEM((GCH, TRANS), jnp.float32) for _ in range(NB)],
             [pltpu.VMEM((GCH * TRANS // 128, 128), jnp.float32)
              for _ in range(NB)]),
            [pltpu.SemaphoreType.DMA for _ in range(NB)],
            [pltpu.SemaphoreType.DMA for _ in range(NB)],
            pltpu.VMEM_SHARED((N_PAD, TRANS), jnp.float32),
            pltpu.VMEM_SHARED((N_PAD, TRANS), jnp.float32),
        ],
        compiler_params=_SC_PARAMS,
    )
    return kfn(ps, pd, sp1, dm1)


def _mlp_body(g_ref, asp_ref, adm_ref, w1t_ref, w1asp_ref, w1adm_ref,
              b1_ref, w2_ref, b2_ref, o_ref):
    for gi in range(NUM_CORES):
        trans = jnp.tanh(g_ref[gi])
        a_ref = asp_ref if gi == 0 else adm_ref
        w1a_ref = w1asp_ref if gi == 0 else w1adm_ref
        h = (jnp.dot(trans, w1t_ref[gi],
                     preferred_element_type=jnp.float32)
             + jnp.dot(a_ref[...], w1a_ref[...],
                       preferred_element_type=jnp.float32)
             + b1_ref[gi])
        h = jnp.maximum(h, 0.0)
        ew = jnp.dot(h, w2_ref[gi], preferred_element_type=jnp.float32)
        o_ref[gi] = jax.nn.sigmoid(ew + b2_ref[gi])


def _edge_mlp(g2, asp2, adm2, w1t_big, w1asp_big, w1adm_big,
              b1_big, w2_big, b2_big):
    grid = (E // BE,)
    bp = BE // PACK
    full = lambda a: pl.BlockSpec(a.shape, lambda bi: (0,) * a.ndim)
    return pl.pallas_call(
        _mlp_body,
        grid=grid,
        in_specs=[
            pl.BlockSpec((NUM_CORES, bp, PACK * TRANS), lambda bi: (0, bi, 0)),
            pl.BlockSpec((bp, PACK * 4), lambda bi: (bi, 0)),
            pl.BlockSpec((bp, PACK * 1), lambda bi: (bi, 0)),
            full(w1t_big),
            full(w1asp_big),
            full(w1adm_big),
            full(b1_big),
            full(w2_big),
            full(b2_big),
        ],
        out_specs=pl.BlockSpec((NUM_CORES, bp, PACK), lambda bi: (0, bi, 0)),
        out_shape=jax.ShapeDtypeStruct((NUM_CORES, E // PACK, PACK),
                                       jnp.float32),
    )(g2, asp2, adm2, w1t_big, w1asp_big, w1adm_big, b1_big, w2_big, b2_big)


def _prop_body(sp_hbm, dm_hbm, ew_hbm, m0_hbm, out_hbm,
               src_t, dst_t, ew_t, m_cur, acc,
               shared_s, shared_m, rsem):
        c = lax.axis_index("c")
        t = lax.axis_index("s")
        ebase = t * EPT
        sbase = t * SLICE

        @pl.when(c == 0)
        def _():
            pltpu.sync_copy(sp_hbm.at[pl.ds(ebase, EPT)], src_t)
            pltpu.sync_copy(sp_hbm.at[pl.ds(E + ebase, EPT)], dst_t)

        @pl.when(c == 1)
        def _():
            pltpu.sync_copy(dm_hbm.at[pl.ds(ebase, EPT)], src_t)
            pltpu.sync_copy(dm_hbm.at[pl.ds(E + ebase, EPT)], dst_t)

        pltpu.sync_copy(ew_hbm.at[c, pl.ds(ebase // PACK, EPT // PACK)], ew_t)
        pltpu.sync_copy(m0_hbm, m_cur)
        pltpu.sync_copy(m0_hbm, acc)
        lane = lax.iota(jnp.int32, LANES)
        qoff = lane // PACK
        jidx = lane % PACK

        def scatter_chunk(j):
            off = j * LANES
            si = src_t[pl.ds(off, LANES)]
            di = dst_t[pl.ds(off, LANES)]
            w = plsc.load_gather(ew_t, [2 * j + qoff, jidx])
            ms = plsc.load_gather(m_cur, [si])
            kk, vv = plsc.sort_key_val(di, ms * w)
            for sh in (1, 2, 4, 8):
                idx2 = jnp.maximum(lane - sh, 0)
                kp = kk.at[idx2].get(mode="promise_in_bounds")
                vp = vv.at[idx2].get(mode="promise_in_bounds")
                hit = (lane >= sh) & (kp == kk)
                vv = jnp.where(hit, jnp.maximum(vv, vp), vv)
            nxt = jnp.minimum(lane + 1, LANES - 1)
            kn = kk.at[nxt].get(mode="promise_in_bounds")
            is_last = (lane == LANES - 1) | (kn != kk)
            cur = plsc.load_gather(acc, [kk], mask=is_last)
            plsc.store_scatter(acc, [kk], jnp.maximum(vv, cur), mask=is_last)

        def edge_body(ju, _):
            scatter_chunk(ju)
            return 0

        for k in range(K):
            lax.fori_loop(0, EPT // LANES, edge_body, 0)
            pltpu.sync_copy(acc, shared_s.at[t])
            plsc.subcore_barrier()
            stage_in = [
                pltpu.async_copy(shared_s.at[jj, pl.ds(sbase, SLICE)],
                                 m_cur.at[pl.ds(jj * SLICE, SLICE)], rsem)
                for jj in range(NUM_SUBCORES)]
            for d in stage_in:
                d.wait()

            def red_body(r, _):
                o = r * LANES
                v = m_cur[pl.ds(o, LANES)]
                for jj in range(1, NUM_SUBCORES):
                    v = jnp.maximum(v, m_cur[pl.ds(jj * SLICE + o, LANES)])
                acc[pl.ds(o, LANES)] = v
                return 0

            lax.fori_loop(0, SLICE // LANES, red_body, 0)
            if k + 1 < K:
                pltpu.sync_copy(acc.at[pl.ds(0, SLICE)],
                                shared_m.at[pl.ds(sbase, SLICE)])
                plsc.subcore_barrier()
                pltpu.sync_copy(shared_m, m_cur)
                pltpu.sync_copy(shared_m, acc)
            else:
                pltpu.sync_copy(acc.at[pl.ds(0, SLICE)],
                                out_hbm.at[c, pl.ds(sbase, SLICE)])


def _propagate(sp1, dm1, ew3, m0):
    kfn = pl.kernel(
        _prop_body,
        out_type=jax.ShapeDtypeStruct((NUM_CORES, N_PAD), jnp.float32),
        mesh=_mesh(),
        scratch_types=[
            pltpu.VMEM((EPT,), jnp.int32),
            pltpu.VMEM((EPT,), jnp.int32),
            pltpu.VMEM((EPT // PACK, PACK), jnp.float32),
            pltpu.VMEM((N_PAD,), jnp.float32),
            pltpu.VMEM((N_PAD,), jnp.float32),
            pltpu.VMEM_SHARED((NUM_SUBCORES, N_PAD), jnp.float32),
            pltpu.VMEM_SHARED((N_PAD,), jnp.float32),
            pltpu.SemaphoreType.DMA,
        ],
        compiler_params=_SC_PARAMS,
    )
    return kfn(sp1, dm1, ew3, m0)


def _combine_body(prop_ref, mask_ref, o_ref):
    o_ref[...] = jnp.maximum(
        jnp.maximum(prop_ref[0:1, :], prop_ref[1:2, :]), mask_ref[...])


def _combine(prop, mask_pad2):
    return pl.pallas_call(
        _combine_body,
        out_shape=jax.ShapeDtypeStruct((1, N_PAD), jnp.float32),
    )(prop, mask_pad2)


def kernel(x, spatial_edge_index, dom_edge_index, spatial_edge_attr,
           dom_edge_attr, mask, W_ea, b_ea, W_d1, b_d1, W_d2, b_d2,
           W_p1, b_p1, W_p2, b_p2):
    f32 = jnp.float32

    x_pad = jnp.pad(x.astype(f32), ((0, N_PAD - N), (0, 0)))
    w_s = W_ea[:HIDDEN]
    w_d = W_ea[HIDDEN:]
    b_ea2 = b_ea.reshape(1, TRANS)

    sp1 = spatial_edge_index.astype(jnp.int32).reshape(2 * E)
    dm1 = dom_edge_index.astype(jnp.int32).reshape(2 * E)

    asp2 = (spatial_edge_attr.astype(f32).T.reshape(4, E // PACK, PACK)
            .transpose(1, 2, 0).reshape(E // PACK, PACK * 4))
    adm2 = (dom_edge_attr.astype(f32).T.reshape(1, E // PACK, PACK)
            .transpose(1, 2, 0).reshape(E // PACK, PACK * 1))

    w1t = jnp.stack([W_p1[4:], W_d1[1:]])
    b1 = jnp.stack([b_p1, b_d1])
    w2 = jnp.stack([W_p2, W_d2])
    b2 = jnp.stack([b_p2, b_d2])
    eye8 = jnp.eye(PACK, dtype=f32)

    def blkdiag3(w):
        return (eye8[None, :, None, :, None]
                * w[:, None, :, None, :]
                ).reshape(w.shape[0], PACK * w.shape[1], PACK * w.shape[2])

    w1t_big = blkdiag3(w1t)
    w1asp_big = blkdiag3(W_p1[None, :4])[0]
    w1adm_big = blkdiag3(W_d1[None, :1])[0]
    b1_big = jnp.tile(b1, (1, PACK))
    w2_big = blkdiag3(w2)
    b2_big = jnp.tile(b2, (1, PACK))

    m0 = jnp.pad(mask[:, 0].astype(f32), (0, N_PAD - N))
    mask_pad2 = m0.reshape(1, N_PAD)

    ps, pd = _node_proj(x_pad, w_s, w_d, b_ea2)
    g2 = _edge_gather(ps, pd, sp1, dm1)
    ew3 = _edge_mlp(g2, asp2, adm2, w1t_big, w1asp_big, w1adm_big,
                    b1_big, w2_big, b2_big)
    prop = _propagate(sp1, dm1, ew3, m0)
    out = _combine(prop, mask_pad2)
    return out[0, :N].reshape(N, 1)

# --- scband reference (transcript-rebuilt; emitter-appended) ---
"""Pipeline reference for scband-directional-propagation-11845519803030 (READ-ONLY COPY).

The authoritative reference and input builder live on the scoring server;
editing this copy changes nothing except your own understanding.
"""

import jax, jax.numpy as jnp
import numpy as np

N = 10000
E = 320000
HIDDEN = 128
TRANS = 16
MASK_DIM = 32
K = 3


def setup_inputs(seed: int = 0) -> dict:
    key = jax.random.key(seed)
    ks = jax.random.split(key, 16)
    x = jax.random.normal(ks[0], (N, HIDDEN), dtype=jnp.float32)
    spatial_edge_index = jax.random.randint(ks[1], (2, E), 0, N, dtype=jnp.int64 if jax.config.jax_enable_x64 else jnp.int32)
    dom_edge_index = jax.random.randint(ks[2], (2, E), 0, N, dtype=jnp.int64 if jax.config.jax_enable_x64 else jnp.int32)
    spatial_edge_attr = jax.random.normal(ks[3], (E, 4), dtype=jnp.float32)
    dom_edge_attr = jax.random.normal(ks[4], (E, 1), dtype=jnp.float32)
    mask = jax.random.uniform(ks[5], (N, 1), dtype=jnp.float32)
    def lin(k, fi, fo):
        return jax.random.normal(k, (fi, fo), dtype=jnp.float32) / np.sqrt(fi)
    W_ea = lin(ks[6], 2 * HIDDEN, TRANS)
    b_ea = jnp.zeros((TRANS,), dtype=jnp.float32)
    W_d1 = lin(ks[7], 1 + TRANS, MASK_DIM)
    b_d1 = jnp.zeros((MASK_DIM,), dtype=jnp.float32)
    W_d2 = lin(ks[8], MASK_DIM, 1)
    b_d2 = jnp.zeros((1,), dtype=jnp.float32)
    W_p1 = lin(ks[9], 4 + TRANS, MASK_DIM)
    b_p1 = jnp.zeros((MASK_DIM,), dtype=jnp.float32)
    W_p2 = lin(ks[10], MASK_DIM, 1)
    b_p2 = jnp.zeros((1,), dtype=jnp.float32)
    return {
        "x": x,
        "spatial_edge_index": spatial_edge_index,
        "dom_edge_index": dom_edge_index,
        "spatial_edge_attr": spatial_edge_attr,
        "dom_edge_attr": dom_edge_attr,
        "mask": mask,
        "W_ea": W_ea, "b_ea": b_ea,
        "W_d1": W_d1, "b_d1": b_d1, "W_d2": W_d2, "b_d2": b_d2,
        "W_p1": W_p1, "b_p1": b_p1, "W_p2": W_p2, "b_p2": b_p2,
    }


def _edge_attrs(x, edge_index, W_ea, b_ea):
    # EdgeAttrs(hidden_size, transitivity_size): per-edge transitivity features
    # from gathered src/dst node features.
    src = edge_index[0]
    dst = edge_index[1]
    h = jnp.concatenate([jnp.take(x, src, axis=0), jnp.take(x, dst, axis=0)], axis=1)
    return jnp.tanh(h @ W_ea + b_ea)


def _edge_mask(edge_feats, mask, edge_index, W1, b1, W2, b2, n_nodes):
    # EdgeMask(in_dim, mask_dim, K): learned per-edge gate, then K rounds of
    # directional max-propagation of the node mask along gated edges.
    h = jax.nn.relu(edge_feats @ W1 + b1)
    ew = jax.nn.sigmoid(h @ W2 + b2)  # [E, 1]
    src = edge_index[0]
    dst = edge_index[1]
    m = mask
    for _ in range(K):
        contrib = jnp.take(m, src, axis=0) * ew  # [E, 1] gather
        agg = jax.ops.segment_max(contrib, dst, num_segments=n_nodes)  # scatter-max
        m = jnp.maximum(m, agg)
    return m, ew


def reference(x, spatial_edge_index, dom_edge_index, spatial_edge_attr, dom_edge_attr, mask,
              W_ea, b_ea, W_d1, b_d1, W_d2, b_d2, W_p1, b_p1, W_p2, b_p2):
    n_nodes = x.shape[0]
    # projection is dom => safe_bc_edges is identity
    spatial_trans = _edge_attrs(x, spatial_edge_index, W_ea, b_ea)
    pos_mask, pos_ew = _edge_mask(
        jnp.concatenate([spatial_edge_attr, spatial_trans], axis=1),
        mask, spatial_edge_index, W_p1, b_p1, W_p2, b_p2, n_nodes)
    dom_trans = _edge_attrs(x, dom_edge_index, W_ea, b_ea)
    dom_mask, dom_ew = _edge_mask(
        jnp.concatenate([dom_edge_attr, dom_trans], axis=1),
        mask, dom_edge_index, W_d1, b_d1, W_d2, b_d2, n_nodes)
    return jnp.maximum(mask, jnp.maximum(pos_mask, dom_mask))

if __name__ == "__main__":
    import jax
    _d = setup_inputs()
    print(jax.jit(kernel)(*tuple(_d.values())))

</pallas_src>

<mosaic_0001>
#map = affine_map<(d0, d1) -> (0, 0)>
#map1 = affine_map<(d0, d1) -> (0)>
#map2 = affine_map<(d0, d1) -> (0, 0, 0)>
module attributes {stable_mosaic.version = 14 : i64} {
  func.func @_edge_gather_body(%arg0: i32, %arg1: i32, %arg2: memref<10240x16xf32, #tpu.memory_space<hbm>>, %arg3: memref<10240x16xf32, #tpu.memory_space<hbm>>, %arg4: memref<640000xi32, #tpu.memory_space<hbm>>, %arg5: memref<640000xi32, #tpu.memory_space<hbm>>, %arg6: memref<2x40000x128xf32, #tpu.memory_space<hbm>>, %arg7: memref<20000xi32, #tpu.memory_space<vmem>>, %arg8: memref<20000xi32, #tpu.memory_space<vmem>>, %arg9: memref<80x16xf32, #tpu.memory_space<vmem>>, %arg10: memref<80x16xf32, #tpu.memory_space<vmem>>, %arg11: memref<80x16xf32, #tpu.memory_space<vmem>>, %arg12: memref<80x16xf32, #tpu.memory_space<vmem>>, %arg13: memref<80x16xf32, #tpu.memory_space<vmem>>, %arg14: memref<80x16xf32, #tpu.memory_space<vmem>>, %arg15: memref<80x16xf32, #tpu.memory_space<vmem>>, %arg16: memref<80x16xf32, #tpu.memory_space<vmem>>, %arg17: memref<80x16xf32, #tpu.memory_space<vmem>>, %arg18: memref<80x16xf32, #tpu.memory_space<vmem>>, %arg19: memref<80x16xf32, #tpu.memory_space<vmem>>, %arg20: memref<80x16xf32, #tpu.memory_space<vmem>>, %arg21: memref<80x16xf32, #tpu.memory_space<vmem>>, %arg22: memref<80x16xf32, #tpu.memory_space<vmem>>, %arg23: memref<80x16xf32, #tpu.memory_space<vmem>>, %arg24: memref<80x16xf32, #tpu.memory_space<vmem>>, %arg25: memref<80x16xf32, #tpu.memory_space<vmem>>, %arg26: memref<80x16xf32, #tpu.memory_space<vmem>>, %arg27: memref<80x16xf32, #tpu.memory_space<vmem>>, %arg28: memref<80x16xf32, #tpu.memory_space<vmem>>, %arg29: memref<10x128xf32, #tpu.memory_space<vmem>>, %arg30: memref<10x128xf32, #tpu.memory_space<vmem>>, %arg31: memref<10x128xf32, #tpu.memory_space<vmem>>, %arg32: memref<10x128xf32, #tpu.memory_space<vmem>>, %arg33: memref<10x128xf32, #tpu.memory_space<vmem>>, %arg34: memref<10x128xf32, #tpu.memory_space<vmem>>, %arg35: memref<10x128xf32, #tpu.memory_space<vmem>>, %arg36: memref<10x128xf32, #tpu.memory_space<vmem>>, %arg37: memref<10x128xf32, #tpu.memory_space<vmem>>, %arg38: memref<10x128xf32, #tpu.memory_space<vmem>>, %arg39: memref<!tpu.dma_semaphore, #tpu.memory_space<semaphore_mem>>, %arg40: memref<!tpu.dma_semaphore, #tpu.memory_space<semaphore_mem>>, %arg41: memref<!tpu.dma_semaphore, #tpu.memory_space<semaphore_mem>>, %arg42: memref<!tpu.dma_semaphore, #tpu.memory_space<semaphore_mem>>, %arg43: memref<!tpu.dma_semaphore, #tpu.memory_space<semaphore_mem>>, %arg44: memref<!tpu.dma_semaphore, #tpu.memory_space<semaphore_mem>>, %arg45: memref<!tpu.dma_semaphore, #tpu.memory_space<semaphore_mem>>, %arg46: memref<!tpu.dma_semaphore, #tpu.memory_space<semaphore_mem>>, %arg47: memref<!tpu.dma_semaphore, #tpu.memory_space<semaphore_mem>>, %arg48: memref<!tpu.dma_semaphore, #tpu.memory_space<semaphore_mem>>, %arg49: memref<!tpu.dma_semaphore, #tpu.memory_space<semaphore_mem>>, %arg50: memref<!tpu.dma_semaphore, #tpu.memory_space<semaphore_mem>>, %arg51: memref<!tpu.dma_semaphore, #tpu.memory_space<semaphore_mem>>, %arg52: memref<!tpu.dma_semaphore, #tpu.memory_space<semaphore_mem>>, %arg53: memref<!tpu.dma_semaphore, #tpu.memory_space<semaphore_mem>>, %arg54: memref<!tpu.dma_semaphore, #tpu.memory_space<semaphore_mem>>, %arg55: memref<!tpu.dma_semaphore, #tpu.memory_space<semaphore_mem>>, %arg56: memref<!tpu.dma_semaphore, #tpu.memory_space<semaphore_mem>>, %arg57: memref<!tpu.dma_semaphore, #tpu.memory_space<semaphore_mem>>, %arg58: memref<!tpu.dma_semaphore, #tpu.memory_space<semaphore_mem>>, %arg59: memref<10240x16xf32, #tpu.memory_space<vmem_shared>>, %arg60: memref<10240x16xf32, #tpu.memory_space<vmem_shared>>) attributes {dimension_semantics = [#tpu.dimension_semantics<core_parallel>, #tpu.dimension_semantics<subcore_parallel>], iteration_bounds = array<i64: 2, 16>, scalar_prefetch = 0 : i64, scratch_operands = 54 : i64, tpu.core_type = #tpu.core_type<sc_vector_subcore>, window_params = [{transform_indices = #map}, {transform_indices = #map}, {transform_indices = #map1}, {transform_indices = #map1}, {transform_indices = #map2}]} {
    %mul3A = arith.constant 20000 : i32
    %mul3A_0 = arith.muli %arg1, %mul3A : i32
    %mul3A_1 = arith.constant 640 : i32
    %mul3A_2 = arith.muli %arg1, %mul3A_1 : i32
    %mul3A_3 = arith.constant 640 : i32
    %mul3A_4 = arith.muli %arg1, %mul3A_3 : i32
    "tpu.region"() ({
      %run_scoped3A = tpu.sem_alloc : memref<!tpu.dma_semaphore, #tpu.memory_space<semaphore_mem>>
      %dma_start3A = arith.constant 0 : i32
      %dma_start3A_101 = tpu.memref_slice %arg59[%mul3A_4, %dma_start3A] : memref<10240x16xf32, #tpu.memory_space<vmem_shared>> -> memref<640x16xf32, #tpu.memory_space<vmem_shared>>
      %dma_start3A_102 = arith.constant 0 : i32
      %dma_start3A_103 = tpu.memref_slice %arg2[%mul3A_2, %dma_start3A_102] : memref<10240x16xf32, #tpu.memory_space<hbm>> -> memref<640x16xf32, #tpu.memory_space<hbm>>
      tpu.enqueue_dma source(%dma_start3A_103 : memref<640x16xf32, #tpu.memory_space<hbm>>) target(%dma_start3A_101 : memref<640x16xf32, #tpu.memory_space<vmem_shared>>) target_semaphore(%run_scoped3A : memref<!tpu.dma_semaphore, #tpu.memory_space<semaphore_mem>>)
      %dma_wait3A_104 = arith.constant 0 : i32
      %dma_wait3A_105 = tpu.memref_slice %arg59[%mul3A_4, %dma_wait3A_104] : memref<10240x16xf32, #tpu.memory_space<vmem_shared>> -> memref<640x16xf32, #tpu.memory_space<vmem_shared>>
      %dma_wait3A_106 = arith.constant 0 : i32
      %dma_wait3A_107 = tpu.memref_slice %arg2[%mul3A_2, %dma_wait3A_106] : memref<10240x16xf32, #tpu.memory_space<hbm>> -> memref<640x16xf32, #tpu.memory_space<hbm>>
      tpu.wait_dma2 semaphore(%run_scoped3A : memref<!tpu.dma_semaphore, #tpu.memory_space<semaphore_mem>>) src(%dma_wait3A_107 : memref<640x16xf32, #tpu.memory_space<hbm>>) dst(%dma_wait3A_105 : memref<640x16xf32, #tpu.memory_space<vmem_shared>>)
      tpu.yield
    }) : () -> ()
    %mul3A_5 = arith.constant 640 : i32
    %mul3A_6 = arith.muli %arg1, %mul3A_5 : i32
    %mul3A_7 = arith.constant 640 : i32
    %mul3A_8 = arith.muli %arg1, %mul3A_7 : i32
    "tpu.region"() ({
      %run_scoped3A = tpu.sem_alloc : memref<!tpu.dma_semaphore, #tpu.memory_space<semaphore_mem>>
      %dma_start3A = arith.constant 0 : i32
      %dma_start3A_101 = tpu.memref_slice %arg60[%mul3A_8, %dma_start3A] : memref<10240x16xf32, #tpu.memory_space<vmem_shared>> -> memref<640x16xf32, #tpu.memory_space<vmem_shared>>
      %dma_start3A_102 = arith.constant 0 : i32
      %dma_start3A_103 = tpu.memref_slice %arg3[%mul3A_6, %dma_start3A_102] : memref<10240x16xf32, #tpu.memory_space<hbm>> -> memref<640x16xf32, #tpu.memory_space<hbm>>
      tpu.enqueue_dma source(%dma_start3A_103 : memref<640x16xf32, #tpu.memory_space<hbm>>) target(%dma_start3A_101 : memref<640x16xf32, #tpu.memory_space<vmem_shared>>) target_semaphore(%run_scoped3A : memref<!tpu.dma_semaphore, #tpu.memory_space<semaphore_mem>>)
      %dma_wait3A_104 = arith.constant 0 : i32
      %dma_wait3A_105 = tpu.memref_slice %arg60[%mul3A_8, %dma_wait3A_104] : memref<10240x16xf32, #tpu.memory_space<vmem_shared>> -> memref<640x16xf32, #tpu.memory_space<vmem_shared>>
      %dma_wait3A_106 = arith.constant 0 : i32
      %dma_wait3A_107 = tpu.memref_slice %arg3[%mul3A_6, %dma_wait3A_106] : memref<10240x16xf32, #tpu.memory_space<hbm>> -> memref<640x16xf32, #tpu.memory_space<hbm>>
      tpu.wait_dma2 semaphore(%run_scoped3A : memref<!tpu.dma_semaphore, #tpu.memory_space<semaphore_mem>>) src(%dma_wait3A_107 : memref<640x16xf32, #tpu.memory_space<hbm>>) dst(%dma_wait3A_105 : memref<640x16xf32, #tpu.memory_space<vmem_shared>>)
      tpu.yield
    }) : () -> ()
    %eq3A = arith.constant 0 : i32
    %eq3A_9 = arith.cmpi eq, %arg0, %eq3A : i32
    %convert_element_type3A = arith.extui %eq3A_9 : i1 to i32
    %cond3A = arith.constant 0 : i32
    %cond3A_10 = arith.cmpi ne, %convert_element_type3A, %cond3A : i32
    scf.if %cond3A_10 {
      "tpu.region"() ({
        %run_scoped3A = tpu.sem_alloc : memref<!tpu.dma_semaphore, #tpu.memory_space<semaphore_mem>>
        %dma_start3A = tpu.memref_slice %arg4[%mul3A_0] : memref<640000xi32, #tpu.memory_space<hbm>> -> memref<20000xi32, #tpu.memory_space<hbm>>
        %dma_start3A_102 = tpu.memref_slice %arg4[%mul3A_0] : memref<640000xi32, #tpu.memory_space<hbm>> -> memref<20000xi32, #tpu.memory_space<hbm>>
        tpu.enqueue_dma source(%dma_start3A_102 : memref<20000xi32, #tpu.memory_space<hbm>>) target(%arg7 : memref<20000xi32, #tpu.memory_space<vmem>>) target_semaphore(%run_scoped3A : memref<!tpu.dma_semaphore, #tpu.memory_space<semaphore_mem>>)
        %dma_wait3A_103 = tpu.memref_slice %arg4[%mul3A_0] : memref<640000xi32, #tpu.memory_space<hbm>> -> memref<20000xi32, #tpu.memory_space<hbm>>
        %dma_wait3A_104 = tpu.memref_slice %arg4[%mul3A_0] : memref<640000xi32, #tpu.memory_space<hbm>> -> memref<20000xi32, #tpu.memory_space<hbm>>
        tpu.wait_dma2 semaphore(%run_scoped3A : memref<!tpu.dma_semaphore, #tpu.memory_space<semaphore_mem>>) src(%dma_wait3A_104 : memref<20000xi32, #tpu.memory_space<hbm>>) dst(%arg7 : memref<20000xi32, #tpu.memory_space<vmem>>)
        tpu.yield
      }) : () -> ()
      %add3A = arith.constant 320000 : i32
      %add3A_101 = arith.addi %add3A, %mul3A_0 : i32
      "tpu.region"() ({
        %run_scoped3A = tpu.sem_alloc : memref<!tpu.dma_semaphore, #tpu.memory_space<semaphore_mem>>
        %dma_start3A = tpu.memref_slice %arg4[%add3A_101] : memref<640000xi32, #tpu.memory_space<hbm>> -> memref<20000xi32, #tpu.memory_space<hbm>>
        %dma_start3A_102 = tpu.memref_slice %arg4[%add3A_101] : memref<640000xi32, #tpu.memory_space<hbm>> -> memref<20000xi32, #tpu.memory_space<hbm>>
        tpu.enqueue_dma source(%dma_start3A_102 : memref<20000xi32, #tpu.memory_space<hbm>>) target(%arg8 : memref<20000xi32, #tpu.memory_space<vmem>>) target_semaphore(%run_scoped3A : memref<!tpu.dma_semaphore, #tpu.memory_space<semaphore_mem>>)
        %dma_wait3A_103 = tpu.memref_slice %arg4[%add3A_101] : memref<640000xi32, #tpu.memory_space<hbm>> -> memref<20000xi32, #tpu.memory_space<hbm>>
        %dma_wait3A_104 = tpu.memref_slice %arg4[%add3A_101] : memref<640000xi32, #tpu.memory_space<hbm>> -> memref<20000xi32, #tpu.memory_space<hbm>>
        tpu.wait_dma2 semaphore(%run_scoped3A : memref<!tpu.dma_semaphore, #tpu.memory_space<semaphore_mem>>) src(%dma_wait3A_104 : memref<20000xi32, #tpu.memory_space<hbm>>) dst(%arg8 : memref<20000xi32, #tpu.memory_space<vmem>>)
        tpu.yield
      }) : () -> ()
    } else {
    }
    %eq3A_11 = arith.constant 1 : i32
    %eq3A_12 = arith.cmpi eq, %arg0, %eq3A_11 : i32
    %convert_element_type3A_13 = arith.extui %eq3A_12 : i1 to i32
    %cond3A_14 = arith.constant 0 : i32
    %cond3A_15 = arith.cmpi ne, %convert_element_type3A_13, %cond3A_14 : i32
    scf.if %cond3A_15 {
      "tpu.region"() ({
        %run_scoped3A = tpu.sem_alloc : memref<!tpu.dma_semaphore, #tpu.memory_space<semaphore_mem>>
        %dma_start3A = tpu.memref_slice %arg5[%mul3A_0] : memref<640000xi32, #tpu.memory_space<hbm>> -> memref<20000xi32, #tpu.memory_space<hbm>>
        %dma_start3A_102 = tpu.memref_slice %arg5[%mul3A_0] : memref<640000xi32, #tpu.memory_space<hbm>> -> memref<20000xi32, #tpu.memory_space<hbm>>
        tpu.enqueue_dma source(%dma_start3A_102 : memref<20000xi32, #tpu.memory_space<hbm>>) target(%arg7 : memref<20000xi32, #tpu.memory_space<vmem>>) target_semaphore(%run_scoped3A : memref<!tpu.dma_semaphore, #tpu.memory_space<semaphore_mem>>)
        %dma_wait3A_103 = tpu.memref_slice %arg5[%mul3A_0] : memref<640000xi32, #tpu.memory_space<hbm>> -> memref<20000xi32, #tpu.memory_space<hbm>>
        %dma_wait3A_104 = tpu.memref_slice %arg5[%mul3A_0] : memref<640000xi32, #tpu.memory_space<hbm>> -> memref<20000xi32, #tpu.memory_space<hbm>>
        tpu.wait_dma2 semaphore(%run_scoped3A : memref<!tpu.dma_semaphore, #tpu.memory_space<semaphore_mem>>) src(%dma_wait3A_104 : memref<20000xi32, #tpu.memory_space<hbm>>) dst(%arg7 : memref<20000xi32, #tpu.memory_space<vmem>>)
        tpu.yield
      }) : () -> ()
      %add3A = arith.constant 320000 : i32
      %add3A_101 = arith.addi %add3A, %mul3A_0 : i32
      "tpu.region"() ({
        %run_scoped3A = tpu.sem_alloc : memref<!tpu.dma_semaphore, #tpu.memory_space<semaphore_mem>>
        %dma_start3A = tpu.memref_slice %arg5[%add3A_101] : memref<640000xi32, #tpu.memory_space<hbm>> -> memref<20000xi32, #tpu.memory_space<hbm>>
        %dma_start3A_102 = tpu.memref_slice %arg5[%add3A_101] : memref<640000xi32, #tpu.memory_space<hbm>> -> memref<20000xi32, #tpu.memory_space<hbm>>
        tpu.enqueue_dma source(%dma_start3A_102 : memref<20000xi32, #tpu.memory_space<hbm>>) target(%arg8 : memref<20000xi32, #tpu.memory_space<vmem>>) target_semaphore(%run_scoped3A : memref<!tpu.dma_semaphore, #tpu.memory_space<semaphore_mem>>)
        %dma_wait3A_103 = tpu.memref_slice %arg5[%add3A_101] : memref<640000xi32, #tpu.memory_space<hbm>> -> memref<20000xi32, #tpu.memory_space<hbm>>
        %dma_wait3A_104 = tpu.memref_slice %arg5[%add3A_101] : memref<640000xi32, #tpu.memory_space<hbm>> -> memref<20000xi32, #tpu.memory_space<hbm>>
        tpu.wait_dma2 semaphore(%run_scoped3A : memref<!tpu.dma_semaphore, #tpu.memory_space<semaphore_mem>>) src(%dma_wait3A_104 : memref<20000xi32, #tpu.memory_space<hbm>>) dst(%arg8 : memref<20000xi32, #tpu.memory_space<vmem>>)
        tpu.yield
      }) : () -> ()
    } else {
    }
    %barrier3A = arith.constant 0 : index
    tpu.barrier barrier_id(%barrier3A)
    %scan3A = arith.constant 0 : i32
    %scan3A_16 = arith.constant 0 : i32
    %scan3A_17 = arith.constant 25 : i32
    %scan3A_18 = arith.addi %scan3A_16, %scan3A_17 : i32
    %scan3A_19 = arith.constant 1 : i32
    %scan3A_20 = scf.for %scan3A_101 = %scan3A_16 to %scan3A_18 step %scan3A_19 iter_args(%scan3A_102 = %scan3A) -> (i32)  : i32 {
      %mul3A_103 = arith.constant 10 : i32
      %mul3A_104 = arith.muli %scan3A_101, %mul3A_103 : i32
      %gt3A = arith.constant 0 : i32
      %gt3A_105 = arith.cmpi sgt, %scan3A_101, %gt3A : i32
      %convert_element_type3A_106 = arith.extui %gt3A_105 : i1 to i32
      %cond3A_107 = arith.constant 0 : i32
      %cond3A_108 = arith.cmpi ne, %convert_element_type3A_106, %cond3A_107 : i32
      scf.if %cond3A_108 {
        %dma_wait3A_765 = arith.constant 0 : i32
        %dma_wait3A_766 = arith.constant 0 : i32
        %dma_wait3A_767 = tpu.memref_slice %arg6[%arg0, %dma_wait3A_765, %dma_wait3A_766] : memref<2x40000x128xf32, #tpu.memory_space<hbm>> -> memref<1x10x128xf32, #tpu.memory_space<hbm>>
        %dma_wait3A_768 = tpu.memref_squeeze %dma_wait3A_767 : memref<1x10x128xf32, #tpu.memory_space<hbm>> -> memref<10x128xf32, #tpu.memory_space<hbm>>
        %dma_wait3A_769 = arith.constant 0 : i32
        %dma_wait3A_770 = arith.constant 0 : i32
        %dma_wait3A_771 = tpu.memref_slice %arg6[%arg0, %dma_wait3A_769, %dma_wait3A_770] : memref<2x40000x128xf32, #tpu.memory_space<hbm>> -> memref<1x10x128xf32, #tpu.memory_space<hbm>>
        %dma_wait3A_772 = tpu.memref_squeeze %dma_wait3A_771 : memref<1x10x128xf32, #tpu.memory_space<hbm>> -> memref<10x128xf32, #tpu.memory_space<hbm>>
        tpu.wait_dma2 semaphore(%arg49 : memref<!tpu.dma_semaphore, #tpu.memory_space<semaphore_mem>>) src(%arg29 : memref<10x128xf32, #tpu.memory_space<vmem>>) dst(%dma_wait3A_772 : memref<10x128xf32, #tpu.memory_space<hbm>>)
      } else {
      }
      %add3A = arith.constant 0 : i32
      %add3A_109 = arith.addi %mul3A_104, %add3A : i32
      %mul3A_110 = arith.constant 80 : i32
      %mul3A_111 = arith.muli %add3A_109, %mul3A_110 : i32
      %dma_start3A = tpu.memref_slice %arg7[%mul3A_111] : memref<20000xi32, #tpu.memory_space<vmem>> -> memref<80xi32, #tpu.memory_space<vmem>>
      %dma_start3A_112 = arith.constant 0 : i32
      %dma_start3A_113 = arith.constant 0 : i32
      %dma_start3A_114 = tpu.memref_slice %arg59[%dma_start3A_112, %dma_start3A_113] : memref<10240x16xf32, #tpu.memory_space<vmem_shared>> -> memref<10240x16xf32, #tpu.memory_space<vmem_shared>>
      tpu.enqueue_indirect_dma source(%dma_start3A_114 : memref<10240x16xf32, #tpu.memory_space<vmem_shared>>) target(%arg9 : memref<80x16xf32, #tpu.memory_space<vmem>>) offsets(%dma_start3A : memref<80xi32, #tpu.memory_space<vmem>>) semaphore(%arg39 : memref<!tpu.dma_semaphore, #tpu.memory_space<semaphore_mem>>)
      %dma_start3A_115 = tpu.memref_slice %arg8[%mul3A_111] : memref<20000xi32, #tpu.memory_space<vmem>> -> memref<80xi32, #tpu.memory_space<vmem>>
      %dma_start3A_116 = arith.constant 0 : i32
      %dma_start3A_117 = arith.constant 0 : i32
      %dma_start3A_118 = tpu.memref_slice %arg60[%dma_start3A_116, %dma_start3A_117] : memref<10240x16xf32, #tpu.memory_space<vmem_shared>> -> memref<10240x16xf32, #tpu.memory_space<vmem_shared>>
      tpu.enqueue_indirect_dma source(%dma_start3A_118 : memref<10240x16xf32, #tpu.memory_space<vmem_shared>>) target(%arg19 : memref<80x16xf32, #tpu.memory_space<vmem>>) offsets(%dma_start3A_115 : memref<80xi32, #tpu.memory_space<vmem>>) semaphore(%arg39 : memref<!tpu.dma_semaphore, #tpu.memory_space<semaphore_mem>>)
      %gt3A_119 = arith.constant 0 : i32
      %gt3A_120 = arith.cmpi sgt, %scan3A_101, %gt3A_119 : i32
      %convert_element_type3A_121 = arith.extui %gt3A_120 : i1 to i32
      %cond3A_122 = arith.constant 0 : i32
      %cond3A_123 = arith.cmpi ne, %convert_element_type3A_121, %cond3A_122 : i32
      scf.if %cond3A_123 {
        %dma_wait3A_765 = arith.constant 0 : i32
        %dma_wait3A_766 = arith.constant 0 : i32
        %dma_wait3A_767 = tpu.memref_slice %arg6[%arg0, %dma_wait3A_765, %dma_wait3A_766] : memref<2x40000x128xf32, #tpu.memory_space<hbm>> -> memref<1x10x128xf32, #tpu.memory_space<hbm>>
        %dma_wait3A_768 = tpu.memref_squeeze %dma_wait3A_767 : memref<1x10x128xf32, #tpu.memory_space<hbm>> -> memref<10x128xf32, #tpu.memory_space<hbm>>
        %dma_wait3A_769 = arith.constant 0 : i32
        %dma_wait3A_770 = arith.constant 0 : i32
        %dma_wait3A_771 = tpu.memref_slice %arg6[%arg0, %dma_wait3A_769, %dma_wait3A_770] : memref<2x40000x128xf32, #tpu.memory_space<hbm>> -> memref<1x10x128xf32, #tpu.memory_space<hbm>>
        %dma_wait3A_772 = tpu.memref_squeeze %dma_wait3A_771 : memref<1x10x128xf32, #tpu.memory_space<hbm>> -> memref<10x128xf32, #tpu.memory_space<hbm>>
        tpu.wait_dma2 semaphore(%arg50 : memref<!tpu.dma_semaphore, #tpu.memory_space<semaphore_mem>>) src(%arg30 : memref<10x128xf32, #tpu.memory_space<vmem>>) dst(%dma_wait3A_772 : memref<10x128xf32, #tpu.memory_space<hbm>>)
      } else {
      }
      %add3A_124 = arith.constant 1 : i32
      %add3A_125 = arith.addi %mul3A_104, %add3A_124 : i32
      %mul3A_126 = arith.constant 80 : i32
      %mul3A_127 = arith.muli %add3A_125, %mul3A_126 : i32
      %dma_start3A_128 = tpu.memref_slice %arg7[%mul3A_127] : memref<20000xi32, #tpu.memory_space<vmem>> -> memref<80xi32, #tpu.memory_space<vmem>>
      %dma_start3A_129 = arith.constant 0 : i32
      %dma_start3A_130 = arith.constant 0 : i32
      %dma_start3A_131 = tpu.memref_slice %arg59[%dma_start3A_129, %dma_start3A_130] : memref<10240x16xf32, #tpu.memory_space<vmem_shared>> -> memref<10240x16xf32, #tpu.memory_space<vmem_shared>>
      tpu.enqueue_indirect_dma source(%dma_start3A_131 : memref<10240x16xf32, #tpu.memory_space<vmem_shared>>) target(%arg10 : memref<80x16xf32, #tpu.memory_space<vmem>>) offsets(%dma_start3A_128 : memref<80xi32, #tpu.memory_space<vmem>>) semaphore(%arg40 : memref<!tpu.dma_semaphore, #tpu.memory_space<semaphore_mem>>)
      %dma_start3A_132 = tpu.memref_slice %arg8[%mul3A_127] : memref<20000xi32, #tpu.memory_space<vmem>> -> memref<80xi32, #tpu.memory_space<vmem>>
      %dma_start3A_133 = arith.constant 0 : i32
      %dma_start3A_134 = arith.constant 0 : i32
      %dma_start3A_135 = tpu.memref_slice %arg60[%dma_start3A_133, %dma_start3A_134] : memref<10240x16xf32, #tpu.memory_space<vmem_shared>> -> memref<10240x16xf32, #tpu.memory_space<vmem_shared>>
      tpu.enqueue_indirect_dma source(%dma_start3A_135 : memref<10240x16xf32, #tpu.memory_space<vmem_shared>>) target(%arg20 : memref<80x16xf32, #tpu.memory_space<vmem>>) offsets(%dma_start3A_132 : memref<80xi32, #tpu.memory_space<vmem>>) semaphore(%arg40 : memref<!tpu.dma_semaphore, #tpu.memory_space<semaphore_mem>>)
      %gt3A_136 = arith.constant 0 : i32
      %gt3A_137 = arith.cmpi sgt, %scan3A_101, %gt3A_136 : i32
      %convert_element_type3A_138 = arith.extui %gt3A_137 : i1 to i32
      %cond3A_139 = arith.constant 0 : i32
      %cond3A_140 = arith.cmpi ne, %convert_element_type3A_138, %cond3A_139 : i32
      scf.if %cond3A_140 {
        %dma_wait3A_765 = arith.constant 0 : i32
        %dma_wait3A_766 = arith.constant 0 : i32
        %dma_wait3A_767 = tpu.memref_slice %arg6[%arg0, %dma_wait3A_765, %dma_wait3A_766] : memref<2x40000x128xf32, #tpu.memory_space<hbm>> -> memref<1x10x128xf32, #tpu.memory_space<hbm>>
        %dma_wait3A_768 = tpu.memref_squeeze %dma_wait3A_767 : memref<1x10x128xf32, #tpu.memory_space<hbm>> -> memref<10x128xf32, #tpu.memory_space<hbm>>
        %dma_wait3A_769 = arith.constant 0 : i32
        %dma_wait3A_770 = arith.constant 0 : i32
        %dma_wait3A_771 = tpu.memref_slice %arg6[%arg0, %dma_wait3A_769, %dma_wait3A_770] : memref<2x40000x128xf32, #tpu.memory_space<hbm>> -> memref<1x10x128xf32, #tpu.memory_space<hbm>>
        %dma_wait3A_772 = tpu.memref_squeeze %dma_wait3A_771 : memref<1x10x128xf32, #tpu.memory_space<hbm>> -> memref<10x128xf32, #tpu.memory_space<hbm>>
        tpu.wait_dma2 semaphore(%arg51 : memref<!tpu.dma_semaphore, #tpu.memory_space<semaphore_mem>>) src(%arg31 : memref<10x128xf32, #tpu.memory_space<vmem>>) dst(%dma_wait3A_772 : memref<10x128xf32, #tpu.memory_space<hbm>>)
      } else {
      }
      %add3A_141 = arith.constant 2 : i32
      %add3A_142 = arith.addi %mul3A_104, %add3A_141 : i32
      %mul3A_143 = arith.constant 80 : i32
      %mul3A_144 = arith.muli %add3A_142, %mul3A_143 : i32
      %dma_start3A_145 = tpu.memref_slice %arg7[%mul3A_144] : memref<20000xi32, #tpu.memory_space<vmem>> -> memref<80xi32, #tpu.memory_space<vmem>>
      %dma_start3A_146 = arith.constant 0 : i32
      %dma_start3A_147 = arith.constant 0 : i32
      %dma_start3A_148 = tpu.memref_slice %arg59[%dma_start3A_146, %dma_start3A_147] : memref<10240x16xf32, #tpu.memory_space<vmem_shared>> -> memref<10240x16xf32, #tpu.memory_space<vmem_shared>>
      tpu.enqueue_indirect_dma source(%dma_start3A_148 : memref<10240x16xf32, #tpu.memory_space<vmem_shared>>) target(%arg11 : memref<80x16xf32, #tpu.memory_space<vmem>>) offsets(%dma_start3A_145 : memref<80xi32, #tpu.memory_space<vmem>>) semaphore(%arg41 : memref<!tpu.dma_semaphore, #tpu.memory_space<semaphore_mem>>)
      %dma_start3A_149 = tpu.memref_slice %arg8[%mul3A_144] : memref<20000xi32, #tpu.memory_space<vmem>> -> memref<80xi32, #tpu.memory_space<vmem>>
      %dma_start3A_150 = arith.constant 0 : i32
      %dma_start3A_151 = arith.constant 0 : i32
      %dma_start3A_152 = tpu.memref_slice %arg60[%dma_start3A_150, %dma_start3A_151] : memref<10240x16xf32, #tpu.memory_space<vmem_shared>> -> memref<10240x16xf32, #tpu.memory_space<vmem_shared>>
      tpu.enqueue_indirect_dma source(%dma_start3A_152 : memref<10240x16xf32, #tpu.memory_space<vmem_shared>>) target(%arg21 : memref<80x16xf32, #tpu.memory_space<vmem>>) offsets(%dma_start3A_149 : memref<80xi32, #tpu.memory_space<vmem>>) semaphore(%arg41 : memref<!tpu.dma_semaphore, #tpu.memory_space<semaphore_mem>>)
      %gt3A_153 = arith.constant 0 : i32
      %gt3A_154 = arith.cmpi sgt, %scan3A_101, %gt3A_153 : i32
      %convert_element_type3A_155 = arith.extui %gt3A_154 : i1 to i32
      %cond3A_156 = arith.constant 0 : i32
      %cond3A_157 = arith.cmpi ne, %convert_element_type3A_155, %cond3A_156 : i32
      scf.if %cond3A_157 {
        %dma_wait3A_765 = arith.constant 0 : i32
        %dma_wait3A_766 = arith.constant 0 : i32
        %dma_wait3A_767 = tpu.memref_slice %arg6[%arg0, %dma_wait3A_765, %dma_wait3A_766] : memref<2x40000x128xf32, #tpu.memory_space<hbm>> -> memref<1x10x128xf32, #tpu.memory_space<hbm>>
        %dma_wait3A_768 = tpu.memref_squeeze %dma_wait3A_767 : memref<1x10x128xf32, #tpu.memory_space<hbm>> -> memref<10x128xf32, #tpu.memory_space<hbm>>
        %dma_wait3A_769 = arith.constant 0 : i32
        %dma_wait3A_770 = arith.constant 0 : i32
        %dma_wait3A_771 = tpu.memref_slice %arg6[%arg0, %dma_wait3A_769, %dma_wait3A_770] : memref<2x40000x128xf32, #tpu.memory_space<hbm>> -> memref<1x10x128xf32, #tpu.memory_space<hbm>>
        %dma_wait3A_772 = tpu.memref_squeeze %dma_wait3A_771 : memref<1x10x128xf32, #tpu.memory_space<hbm>> -> memref<10x128xf32, #tpu.memory_space<hbm>>
        tpu.wait_dma2 semaphore(%arg52 : memref<!tpu.dma_semaphore, #tpu.memory_space<semaphore_mem>>) src(%arg32 : memref<10x128xf32, #tpu.memory_space<vmem>>) dst(%dma_wait3A_772 : memref<10x128xf32, #tpu.memory_space<hbm>>)
      } else {
      }
      %add3A_158 = arith.constant 3 : i32
      %add3A_159 = arith.addi %mul3A_104, %add3A_158 : i32
      %mul3A_160 = arith.constant 80 : i32
      %mul3A_161 = arith.muli %add3A_159, %mul3A_160 : i32
      %dma_start3A_162 = tpu.memref_slice %arg7[%mul3A_161] : memref<20000xi32, #tpu.memory_space<vmem>> -> memref<80xi32, #tpu.memory_space<vmem>>
      %dma_start3A_163 = arith.constant 0 : i32
      %dma_start3A_164 = arith.constant 0 : i32
      %dma_start3A_165 = tpu.memref_slice %arg59[%dma_start3A_163, %dma_start3A_164] : memref<10240x16xf32, #tpu.memory_space<vmem_shared>> -> memref<10240x16xf32, #tpu.memory_space<vmem_shared>>
      tpu.enqueue_indirect_dma source(%dma_start3A_165 : memref<10240x16xf32, #tpu.memory_space<vmem_shared>>) target(%arg12 : memref<80x16xf32, #tpu.memory_space<vmem>>) offsets(%dma_start3A_162 : memref<80xi32, #tpu.memory_space<vmem>>) semaphore(%arg42 : memref<!tpu.dma_semaphore, #tpu.memory_space<semaphore_mem>>)
      %dma_start3A_166 = tpu.memref_slice %arg8[%mul3A_161] : memref<20000xi32, #tpu.memory_space<vmem>> -> memref<80xi32, #tpu.memory_space<vmem>>
      %dma_start3A_167 = arith.constant 0 : i32
      %dma_start3A_168 = arith.constant 0 : i32
      %dma_start3A_169 = tpu.memref_slice %arg60[%dma_start3A_167, %dma_start3A_168] : memref<10240x16xf32, #tpu.memory_space<vmem_shared>> -> memref<10240x16xf32, #tpu.memory_space<vmem_shared>>
      tpu.enqueue_indirect_dma source(%dma_start3A_169 : memref<10240x16xf32, #tpu.memory_space<vmem_shared>>) target(%arg22 : memref<80x16xf32, #tpu.memory_space<vmem>>) offsets(%dma_start3A_166 : memref<80xi32, #tpu.memory_space<vmem>>) semaphore(%arg42 : memref<!tpu.dma_semaphore, #tpu.memory_space<semaphore_mem>>)
      %gt3A_170 = arith.constant 0 : i32
      %gt3A_171 = arith.cmpi sgt, %scan3A_101, %gt3A_170 : i32
      %convert_element_type3A_172 = arith.extui %gt3A_171 : i1 to i32
      %cond3A_173 = arith.constant 0 : i32
      %cond3A_174 = arith.cmpi ne, %convert_element_type3A_172, %cond3A_173 : i32
      scf.if %cond3A_174 {
        %dma_wait3A_765 = arith.constant 0 : i32
        %dma_wait3A_766 = arith.constant 0 : i32
        %dma_wait3A_767 = tpu.memref_slice %arg6[%arg0, %dma_wait3A_765, %dma_wait3A_766] : memref<2x40000x128xf32, #tpu.memory_space<hbm>> -> memref<1x10x128xf32, #tpu.memory_space<hbm>>
        %dma_wait3A_768 = tpu.memref_squeeze %dma_wait3A_767 : memref<1x10x128xf32, #tpu.memory_space<hbm>> -> memref<10x128xf32, #tpu.memory_space<hbm>>
        %dma_wait3A_769 = arith.constant 0 : i32
        %dma_wait3A_770 = arith.constant 0 : i32
        %dma_wait3A_771 = tpu.memref_slice %arg6[%arg0, %dma_wait3A_769, %dma_wait3A_770] : memref<2x40000x128xf32, #tpu.memory_space<hbm>> -> memref<1x10x128xf32, #tpu.memory_space<hbm>>
        %dma_wait3A_772 = tpu.memref_squeeze %dma_wait3A_771 : memref<1x10x128xf32, #tpu.memory_space<hbm>> -> memref<10x128xf32, #tpu.memory_space<hbm>>
        tpu.wait_dma2 semaphore(%arg53 : memref<!tpu.dma_semaphore, #tpu.memory_space<semaphore_mem>>) src(%arg33 : memref<10x128xf32, #tpu.memory_space<vmem>>) dst(%dma_wait3A_772 : memref<10x128xf32, #tpu.memory_space<hbm>>)
      } else {
      }
      %add3A_175 = arith.constant 4 : i32
      %add3A_176 = arith.addi %mul3A_104, %add3A_175 : i32
      %mul3A_177 = arith.constant 80 : i32
      %mul3A_178 = arith.muli %add3A_176, %mul3A_177 : i32
      %dma_start3A_179 = tpu.memref_slice %arg7[%mul3A_178] : memref<20000xi32, #tpu.memory_space<vmem>> -> memref<80xi32, #tpu.memory_space<vmem>>
      %dma_start3A_180 = arith.constant 0 : i32
      %dma_start3A_181 = arith.constant 0 : i32
      %dma_start3A_182 = tpu.memref_slice %arg59[%dma_start3A_180, %dma_start3A_181] : memref<10240x16xf32, #tpu.memory_space<vmem_shared>> -> memref<10240x16xf32, #tpu.memory_space<vmem_shared>>
      tpu.enqueue_indirect_dma source(%dma_start3A_182 : memref<10240x16xf32, #tpu.memory_space<vmem_shared>>) target(%arg13 : memref<80x16xf32, #tpu.memory_space<vmem>>) offsets(%dma_start3A_179 : memref<80xi32, #tpu.memory_space<vmem>>) semaphore(%arg43 : memref<!tpu.dma_semaphore, #tpu.memory_space<semaphore_mem>>)
      %dma_start3A_183 = tpu.memref_slice %arg8[%mul3A_178] : memref<20000xi32, #tpu.memory_space<vmem>> -> memref<80xi32, #tpu.memory_space<vmem>>
      %dma_start3A_184 = arith.constant 0 : i32
      %dma_start3A_185 = arith.constant 0 : i32
      %dma_start3A_186 = tpu.memref_slice %arg60[%dma_start3A_184, %dma_start3A_185] : memref<10240x16xf32, #tpu.memory_space<vmem_shared>> -> memref<10240x16xf32, #tpu.memory_space<vmem_shared>>
      tpu.enqueue_indirect_dma source(%dma_start3A_186 : memref<10240x16xf32, #tpu.memory_space<vmem_shared>>) target(%arg23 : memref<80x16xf32, #tpu.memory_space<vmem>>) offsets(%dma_start3A_183 : memref<80xi32, #tpu.memory_space<vmem>>) semaphore(%arg43 : memref<!tpu.dma_semaphore, #tpu.memory_space<semaphore_mem>>)
      %gt3A_187 = arith.constant 0 : i32
      %gt3A_188 = arith.cmpi sgt, %scan3A_101, %gt3A_187 : i32
      %convert_element_type3A_189 = arith.extui %gt3A_188 : i1 to i32
      %cond3A_190 = arith.constant 0 : i32
      %cond3A_191 = arith.cmpi ne, %convert_element_type3A_189, %cond3A_190 : i32
      scf.if %cond3A_191 {
        %dma_wait3A_765 = arith.constant 0 : i32
        %dma_wait3A_766 = arith.constant 0 : i32
        %dma_wait3A_767 = tpu.memref_slice %arg6[%arg0, %dma_wait3A_765, %dma_wait3A_766] : memref<2x40000x128xf32, #tpu.memory_space<hbm>> -> memref<1x10x128xf32, #tpu.memory_space<hbm>>
        %dma_wait3A_768 = tpu.memref_squeeze %dma_wait3A_767 : memref<1x10x128xf32, #tpu.memory_space<hbm>> -> memref<10x128xf32, #tpu.memory_space<hbm>>
        %dma_wait3A_769 = arith.constant 0 : i32
        %dma_wait3A_770 = arith.constant 0 : i32
        %dma_wait3A_771 = tpu.memref_slice %arg6[%arg0, %dma_wait3A_769, %dma_wait3A_770] : memref<2x40000x128xf32, #tpu.memory_space<hbm>> -> memref<1x10x128xf32, #tpu.memory_space<hbm>>
        %dma_wait3A_772 = tpu.memref_squeeze %dma_wait3A_771 : memref<1x10x128xf32, #tpu.memory_space<hbm>> -> memref<10x128xf32, #tpu.memory_space<hbm>>
        tpu.wait_dma2 semaphore(%arg54 : memref<!tpu.dma_semaphore, #tpu.memory_space<semaphore_mem>>) src(%arg34 : memref<10x128xf32, #tpu.memory_space<vmem>>) dst(%dma_wait3A_772 : memref<10x128xf32, #tpu.memory_space<hbm>>)
      } else {
      }
      %add3A_192 = arith.constant 5 : i32
      %add3A_193 = arith.addi %mul3A_104, %add3A_192 : i32
      %mul3A_194 = arith.constant 80 : i32
      %mul3A_195 = arith.muli %add3A_193, %mul3A_194 : i32
      %dma_start3A_196 = tpu.memref_slice %arg7[%mul3A_195] : memref<20000xi32, #tpu.memory_space<vmem>> -> memref<80xi32, #tpu.memory_space<vmem>>
      %dma_start3A_197 = arith.constant 0 : i32
      %dma_start3A_198 = arith.constant 0 : i32
      %dma_start3A_199 = tpu.memref_slice %arg59[%dma_start3A_197, %dma_start3A_198] : memref<10240x16xf32, #tpu.memory_space<vmem_shared>> -> memref<10240x16xf32, #tpu.memory_space<vmem_shared>>
      tpu.enqueue_indirect_dma source(%dma_start3A_199 : memref<10240x16xf32, #tpu.memory_space<vmem_shared>>) target(%arg14 : memref<80x16xf32, #tpu.memory_space<vmem>>) offsets(%dma_start3A_196 : memref<80xi32, #tpu.memory_space<vmem>>) semaphore(%arg44 : memref<!tpu.dma_semaphore, #tpu.memory_space<semaphore_mem>>)
      %dma_start3A_200 = tpu.memref_slice %arg8[%mul3A_195] : memref<20000xi32, #tpu.memory_space<vmem>> -> memref<80xi32, #tpu.memory_space<vmem>>
      %dma_start3A_201 = arith.constant 0 : i32
      %dma_start3A_202 = arith.constant 0 : i32
      %dma_start3A_203 = tpu.memref_slice %arg60[%dma_start3A_201, %dma_start3A_202] : memref<10240x16xf32, #tpu.memory_space<vmem_shared>> -> memref<10240x16xf32, #tpu.memory_space<vmem_shared>>
      tpu.enqueue_indirect_dma source(%dma_start3A_203 : memref<10240x16xf32, #tpu.memory_space<vmem_shared>>) target(%arg24 : memref<80x16xf32, #tpu.memory_space<vmem>>) offsets(%dma_start3A_200 : memref<80xi32, #tpu.memory_space<vmem>>) semaphore(%arg44 : memref<!tpu.dma_semaphore, #tpu.memory_space<semaphore_mem>>)
      %gt3A_204 = arith.constant 0 : i32
      %gt3A_205 = arith.cmpi sgt, %scan3A_101, %gt3A_204 : i32
      %convert_element_type3A_206 = arith.extui %gt3A_205 : i1 to i32
      %cond3A_207 = arith.constant 0 : i32
      %cond3A_208 = arith.cmpi ne, %convert_element_type3A_206, %cond3A_207 : i32
      scf.if %cond3A_208 {
        %dma_wait3A_765 = arith.constant 0 : i32
        %dma_wait3A_766 = arith.constant 0 : i32
        %dma_wait3A_767 = tpu.memref_slice %arg6[%arg0, %dma_wait3A_765, %dma_wait3A_766] : memref<2x40000x128xf32, #tpu.memory_space<hbm>> -> memref<1x10x128xf32, #tpu.memory_space<hbm>>
        %dma_wait3A_768 = tpu.memref_squeeze %dma_wait3A_767 : memref<1x10x128xf32, #tpu.memory_space<hbm>> -> memref<10x128xf32, #tpu.memory_space<hbm>>
        %dma_wait3A_769 = arith.constant 0 : i32
        %dma_wait3A_770 = arith.constant 0 : i32
        %dma_wait3A_771 = tpu.memref_slice %arg6[%arg0, %dma_wait3A_769, %dma_wait3A_770] : memref<2x40000x128xf32, #tpu.memory_space<hbm>> -> memref<1x10x128xf32, #tpu.memory_space<hbm>>
        %dma_wait3A_772 = tpu.memref_squeeze %dma_wait3A_771 : memref<1x10x128xf32, #tpu.memory_space<hbm>> -> memref<10x128xf32, #tpu.memory_space<hbm>>
        tpu.wait_dma2 semaphore(%arg55 : memref<!tpu.dma_semaphore, #tpu.memory_space<semaphore_mem>>) src(%arg35 : memref<10x128xf32, #tpu.memory_space<vmem>>) dst(%dma_wait3A_772 : memref<10x128xf32, #tpu.memory_space<hbm>>)
      } else {
      }
      %add3A_209 = arith.constant 6 : i32
      %add3A_210 = arith.addi %mul3A_104, %add3A_209 : i32
      %mul3A_211 = arith.constant 80 : i32
      %mul3A_212 = arith.muli %add3A_210, %mul3A_211 : i32
      %dma_start3A_213 = tpu.memref_slice %arg7[%mul3A_212] : memref<20000xi32, #tpu.memory_space<vmem>> -> memref<80xi32, #tpu.memory_space<vmem>>
      %dma_start3A_214 = arith.constant 0 : i32
      %dma_start3A_215 = arith.constant 0 : i32
      %dma_start3A_216 = tpu.memref_slice %arg59[%dma_start3A_214, %dma_start3A_215] : memref<10240x16xf32, #tpu.memory_space<vmem_shared>> -> memref<10240x16xf32, #tpu.memory_space<vmem_shared>>
      tpu.enqueue_indirect_dma source(%dma_start3A_216 : memref<10240x16xf32, #tpu.memory_space<vmem_shared>>) target(%arg15 : memref<80x16xf32, #tpu.memory_space<vmem>>) offsets(%dma_start3A_213 : memref<80xi32, #tpu.memory_space<vmem>>) semaphore(%arg45 : memref<!tpu.dma_semaphore, #tpu.memory_space<semaphore_mem>>)
      %dma_start3A_217 = tpu.memref_slice %arg8[%mul3A_212] : memref<20000xi32, #tpu.memory_space<vmem>> -> memref<80xi32, #tpu.memory_space<vmem>>
      %dma_start3A_218 = arith.constant 0 : i32
      %dma_start3A_219 = arith.constant 0 : i32
      %dma_start3A_220 = tpu.memref_slice %arg60[%dma_start3A_218, %dma_start3A_219] : memref<10240x16xf32, #tpu.memory_space<vmem_shared>> -> memref<10240x16xf32, #tpu.memory_space<vmem_shared>>
      tpu.enqueue_indirect_dma source(%dma_start3A_220 : memref<10240x16xf32, #tpu.memory_space<vmem_shared>>) target(%arg25 : memref<80x16xf32, #tpu.memory_space<vmem>>) offsets(%dma_start3A_217 : memref<80xi32, #tpu.memory_space<vmem>>) semaphore(%arg45 : memref<!tpu.dma_semaphore, #tpu.memory_space<semaphore_mem>>)
      %gt3A_221 = arith.constant 0 : i32
      %gt3A_222 = arith.cmpi sgt, %scan3A_101, %gt3A_221 : i32
      %convert_element_type3A_223 = arith.extui %gt3A_222 : i1 to i32
      %cond3A_224 = arith.constant 0 : i32
      %cond3A_225 = arith.cmpi ne, %convert_element_type3A_223, %cond3A_224 : i32
      scf.if %cond3A_225 {
        %dma_wait3A_765 = arith.constant 0 : i32
        %dma_wait3A_766 = arith.constant 0 : i32
        %dma_wait3A_767 = tpu.memref_slice %arg6[%arg0, %dma_wait3A_765, %dma_wait3A_766] : memref<2x40000x128xf32, #tpu.memory_space<hbm>> -> memref<1x10x128xf32, #tpu.memory_space<hbm>>
        %dma_wait3A_768 = tpu.memref_squeeze %dma_wait3A_767 : memref<1x10x128xf32, #tpu.memory_space<hbm>> -> memref<10x128xf32, #tpu.memory_space<hbm>>
        %dma_wait3A_769 = arith.constant 0 : i32
        %dma_wait3A_770 = arith.constant 0 : i32
        %dma_wait3A_771 = tpu.memref_slice %arg6[%arg0, %dma_wait3A_769, %dma_wait3A_770] : memref<2x40000x128xf32, #tpu.memory_space<hbm>> -> memref<1x10x128xf32, #tpu.memory_space<hbm>>
        %dma_wait3A_772 = tpu.memref_squeeze %dma_wait3A_771 : memref<1x10x128xf32, #tpu.memory_space<hbm>> -> memref<10x128xf32, #tpu.memory_space<hbm>>
        tpu.wait_dma2 semaphore(%arg56 : memref<!tpu.dma_semaphore, #tpu.memory_space<semaphore_mem>>) src(%arg36 : memref<10x128xf32, #tpu.memory_space<vmem>>) dst(%dma_wait3A_772 : memref<10x128xf32, #tpu.memory_space<hbm>>)
      } else {
      }
      %add3A_226 = arith.constant 7 : i32
      %add3A_227 = arith.addi %mul3A_104, %add3A_226 : i32
      %mul3A_228 = arith.constant 80 : i32
      %mul3A_229 = arith.muli %add3A_227, %mul3A_228 : i32
      %dma_start3A_230 = tpu.memref_slice %arg7[%mul3A_229] : memref<20000xi32, #tpu.memory_space<vmem>> -> memref<80xi32, #tpu.memory_space<vmem>>
      %dma_start3A_231 = arith.constant 0 : i32
      %dma_start3A_232 = arith.constant 0 : i32
      %dma_start3A_233 = tpu.memref_slice %arg59[%dma_start3A_231, %dma_start3A_232] : memref<10240x16xf32, #tpu.memory_space<vmem_shared>> -> memref<10240x16xf32, #tpu.memory_space<vmem_shared>>
      tpu.enqueue_indirect_dma source(%dma_start3A_233 : memref<10240x16xf32, #tpu.memory_space<vmem_shared>>) target(%arg16 : memref<80x16xf32, #tpu.memory_space<vmem>>) offsets(%dma_start3A_230 : memref<80xi32, #tpu.memory_space<vmem>>) semaphore(%arg46 : memref<!tpu.dma_semaphore, #tpu.memory_space<semaphore_mem>>)
      %dma_start3A_234 = tpu.memref_slice %arg8[%mul3A_229] : memref<20000xi32, #tpu.memory_space<vmem>> -> memref<80xi32, #tpu.memory_space<vmem>>
      %dma_start3A_235 = arith.constant 0 : i32
      %dma_start3A_236 = arith.constant 0 : i32
      %dma_start3A_237 = tpu.memref_slice %arg60[%dma_start3A_235, %dma_start3A_236] : memref<10240x16xf32, #tpu.memory_space<vmem_shared>> -> memref<10240x16xf32, #tpu.memory_space<vmem_shared>>
      tpu.enqueue_indirect_dma source(%dma_start3A_237 : memref<10240x16xf32, #tpu.memory_space<vmem_shared>>) target(%arg26 : memref<80x16xf32, #tpu.memory_space<vmem>>) offsets(%dma_start3A_234 : memref<80xi32, #tpu.memory_space<vmem>>) semaphore(%arg46 : memref<!tpu.dma_semaphore, #tpu.memory_space<semaphore_mem>>)
      %gt3A_238 = arith.constant 0 : i32
      %gt3A_239 = arith.cmpi sgt, %scan3A_101, %gt3A_238 : i32
      %convert_element_type3A_240 = arith.extui %gt3A_239 : i1 to i32
      %cond3A_241 = arith.constant 0 : i32
      %cond3A_242 = arith.cmpi ne, %convert_element_type3A_240, %cond3A_241 : i32
      scf.if %cond3A_242 {
        %dma_wait3A_765 = arith.constant 0 : i32
        %dma_wait3A_766 = arith.constant 0 : i32
        %dma_wait3A_767 = tpu.memref_slice %arg6[%arg0, %dma_wait3A_765, %dma_wait3A_766] : memref<2x40000x128xf32, #tpu.memory_space<hbm>> -> memref<1x10x128xf32, #tpu.memory_space<hbm>>
        %dma_wait3A_768 = tpu.memref_squeeze %dma_wait3A_767 : memref<1x10x128xf32, #tpu.memory_space<hbm>> -> memref<10x128xf32, #tpu.memory_space<hbm>>
        %dma_wait3A_769 = arith.constant 0 : i32
        %dma_wait3A_770 = arith.constant 0 : i32
        %dma_wait3A_771 = tpu.memref_slice %arg6[%arg0, %dma_wait3A_769, %dma_wait3A_770] : memref<2x40000x128xf32, #tpu.memory_space<hbm>> -> memref<1x10x128xf32, #tpu.memory_space<hbm>>
        %dma_wait3A_772 = tpu.memref_squeeze %dma_wait3A_771 : memref<1x10x128xf32, #tpu.memory_space<hbm>> -> memref<10x128xf32, #tpu.memory_space<hbm>>
        tpu.wait_dma2 semaphore(%arg57 : memref<!tpu.dma_semaphore, #tpu.memory_space<semaphore_mem>>) src(%arg37 : memref<10x128xf32, #tpu.memory_space<vmem>>) dst(%dma_wait3A_772 : memref<10x128xf32, #tpu.memory_space<hbm>>)
      } else {
      }
      %add3A_243 = arith.constant 8 : i32
      %add3A_244 = arith.addi %mul3A_104, %add3A_243 : i32
      %mul3A_245 = arith.constant 80 : i32
      %mul3A_246 = arith.muli %add3A_244, %mul3A_245 : i32
      %dma_start3A_247 = tpu.memref_slice %arg7[%mul3A_246] : memref<20000xi32, #tpu.memory_space<vmem>> -> memref<80xi32, #tpu.memory_space<vmem>>
      %dma_start3A_248 = arith.constant 0 : i32
      %dma_start3A_249 = arith.constant 0 : i32
      %dma_start3A_250 = tpu.memref_slice %arg59[%dma_start3A_248, %dma_start3A_249] : memref<10240x16xf32, #tpu.memory_space<vmem_shared>> -> memref<10240x16xf32, #tpu.memory_space<vmem_shared>>
      tpu.enqueue_indirect_dma source(%dma_start3A_250 : memref<10240x16xf32, #tpu.memory_space<vmem_shared>>) target(%arg17 : memref<80x16xf32, #tpu.memory_space<vmem>>) offsets(%dma_start3A_247 : memref<80xi32, #tpu.memory_space<vmem>>) semaphore(%arg47 : memref<!tpu.dma_semaphore, #tpu.memory_space<semaphore_mem>>)
      %dma_start3A_251 = tpu.memref_slice %arg8[%mul3A_246] : memref<20000xi32, #tpu.memory_space<vmem>> -> memref<80xi32, #tpu.memory_space<vmem>>
      %dma_start3A_252 = arith.constant 0 : i32
      %dma_start3A_253 = arith.constant 0 : i32
      %dma_start3A_254 = tpu.memref_slice %arg60[%dma_start3A_252, %dma_start3A_253] : memref<10240x16xf32, #tpu.memory_space<vmem_shared>> -> memref<10240x16xf32, #tpu.memory_space<vmem_shared>>
      tpu.enqueue_indirect_dma source(%dma_start3A_254 : memref<10240x16xf32, #tpu.memory_space<vmem_shared>>) target(%arg27 : memref<80x16xf32, #tpu.memory_space<vmem>>) offsets(%dma_start3A_251 : memref<80xi32, #tpu.memory_space<vmem>>) semaphore(%arg47 : memref<!tpu.dma_semaphore, #tpu.memory_space<semaphore_mem>>)
      %gt3A_255 = arith.constant 0 : i32
      %gt3A_256 = arith.cmpi sgt, %scan3A_101, %gt3A_255 : i32
      %convert_element_type3A_257 = arith.extui %gt3A_256 : i1 to i32
      %cond3A_258 = arith.constant 0 : i32
      %cond3A_259 = arith.cmpi ne, %convert_element_type3A_257, %cond3A_258 : i32
      scf.if %cond3A_259 {
        %dma_wait3A_765 = arith.constant 0 : i32
        %dma_wait3A_766 = arith.constant 0 : i32
        %dma_wait3A_767 = tpu.memref_slice %arg6[%arg0, %dma_wait3A_765, %dma_wait3A_766] : memref<2x40000x128xf32, #tpu.memory_space<hbm>> -> memref<1x10x128xf32, #tpu.memory_space<hbm>>
        %dma_wait3A_768 = tpu.memref_squeeze %dma_wait3A_767 : memref<1x10x128xf32, #tpu.memory_space<hbm>> -> memref<10x128xf32, #tpu.memory_space<hbm>>
        %dma_wait3A_769 = arith.constant 0 : i32
        %dma_wait3A_770 = arith.constant 0 : i32
        %dma_wait3A_771 = tpu.memref_slice %arg6[%arg0, %dma_wait3A_769, %dma_wait3A_770] : memref<2x40000x128xf32, #tpu.memory_space<hbm>> -> memref<1x10x128xf32, #tpu.memory_space<hbm>>
        %dma_wait3A_772 = tpu.memref_squeeze %dma_wait3A_771 : memref<1x10x128xf32, #tpu.memory_space<hbm>> -> memref<10x128xf32, #tpu.memory_space<hbm>>
        tpu.wait_dma2 semaphore(%arg58 : memref<!tpu.dma_semaphore, #tpu.memory_space<semaphore_mem>>) src(%arg38 : memref<10x128xf32, #tpu.memory_space<vmem>>) dst(%dma_wait3A_772 : memref<10x128xf32, #tpu.memory_space<hbm>>)
      } else {
      }
      %add3A_260 = arith.constant 9 : i32
      %add3A_261 = arith.addi %mul3A_104, %add3A_260 : i32
      %mul3A_262 = arith.constant 80 : i32
      %mul3A_263 = arith.muli %add3A_261, %mul3A_262 : i32
      %dma_start3A_264 = tpu.memref_slice %arg7[%mul3A_263] : memref<20000xi32, #tpu.memory_space<vmem>> -> memref<80xi32, #tpu.memory_space<vmem>>
      %dma_start3A_265 = arith.constant 0 : i32
      %dma_start3A_266 = arith.constant 0 : i32
      %dma_start3A_267 = tpu.memref_slice %arg59[%dma_start3A_265, %dma_start3A_266] : memref<10240x16xf32, #tpu.memory_space<vmem_shared>> -> memref<10240x16xf32, #tpu.memory_space<vmem_shared>>
      tpu.enqueue_indirect_dma source(%dma_start3A_267 : memref<10240x16xf32, #tpu.memory_space<vmem_shared>>) target(%arg18 : memref<80x16xf32, #tpu.memory_space<vmem>>) offsets(%dma_start3A_264 : memref<80xi32, #tpu.memory_space<vmem>>) semaphore(%arg48 : memref<!tpu.dma_semaphore, #tpu.memory_space<semaphore_mem>>)
      %dma_start3A_268 = tpu.memref_slice %arg8[%mul3A_263] : memref<20000xi32, #tpu.memory_space<vmem>> -> memref<80xi32, #tpu.memory_space<vmem>>
      %dma_start3A_269 = arith.constant 0 : i32
      %dma_start3A_270 = arith.constant 0 : i32
      %dma_start3A_271 = tpu.memref_slice %arg60[%dma_start3A_269, %dma_start3A_270] : memref<10240x16xf32, #tpu.memory_space<vmem_shared>> -> memref<10240x16xf32, #tpu.memory_space<vmem_shared>>
      tpu.enqueue_indirect_dma source(%dma_start3A_271 : memref<10240x16xf32, #tpu.memory_space<vmem_shared>>) target(%arg28 : memref<80x16xf32, #tpu.memory_space<vmem>>) offsets(%dma_start3A_268 : memref<80xi32, #tpu.memory_space<vmem>>) semaphore(%arg48 : memref<!tpu.dma_semaphore, #tpu.memory_space<semaphore_mem>>)
      %add3A_272 = arith.constant 0 : i32
      %add3A_273 = arith.addi %mul3A_104, %add3A_272 : i32
      %mul3A_274 = arith.constant 80 : i32
      %mul3A_275 = arith.muli %add3A_273, %mul3A_274 : i32
      %dma_wait3A_276 = tpu.memref_slice %arg7[%mul3A_275] : memref<20000xi32, #tpu.memory_space<vmem>> -> memref<80xi32, #tpu.memory_space<vmem>>
      %dma_wait3A_277 = arith.constant 0 : i32
      %dma_wait3A_278 = arith.constant 0 : i32
      %dma_wait3A_279 = tpu.memref_slice %arg59[%dma_wait3A_277, %dma_wait3A_278] : memref<10240x16xf32, #tpu.memory_space<vmem_shared>> -> memref<10240x16xf32, #tpu.memory_space<vmem_shared>>
      tpu.wait_indirect_dma semaphore(%arg39 : memref<!tpu.dma_semaphore, #tpu.memory_space<semaphore_mem>>) src(%dma_wait3A_279 : memref<10240x16xf32, #tpu.memory_space<vmem_shared>>) dst(%arg9 : memref<80x16xf32, #tpu.memory_space<vmem>>)
      %dma_wait3A_280 = tpu.memref_slice %arg8[%mul3A_275] : memref<20000xi32, #tpu.memory_space<vmem>> -> memref<80xi32, #tpu.memory_space<vmem>>
      %dma_wait3A_281 = arith.constant 0 : i32
      %dma_wait3A_282 = arith.constant 0 : i32
      %dma_wait3A_283 = tpu.memref_slice %arg60[%dma_wait3A_281, %dma_wait3A_282] : memref<10240x16xf32, #tpu.memory_space<vmem_shared>> -> memref<10240x16xf32, #tpu.memory_space<vmem_shared>>
      tpu.wait_indirect_dma semaphore(%arg39 : memref<!tpu.dma_semaphore, #tpu.memory_space<semaphore_mem>>) src(%dma_wait3A_283 : memref<10240x16xf32, #tpu.memory_space<vmem_shared>>) dst(%arg19 : memref<80x16xf32, #tpu.memory_space<vmem>>)
      %scan3A_284 = arith.constant 0 : i32
      %scan3A_285 = arith.constant 0 : i32
      %scan3A_286 = arith.constant 80 : i32
      %scan3A_287 = arith.addi %scan3A_285, %scan3A_286 : i32
      %scan3A_288 = arith.constant 1 : i32
      %scan3A_289 = scf.for %scan3A_765 = %scan3A_285 to %scan3A_287 step %scan3A_288 iter_args(%scan3A_766 = %scan3A_284) -> (i32)  : i32 {
        %get3A = arith.index_cast %scan3A_765 : i32 to index
        %get3A_767 = arith.constant 0 : index
        %get3A_768 = tpu.vector_load %arg9[%get3A, %get3A_767] {strides = array<i32>} : memref<80x16xf32, #tpu.memory_space<vmem>>, vector<16xf32>,
        %get3A_769 = arith.index_cast %scan3A_765 : i32 to index
        %get3A_770 = arith.constant 0 : index
        %get3A_771 = tpu.vector_load %arg19[%get3A_769, %get3A_770] {strides = array<i32>} : memref<80x16xf32, #tpu.memory_space<vmem>>, vector<16xf32>,
        %add3A_772 = arith.addf %get3A_768, %get3A_771 : vector<16xf32>
        %jit3A_773 = arith.constant 8 : i32
        %div3A_774 = arith.divsi %scan3A_765, %jit3A_773 : i32
        %sign3A_775 = arith.constant 0 : i32
        %sign3A_776 = arith.cmpi sgt, %scan3A_765, %sign3A_775 : i32
        %sign3A_777 = arith.extui %sign3A_776 : i1 to i32
        %sign3A_778 = arith.constant 0 : i32
        %sign3A_779 = arith.cmpi slt, %scan3A_765, %sign3A_778 : i32
        %sign3A_780 = arith.extui %sign3A_779 : i1 to i32
        %sign3A_781 = arith.subi %sign3A_777, %sign3A_780 : i32
        %sign3A_782 = arith.constant 0 : i32
        %sign3A_783 = arith.cmpi sgt, %jit3A_773, %sign3A_782 : i32
        %sign3A_784 = arith.extui %sign3A_783 : i1 to i32
        %sign3A_785 = arith.constant 0 : i32
        %sign3A_786 = arith.cmpi slt, %jit3A_773, %sign3A_785 : i32
        %sign3A_787 = arith.extui %sign3A_786 : i1 to i32
        %sign3A_788 = arith.subi %sign3A_784, %sign3A_787 : i32
        %ne3A_789 = arith.cmpi ne, %sign3A_781, %sign3A_788 : i32
        %rem3A_790 = arith.remsi %scan3A_765, %jit3A_773 : i32
        %ne3A_791 = arith.constant 0 : i32
        %ne3A_792 = arith.cmpi ne, %rem3A_790, %ne3A_791 : i32
        %and3A_793 = arith.andi %ne3A_789, %ne3A_792 : i1
        %sub3A_794 = arith.constant 1 : i32
        %sub3A_795 = arith.subi %div3A_774, %sub3A_794 : i32
        %select_n3A_796 = arith.select %and3A_793, %sub3A_795, %div3A_774 : i32
        %jit3A_797 = arith.constant 8 : i32
        %eq3A_798 = arith.constant 0 : i32
        %eq3A_799 = arith.cmpi eq, %jit3A_797, %eq3A_798 : i32
        %jit3A_800 = arith.constant 1 : i32
        %select_n3A_801 = arith.select %eq3A_799, %jit3A_800, %jit3A_797 : i32
        %rem3A_802 = arith.remsi %scan3A_765, %select_n3A_801 : i32
        %ne3A_803 = arith.constant 0 : i32
        %ne3A_804 = arith.cmpi ne, %rem3A_802, %ne3A_803 : i32
        %lt3A = arith.constant 0 : i32
        %lt3A_805 = arith.cmpi slt, %rem3A_802, %lt3A : i32
        %lt3A_806 = arith.constant 0 : i32
        %lt3A_807 = arith.cmpi slt, %select_n3A_801, %lt3A_806 : i32
        %ne3A_808 = arith.xori %lt3A_805, %lt3A_807 : i1
        %and3A_809 = arith.andi %ne3A_808, %ne3A_804 : i1
        %add3A_810 = arith.addi %rem3A_802, %select_n3A_801 : i32
        %select_n3A_811 = arith.select %and3A_809, %add3A_810, %rem3A_802 : i32
        %mul3A_812 = arith.constant 16 : i32
        %mul3A_813 = arith.muli %select_n3A_811, %mul3A_812 : i32
        %swap3A = arith.index_cast %select_n3A_796 : i32 to index
        %swap3A_814 = arith.index_cast %mul3A_813 : i32 to index
        %swap3A_815 = tpu.vector_load %arg29[%swap3A, %swap3A_814] {strides = array<i32>} : memref<10x128xf32, #tpu.memory_space<vmem>>, vector<16xf32>,
        tpu.vector_store %arg29[%swap3A, %swap3A_814], %add3A_772 {strides = array<i32>} : memref<10x128xf32, #tpu.memory_space<vmem>>, vector<16xf32>,
        %scan3A_816 = arith.constant 0 : i32
        scf.yield %scan3A_816 : i32
      }
      %scan3A_290 = arith.constant 80 : i32
      %add3A_291 = arith.addi %mul3A_0, %mul3A_275 : i32
      %jit3A = arith.constant 8 : i32
      %div3A = arith.divsi %add3A_291, %jit3A : i32
      %sign3A = arith.constant 0 : i32
      %sign3A_292 = arith.cmpi sgt, %add3A_291, %sign3A : i32
      %sign3A_293 = arith.extui %sign3A_292 : i1 to i32
      %sign3A_294 = arith.constant 0 : i32
      %sign3A_295 = arith.cmpi slt, %add3A_291, %sign3A_294 : i32
      %sign3A_296 = arith.extui %sign3A_295 : i1 to i32
      %sign3A_297 = arith.subi %sign3A_293, %sign3A_296 : i32
      %sign3A_298 = arith.constant 0 : i32
      %sign3A_299 = arith.cmpi sgt, %jit3A, %sign3A_298 : i32
      %sign3A_300 = arith.extui %sign3A_299 : i1 to i32
      %sign3A_301 = arith.constant 0 : i32
      %sign3A_302 = arith.cmpi slt, %jit3A, %sign3A_301 : i32
      %sign3A_303 = arith.extui %sign3A_302 : i1 to i32
      %sign3A_304 = arith.subi %sign3A_300, %sign3A_303 : i32
      %ne3A = arith.cmpi ne, %sign3A_297, %sign3A_304 : i32
      %rem3A = arith.remsi %add3A_291, %jit3A : i32
      %ne3A_305 = arith.constant 0 : i32
      %ne3A_306 = arith.cmpi ne, %rem3A, %ne3A_305 : i32
      %and3A = arith.andi %ne3A, %ne3A_306 : i1
      %sub3A = arith.constant 1 : i32
      %sub3A_307 = arith.subi %div3A, %sub3A : i32
      %select_n3A = arith.select %and3A, %sub3A_307, %div3A : i32
      %dma_start3A_308 = arith.constant 0 : i32
      %dma_start3A_309 = tpu.memref_slice %arg6[%arg0, %select_n3A, %dma_start3A_308] : memref<2x40000x128xf32, #tpu.memory_space<hbm>> -> memref<1x10x128xf32, #tpu.memory_space<hbm>>
      %dma_start3A_310 = tpu.memref_squeeze %dma_start3A_309 : memref<1x10x128xf32, #tpu.memory_space<hbm>> -> memref<10x128xf32, #tpu.memory_space<hbm>>
      %dma_start3A_311 = arith.constant 0 : i32
      %dma_start3A_312 = tpu.memref_slice %arg6[%arg0, %select_n3A, %dma_start3A_311] : memref<2x40000x128xf32, #tpu.memory_space<hbm>> -> memref<1x10x128xf32, #tpu.memory_space<hbm>>
      %dma_start3A_313 = tpu.memref_squeeze %dma_start3A_312 : memref<1x10x128xf32, #tpu.memory_space<hbm>> -> memref<10x128xf32, #tpu.memory_space<hbm>>
      tpu.enqueue_dma source(%arg29 : memref<10x128xf32, #tpu.memory_space<vmem>>) target(%dma_start3A_313 : memref<10x128xf32, #tpu.memory_space<hbm>>) target_semaphore(%arg49 : memref<!tpu.dma_semaphore, #tpu.memory_space<semaphore_mem>>)
      %add3A_314 = arith.constant 1 : i32
      %add3A_315 = arith.addi %mul3A_104, %add3A_314 : i32
      %mul3A_316 = arith.constant 80 : i32
      %mul3A_317 = arith.muli %add3A_315, %mul3A_316 : i32
      %dma_wait3A_318 = tpu.memref_slice %arg7[%mul3A_317] : memref<20000xi32, #tpu.memory_space<vmem>> -> memref<80xi32, #tpu.memory_space<vmem>>
      %dma_wait3A_319 = arith.constant 0 : i32
      %dma_wait3A_320 = arith.constant 0 : i32
      %dma_wait3A_321 = tpu.memref_slice %arg59[%dma_wait3A_319, %dma_wait3A_320] : memref<10240x16xf32, #tpu.memory_space<vmem_shared>> -> memref<10240x16xf32, #tpu.memory_space<vmem_shared>>
      tpu.wait_indirect_dma semaphore(%arg40 : memref<!tpu.dma_semaphore, #tpu.memory_space<semaphore_mem>>) src(%dma_wait3A_321 : memref<10240x16xf32, #tpu.memory_space<vmem_shared>>) dst(%arg10 : memref<80x16xf32, #tpu.memory_space<vmem>>)
      %dma_wait3A_322 = tpu.memref_slice %arg8[%mul3A_317] : memref<20000xi32, #tpu.memory_space<vmem>> -> memref<80xi32, #tpu.memory_space<vmem>>
      %dma_wait3A_323 = arith.constant 0 : i32
      %dma_wait3A_324 = arith.constant 0 : i32
      %dma_wait3A_325 = tpu.memref_slice %arg60[%dma_wait3A_323, %dma_wait3A_324] : memref<10240x16xf32, #tpu.memory_space<vmem_shared>> -> memref<10240x16xf32, #tpu.memory_space<vmem_shared>>
      tpu.wait_indirect_dma semaphore(%arg40 : memref<!tpu.dma_semaphore, #tpu.memory_space<semaphore_mem>>) src(%dma_wait3A_325 : memref<10240x16xf32, #tpu.memory_space<vmem_shared>>) dst(%arg20 : memref<80x16xf32, #tpu.memory_space<vmem>>)
      %scan3A_326 = arith.constant 0 : i32
      %scan3A_327 = arith.constant 0 : i32
      %scan3A_328 = arith.constant 80 : i32
      %scan3A_329 = arith.addi %scan3A_327, %scan3A_328 : i32
      %scan3A_330 = arith.constant 1 : i32
      %scan3A_331 = scf.for %scan3A_765 = %scan3A_327 to %scan3A_329 step %scan3A_330 iter_args(%scan3A_766 = %scan3A_326) -> (i32)  : i32 {
        %get3A = arith.index_cast %scan3A_765 : i32 to index
        %get3A_767 = arith.constant 0 : index
        %get3A_768 = tpu.vector_load %arg10[%get3A, %get3A_767] {strides = array<i32>} : memref<80x16xf32, #tpu.memory_space<vmem>>, vector<16xf32>,
        %get3A_769 = arith.index_cast %scan3A_765 : i32 to index
        %get3A_770 = arith.constant 0 : index
        %get3A_771 = tpu.vector_load %arg20[%get3A_769, %get3A_770] {strides = array<i32>} : memref<80x16xf32, #tpu.memory_space<vmem>>, vector<16xf32>,
        %add3A_772 = arith.addf %get3A_768, %get3A_771 : vector<16xf32>
        %jit3A_773 = arith.constant 8 : i32
        %div3A_774 = arith.divsi %scan3A_765, %jit3A_773 : i32
        %sign3A_775 = arith.constant 0 : i32
        %sign3A_776 = arith.cmpi sgt, %scan3A_765, %sign3A_775 : i32
        %sign3A_777 = arith.extui %sign3A_776 : i1 to i32
        %sign3A_778 = arith.constant 0 : i32
        %sign3A_779 = arith.cmpi slt, %scan3A_765, %sign3A_778 : i32
        %sign3A_780 = arith.extui %sign3A_779 : i1 to i32
        %sign3A_781 = arith.subi %sign3A_777, %sign3A_780 : i32
        %sign3A_782 = arith.constant 0 : i32
        %sign3A_783 = arith.cmpi sgt, %jit3A_773, %sign3A_782 : i32
        %sign3A_784 = arith.extui %sign3A_783 : i1 to i32
        %sign3A_785 = arith.constant 0 : i32
        %sign3A_786 = arith.cmpi slt, %jit3A_773, %sign3A_785 : i32
        %sign3A_787 = arith.extui %sign3A_786 : i1 to i32
        %sign3A_788 = arith.subi %sign3A_784, %sign3A_787 : i32
        %ne3A_789 = arith.cmpi ne, %sign3A_781, %sign3A_788 : i32
        %rem3A_790 = arith.remsi %scan3A_765, %jit3A_773 : i32
        %ne3A_791 = arith.constant 0 : i32
        %ne3A_792 = arith.cmpi ne, %rem3A_790, %ne3A_791 : i32
        %and3A_793 = arith.andi %ne3A_789, %ne3A_792 : i1
        %sub3A_794 = arith.constant 1 : i32
        %sub3A_795 = arith.subi %div3A_774, %sub3A_794 : i32
        %select_n3A_796 = arith.select %and3A_793, %sub3A_795, %div3A_774 : i32
        %jit3A_797 = arith.constant 8 : i32
        %eq3A_798 = arith.constant 0 : i32
        %eq3A_799 = arith.cmpi eq, %jit3A_797, %eq3A_798 : i32
        %jit3A_800 = arith.constant 1 : i32
        %select_n3A_801 = arith.select %eq3A_799, %jit3A_800, %jit3A_797 : i32
        %rem3A_802 = arith.remsi %scan3A_765, %select_n3A_801 : i32
        %ne3A_803 = arith.constant 0 : i32
        %ne3A_804 = arith.cmpi ne, %rem3A_802, %ne3A_803 : i32
        %lt3A = arith.constant 0 : i32
        %lt3A_805 = arith.cmpi slt, %rem3A_802, %lt3A : i32
        %lt3A_806 = arith.constant 0 : i32
        %lt3A_807 = arith.cmpi slt, %select_n3A_801, %lt3A_806 : i32
        %ne3A_808 = arith.xori %lt3A_805, %lt3A_807 : i1
        %and3A_809 = arith.andi %ne3A_808, %ne3A_804 : i1
        %add3A_810 = arith.addi %rem3A_802, %select_n3A_801 : i32
        %select_n3A_811 = arith.select %and3A_809, %add3A_810, %rem3A_802 : i32
        %mul3A_812 = arith.constant 16 : i32
        %mul3A_813 = arith.muli %select_n3A_811, %mul3A_812 : i32
        %swap3A = arith.index_cast %select_n3A_796 : i32 to index
        %swap3A_814 = arith.index_cast %mul3A_813 : i32 to index
        %swap3A_815 = tpu.vector_load %arg30[%swap3A, %swap3A_814] {strides = array<i32>} : memref<10x128xf32, #tpu.memory_space<vmem>>, vector<16xf32>,
        tpu.vector_store %arg30[%swap3A, %swap3A_814], %add3A_772 {strides = array<i32>} : memref<10x128xf32, #tpu.memory_space<vmem>>, vector<16xf32>,
        %scan3A_816 = arith.constant 0 : i32
        scf.yield %scan3A_816 : i32
      }
      %scan3A_332 = arith.constant 80 : i32
      %add3A_333 = arith.addi %mul3A_0, %mul3A_317 : i32
      %jit3A_334 = arith.constant 8 : i32
      %div3A_335 = arith.divsi %add3A_333, %jit3A_334 : i32
      %sign3A_336 = arith.constant 0 : i32
      %sign3A_337 = arith.cmpi sgt, %add3A_333, %sign3A_336 : i32
      %sign3A_338 = arith.extui %sign3A_337 : i1 to i32
      %sign3A_339 = arith.constant 0 : i32
      %sign3A_340 = arith.cmpi slt, %add3A_333, %sign3A_339 : i32
      %sign3A_341 = arith.extui %sign3A_340 : i1 to i32
      %sign3A_342 = arith.subi %sign3A_338, %sign3A_341 : i32
      %sign3A_343 = arith.constant 0 : i32
      %sign3A_344 = arith.cmpi sgt, %jit3A_334, %sign3A_343 : i32
      %sign3A_345 = arith.extui %sign3A_344 : i1 to i32
      %sign3A_346 = arith.constant 0 : i32
      %sign3A_347 = arith.cmpi slt, %jit3A_334, %sign3A_346 : i32
      %sign3A_348 = arith.extui %sign3A_347 : i1 to i32
      %sign3A_349 = arith.subi %sign3A_345, %sign3A_348 : i32
      %ne3A_350 = arith.cmpi ne, %sign3A_342, %sign3A_349 : i32
      %rem3A_351 = arith.remsi %add3A_333, %jit3A_334 : i32
      %ne3A_352 = arith.constant 0 : i32
      %ne3A_353 = arith.cmpi ne, %rem3A_351, %ne3A_352 : i32
      %and3A_354 = arith.andi %ne3A_350, %ne3A_353 : i1
      %sub3A_355 = arith.constant 1 : i32
      %sub3A_356 = arith.subi %div3A_335, %sub3A_355 : i32
      %select_n3A_357 = arith.select %and3A_354, %sub3A_356, %div3A_335 : i32
      %dma_start3A_358 = arith.constant 0 : i32
      %dma_start3A_359 = tpu.memref_slice %arg6[%arg0, %select_n3A_357, %dma_start3A_358] : memref<2x40000x128xf32, #tpu.memory_space<hbm>> -> memref<1x10x128xf32, #tpu.memory_space<hbm>>
      %dma_start3A_360 = tpu.memref_squeeze %dma_start3A_359 : memref<1x10x128xf32, #tpu.memory_space<hbm>> -> memref<10x128xf32, #tpu.memory_space<hbm>>
      %dma_start3A_361 = arith.constant 0 : i32
      %dma_start3A_362 = tpu.memref_slice %arg6[%arg0, %select_n3A_357, %dma_start3A_361] : memref<2x40000x128xf32, #tpu.memory_space<hbm>> -> memref<1x10x128xf32, #tpu.memory_space<hbm>>
      %dma_start3A_363 = tpu.memref_squeeze %dma_start3A_362 : memref<1x10x128xf32, #tpu.memory_space<hbm>> -> memref<10x128xf32, #tpu.memory_space<hbm>>
      tpu.enqueue_dma source(%arg30 : memref<10x128xf32, #tpu.memory_space<vmem>>) target(%dma_start3A_363 : memref<10x128xf32, #tpu.memory_space<hbm>>) target_semaphore(%arg50 : memref<!tpu.dma_semaphore, #tpu.memory_space<semaphore_mem>>)
      %add3A_364 = arith.constant 2 : i32
      %add3A_365 = arith.addi %mul3A_104, %add3A_364 : i32
      %mul3A_366 = arith.constant 80 : i32
      %mul3A_367 = arith.muli %add3A_365, %mul3A_366 : i32
      %dma_wait3A_368 = tpu.memref_slice %arg7[%mul3A_367] : memref<20000xi32, #tpu.memory_space<vmem>> -> memref<80xi32, #tpu.memory_space<vmem>>
      %dma_wait3A_369 = arith.constant 0 : i32
      %dma_wait3A_370 = arith.constant 0 : i32
      %dma_wait3A_371 = tpu.memref_slice %arg59[%dma_wait3A_369, %dma_wait3A_370] : memref<10240x16xf32, #tpu.memory_space<vmem_shared>> -> memref<10240x16xf32, #tpu.memory_space<vmem_shared>>
      tpu.wait_indirect_dma semaphore(%arg41 : memref<!tpu.dma_semaphore, #tpu.memory_space<semaphore_mem>>) src(%dma_wait3A_371 : memref<10240x16xf32, #tpu.memory_space<vmem_shared>>) dst(%arg11 : memref<80x16xf32, #tpu.memory_space<vmem>>)
      %dma_wait3A_372 = tpu.memref_slice %arg8[%mul3A_367] : memref<20000xi32, #tpu.memory_space<vmem>> -> memref<80xi32, #tpu.memory_space<vmem>>
      %dma_wait3A_373 = arith.constant 0 : i32
      %dma_wait3A_374 = arith.constant 0 : i32
      %dma_wait3A_375 = tpu.memref_slice %arg60[%dma_wait3A_373, %dma_wait3A_374] : memref<10240x16xf32, #tpu.memory_space<vmem_shared>> -> memref<10240x16xf32, #tpu.memory_space<vmem_shared>>
      tpu.wait_indirect_dma semaphore(%arg41 : memref<!tpu.dma_semaphore, #tpu.memory_space<semaphore_mem>>) src(%dma_wait3A_375 : memref<10240x16xf32, #tpu.memory_space<vmem_shared>>) dst(%arg21 : memref<80x16xf32, #tpu.memory_space<vmem>>)
      %scan3A_376 = arith.constant 0 : i32
      %scan3A_377 = arith.constant 0 : i32
      %scan3A_378 = arith.constant 80 : i32
      %scan3A_379 = arith.addi %scan3A_377, %scan3A_378 : i32
      %scan3A_380 = arith.constant 1 : i32
      %scan3A_381 = scf.for %scan3A_765 = %scan3A_377 to %scan3A_379 step %scan3A_380 iter_args(%scan3A_766 = %scan3A_376) -> (i32)  : i32 {
        %get3A = arith.index_cast %scan3A_765 : i32 to index
        %get3A_767 = arith.constant 0 : index
        %get3A_768 = tpu.vector_load %arg11[%get3A, %get3A_767] {strides = array<i32>} : memref<80x16xf32, #tpu.memory_space<vmem>>, vector<16xf32>,
        %get3A_769 = arith.index_cast %scan3A_765 : i32 to index
        %get3A_770 = arith.constant 0 : index
        %get3A_771 = tpu.vector_load %arg21[%get3A_769, %get3A_770] {strides = array<i32>} : memref<80x16xf32, #tpu.memory_space<vmem>>, vector<16xf32>,
        %add3A_772 = arith.addf %get3A_768, %get3A_771 : vector<16xf32>
        %jit3A_773 = arith.constant 8 : i32
        %div3A_774 = arith.divsi %scan3A_765, %jit3A_773 : i32
        %sign3A_775 = arith.constant 0 : i32
        %sign3A_776 = arith.cmpi sgt, %scan3A_765, %sign3A_775 : i32
        %sign3A_777 = arith.extui %sign3A_776 : i1 to i32
        %sign3A_778 = arith.constant 0 : i32
        %sign3A_779 = arith.cmpi slt, %scan3A_765, %sign3A_778 : i32
        %sign3A_780 = arith.extui %sign3A_779 : i1 to i32
        %sign3A_781 = arith.subi %sign3A_777, %sign3A_780 : i32
        %sign3A_782 = arith.constant 0 : i32
        %sign3A_783 = arith.cmpi sgt, %jit3A_773, %sign3A_782 : i32
        %sign3A_784 = arith.extui %sign3A_783 : i1 to i32
        %sign3A_785 = arith.constant 0 : i32
        %sign3A_786 = arith.cmpi slt, %jit3A_773, %sign3A_785 : i32
        %sign3A_787 = arith.extui %sign3A_786 : i1 to i32
        %sign3A_788 = arith.subi %sign3A_784, %sign3A_787 : i32
        %ne3A_789 = arith.cmpi ne, %sign3A_781, %sign3A_788 : i32
        %rem3A_790 = arith.remsi %scan3A_765, %jit3A_773 : i32
        %ne3A_791 = arith.constant 0 : i32
        %ne3A_792 = arith.cmpi ne, %rem3A_790, %ne3A_791 : i32
        %and3A_793 = arith.andi %ne3A_789, %ne3A_792 : i1
        %sub3A_794 = arith.constant 1 : i32
        %sub3A_795 = arith.subi %div3A_774, %sub3A_794 : i32
        %select_n3A_796 = arith.select %and3A_793, %sub3A_795, %div3A_774 : i32
        %jit3A_797 = arith.constant 8 : i32
        %eq3A_798 = arith.constant 0 : i32
        %eq3A_799 = arith.cmpi eq, %jit3A_797, %eq3A_798 : i32
        %jit3A_800 = arith.constant 1 : i32
        %select_n3A_801 = arith.select %eq3A_799, %jit3A_800, %jit3A_797 : i32
        %rem3A_802 = arith.remsi %scan3A_765, %select_n3A_801 : i32
        %ne3A_803 = arith.constant 0 : i32
        %ne3A_804 = arith.cmpi ne, %rem3A_802, %ne3A_803 : i32
        %lt3A = arith.constant 0 : i32
        %lt3A_805 = arith.cmpi slt, %rem3A_802, %lt3A : i32
        %lt3A_806 = arith.constant 0 : i32
        %lt3A_807 = arith.cmpi slt, %select_n3A_801, %lt3A_806 : i32
        %ne3A_808 = arith.xori %lt3A_805, %lt3A_807 : i1
        %and3A_809 = arith.andi %ne3A_808, %ne3A_804 : i1
        %add3A_810 = arith.addi %rem3A_802, %select_n3A_801 : i32
        %select_n3A_811 = arith.select %and3A_809, %add3A_810, %rem3A_802 : i32
        %mul3A_812 = arith.constant 16 : i32
        %mul3A_813 = arith.muli %select_n3A_811, %mul3A_812 : i32
        %swap3A = arith.index_cast %select_n3A_796 : i32 to index
        %swap3A_814 = arith.index_cast %mul3A_813 : i32 to index
        %swap3A_815 = tpu.vector_load %arg31[%swap3A, %swap3A_814] {strides = array<i32>} : memref<10x128xf32, #tpu.memory_space<vmem>>, vector<16xf32>,
        tpu.vector_store %arg31[%swap3A, %swap3A_814], %add3A_772 {strides = array<i32>} : memref<10x128xf32, #tpu.memory_space<vmem>>, vector<16xf32>,
        %scan3A_816 = arith.constant 0 : i32
        scf.yield %scan3A_816 : i32
      }
      %scan3A_382 = arith.constant 80 : i32
      %add3A_383 = arith.addi %mul3A_0, %mul3A_367 : i32
      %jit3A_384 = arith.constant 8 : i32
      %div3A_385 = arith.divsi %add3A_383, %jit3A_384 : i32
      %sign3A_386 = arith.constant 0 : i32
      %sign3A_387 = arith.cmpi sgt, %add3A_383, %sign3A_386 : i32
      %sign3A_388 = arith.extui %sign3A_387 : i1 to i32
      %sign3A_389 = arith.constant 0 : i32
      %sign3A_390 = arith.cmpi slt, %add3A_383, %sign3A_389 : i32
      %sign3A_391 = arith.extui %sign3A_390 : i1 to i32
      %sign3A_392 = arith.subi %sign3A_388, %sign3A_391 : i32
      %sign3A_393 = arith.constant 0 : i32
      %sign3A_394 = arith.cmpi sgt, %jit3A_384, %sign3A_393 : i32
      %sign3A_395 = arith.extui %sign3A_394 : i1 to i32
      %sign3A_396 = arith.constant 0 : i32
      %sign3A_397 = arith.cmpi slt, %jit3A_384, %sign3A_396 : i32
      %sign3A_398 = arith.extui %sign3A_397 : i1 to i32
      %sign3A_399 = arith.subi %sign3A_395, %sign3A_398 : i32
      %ne3A_400 = arith.cmpi ne, %sign3A_392, %sign3A_399 : i32
      %rem3A_401 = arith.remsi %add3A_383, %jit3A_384 : i32
      %ne3A_402 = arith.constant 0 : i32
      %ne3A_403 = arith.cmpi ne, %rem3A_401, %ne3A_402 : i32
      %and3A_404 = arith.andi %ne3A_400, %ne3A_403 : i1
      %sub3A_405 = arith.constant 1 : i32
      %sub3A_406 = arith.subi %div3A_385, %sub3A_405 : i32
      %select_n3A_407 = arith.select %and3A_404, %sub3A_406, %div3A_385 : i32
      %dma_start3A_408 = arith.constant 0 : i32
      %dma_start3A_409 = tpu.memref_slice %arg6[%arg0, %select_n3A_407, %dma_start3A_408] : memref<2x40000x128xf32, #tpu.memory_space<hbm>> -> memref<1x10x128xf32, #tpu.memory_space<hbm>>
      %dma_start3A_410 = tpu.memref_squeeze %dma_start3A_409 : memref<1x10x128xf32, #tpu.memory_space<hbm>> -> memref<10x128xf32, #tpu.memory_space<hbm>>
      %dma_start3A_411 = arith.constant 0 : i32
      %dma_start3A_412 = tpu.memref_slice %arg6[%arg0, %select_n3A_407, %dma_start3A_411] : memref<2x40000x128xf32, #tpu.memory_space<hbm>> -> memref<1x10x128xf32, #tpu.memory_space<hbm>>
      %dma_start3A_413 = tpu.memref_squeeze %dma_start3A_412 : memref<1x10x128xf32, #tpu.memory_space<hbm>> -> memref<10x128xf32, #tpu.memory_space<hbm>>
      tpu.enqueue_dma source(%arg31 : memref<10x128xf32, #tpu.memory_space<vmem>>) target(%dma_start3A_413 : memref<10x128xf32, #tpu.memory_space<hbm>>) target_semaphore(%arg51 : memref<!tpu.dma_semaphore, #tpu.memory_space<semaphore_mem>>)
      %add3A_414 = arith.constant 3 : i32
      %add3A_415 = arith.addi %mul3A_104, %add3A_414 : i32
      %mul3A_416 = arith.constant 80 : i32
      %mul3A_417 = arith.muli %add3A_415, %mul3A_416 : i32
      %dma_wait3A_418 = tpu.memref_slice %arg7[%mul3A_417] : memref<20000xi32, #tpu.memory_space<vmem>> -> memref<80xi32, #tpu.memory_space<vmem>>
      %dma_wait3A_419 = arith.constant 0 : i32
      %dma_wait3A_420 = arith.constant 0 : i32
      %dma_wait3A_421 = tpu.memref_slice %arg59[%dma_wait3A_419, %dma_wait3A_420] : memref<10240x16xf32, #tpu.memory_space<vmem_shared>> -> memref<10240x16xf32, #tpu.memory_space<vmem_shared>>
      tpu.wait_indirect_dma semaphore(%arg42 : memref<!tpu.dma_semaphore, #tpu.memory_space<semaphore_mem>>) src(%dma_wait3A_421 : memref<10240x16xf32, #tpu.memory_space<vmem_shared>>) dst(%arg12 : memref<80x16xf32, #tpu.memory_space<vmem>>)
      %dma_wait3A_422 = tpu.memref_slice %arg8[%mul3A_417] : memref<20000xi32, #tpu.memory_space<vmem>> -> memref<80xi32, #tpu.memory_space<vmem>>
      %dma_wait3A_423 = arith.constant 0 : i32
      %dma_wait3A_424 = arith.constant 0 : i32
      %dma_wait3A_425 = tpu.memref_slice %arg60[%dma_wait3A_423, %dma_wait3A_424] : memref<10240x16xf32, #tpu.memory_space<vmem_shared>> -> memref<10240x16xf32, #tpu.memory_space<vmem_shared>>
      tpu.wait_indirect_dma semaphore(%arg42 : memref<!tpu.dma_semaphore, #tpu.memory_space<semaphore_mem>>) src(%dma_wait3A_425 : memref<10240x16xf32, #tpu.memory_space<vmem_shared>>) dst(%arg22 : memref<80x16xf32, #tpu.memory_space<vmem>>)
      %scan3A_426 = arith.constant 0 : i32
      %scan3A_427 = arith.constant 0 : i32
      %scan3A_428 = arith.constant 80 : i32
      %scan3A_429 = arith.addi %scan3A_427, %scan3A_428 : i32
      %scan3A_430 = arith.constant 1 : i32
      %scan3A_431 = scf.for %scan3A_765 = %scan3A_427 to %scan3A_429 step %scan3A_430 iter_args(%scan3A_766 = %scan3A_426) -> (i32)  : i32 {
        %get3A = arith.index_cast %scan3A_765 : i32 to index
        %get3A_767 = arith.constant 0 : index
        %get3A_768 = tpu.vector_load %arg12[%get3A, %get3A_767] {strides = array<i32>} : memref<80x16xf32, #tpu.memory_space<vmem>>, vector<16xf32>,
        %get3A_769 = arith.index_cast %scan3A_765 : i32 to index
        %get3A_770 = arith.constant 0 : index
        %get3A_771 = tpu.vector_load %arg22[%get3A_769, %get3A_770] {strides = array<i32>} : memref<80x16xf32, #tpu.memory_space<vmem>>, vector<16xf32>,
        %add3A_772 = arith.addf %get3A_768, %get3A_771 : vector<16xf32>
        %jit3A_773 = arith.constant 8 : i32
        %div3A_774 = arith.divsi %scan3A_765, %jit3A_773 : i32
        %sign3A_775 = arith.constant 0 : i32
        %sign3A_776 = arith.cmpi sgt, %scan3A_765, %sign3A_775 : i32
        %sign3A_777 = arith.extui %sign3A_776 : i1 to i32
        %sign3A_778 = arith.constant 0 : i32
        %sign3A_779 = arith.cmpi slt, %scan3A_765, %sign3A_778 : i32
        %sign3A_780 = arith.extui %sign3A_779 : i1 to i32
        %sign3A_781 = arith.subi %sign3A_777, %sign3A_780 : i32
        %sign3A_782 = arith.constant 0 : i32
        %sign3A_783 = arith.cmpi sgt, %jit3A_773, %sign3A_782 : i32
        %sign3A_784 = arith.extui %sign3A_783 : i1 to i32
        %sign3A_785 = arith.constant 0 : i32
        %sign3A_786 = arith.cmpi slt, %jit3A_773, %sign3A_785 : i32
        %sign3A_787 = arith.extui %sign3A_786 : i1 to i32
        %sign3A_788 = arith.subi %sign3A_784, %sign3A_787 : i32
        %ne3A_789 = arith.cmpi ne, %sign3A_781, %sign3A_788 : i32
        %rem3A_790 = arith.remsi %scan3A_765, %jit3A_773 : i32
        %ne3A_791 = arith.constant 0 : i32
        %ne3A_792 = arith.cmpi ne, %rem3A_790, %ne3A_791 : i32
        %and3A_793 = arith.andi %ne3A_789, %ne3A_792 : i1
        %sub3A_794 = arith.constant 1 : i32
        %sub3A_795 = arith.subi %div3A_774, %sub3A_794 : i32
        %select_n3A_796 = arith.select %and3A_793, %sub3A_795, %div3A_774 : i32
        %jit3A_797 = arith.constant 8 : i32
        %eq3A_798 = arith.constant 0 : i32
        %eq3A_799 = arith.cmpi eq, %jit3A_797, %eq3A_798 : i32
        %jit3A_800 = arith.constant 1 : i32
        %select_n3A_801 = arith.select %eq3A_799, %jit3A_800, %jit3A_797 : i32
        %rem3A_802 = arith.remsi %scan3A_765, %select_n3A_801 : i32
        %ne3A_803 = arith.constant 0 : i32
        %ne3A_804 = arith.cmpi ne, %rem3A_802, %ne3A_803 : i32
        %lt3A = arith.constant 0 : i32
        %lt3A_805 = arith.cmpi slt, %rem3A_802, %lt3A : i32
        %lt3A_806 = arith.constant 0 : i32
        %lt3A_807 = arith.cmpi slt, %select_n3A_801, %lt3A_806 : i32
        %ne3A_808 = arith.xori %lt3A_805, %lt3A_807 : i1
        %and3A_809 = arith.andi %ne3A_808, %ne3A_804 : i1
        %add3A_810 = arith.addi %rem3A_802, %select_n3A_801 : i32
        %select_n3A_811 = arith.select %and3A_809, %add3A_810, %rem3A_802 : i32
        %mul3A_812 = arith.constant 16 : i32
        %mul3A_813 = arith.muli %select_n3A_811, %mul3A_812 : i32
        %swap3A = arith.index_cast %select_n3A_796 : i32 to index
        %swap3A_814 = arith.index_cast %mul3A_813 : i32 to index
        %swap3A_815 = tpu.vector_load %arg32[%swap3A, %swap3A_814] {strides = array<i32>} : memref<10x128xf32, #tpu.memory_space<vmem>>, vector<16xf32>,
        tpu.vector_store %arg32[%swap3A, %swap3A_814], %add3A_772 {strides = array<i32>} : memref<10x128xf32, #tpu.memory_space<vmem>>, vector<16xf32>,
        %scan3A_816 = arith.constant 0 : i32
        scf.yield %scan3A_816 : i32
      }
      %scan3A_432 = arith.constant 80 : i32
      %add3A_433 = arith.addi %mul3A_0, %mul3A_417 : i32
      %jit3A_434 = arith.constant 8 : i32
      %div3A_435 = arith.divsi %add3A_433, %jit3A_434 : i32
      %sign3A_436 = arith.constant 0 : i32
      %sign3A_437 = arith.cmpi sgt, %add3A_433, %sign3A_436 : i32
      %sign3A_438 = arith.extui %sign3A_437 : i1 to i32
      %sign3A_439 = arith.constant 0 : i32
      %sign3A_440 = arith.cmpi slt, %add3A_433, %sign3A_439 : i32
      %sign3A_441 = arith.extui %sign3A_440 : i1 to i32
      %sign3A_442 = arith.subi %sign3A_438, %sign3A_441 : i32
      %sign3A_443 = arith.constant 0 : i32
      %sign3A_444 = arith.cmpi sgt, %jit3A_434, %sign3A_443 : i32
      %sign3A_445 = arith.extui %sign3A_444 : i1 to i32
      %sign3A_446 = arith.constant 0 : i32
      %sign3A_447 = arith.cmpi slt, %jit3A_434, %sign3A_446 : i32
      %sign3A_448 = arith.extui %sign3A_447 : i1 to i32
      %sign3A_449 = arith.subi %sign3A_445, %sign3A_448 : i32
      %ne3A_450 = arith.cmpi ne, %sign3A_442, %sign3A_449 : i32
      %rem3A_451 = arith.remsi %add3A_433, %jit3A_434 : i32
      %ne3A_452 = arith.constant 0 : i32
      %ne3A_453 = arith.cmpi ne, %rem3A_451, %ne3A_452 : i32
      %and3A_454 = arith.andi %ne3A_450, %ne3A_453 : i1
      %sub3A_455 = arith.constant 1 : i32
      %sub3A_456 = arith.subi %div3A_435, %sub3A_455 : i32
      %select_n3A_457 = arith.select %and3A_454, %sub3A_456, %div3A_435 : i32
      %dma_start3A_458 = arith.constant 0 : i32
      %dma_start3A_459 = tpu.memref_slice %arg6[%arg0, %select_n3A_457, %dma_start3A_458] : memref<2x40000x128xf32, #tpu.memory_space<hbm>> -> memref<1x10x128xf32, #tpu.memory_space<hbm>>
      %dma_start3A_460 = tpu.memref_squeeze %dma_start3A_459 : memref<1x10x128xf32, #tpu.memory_space<hbm>> -> memref<10x128xf32, #tpu.memory_space<hbm>>
      %dma_start3A_461 = arith.constant 0 : i32
      %dma_start3A_462 = tpu.memref_slice %arg6[%arg0, %select_n3A_457, %dma_start3A_461] : memref<2x40000x128xf32, #tpu.memory_space<hbm>> -> memref<1x10x128xf32, #tpu.memory_space<hbm>>
      %dma_start3A_463 = tpu.memref_squeeze %dma_start3A_462 : memref<1x10x128xf32, #tpu.memory_space<hbm>> -> memref<10x128xf32, #tpu.memory_space<hbm>>
      tpu.enqueue_dma source(%arg32 : memref<10x128xf32, #tpu.memory_space<vmem>>) target(%dma_start3A_463 : memref<10x128xf32, #tpu.memory_space<hbm>>) target_semaphore(%arg52 : memref<!tpu.dma_semaphore, #tpu.memory_space<semaphore_mem>>)
      %add3A_464 = arith.constant 4 : i32
      %add3A_465 = arith.addi %mul3A_104, %add3A_464 : i32
      %mul3A_466 = arith.constant 80 : i32
      %mul3A_467 = arith.muli %add3A_465, %mul3A_466 : i32
      %dma_wait3A_468 = tpu.memref_slice %arg7[%mul3A_467] : memref<20000xi32, #tpu.memory_space<vmem>> -> memref<80xi32, #tpu.memory_space<vmem>>
      %dma_wait3A_469 = arith.constant 0 : i32
      %dma_wait3A_470 = arith.constant 0 : i32
      %dma_wait3A_471 = tpu.memref_slice %arg59[%dma_wait3A_469, %dma_wait3A_470] : memref<10240x16xf32, #tpu.memory_space<vmem_shared>> -> memref<10240x16xf32, #tpu.memory_space<vmem_shared>>
      tpu.wait_indirect_dma semaphore(%arg43 : memref<!tpu.dma_semaphore, #tpu.memory_space<semaphore_mem>>) src(%dma_wait3A_471 : memref<10240x16xf32, #tpu.memory_space<vmem_shared>>) dst(%arg13 : memref<80x16xf32, #tpu.memory_space<vmem>>)
      %dma_wait3A_472 = tpu.memref_slice %arg8[%mul3A_467] : memref<20000xi32, #tpu.memory_space<vmem>> -> memref<80xi32, #tpu.memory_space<vmem>>
      %dma_wait3A_473 = arith.constant 0 : i32
      %dma_wait3A_474 = arith.constant 0 : i32
      %dma_wait3A_475 = tpu.memref_slice %arg60[%dma_wait3A_473, %dma_wait3A_474] : memref<10240x16xf32, #tpu.memory_space<vmem_shared>> -> memref<10240x16xf32, #tpu.memory_space<vmem_shared>>
      tpu.wait_indirect_dma semaphore(%arg43 : memref<!tpu.dma_semaphore, #tpu.memory_space<semaphore_mem>>) src(%dma_wait3A_475 : memref<10240x16xf32, #tpu.memory_space<vmem_shared>>) dst(%arg23 : memref<80x16xf32, #tpu.memory_space<vmem>>)
      %scan3A_476 = arith.constant 0 : i32
      %scan3A_477 = arith.constant 0 : i32
      %scan3A_478 = arith.constant 80 : i32
      %scan3A_479 = arith.addi %scan3A_477, %scan3A_478 : i32
      %scan3A_480 = arith.constant 1 : i32
      %scan3A_481 = scf.for %scan3A_765 = %scan3A_477 to %scan3A_479 step %scan3A_480 iter_args(%scan3A_766 = %scan3A_476) -> (i32)  : i32 {
        %get3A = arith.index_cast %scan3A_765 : i32 to index
        %get3A_767 = arith.constant 0 : index
        %get3A_768 = tpu.vector_load %arg13[%get3A, %get3A_767] {strides = array<i32>} : memref<80x16xf32, #tpu.memory_space<vmem>>, vector<16xf32>,
        %get3A_769 = arith.index_cast %scan3A_765 : i32 to index
        %get3A_770 = arith.constant 0 : index
        %get3A_771 = tpu.vector_load %arg23[%get3A_769, %get3A_770] {strides = array<i32>} : memref<80x16xf32, #tpu.memory_space<vmem>>, vector<16xf32>,
        %add3A_772 = arith.addf %get3A_768, %get3A_771 : vector<16xf32>
        %jit3A_773 = arith.constant 8 : i32
        %div3A_774 = arith.divsi %scan3A_765, %jit3A_773 : i32
        %sign3A_775 = arith.constant 0 : i32
        %sign3A_776 = arith.cmpi sgt, %scan3A_765, %sign3A_775 : i32
        %sign3A_777 = arith.extui %sign3A_776 : i1 to i32
        %sign3A_778 = arith.constant 0 : i32
        %sign3A_779 = arith.cmpi slt, %scan3A_765, %sign3A_778 : i32
        %sign3A_780 = arith.extui %sign3A_779 : i1 to i32
        %sign3A_781 = arith.subi %sign3A_777, %sign3A_780 : i32
        %sign3A_782 = arith.constant 0 : i32
        %sign3A_783 = arith.cmpi sgt, %jit3A_773, %sign3A_782 : i32
        %sign3A_784 = arith.extui %sign3A_783 : i1 to i32
        %sign3A_785 = arith.constant 0 : i32
        %sign3A_786 = arith.cmpi slt, %jit3A_773, %sign3A_785 : i32
        %sign3A_787 = arith.extui %sign3A_786 : i1 to i32
        %sign3A_788 = arith.subi %sign3A_784, %sign3A_787 : i32
        %ne3A_789 = arith.cmpi ne, %sign3A_781, %sign3A_788 : i32
        %rem3A_790 = arith.remsi %scan3A_765, %jit3A_773 : i32
        %ne3A_791 = arith.constant 0 : i32
        %ne3A_792 = arith.cmpi ne, %rem3A_790, %ne3A_791 : i32
        %and3A_793 = arith.andi %ne3A_789, %ne3A_792 : i1
        %sub3A_794 = arith.constant 1 : i32
        %sub3A_795 = arith.subi %div3A_774, %sub3A_794 : i32
        %select_n3A_796 = arith.select %and3A_793, %sub3A_795, %div3A_774 : i32
        %jit3A_797 = arith.constant 8 : i32
        %eq3A_798 = arith.constant 0 : i32
        %eq3A_799 = arith.cmpi eq, %jit3A_797, %eq3A_798 : i32
        %jit3A_800 = arith.constant 1 : i32
        %select_n3A_801 = arith.select %eq3A_799, %jit3A_800, %jit3A_797 : i32
        %rem3A_802 = arith.remsi %scan3A_765, %select_n3A_801 : i32
        %ne3A_803 = arith.constant 0 : i32
        %ne3A_804 = arith.cmpi ne, %rem3A_802, %ne3A_803 : i32
        %lt3A = arith.constant 0 : i32
        %lt3A_805 = arith.cmpi slt, %rem3A_802, %lt3A : i32
        %lt3A_806 = arith.constant 0 : i32
        %lt3A_807 = arith.cmpi slt, %select_n3A_801, %lt3A_806 : i32
        %ne3A_808 = arith.xori %lt3A_805, %lt3A_807 : i1
        %and3A_809 = arith.andi %ne3A_808, %ne3A_804 : i1
        %add3A_810 = arith.addi %rem3A_802, %select_n3A_801 : i32
        %select_n3A_811 = arith.select %and3A_809, %add3A_810, %rem3A_802 : i32
        %mul3A_812 = arith.constant 16 : i32
        %mul3A_813 = arith.muli %select_n3A_811, %mul3A_812 : i32
        %swap3A = arith.index_cast %select_n3A_796 : i32 to index
        %swap3A_814 = arith.index_cast %mul3A_813 : i32 to index
        %swap3A_815 = tpu.vector_load %arg33[%swap3A, %swap3A_814] {strides = array<i32>} : memref<10x128xf32, #tpu.memory_space<vmem>>, vector<16xf32>,
        tpu.vector_store %arg33[%swap3A, %swap3A_814], %add3A_772 {strides = array<i32>} : memref<10x128xf32, #tpu.memory_space<vmem>>, vector<16xf32>,
        %scan3A_816 = arith.constant 0 : i32
        scf.yield %scan3A_816 : i32
      }
      %scan3A_482 = arith.constant 80 : i32
      %add3A_483 = arith.addi %mul3A_0, %mul3A_467 : i32
      %jit3A_484 = arith.constant 8 : i32
      %div3A_485 = arith.divsi %add3A_483, %jit3A_484 : i32
      %sign3A_486 = arith.constant 0 : i32
      %sign3A_487 = arith.cmpi sgt, %add3A_483, %sign3A_486 : i32
      %sign3A_488 = arith.extui %sign3A_487 : i1 to i32
      %sign3A_489 = arith.constant 0 : i32
      %sign3A_490 = arith.cmpi slt, %add3A_483, %sign3A_489 : i32
      %sign3A_491 = arith.extui %sign3A_490 : i1 to i32
      %sign3A_492 = arith.subi %sign3A_488, %sign3A_491 : i32
      %sign3A_493 = arith.constant 0 : i32
      %sign3A_494 = arith.cmpi sgt, %jit3A_484, %sign3A_493 : i32
      %sign3A_495 = arith.extui %sign3A_494 : i1 to i32
      %sign3A_496 = arith.constant 0 : i32
      %sign3A_497 = arith.cmpi slt, %jit3A_484, %sign3A_496 : i32
      %sign3A_498 = arith.extui %sign3A_497 : i1 to i32
      %sign3A_499 = arith.subi %sign3A_495, %sign3A_498 : i32
      %ne3A_500 = arith.cmpi ne, %sign3A_492, %sign3A_499 : i32
      %rem3A_501 = arith.remsi %add3A_483, %jit3A_484 : i32
      %ne3A_502 = arith.constant 0 : i32
      %ne3A_503 = arith.cmpi ne, %rem3A_501, %ne3A_502 : i32
      %and3A_504 = arith.andi %ne3A_500, %ne3A_503 : i1
      %sub3A_505 = arith.constant 1 : i32
      %sub3A_506 = arith.subi %div3A_485, %sub3A_505 : i32
      %select_n3A_507 = arith.select %and3A_504, %sub3A_506, %div3A_485 : i32
      %dma_start3A_508 = arith.constant 0 : i32
      %dma_start3A_509 = tpu.memref_slice %arg6[%arg0, %select_n3A_507, %dma_start3A_508] : memref<2x40000x128xf32, #tpu.memory_space<hbm>> -> memref<1x10x128xf32, #tpu.memory_space<hbm>>
      %dma_start3A_510 = tpu.memref_squeeze %dma_start3A_509 : memref<1x10x128xf32, #tpu.memory_space<hbm>> -> memref<10x128xf32, #tpu.memory_space<hbm>>
      %dma_start3A_511 = arith.constant 0 : i32
      %dma_start3A_512 = tpu.memref_slice %arg6[%arg0, %select_n3A_507, %dma_start3A_511] : memref<2x40000x128xf32, #tpu.memory_space<hbm>> -> memref<1x10x128xf32, #tpu.memory_space<hbm>>
      %dma_start3A_513 = tpu.memref_squeeze %dma_start3A_512 : memref<1x10x128xf32, #tpu.memory_space<hbm>> -> memref<10x128xf32, #tpu.memory_space<hbm>>
      tpu.enqueue_dma source(%arg33 : memref<10x128xf32, #tpu.memory_space<vmem>>) target(%dma_start3A_513 : memref<10x128xf32, #tpu.memory_space<hbm>>) target_semaphore(%arg53 : memref<!tpu.dma_semaphore, #tpu.memory_space<semaphore_mem>>)
      %add3A_514 = arith.constant 5 : i32
      %add3A_515 = arith.addi %mul3A_104, %add3A_514 : i32
      %mul3A_516 = arith.constant 80 : i32
      %mul3A_517 = arith.muli %add3A_515, %mul3A_516 : i32
      %dma_wait3A_518 = tpu.memref_slice %arg7[%mul3A_517] : memref<20000xi32, #tpu.memory_space<vmem>> -> memref<80xi32, #tpu.memory_space<vmem>>
      %dma_wait3A_519 = arith.constant 0 : i32
      %dma_wait3A_520 = arith.constant 0 : i32
      %dma_wait3A_521 = tpu.memref_slice %arg59[%dma_wait3A_519, %dma_wait3A_520] : memref<10240x16xf32, #tpu.memory_space<vmem_shared>> -> memref<10240x16xf32, #tpu.memory_space<vmem_shared>>
      tpu.wait_indirect_dma semaphore(%arg44 : memref<!tpu.dma_semaphore, #tpu.memory_space<semaphore_mem>>) src(%dma_wait3A_521 : memref<10240x16xf32, #tpu.memory_space<vmem_shared>>) dst(%arg14 : memref<80x16xf32, #tpu.memory_space<vmem>>)
      %dma_wait3A_522 = tpu.memref_slice %arg8[%mul3A_517] : memref<20000xi32, #tpu.memory_space<vmem>> -> memref<80xi32, #tpu.memory_space<vmem>>
      %dma_wait3A_523 = arith.constant 0 : i32
      %dma_wait3A_524 = arith.constant 0 : i32
      %dma_wait3A_525 = tpu.memref_slice %arg60[%dma_wait3A_523, %dma_wait3A_524] : memref<10240x16xf32, #tpu.memory_space<vmem_shared>> -> memref<10240x16xf32, #tpu.memory_space<vmem_shared>>
      tpu.wait_indirect_dma semaphore(%arg44 : memref<!tpu.dma_semaphore, #tpu.memory_space<semaphore_mem>>) src(%dma_wait3A_525 : memref<10240x16xf32, #tpu.memory_space<vmem_shared>>) dst(%arg24 : memref<80x16xf32, #tpu.memory_space<vmem>>)
      %scan3A_526 = arith.constant 0 : i32
      %scan3A_527 = arith.constant 0 : i32
      %scan3A_528 = arith.constant 80 : i32
      %scan3A_529 = arith.addi %scan3A_527, %scan3A_528 : i32
      %scan3A_530 = arith.constant 1 : i32
      %scan3A_531 = scf.for %scan3A_765 = %scan3A_527 to %scan3A_529 step %scan3A_530 iter_args(%scan3A_766 = %scan3A_526) -> (i32)  : i32 {
        %get3A = arith.index_cast %scan3A_765 : i32 to index
        %get3A_767 = arith.constant 0 : index
        %get3A_768 = tpu.vector_load %arg14[%get3A, %get3A_767] {strides = array<i32>} : memref<80x16xf32, #tpu.memory_space<vmem>>, vector<16xf32>,
        %get3A_769 = arith.index_cast %scan3A_765 : i32 to index
        %get3A_770 = arith.constant 0 : index
        %get3A_771 = tpu.vector_load %arg24[%get3A_769, %get3A_770] {strides = array<i32>} : memref<80x16xf32, #tpu.memory_space<vmem>>, vector<16xf32>,
        %add3A_772 = arith.addf %get3A_768, %get3A_771 : vector<16xf32>
        %jit3A_773 = arith.constant 8 : i32
        %div3A_774 = arith.divsi %scan3A_765, %jit3A_773 : i32
        %sign3A_775 = arith.constant 0 : i32
        %sign3A_776 = arith.cmpi sgt, %scan3A_765, %sign3A_775 : i32
        %sign3A_777 = arith.extui %sign3A_776 : i1 to i32
        %sign3A_778 = arith.constant 0 : i32
        %sign3A_779 = arith.cmpi slt, %scan3A_765, %sign3A_778 : i32
        %sign3A_780 = arith.extui %sign3A_779 : i1 to i32
        %sign3A_781 = arith.subi %sign3A_777, %sign3A_780 : i32
        %sign3A_782 = arith.constant 0 : i32
        %sign3A_783 = arith.cmpi sgt, %jit3A_773, %sign3A_782 : i32
        %sign3A_784 = arith.extui %sign3A_783 : i1 to i32
        %sign3A_785 = arith.constant 0 : i32
        %sign3A_786 = arith.cmpi slt, %jit3A_773, %sign3A_785 : i32
        %sign3A_787 = arith.extui %sign3A_786 : i1 to i32
        %sign3A_788 = arith.subi %sign3A_784, %sign3A_787 : i32
        %ne3A_789 = arith.cmpi ne, %sign3A_781, %sign3A_788 : i32
        %rem3A_790 = arith.remsi %scan3A_765, %jit3A_773 : i32
        %ne3A_791 = arith.constant 0 : i32
        %ne3A_792 = arith.cmpi ne, %rem3A_790, %ne3A_791 : i32
        %and3A_793 = arith.andi %ne3A_789, %ne3A_792 : i1
        %sub3A_794 = arith.constant 1 : i32
        %sub3A_795 = arith.subi %div3A_774, %sub3A_794 : i32
        %select_n3A_796 = arith.select %and3A_793, %sub3A_795, %div3A_774 : i32
        %jit3A_797 = arith.constant 8 : i32
        %eq3A_798 = arith.constant 0 : i32
        %eq3A_799 = arith.cmpi eq, %jit3A_797, %eq3A_798 : i32
        %jit3A_800 = arith.constant 1 : i32
        %select_n3A_801 = arith.select %eq3A_799, %jit3A_800, %jit3A_797 : i32
        %rem3A_802 = arith.remsi %scan3A_765, %select_n3A_801 : i32
        %ne3A_803 = arith.constant 0 : i32
        %ne3A_804 = arith.cmpi ne, %rem3A_802, %ne3A_803 : i32
        %lt3A = arith.constant 0 : i32
        %lt3A_805 = arith.cmpi slt, %rem3A_802, %lt3A : i32
        %lt3A_806 = arith.constant 0 : i32
        %lt3A_807 = arith.cmpi slt, %select_n3A_801, %lt3A_806 : i32
        %ne3A_808 = arith.xori %lt3A_805, %lt3A_807 : i1
        %and3A_809 = arith.andi %ne3A_808, %ne3A_804 : i1
        %add3A_810 = arith.addi %rem3A_802, %select_n3A_801 : i32
        %select_n3A_811 = arith.select %and3A_809, %add3A_810, %rem3A_802 : i32
        %mul3A_812 = arith.constant 16 : i32
        %mul3A_813 = arith.muli %select_n3A_811, %mul3A_812 : i32
        %swap3A = arith.index_cast %select_n3A_796 : i32 to index
        %swap3A_814 = arith.index_cast %mul3A_813 : i32 to index
        %swap3A_815 = tpu.vector_load %arg34[%swap3A, %swap3A_814] {strides = array<i32>} : memref<10x128xf32, #tpu.memory_space<vmem>>, vector<16xf32>,
        tpu.vector_store %arg34[%swap3A, %swap3A_814], %add3A_772 {strides = array<i32>} : memref<10x128xf32, #tpu.memory_space<vmem>>, vector<16xf32>,
        %scan3A_816 = arith.constant 0 : i32
        scf.yield %scan3A_816 : i32
      }
      %scan3A_532 = arith.constant 80 : i32
      %add3A_533 = arith.addi %mul3A_0, %mul3A_517 : i32
      %jit3A_534 = arith.constant 8 : i32
      %div3A_535 = arith.divsi %add3A_533, %jit3A_534 : i32
      %sign3A_536 = arith.constant 0 : i32
      %sign3A_537 = arith.cmpi sgt, %add3A_533, %sign3A_536 : i32
      %sign3A_538 = arith.extui %sign3A_537 : i1 to i32
      %sign3A_539 = arith.constant 0 : i32
      %sign3A_540 = arith.cmpi slt, %add3A_533, %sign3A_539 : i32
      %sign3A_541 = arith.extui %sign3A_540 : i1 to i32
      %sign3A_542 = arith.subi %sign3A_538, %sign3A_541 : i32
      %sign3A_543 = arith.constant 0 : i32
      %sign3A_544 = arith.cmpi sgt, %jit3A_534, %sign3A_543 : i32
      %sign3A_545 = arith.extui %sign3A_544 : i1 to i32
      %sign3A_546 = arith.constant 0 : i32
      %sign3A_547 = arith.cmpi slt, %jit3A_534, %sign3A_546 : i32
      %sign3A_548 = arith.extui %sign3A_547 : i1 to i32
      %sign3A_549 = arith.subi %sign3A_545, %sign3A_548 : i32
      %ne3A_550 = arith.cmpi ne, %sign3A_542, %sign3A_549 : i32
      %rem3A_551 = arith.remsi %add3A_533, %jit3A_534 : i32
      %ne3A_552 = arith.constant 0 : i32
      %ne3A_553 = arith.cmpi ne, %rem3A_551, %ne3A_552 : i32
      %and3A_554 = arith.andi %ne3A_550, %ne3A_553 : i1
      %sub3A_555 = arith.constant 1 : i32
      %sub3A_556 = arith.subi %div3A_535, %sub3A_555 : i32
      %select_n3A_557 = arith.select %and3A_554, %sub3A_556, %div3A_535 : i32
      %dma_start3A_558 = arith.constant 0 : i32
      %dma_start3A_559 = tpu.memref_slice %arg6[%arg0, %select_n3A_557, %dma_start3A_558] : memref<2x40000x128xf32, #tpu.memory_space<hbm>> -> memref<1x10x128xf32, #tpu.memory_space<hbm>>
      %dma_start3A_560 = tpu.memref_squeeze %dma_start3A_559 : memref<1x10x128xf32, #tpu.memory_space<hbm>> -> memref<10x128xf32, #tpu.memory_space<hbm>>
      %dma_start3A_561 = arith.constant 0 : i32
      %dma_start3A_562 = tpu.memref_slice %arg6[%arg0, %select_n3A_557, %dma_start3A_561] : memref<2x40000x128xf32, #tpu.memory_space<hbm>> -> memref<1x10x128xf32, #tpu.memory_space<hbm>>
      %dma_start3A_563 = tpu.memref_squeeze %dma_start3A_562 : memref<1x10x128xf32, #tpu.memory_space<hbm>> -> memref<10x128xf32, #tpu.memory_space<hbm>>
      tpu.enqueue_dma source(%arg34 : memref<10x128xf32, #tpu.memory_space<vmem>>) target(%dma_start3A_563 : memref<10x128xf32, #tpu.memory_space<hbm>>) target_semaphore(%arg54 : memref<!tpu.dma_semaphore, #tpu.memory_space<semaphore_mem>>)
      %add3A_564 = arith.constant 6 : i32
      %add3A_565 = arith.addi %mul3A_104, %add3A_564 : i32
      %mul3A_566 = arith.constant 80 : i32
      %mul3A_567 = arith.muli %add3A_565, %mul3A_566 : i32
      %dma_wait3A_568 = tpu.memref_slice %arg7[%mul3A_567] : memref<20000xi32, #tpu.memory_space<vmem>> -> memref<80xi32, #tpu.memory_space<vmem>>
      %dma_wait3A_569 = arith.constant 0 : i32
      %dma_wait3A_570 = arith.constant 0 : i32
      %dma_wait3A_571 = tpu.memref_slice %arg59[%dma_wait3A_569, %dma_wait3A_570] : memref<10240x16xf32, #tpu.memory_space<vmem_shared>> -> memref<10240x16xf32, #tpu.memory_space<vmem_shared>>
      tpu.wait_indirect_dma semaphore(%arg45 : memref<!tpu.dma_semaphore, #tpu.memory_space<semaphore_mem>>) src(%dma_wait3A_571 : memref<10240x16xf32, #tpu.memory_space<vmem_shared>>) dst(%arg15 : memref<80x16xf32, #tpu.memory_space<vmem>>)
      %dma_wait3A_572 = tpu.memref_slice %arg8[%mul3A_567] : memref<20000xi32, #tpu.memory_space<vmem>> -> memref<80xi32, #tpu.memory_space<vmem>>
      %dma_wait3A_573 = arith.constant 0 : i32
      %dma_wait3A_574 = arith.constant 0 : i32
      %dma_wait3A_575 = tpu.memref_slice %arg60[%dma_wait3A_573, %dma_wait3A_574] : memref<10240x16xf32, #tpu.memory_space<vmem_shared>> -> memref<10240x16xf32, #tpu.memory_space<vmem_shared>>
      tpu.wait_indirect_dma semaphore(%arg45 : memref<!tpu.dma_semaphore, #tpu.memory_space<semaphore_mem>>) src(%dma_wait3A_575 : memref<10240x16xf32, #tpu.memory_space<vmem_shared>>) dst(%arg25 : memref<80x16xf32, #tpu.memory_space<vmem>>)
      %scan3A_576 = arith.constant 0 : i32
      %scan3A_577 = arith.constant 0 : i32
      %scan3A_578 = arith.constant 80 : i32
      %scan3A_579 = arith.addi %scan3A_577, %scan3A_578 : i32
      %scan3A_580 = arith.constant 1 : i32
      %scan3A_581 = scf.for %scan3A_765 = %scan3A_577 to %scan3A_579 step %scan3A_580 iter_args(%scan3A_766 = %scan3A_576) -> (i32)  : i32 {
        %get3A = arith.index_cast %scan3A_765 : i32 to index
        %get3A_767 = arith.constant 0 : index
        %get3A_768 = tpu.vector_load %arg15[%get3A, %get3A_767] {strides = array<i32>} : memref<80x16xf32, #tpu.memory_space<vmem>>, vector<16xf32>,
        %get3A_769 = arith.index_cast %scan3A_765 : i32 to index
        %get3A_770 = arith.constant 0 : index
        %get3A_771 = tpu.vector_load %arg25[%get3A_769, %get3A_770] {strides = array<i32>} : memref<80x16xf32, #tpu.memory_space<vmem>>, vector<16xf32>,
        %add3A_772 = arith.addf %get3A_768, %get3A_771 : vector<16xf32>
        %jit3A_773 = arith.constant 8 : i32
        %div3A_774 = arith.divsi %scan3A_765, %jit3A_773 : i32
        %sign3A_775 = arith.constant 0 : i32
        %sign3A_776 = arith.cmpi sgt, %scan3A_765, %sign3A_775 : i32
        %sign3A_777 = arith.extui %sign3A_776 : i1 to i32
        %sign3A_778 = arith.constant 0 : i32
        %sign3A_779 = arith.cmpi slt, %scan3A_765, %sign3A_778 : i32
        %sign3A_780 = arith.extui %sign3A_779 : i1 to i32
        %sign3A_781 = arith.subi %sign3A_777, %sign3A_780 : i32
        %sign3A_782 = arith.constant 0 : i32
        %sign3A_783 = arith.cmpi sgt, %jit3A_773, %sign3A_782 : i32
        %sign3A_784 = arith.extui %sign3A_783 : i1 to i32
        %sign3A_785 = arith.constant 0 : i32
        %sign3A_786 = arith.cmpi slt, %jit3A_773, %sign3A_785 : i32
        %sign3A_787 = arith.extui %sign3A_786 : i1 to i32
        %sign3A_788 = arith.subi %sign3A_784, %sign3A_787 : i32
        %ne3A_789 = arith.cmpi ne, %sign3A_781, %sign3A_788 : i32
        %rem3A_790 = arith.remsi %scan3A_765, %jit3A_773 : i32
        %ne3A_791 = arith.constant 0 : i32
        %ne3A_792 = arith.cmpi ne, %rem3A_790, %ne3A_791 : i32
        %and3A_793 = arith.andi %ne3A_789, %ne3A_792 : i1
        %sub3A_794 = arith.constant 1 : i32
        %sub3A_795 = arith.subi %div3A_774, %sub3A_794 : i32
        %select_n3A_796 = arith.select %and3A_793, %sub3A_795, %div3A_774 : i32
        %jit3A_797 = arith.constant 8 : i32
        %eq3A_798 = arith.constant 0 : i32
        %eq3A_799 = arith.cmpi eq, %jit3A_797, %eq3A_798 : i32
        %jit3A_800 = arith.constant 1 : i32
        %select_n3A_801 = arith.select %eq3A_799, %jit3A_800, %jit3A_797 : i32
        %rem3A_802 = arith.remsi %scan3A_765, %select_n3A_801 : i32
        %ne3A_803 = arith.constant 0 : i32
        %ne3A_804 = arith.cmpi ne, %rem3A_802, %ne3A_803 : i32
        %lt3A = arith.constant 0 : i32
        %lt3A_805 = arith.cmpi slt, %rem3A_802, %lt3A : i32
        %lt3A_806 = arith.constant 0 : i32
        %lt3A_807 = arith.cmpi slt, %select_n3A_801, %lt3A_806 : i32
        %ne3A_808 = arith.xori %lt3A_805, %lt3A_807 : i1
        %and3A_809 = arith.andi %ne3A_808, %ne3A_804 : i1
        %add3A_810 = arith.addi %rem3A_802, %select_n3A_801 : i32
        %select_n3A_811 = arith.select %and3A_809, %add3A_810, %rem3A_802 : i32
        %mul3A_812 = arith.constant 16 : i32
        %mul3A_813 = arith.muli %select_n3A_811, %mul3A_812 : i32
        %swap3A = arith.index_cast %select_n3A_796 : i32 to index
        %swap3A_814 = arith.index_cast %mul3A_813 : i32 to index
        %swap3A_815 = tpu.vector_load %arg35[%swap3A, %swap3A_814] {strides = array<i32>} : memref<10x128xf32, #tpu.memory_space<vmem>>, vector<16xf32>,
        tpu.vector_store %arg35[%swap3A, %swap3A_814], %add3A_772 {strides = array<i32>} : memref<10x128xf32, #tpu.memory_space<vmem>>, vector<16xf32>,
        %scan3A_816 = arith.constant 0 : i32
        scf.yield %scan3A_816 : i32
      }
      %scan3A_582 = arith.constant 80 : i32
      %add3A_583 = arith.addi %mul3A_0, %mul3A_567 : i32
      %jit3A_584 = arith.constant 8 : i32
      %div3A_585 = arith.divsi %add3A_583, %jit3A_584 : i32
      %sign3A_586 = arith.constant 0 : i32
      %sign3A_587 = arith.cmpi sgt, %add3A_583, %sign3A_586 : i32
      %sign3A_588 = arith.extui %sign3A_587 : i1 to i32
      %sign3A_589 = arith.constant 0 : i32
      %sign3A_590 = arith.cmpi slt, %add3A_583, %sign3A_589 : i32
      %sign3A_591 = arith.extui %sign3A_590 : i1 to i32
      %sign3A_592 = arith.subi %sign3A_588, %sign3A_591 : i32
      %sign3A_593 = arith.constant 0 : i32
      %sign3A_594 = arith.cmpi sgt, %jit3A_584, %sign3A_593 : i32
      %sign3A_595 = arith.extui %sign3A_594 : i1 to i32
      %sign3A_596 = arith.constant 0 : i32
      %sign3A_597 = arith.cmpi slt, %jit3A_584, %sign3A_596 : i32
      %sign3A_598 = arith.extui %sign3A_597 : i1 to i32
      %sign3A_599 = arith.subi %sign3A_595, %sign3A_598 : i32
      %ne3A_600 = arith.cmpi ne, %sign3A_592, %sign3A_599 : i32
      %rem3A_601 = arith.remsi %add3A_583, %jit3A_584 : i32
      %ne3A_602 = arith.constant 0 : i32
      %ne3A_603 = arith.cmpi ne, %rem3A_601, %ne3A_602 : i32
      %and3A_604 = arith.andi %ne3A_600, %ne3A_603 : i1
      %sub3A_605 = arith.constant 1 : i32
      %sub3A_606 = arith.subi %div3A_585, %sub3A_605 : i32
      %select_n3A_607 = arith.select %and3A_604, %sub3A_606, %div3A_585 : i32
      %dma_start3A_608 = arith.constant 0 : i32
      %dma_start3A_609 = tpu.memref_slice %arg6[%arg0, %select_n3A_607, %dma_start3A_608] : memref<2x40000x128xf32, #tpu.memory_space<hbm>> -> memref<1x10x128xf32, #tpu.memory_space<hbm>>
      %dma_start3A_610 = tpu.memref_squeeze %dma_start3A_609 : memref<1x10x128xf32, #tpu.memory_space<hbm>> -> memref<10x128xf32, #tpu.memory_space<hbm>>
      %dma_start3A_611 = arith.constant 0 : i32
      %dma_start3A_612 = tpu.memref_slice %arg6[%arg0, %select_n3A_607, %dma_start3A_611] : memref<2x40000x128xf32, #tpu.memory_space<hbm>> -> memref<1x10x128xf32, #tpu.memory_space<hbm>>
      %dma_start3A_613 = tpu.memref_squeeze %dma_start3A_612 : memref<1x10x128xf32, #tpu.memory_space<hbm>> -> memref<10x128xf32, #tpu.memory_space<hbm>>
      tpu.enqueue_dma source(%arg35 : memref<10x128xf32, #tpu.memory_space<vmem>>) target(%dma_start3A_613 : memref<10x128xf32, #tpu.memory_space<hbm>>) target_semaphore(%arg55 : memref<!tpu.dma_semaphore, #tpu.memory_space<semaphore_mem>>)
      %add3A_614 = arith.constant 7 : i32
      %add3A_615 = arith.addi %mul3A_104, %add3A_614 : i32
      %mul3A_616 = arith.constant 80 : i32
      %mul3A_617 = arith.muli %add3A_615, %mul3A_616 : i32
      %dma_wait3A_618 = tpu.memref_slice %arg7[%mul3A_617] : memref<20000xi32, #tpu.memory_space<vmem>> -> memref<80xi32, #tpu.memory_space<vmem>>
      %dma_wait3A_619 = arith.constant 0 : i32
      %dma_wait3A_620 = arith.constant 0 : i32
      %dma_wait3A_621 = tpu.memref_slice %arg59[%dma_wait3A_619, %dma_wait3A_620] : memref<10240x16xf32, #tpu.memory_space<vmem_shared>> -> memref<10240x16xf32, #tpu.memory_space<vmem_shared>>
      tpu.wait_indirect_dma semaphore(%arg46 : memref<!tpu.dma_semaphore, #tpu.memory_space<semaphore_mem>>) src(%dma_wait3A_621 : memref<10240x16xf32, #tpu.memory_space<vmem_shared>>) dst(%arg16 : memref<80x16xf32, #tpu.memory_space<vmem>>)
      %dma_wait3A_622 = tpu.memref_slice %arg8[%mul3A_617] : memref<20000xi32, #tpu.memory_space<vmem>> -> memref<80xi32, #tpu.memory_space<vmem>>
      %dma_wait3A_623 = arith.constant 0 : i32
      %dma_wait3A_624 = arith.constant 0 : i32
      %dma_wait3A_625 = tpu.memref_slice %arg60[%dma_wait3A_623, %dma_wait3A_624] : memref<10240x16xf32, #tpu.memory_space<vmem_shared>> -> memref<10240x16xf32, #tpu.memory_space<vmem_shared>>
      tpu.wait_indirect_dma semaphore(%arg46 : memref<!tpu.dma_semaphore, #tpu.memory_space<semaphore_mem>>) src(%dma_wait3A_625 : memref<10240x16xf32, #tpu.memory_space<vmem_shared>>) dst(%arg26 : memref<80x16xf32, #tpu.memory_space<vmem>>)
      %scan3A_626 = arith.constant 0 : i32
      %scan3A_627 = arith.constant 0 : i32
      %scan3A_628 = arith.constant 80 : i32
      %scan3A_629 = arith.addi %scan3A_627, %scan3A_628 : i32
      %scan3A_630 = arith.constant 1 : i32
      %scan3A_631 = scf.for %scan3A_765 = %scan3A_627 to %scan3A_629 step %scan3A_630 iter_args(%scan3A_766 = %scan3A_626) -> (i32)  : i32 {
        %get3A = arith.index_cast %scan3A_765 : i32 to index
        %get3A_767 = arith.constant 0 : index
        %get3A_768 = tpu.vector_load %arg16[%get3A, %get3A_767] {strides = array<i32>} : memref<80x16xf32, #tpu.memory_space<vmem>>, vector<16xf32>,
        %get3A_769 = arith.index_cast %scan3A_765 : i32 to index
        %get3A_770 = arith.constant 0 : index
        %get3A_771 = tpu.vector_load %arg26[%get3A_769, %get3A_770] {strides = array<i32>} : memref<80x16xf32, #tpu.memory_space<vmem>>, vector<16xf32>,
        %add3A_772 = arith.addf %get3A_768, %get3A_771 : vector<16xf32>
        %jit3A_773 = arith.constant 8 : i32
        %div3A_774 = arith.divsi %scan3A_765, %jit3A_773 : i32
        %sign3A_775 = arith.constant 0 : i32
        %sign3A_776 = arith.cmpi sgt, %scan3A_765, %sign3A_775 : i32
        %sign3A_777 = arith.extui %sign3A_776 : i1 to i32
        %sign3A_778 = arith.constant 0 : i32
        %sign3A_779 = arith.cmpi slt, %scan3A_765, %sign3A_778 : i32
        %sign3A_780 = arith.extui %sign3A_779 : i1 to i32
        %sign3A_781 = arith.subi %sign3A_777, %sign3A_780 : i32
        %sign3A_782 = arith.constant 0 : i32
        %sign3A_783 = arith.cmpi sgt, %jit3A_773, %sign3A_782 : i32
        %sign3A_784 = arith.extui %sign3A_783 : i1 to i32
        %sign3A_785 = arith.constant 0 : i32
        %sign3A_786 = arith.cmpi slt, %jit3A_773, %sign3A_785 : i32
        %sign3A_787 = arith.extui %sign3A_786 : i1 to i32
        %sign3A_788 = arith.subi %sign3A_784, %sign3A_787 : i32
        %ne3A_789 = arith.cmpi ne, %sign3A_781, %sign3A_788 : i32
        %rem3A_790 = arith.remsi %scan3A_765, %jit3A_773 : i32
        %ne3A_791 = arith.constant 0 : i32
        %ne3A_792 = arith.cmpi ne, %rem3A_790, %ne3A_791 : i32
        %and3A_793 = arith.andi %ne3A_789, %ne3A_792 : i1
        %sub3A_794 = arith.constant 1 : i32
        %sub3A_795 = arith.subi %div3A_774, %sub3A_794 : i32
        %select_n3A_796 = arith.select %and3A_793, %sub3A_795, %div3A_774 : i32
        %jit3A_797 = arith.constant 8 : i32
        %eq3A_798 = arith.constant 0 : i32
        %eq3A_799 = arith.cmpi eq, %jit3A_797, %eq3A_798 : i32
        %jit3A_800 = arith.constant 1 : i32
        %select_n3A_801 = arith.select %eq3A_799, %jit3A_800, %jit3A_797 : i32
        %rem3A_802 = arith.remsi %scan3A_765, %select_n3A_801 : i32
        %ne3A_803 = arith.constant 0 : i32
        %ne3A_804 = arith.cmpi ne, %rem3A_802, %ne3A_803 : i32
        %lt3A = arith.constant 0 : i32
        %lt3A_805 = arith.cmpi slt, %rem3A_802, %lt3A : i32
        %lt3A_806 = arith.constant 0 : i32
        %lt3A_807 = arith.cmpi slt, %select_n3A_801, %lt3A_806 : i32
        %ne3A_808 = arith.xori %lt3A_805, %lt3A_807 : i1
        %and3A_809 = arith.andi %ne3A_808, %ne3A_804 : i1
        %add3A_810 = arith.addi %rem3A_802, %select_n3A_801 : i32
        %select_n3A_811 = arith.select %and3A_809, %add3A_810, %rem3A_802 : i32
        %mul3A_812 = arith.constant 16 : i32
        %mul3A_813 = arith.muli %select_n3A_811, %mul3A_812 : i32
        %swap3A = arith.index_cast %select_n3A_796 : i32 to index
        %swap3A_814 = arith.index_cast %mul3A_813 : i32 to index
        %swap3A_815 = tpu.vector_load %arg36[%swap3A, %swap3A_814] {strides = array<i32>} : memref<10x128xf32, #tpu.memory_space<vmem>>, vector<16xf32>,
        tpu.vector_store %arg36[%swap3A, %swap3A_814], %add3A_772 {strides = array<i32>} : memref<10x128xf32, #tpu.memory_space<vmem>>, vector<16xf32>,
        %scan3A_816 = arith.constant 0 : i32
        scf.yield %scan3A_816 : i32
      }
      %scan3A_632 = arith.constant 80 : i32
      %add3A_633 = arith.addi %mul3A_0, %mul3A_617 : i32
      %jit3A_634 = arith.constant 8 : i32
      %div3A_635 = arith.divsi %add3A_633, %jit3A_634 : i32
      %sign3A_636 = arith.constant 0 : i32
      %sign3A_637 = arith.cmpi sgt, %add3A_633, %sign3A_636 : i32
      %sign3A_638 = arith.extui %sign3A_637 : i1 to i32
      %sign3A_639 = arith.constant 0 : i32
      %sign3A_640 = arith.cmpi slt, %add3A_633, %sign3A_639 : i32
      %sign3A_641 = arith.extui %sign3A_640 : i1 to i32
      %sign3A_642 = arith.subi %sign3A_638, %sign3A_641 : i32
      %sign3A_643 = arith.constant 0 : i32
      %sign3A_644 = arith.cmpi sgt, %jit3A_634, %sign3A_643 : i32
      %sign3A_645 = arith.extui %sign3A_644 : i1 to i32
      %sign3A_646 = arith.constant 0 : i32
      %sign3A_647 = arith.cmpi slt, %jit3A_634, %sign3A_646 : i32
      %sign3A_648 = arith.extui %sign3A_647 : i1 to i32
      %sign3A_649 = arith.subi %sign3A_645, %sign3A_648 : i32
      %ne3A_650 = arith.cmpi ne, %sign3A_642, %sign3A_649 : i32
      %rem3A_651 = arith.remsi %add3A_633, %jit3A_634 : i32
      %ne3A_652 = arith.constant 0 : i32
      %ne3A_653 = arith.cmpi ne, %rem3A_651, %ne3A_652 : i32
      %and3A_654 = arith.andi %ne3A_650, %ne3A_653 : i1
      %sub3A_655 = arith.constant 1 : i32
      %sub3A_656 = arith.subi %div3A_635, %sub3A_655 : i32
      %select_n3A_657 = arith.select %and3A_654, %sub3A_656, %div3A_635 : i32
      %dma_start3A_658 = arith.constant 0 : i32
      %dma_start3A_659 = tpu.memref_slice %arg6[%arg0, %select_n3A_657, %dma_start3A_658] : memref<2x40000x128xf32, #tpu.memory_space<hbm>> -> memref<1x10x128xf32, #tpu.memory_space<hbm>>
      %dma_start3A_660 = tpu.memref_squeeze %dma_start3A_659 : memref<1x10x128xf32, #tpu.memory_space<hbm>> -> memref<10x128xf32, #tpu.memory_space<hbm>>
      %dma_start3A_661 = arith.constant 0 : i32
      %dma_start3A_662 = tpu.memref_slice %arg6[%arg0, %select_n3A_657, %dma_start3A_661] : memref<2x40000x128xf32, #tpu.memory_space<hbm>> -> memref<1x10x128xf32, #tpu.memory_space<hbm>>
      %dma_start3A_663 = tpu.memref_squeeze %dma_start3A_662 : memref<1x10x128xf32, #tpu.memory_space<hbm>> -> memref<10x128xf32, #tpu.memory_space<hbm>>
      tpu.enqueue_dma source(%arg36 : memref<10x128xf32, #tpu.memory_space<vmem>>) target(%dma_start3A_663 : memref<10x128xf32, #tpu.memory_space<hbm>>) target_semaphore(%arg56 : memref<!tpu.dma_semaphore, #tpu.memory_space<semaphore_mem>>)
      %add3A_664 = arith.constant 8 : i32
      %add3A_665 = arith.addi %mul3A_104, %add3A_664 : i32
      %mul3A_666 = arith.constant 80 : i32
      %mul3A_667 = arith.muli %add3A_665, %mul3A_666 : i32
      %dma_wait3A_668 = tpu.memref_slice %arg7[%mul3A_667] : memref<20000xi32, #tpu.memory_space<vmem>> -> memref<80xi32, #tpu.memory_space<vmem>>
      %dma_wait3A_669 = arith.constant 0 : i32
      %dma_wait3A_670 = arith.constant 0 : i32
      %dma_wait3A_671 = tpu.memref_slice %arg59[%dma_wait3A_669, %dma_wait3A_670] : memref<10240x16xf32, #tpu.memory_space<vmem_shared>> -> memref<10240x16xf32, #tpu.memory_space<vmem_shared>>
      tpu.wait_indirect_dma semaphore(%arg47 : memref<!tpu.dma_semaphore, #tpu.memory_space<semaphore_mem>>) src(%dma_wait3A_671 : memref<10240x16xf32, #tpu.memory_space<vmem_shared>>) dst(%arg17 : memref<80x16xf32, #tpu.memory_space<vmem>>)
      %dma_wait3A_672 = tpu.memref_slice %arg8[%mul3A_667] : memref<20000xi32, #tpu.memory_space<vmem>> -> memref<80xi32, #tpu.memory_space<vmem>>
      %dma_wait3A_673 = arith.constant 0 : i32
      %dma_wait3A_674 = arith.constant 0 : i32
      %dma_wait3A_675 = tpu.memref_slice %arg60[%dma_wait3A_673, %dma_wait3A_674] : memref<10240x16xf32, #tpu.memory_space<vmem_shared>> -> memref<10240x16xf32, #tpu.memory_space<vmem_shared>>
      tpu.wait_indirect_dma semaphore(%arg47 : memref<!tpu.dma_semaphore, #tpu.memory_space<semaphore_mem>>) src(%dma_wait3A_675 : memref<10240x16xf32, #tpu.memory_space<vmem_shared>>) dst(%arg27 : memref<80x16xf32, #tpu.memory_space<vmem>>)
      %scan3A_676 = arith.constant 0 : i32
      %scan3A_677 = arith.constant 0 : i32
      %scan3A_678 = arith.constant 80 : i32
      %scan3A_679 = arith.addi %scan3A_677, %scan3A_678 : i32
      %scan3A_680 = arith.constant 1 : i32
      %scan3A_681 = scf.for %scan3A_765 = %scan3A_677 to %scan3A_679 step %scan3A_680 iter_args(%scan3A_766 = %scan3A_676) -> (i32)  : i32 {
        %get3A = arith.index_cast %scan3A_765 : i32 to index
        %get3A_767 = arith.constant 0 : index
        %get3A_768 = tpu.vector_load %arg17[%get3A, %get3A_767] {strides = array<i32>} : memref<80x16xf32, #tpu.memory_space<vmem>>, vector<16xf32>,
        %get3A_769 = arith.index_cast %scan3A_765 : i32 to index
        %get3A_770 = arith.constant 0 : index
        %get3A_771 = tpu.vector_load %arg27[%get3A_769, %get3A_770] {strides = array<i32>} : memref<80x16xf32, #tpu.memory_space<vmem>>, vector<16xf32>,
        %add3A_772 = arith.addf %get3A_768, %get3A_771 : vector<16xf32>
        %jit3A_773 = arith.constant 8 : i32
        %div3A_774 = arith.divsi %scan3A_765, %jit3A_773 : i32
        %sign3A_775 = arith.constant 0 : i32
        %sign3A_776 = arith.cmpi sgt, %scan3A_765, %sign3A_775 : i32
        %sign3A_777 = arith.extui %sign3A_776 : i1 to i32
        %sign3A_778 = arith.constant 0 : i32
        %sign3A_779 = arith.cmpi slt, %scan3A_765, %sign3A_778 : i32
        %sign3A_780 = arith.extui %sign3A_779 : i1 to i32
        %sign3A_781 = arith.subi %sign3A_777, %sign3A_780 : i32
        %sign3A_782 = arith.constant 0 : i32
        %sign3A_783 = arith.cmpi sgt, %jit3A_773, %sign3A_782 : i32
        %sign3A_784 = arith.extui %sign3A_783 : i1 to i32
        %sign3A_785 = arith.constant 0 : i32
        %sign3A_786 = arith.cmpi slt, %jit3A_773, %sign3A_785 : i32
        %sign3A_787 = arith.extui %sign3A_786 : i1 to i32
        %sign3A_788 = arith.subi %sign3A_784, %sign3A_787 : i32
        %ne3A_789 = arith.cmpi ne, %sign3A_781, %sign3A_788 : i32
        %rem3A_790 = arith.remsi %scan3A_765, %jit3A_773 : i32
        %ne3A_791 = arith.constant 0 : i32
        %ne3A_792 = arith.cmpi ne, %rem3A_790, %ne3A_791 : i32
        %and3A_793 = arith.andi %ne3A_789, %ne3A_792 : i1
        %sub3A_794 = arith.constant 1 : i32
        %sub3A_795 = arith.subi %div3A_774, %sub3A_794 : i32
        %select_n3A_796 = arith.select %and3A_793, %sub3A_795, %div3A_774 : i32
        %jit3A_797 = arith.constant 8 : i32
        %eq3A_798 = arith.constant 0 : i32
        %eq3A_799 = arith.cmpi eq, %jit3A_797, %eq3A_798 : i32
        %jit3A_800 = arith.constant 1 : i32
        %select_n3A_801 = arith.select %eq3A_799, %jit3A_800, %jit3A_797 : i32
        %rem3A_802 = arith.remsi %scan3A_765, %select_n3A_801 : i32
        %ne3A_803 = arith.constant 0 : i32
        %ne3A_804 = arith.cmpi ne, %rem3A_802, %ne3A_803 : i32
        %lt3A = arith.constant 0 : i32
        %lt3A_805 = arith.cmpi slt, %rem3A_802, %lt3A : i32
        %lt3A_806 = arith.constant 0 : i32
        %lt3A_807 = arith.cmpi slt, %select_n3A_801, %lt3A_806 : i32
        %ne3A_808 = arith.xori %lt3A_805, %lt3A_807 : i1
        %and3A_809 = arith.andi %ne3A_808, %ne3A_804 : i1
        %add3A_810 = arith.addi %rem3A_802, %select_n3A_801 : i32
        %select_n3A_811 = arith.select %and3A_809, %add3A_810, %rem3A_802 : i32
        %mul3A_812 = arith.constant 16 : i32
        %mul3A_813 = arith.muli %select_n3A_811, %mul3A_812 : i32
        %swap3A = arith.index_cast %select_n3A_796 : i32 to index
        %swap3A_814 = arith.index_cast %mul3A_813 : i32 to index
        %swap3A_815 = tpu.vector_load %arg37[%swap3A, %swap3A_814] {strides = array<i32>} : memref<10x128xf32, #tpu.memory_space<vmem>>, vector<16xf32>,
        tpu.vector_store %arg37[%swap3A, %swap3A_814], %add3A_772 {strides = array<i32>} : memref<10x128xf32, #tpu.memory_space<vmem>>, vector<16xf32>,
        %scan3A_816 = arith.constant 0 : i32
        scf.yield %scan3A_816 : i32
      }
      %scan3A_682 = arith.constant 80 : i32
      %add3A_683 = arith.addi %mul3A_0, %mul3A_667 : i32
      %jit3A_684 = arith.constant 8 : i32
      %div3A_685 = arith.divsi %add3A_683, %jit3A_684 : i32
      %sign3A_686 = arith.constant 0 : i32
      %sign3A_687 = arith.cmpi sgt, %add3A_683, %sign3A_686 : i32
      %sign3A_688 = arith.extui %sign3A_687 : i1 to i32
      %sign3A_689 = arith.constant 0 : i32
      %sign3A_690 = arith.cmpi slt, %add3A_683, %sign3A_689 : i32
      %sign3A_691 = arith.extui %sign3A_690 : i1 to i32
      %sign3A_692 = arith.subi %sign3A_688, %sign3A_691 : i32
      %sign3A_693 = arith.constant 0 : i32
      %sign3A_694 = arith.cmpi sgt, %jit3A_684, %sign3A_693 : i32
      %sign3A_695 = arith.extui %sign3A_694 : i1 to i32
      %sign3A_696 = arith.constant 0 : i32
      %sign3A_697 = arith.cmpi slt, %jit3A_684, %sign3A_696 : i32
      %sign3A_698 = arith.extui %sign3A_697 : i1 to i32
      %sign3A_699 = arith.subi %sign3A_695, %sign3A_698 : i32
      %ne3A_700 = arith.cmpi ne, %sign3A_692, %sign3A_699 : i32
      %rem3A_701 = arith.remsi %add3A_683, %jit3A_684 : i32
      %ne3A_702 = arith.constant 0 : i32
      %ne3A_703 = arith.cmpi ne, %rem3A_701, %ne3A_702 : i32
      %and3A_704 = arith.andi %ne3A_700, %ne3A_703 : i1
      %sub3A_705 = arith.constant 1 : i32
      %sub3A_706 = arith.subi %div3A_685, %sub3A_705 : i32
      %select_n3A_707 = arith.select %and3A_704, %sub3A_706, %div3A_685 : i32
      %dma_start3A_708 = arith.constant 0 : i32
      %dma_start3A_709 = tpu.memref_slice %arg6[%arg0, %select_n3A_707, %dma_start3A_708] : memref<2x40000x128xf32, #tpu.memory_space<hbm>> -> memref<1x10x128xf32, #tpu.memory_space<hbm>>
      %dma_start3A_710 = tpu.memref_squeeze %dma_start3A_709 : memref<1x10x128xf32, #tpu.memory_space<hbm>> -> memref<10x128xf32, #tpu.memory_space<hbm>>
      %dma_start3A_711 = arith.constant 0 : i32
      %dma_start3A_712 = tpu.memref_slice %arg6[%arg0, %select_n3A_707, %dma_start3A_711] : memref<2x40000x128xf32, #tpu.memory_space<hbm>> -> memref<1x10x128xf32, #tpu.memory_space<hbm>>
      %dma_start3A_713 = tpu.memref_squeeze %dma_start3A_712 : memref<1x10x128xf32, #tpu.memory_space<hbm>> -> memref<10x128xf32, #tpu.memory_space<hbm>>
      tpu.enqueue_dma source(%arg37 : memref<10x128xf32, #tpu.memory_space<vmem>>) target(%dma_start3A_713 : memref<10x128xf32, #tpu.memory_space<hbm>>) target_semaphore(%arg57 : memref<!tpu.dma_semaphore, #tpu.memory_space<semaphore_mem>>)
      %add3A_714 = arith.constant 9 : i32
      %add3A_715 = arith.addi %mul3A_104, %add3A_714 : i32
      %mul3A_716 = arith.constant 80 : i32
      %mul3A_717 = arith.muli %add3A_715, %mul3A_716 : i32
      %dma_wait3A_718 = tpu.memref_slice %arg7[%mul3A_717] : memref<20000xi32, #tpu.memory_space<vmem>> -> memref<80xi32, #tpu.memory_space<vmem>>
      %dma_wait3A_719 = arith.constant 0 : i32
      %dma_wait3A_720 = arith.constant 0 : i32
      %dma_wait3A_721 = tpu.memref_slice %arg59[%dma_wait3A_719, %dma_wait3A_720] : memref<10240x16xf32, #tpu.memory_space<vmem_shared>> -> memref<10240x16xf32, #tpu.memory_space<vmem_shared>>
      tpu.wait_indirect_dma semaphore(%arg48 : memref<!tpu.dma_semaphore, #tpu.memory_space<semaphore_mem>>) src(%dma_wait3A_721 : memref<10240x16xf32, #tpu.memory_space<vmem_shared>>) dst(%arg18 : memref<80x16xf32, #tpu.memory_space<vmem>>)
      %dma_wait3A_722 = tpu.memref_slice %arg8[%mul3A_717] : memref<20000xi32, #tpu.memory_space<vmem>> -> memref<80xi32, #tpu.memory_space<vmem>>
      %dma_wait3A_723 = arith.constant 0 : i32
      %dma_wait3A_724 = arith.constant 0 : i32
      %dma_wait3A_725 = tpu.memref_slice %arg60[%dma_wait3A_723, %dma_wait3A_724] : memref<10240x16xf32, #tpu.memory_space<vmem_shared>> -> memref<10240x16xf32, #tpu.memory_space<vmem_shared>>
      tpu.wait_indirect_dma semaphore(%arg48 : memref<!tpu.dma_semaphore, #tpu.memory_space<semaphore_mem>>) src(%dma_wait3A_725 : memref<10240x16xf32, #tpu.memory_space<vmem_shared>>) dst(%arg28 : memref<80x16xf32, #tpu.memory_space<vmem>>)
      %scan3A_726 = arith.constant 0 : i32
      %scan3A_727 = arith.constant 0 : i32
      %scan3A_728 = arith.constant 80 : i32
      %scan3A_729 = arith.addi %scan3A_727, %scan3A_728 : i32
      %scan3A_730 = arith.constant 1 : i32
      %scan3A_731 = scf.for %scan3A_765 = %scan3A_727 to %scan3A_729 step %scan3A_730 iter_args(%scan3A_766 = %scan3A_726) -> (i32)  : i32 {
        %get3A = arith.index_cast %scan3A_765 : i32 to index
        %get3A_767 = arith.constant 0 : index
        %get3A_768 = tpu.vector_load %arg18[%get3A, %get3A_767] {strides = array<i32>} : memref<80x16xf32, #tpu.memory_space<vmem>>, vector<16xf32>,
        %get3A_769 = arith.index_cast %scan3A_765 : i32 to index
        %get3A_770 = arith.constant 0 : index
        %get3A_771 = tpu.vector_load %arg28[%get3A_769, %get3A_770] {strides = array<i32>} : memref<80x16xf32, #tpu.memory_space<vmem>>, vector<16xf32>,
        %add3A_772 = arith.addf %get3A_768, %get3A_771 : vector<16xf32>
        %jit3A_773 = arith.constant 8 : i32
        %div3A_774 = arith.divsi %scan3A_765, %jit3A_773 : i32
        %sign3A_775 = arith.constant 0 : i32
        %sign3A_776 = arith.cmpi sgt, %scan3A_765, %sign3A_775 : i32
        %sign3A_777 = arith.extui %sign3A_776 : i1 to i32
        %sign3A_778 = arith.constant 0 : i32
        %sign3A_779 = arith.cmpi slt, %scan3A_765, %sign3A_778 : i32
        %sign3A_780 = arith.extui %sign3A_779 : i1 to i32
        %sign3A_781 = arith.subi %sign3A_777, %sign3A_780 : i32
        %sign3A_782 = arith.constant 0 : i32
        %sign3A_783 = arith.cmpi sgt, %jit3A_773, %sign3A_782 : i32
        %sign3A_784 = arith.extui %sign3A_783 : i1 to i32
        %sign3A_785 = arith.constant 0 : i32
        %sign3A_786 = arith.cmpi slt, %jit3A_773, %sign3A_785 : i32
        %sign3A_787 = arith.extui %sign3A_786 : i1 to i32
        %sign3A_788 = arith.subi %sign3A_784, %sign3A_787 : i32
        %ne3A_789 = arith.cmpi ne, %sign3A_781, %sign3A_788 : i32
        %rem3A_790 = arith.remsi %scan3A_765, %jit3A_773 : i32
        %ne3A_791 = arith.constant 0 : i32
        %ne3A_792 = arith.cmpi ne, %rem3A_790, %ne3A_791 : i32
        %and3A_793 = arith.andi %ne3A_789, %ne3A_792 : i1
        %sub3A_794 = arith.constant 1 : i32
        %sub3A_795 = arith.subi %div3A_774, %sub3A_794 : i32
        %select_n3A_796 = arith.select %and3A_793, %sub3A_795, %div3A_774 : i32
        %jit3A_797 = arith.constant 8 : i32
        %eq3A_798 = arith.constant 0 : i32
        %eq3A_799 = arith.cmpi eq, %jit3A_797, %eq3A_798 : i32
        %jit3A_800 = arith.constant 1 : i32
        %select_n3A_801 = arith.select %eq3A_799, %jit3A_800, %jit3A_797 : i32
        %rem3A_802 = arith.remsi %scan3A_765, %select_n3A_801 : i32
        %ne3A_803 = arith.constant 0 : i32
        %ne3A_804 = arith.cmpi ne, %rem3A_802, %ne3A_803 : i32
        %lt3A = arith.constant 0 : i32
        %lt3A_805 = arith.cmpi slt, %rem3A_802, %lt3A : i32
        %lt3A_806 = arith.constant 0 : i32
        %lt3A_807 = arith.cmpi slt, %select_n3A_801, %lt3A_806 : i32
        %ne3A_808 = arith.xori %lt3A_805, %lt3A_807 : i1
        %and3A_809 = arith.andi %ne3A_808, %ne3A_804 : i1
        %add3A_810 = arith.addi %rem3A_802, %select_n3A_801 : i32
        %select_n3A_811 = arith.select %and3A_809, %add3A_810, %rem3A_802 : i32
        %mul3A_812 = arith.constant 16 : i32
        %mul3A_813 = arith.muli %select_n3A_811, %mul3A_812 : i32
        %swap3A = arith.index_cast %select_n3A_796 : i32 to index
        %swap3A_814 = arith.index_cast %mul3A_813 : i32 to index
        %swap3A_815 = tpu.vector_load %arg38[%swap3A, %swap3A_814] {strides = array<i32>} : memref<10x128xf32, #tpu.memory_space<vmem>>, vector<16xf32>,
        tpu.vector_store %arg38[%swap3A, %swap3A_814], %add3A_772 {strides = array<i32>} : memref<10x128xf32, #tpu.memory_space<vmem>>, vector<16xf32>,
        %scan3A_816 = arith.constant 0 : i32
        scf.yield %scan3A_816 : i32
      }
      %scan3A_732 = arith.constant 80 : i32
      %add3A_733 = arith.addi %mul3A_0, %mul3A_717 : i32
      %jit3A_734 = arith.constant 8 : i32
      %div3A_735 = arith.divsi %add3A_733, %jit3A_734 : i32
      %sign3A_736 = arith.constant 0 : i32
      %sign3A_737 = arith.cmpi sgt, %add3A_733, %sign3A_736 : i32
      %sign3A_738 = arith.extui %sign3A_737 : i1 to i32
      %sign3A_739 = arith.constant 0 : i32
      %sign3A_740 = arith.cmpi slt, %add3A_733, %sign3A_739 : i32
      %sign3A_741 = arith.extui %sign3A_740 : i1 to i32
      %sign3A_742 = arith.subi %sign3A_738, %sign3A_741 : i32
      %sign3A_743 = arith.constant 0 : i32
      %sign3A_744 = arith.cmpi sgt, %jit3A_734, %sign3A_743 : i32
      %sign3A_745 = arith.extui %sign3A_744 : i1 to i32
      %sign3A_746 = arith.constant 0 : i32
      %sign3A_747 = arith.cmpi slt, %jit3A_734, %sign3A_746 : i32
      %sign3A_748 = arith.extui %sign3A_747 : i1 to i32
      %sign3A_749 = arith.subi %sign3A_745, %sign3A_748 : i32
      %ne3A_750 = arith.cmpi ne, %sign3A_742, %sign3A_749 : i32
      %rem3A_751 = arith.remsi %add3A_733, %jit3A_734 : i32
      %ne3A_752 = arith.constant 0 : i32
      %ne3A_753 = arith.cmpi ne, %rem3A_751, %ne3A_752 : i32
      %and3A_754 = arith.andi %ne3A_750, %ne3A_753 : i1
      %sub3A_755 = arith.constant 1 : i32
      %sub3A_756 = arith.subi %div3A_735, %sub3A_755 : i32
      %select_n3A_757 = arith.select %and3A_754, %sub3A_756, %div3A_735 : i32
      %dma_start3A_758 = arith.constant 0 : i32
      %dma_start3A_759 = tpu.memref_slice %arg6[%arg0, %select_n3A_757, %dma_start3A_758] : memref<2x40000x128xf32, #tpu.memory_space<hbm>> -> memref<1x10x128xf32, #tpu.memory_space<hbm>>
      %dma_start3A_760 = tpu.memref_squeeze %dma_start3A_759 : memref<1x10x128xf32, #tpu.memory_space<hbm>> -> memref<10x128xf32, #tpu.memory_space<hbm>>
      %dma_start3A_761 = arith.constant 0 : i32
      %dma_start3A_762 = tpu.memref_slice %arg6[%arg0, %select_n3A_757, %dma_start3A_761] : memref<2x40000x128xf32, #tpu.memory_space<hbm>> -> memref<1x10x128xf32, #tpu.memory_space<hbm>>
      %dma_start3A_763 = tpu.memref_squeeze %dma_start3A_762 : memref<1x10x128xf32, #tpu.memory_space<hbm>> -> memref<10x128xf32, #tpu.memory_space<hbm>>
      tpu.enqueue_dma source(%arg38 : memref<10x128xf32, #tpu.memory_space<vmem>>) target(%dma_start3A_763 : memref<10x128xf32, #tpu.memory_space<hbm>>) target_semaphore(%arg58 : memref<!tpu.dma_semaphore, #tpu.memory_space<semaphore_mem>>)
      %scan3A_764 = arith.constant 0 : i32
      scf.yield %scan3A_764 : i32
    }
    %scan3A_21 = arith.constant 25 : i32
    %dma_wait3A = arith.constant 0 : i32
    %dma_wait3A_22 = arith.constant 0 : i32
    %dma_wait3A_23 = tpu.memref_slice %arg6[%arg0, %dma_wait3A, %dma_wait3A_22] : memref<2x40000x128xf32, #tpu.memory_space<hbm>> -> memref<1x10x128xf32, #tpu.memory_space<hbm>>
    %dma_wait3A_24 = tpu.memref_squeeze %dma_wait3A_23 : memref<1x10x128xf32, #tpu.memory_space<hbm>> -> memref<10x128xf32, #tpu.memory_space<hbm>>
    %dma_wait3A_25 = arith.constant 0 : i32
    %dma_wait3A_26 = arith.constant 0 : i32
    %dma_wait3A_27 = tpu.memref_slice %arg6[%arg0, %dma_wait3A_25, %dma_wait3A_26] : memref<2x40000x128xf32, #tpu.memory_space<hbm>> -> memref<1x10x128xf32, #tpu.memory_space<hbm>>
    %dma_wait3A_28 = tpu.memref_squeeze %dma_wait3A_27 : memref<1x10x128xf32, #tpu.memory_space<hbm>> -> memref<10x128xf32, #tpu.memory_space<hbm>>
    tpu.wait_dma2 semaphore(%arg49 : memref<!tpu.dma_semaphore, #tpu.memory_space<semaphore_mem>>) src(%arg29 : memref<10x128xf32, #tpu.memory_space<vmem>>) dst(%dma_wait3A_28 : memref<10x128xf32, #tpu.memory_space<hbm>>)
    %dma_wait3A_29 = arith.constant 0 : i32
    %dma_wait3A_30 = arith.constant 0 : i32
    %dma_wait3A_31 = tpu.memref_slice %arg6[%arg0, %dma_wait3A_29, %dma_wait3A_30] : memref<2x40000x128xf32, #tpu.memory_space<hbm>> -> memref<1x10x128xf32, #tpu.memory_space<hbm>>
    %dma_wait3A_32 = tpu.memref_squeeze %dma_wait3A_31 : memref<1x10x128xf32, #tpu.memory_space<hbm>> -> memref<10x128xf32, #tpu.memory_space<hbm>>
    %dma_wait3A_33 = arith.constant 0 : i32
    %dma_wait3A_34 = arith.constant 0 : i32
    %dma_wait3A_35 = tpu.memref_slice %arg6[%arg0, %dma_wait3A_33, %dma_wait3A_34] : memref<2x40000x128xf32, #tpu.memory_space<hbm>> -> memref<1x10x128xf32, #tpu.memory_space<hbm>>
    %dma_wait3A_36 = tpu.memref_squeeze %dma_wait3A_35 : memref<1x10x128xf32, #tpu.memory_space<hbm>> -> memref<10x128xf32, #tpu.memory_space<hbm>>
    tpu.wait_dma2 semaphore(%arg50 : memref<!tpu.dma_semaphore, #tpu.memory_space<semaphore_mem>>) src(%arg30 : memref<10x128xf32, #tpu.memory_space<vmem>>) dst(%dma_wait3A_36 : memref<10x128xf32, #tpu.memory_space<hbm>>)
    %dma_wait3A_37 = arith.constant 0 : i32
    %dma_wait3A_38 = arith.constant 0 : i32
    %dma_wait3A_39 = tpu.memref_slice %arg6[%arg0, %dma_wait3A_37, %dma_wait3A_38] : memref<2x40000x128xf32, #tpu.memory_space<hbm>> -> memref<1x10x128xf32, #tpu.memory_space<hbm>>
    %dma_wait3A_40 = tpu.memref_squeeze %dma_wait3A_39 : memref<1x10x128xf32, #tpu.memory_space<hbm>> -> memref<10x128xf32, #tpu.memory_space<hbm>>
    %dma_wait3A_41 = arith.constant 0 : i32
    %dma_wait3A_42 = arith.constant 0 : i32
    %dma_wait3A_43 = tpu.memref_slice %arg6[%arg0, %dma_wait3A_41, %dma_wait3A_42] : memref<2x40000x128xf32, #tpu.memory_space<hbm>> -> memref<1x10x128xf32, #tpu.memory_space<hbm>>
    %dma_wait3A_44 = tpu.memref_squeeze %dma_wait3A_43 : memref<1x10x128xf32, #tpu.memory_space<hbm>> -> memref<10x128xf32, #tpu.memory_space<hbm>>
    tpu.wait_dma2 semaphore(%arg51 : memref<!tpu.dma_semaphore, #tpu.memory_space<semaphore_mem>>) src(%arg31 : memref<10x128xf32, #tpu.memory_space<vmem>>) dst(%dma_wait3A_44 : memref<10x128xf32, #tpu.memory_space<hbm>>)
    %dma_wait3A_45 = arith.constant 0 : i32
    %dma_wait3A_46 = arith.constant 0 : i32
    %dma_wait3A_47 = tpu.memref_slice %arg6[%arg0, %dma_wait3A_45, %dma_wait3A_46] : memref<2x40000x128xf32, #tpu.memory_space<hbm>> -> memref<1x10x128xf32, #tpu.memory_space<hbm>>
    %dma_wait3A_48 = tpu.memref_squeeze %dma_wait3A_47 : memref<1x10x128xf32, #tpu.memory_space<hbm>> -> memref<10x128xf32, #tpu.memory_space<hbm>>
    %dma_wait3A_49 = arith.constant 0 : i32
    %dma_wait3A_50 = arith.constant 0 : i32
    %dma_wait3A_51 = tpu.memref_slice %arg6[%arg0, %dma_wait3A_49, %dma_wait3A_50] : memref<2x40000x128xf32, #tpu.memory_space<hbm>> -> memref<1x10x128xf32, #tpu.memory_space<hbm>>
    %dma_wait3A_52 = tpu.memref_squeeze %dma_wait3A_51 : memref<1x10x128xf32, #tpu.memory_space<hbm>> -> memref<10x128xf32, #tpu.memory_space<hbm>>
    tpu.wait_dma2 semaphore(%arg52 : memref<!tpu.dma_semaphore, #tpu.memory_space<semaphore_mem>>) src(%arg32 : memref<10x128xf32, #tpu.memory_space<vmem>>) dst(%dma_wait3A_52 : memref<10x128xf32, #tpu.memory_space<hbm>>)
    %dma_wait3A_53 = arith.constant 0 : i32
    %dma_wait3A_54 = arith.constant 0 : i32
    %dma_wait3A_55 = tpu.memref_slice %arg6[%arg0, %dma_wait3A_53, %dma_wait3A_54] : memref<2x40000x128xf32, #tpu.memory_space<hbm>> -> memref<1x10x128xf32, #tpu.memory_space<hbm>>
    %dma_wait3A_56 = tpu.memref_squeeze %dma_wait3A_55 : memref<1x10x128xf32, #tpu.memory_space<hbm>> -> memref<10x128xf32, #tpu.memory_space<hbm>>
    %dma_wait3A_57 = arith.constant 0 : i32
    %dma_wait3A_58 = arith.constant 0 : i32
    %dma_wait3A_59 = tpu.memref_slice %arg6[%arg0, %dma_wait3A_57, %dma_wait3A_58] : memref<2x40000x128xf32, #tpu.memory_space<hbm>> -> memref<1x10x128xf32, #tpu.memory_space<hbm>>
    %dma_wait3A_60 = tpu.memref_squeeze %dma_wait3A_59 : memref<1x10x128xf32, #tpu.memory_space<hbm>> -> memref<10x128xf32, #tpu.memory_space<hbm>>
    tpu.wait_dma2 semaphore(%arg53 : memref<!tpu.dma_semaphore, #tpu.memory_space<semaphore_mem>>) src(%arg33 : memref<10x128xf32, #tpu.memory_space<vmem>>) dst(%dma_wait3A_60 : memref<10x128xf32, #tpu.memory_space<hbm>>)
    %dma_wait3A_61 = arith.constant 0 : i32
    %dma_wait3A_62 = arith.constant 0 : i32
    %dma_wait3A_63 = tpu.memref_slice %arg6[%arg0, %dma_wait3A_61, %dma_wait3A_62] : memref<2x40000x128xf32, #tpu.memory_space<hbm>> -> memref<1x10x128xf32, #tpu.memory_space<hbm>>
    %dma_wait3A_64 = tpu.memref_squeeze %dma_wait3A_63 : memref<1x10x128xf32, #tpu.memory_space<hbm>> -> memref<10x128xf32, #tpu.memory_space<hbm>>
    %dma_wait3A_65 = arith.constant 0 : i32
    %dma_wait3A_66 = arith.constant 0 : i32
    %dma_wait3A_67 = tpu.memref_slice %arg6[%arg0, %dma_wait3A_65, %dma_wait3A_66] : memref<2x40000x128xf32, #tpu.memory_space<hbm>> -> memref<1x10x128xf32, #tpu.memory_space<hbm>>
    %dma_wait3A_68 = tpu.memref_squeeze %dma_wait3A_67 : memref<1x10x128xf32, #tpu.memory_space<hbm>> -> memref<10x128xf32, #tpu.memory_space<hbm>>
    tpu.wait_dma2 semaphore(%arg54 : memref<!tpu.dma_semaphore, #tpu.memory_space<semaphore_mem>>) src(%arg34 : memref<10x128xf32, #tpu.memory_space<vmem>>) dst(%dma_wait3A_68 : memref<10x128xf32, #tpu.memory_space<hbm>>)
    %dma_wait3A_69 = arith.constant 0 : i32
    %dma_wait3A_70 = arith.constant 0 : i32
    %dma_wait3A_71 = tpu.memref_slice %arg6[%arg0, %dma_wait3A_69, %dma_wait3A_70] : memref<2x40000x128xf32, #tpu.memory_space<hbm>> -> memref<1x10x128xf32, #tpu.memory_space<hbm>>
    %dma_wait3A_72 = tpu.memref_squeeze %dma_wait3A_71 : memref<1x10x128xf32, #tpu.memory_space<hbm>> -> memref<10x128xf32, #tpu.memory_space<hbm>>
    %dma_wait3A_73 = arith.constant 0 : i32
    %dma_wait3A_74 = arith.constant 0 : i32
    %dma_wait3A_75 = tpu.memref_slice %arg6[%arg0, %dma_wait3A_73, %dma_wait3A_74] : memref<2x40000x128xf32, #tpu.memory_space<hbm>> -> memref<1x10x128xf32, #tpu.memory_space<hbm>>
    %dma_wait3A_76 = tpu.memref_squeeze %dma_wait3A_75 : memref<1x10x128xf32, #tpu.memory_space<hbm>> -> memref<10x128xf32, #tpu.memory_space<hbm>>
    tpu.wait_dma2 semaphore(%arg55 : memref<!tpu.dma_semaphore, #tpu.memory_space<semaphore_mem>>) src(%arg35 : memref<10x128xf32, #tpu.memory_space<vmem>>) dst(%dma_wait3A_76 : memref<10x128xf32, #tpu.memory_space<hbm>>)
    %dma_wait3A_77 = arith.constant 0 : i32
    %dma_wait3A_78 = arith.constant 0 : i32
    %dma_wait3A_79 = tpu.memref_slice %arg6[%arg0, %dma_wait3A_77, %dma_wait3A_78] : memref<2x40000x128xf32, #tpu.memory_space<hbm>> -> memref<1x10x128xf32, #tpu.memory_space<hbm>>
    %dma_wait3A_80 = tpu.memref_squeeze %dma_wait3A_79 : memref<1x10x128xf32, #tpu.memory_space<hbm>> -> memref<10x128xf32, #tpu.memory_space<hbm>>
    %dma_wait3A_81 = arith.constant 0 : i32
    %dma_wait3A_82 = arith.constant 0 : i32
    %dma_wait3A_83 = tpu.memref_slice %arg6[%arg0, %dma_wait3A_81, %dma_wait3A_82] : memref<2x40000x128xf32, #tpu.memory_space<hbm>> -> memref<1x10x128xf32, #tpu.memory_space<hbm>>
    %dma_wait3A_84 = tpu.memref_squeeze %dma_wait3A_83 : memref<1x10x128xf32, #tpu.memory_space<hbm>> -> memref<10x128xf32, #tpu.memory_space<hbm>>
    tpu.wait_dma2 semaphore(%arg56 : memref<!tpu.dma_semaphore, #tpu.memory_space<semaphore_mem>>) src(%arg36 : memref<10x128xf32, #tpu.memory_space<vmem>>) dst(%dma_wait3A_84 : memref<10x128xf32, #tpu.memory_space<hbm>>)
    %dma_wait3A_85 = arith.constant 0 : i32
    %dma_wait3A_86 = arith.constant 0 : i32
    %dma_wait3A_87 = tpu.memref_slice %arg6[%arg0, %dma_wait3A_85, %dma_wait3A_86] : memref<2x40000x128xf32, #tpu.memory_space<hbm>> -> memref<1x10x128xf32, #tpu.memory_space<hbm>>
    %dma_wait3A_88 = tpu.memref_squeeze %dma_wait3A_87 : memref<1x10x128xf32, #tpu.memory_space<hbm>> -> memref<10x128xf32, #tpu.memory_space<hbm>>
    %dma_wait3A_89 = arith.constant 0 : i32
    %dma_wait3A_90 = arith.constant 0 : i32
    %dma_wait3A_91 = tpu.memref_slice %arg6[%arg0, %dma_wait3A_89, %dma_wait3A_90] : memref<2x40000x128xf32, #tpu.memory_space<hbm>> -> memref<1x10x128xf32, #tpu.memory_space<hbm>>
    %dma_wait3A_92 = tpu.memref_squeeze %dma_wait3A_91 : memref<1x10x128xf32, #tpu.memory_space<hbm>> -> memref<10x128xf32, #tpu.memory_space<hbm>>
    tpu.wait_dma2 semaphore(%arg57 : memref<!tpu.dma_semaphore, #tpu.memory_space<semaphore_mem>>) src(%arg37 : memref<10x128xf32, #tpu.memory_space<vmem>>) dst(%dma_wait3A_92 : memref<10x128xf32, #tpu.memory_space<hbm>>)
    %dma_wait3A_93 = arith.constant 0 : i32
    %dma_wait3A_94 = arith.constant 0 : i32
    %dma_wait3A_95 = tpu.memref_slice %arg6[%arg0, %dma_wait3A_93, %dma_wait3A_94] : memref<2x40000x128xf32, #tpu.memory_space<hbm>> -> memref<1x10x128xf32, #tpu.memory_space<hbm>>
    %dma_wait3A_96 = tpu.memref_squeeze %dma_wait3A_95 : memref<1x10x128xf32, #tpu.memory_space<hbm>> -> memref<10x128xf32, #tpu.memory_space<hbm>>
    %dma_wait3A_97 = arith.constant 0 : i32
    %dma_wait3A_98 = arith.constant 0 : i32
    %dma_wait3A_99 = tpu.memref_slice %arg6[%arg0, %dma_wait3A_97, %dma_wait3A_98] : memref<2x40000x128xf32, #tpu.memory_space<hbm>> -> memref<1x10x128xf32, #tpu.memory_space<hbm>>
    %dma_wait3A_100 = tpu.memref_squeeze %dma_wait3A_99 : memref<1x10x128xf32, #tpu.memory_space<hbm>> -> memref<10x128xf32, #tpu.memory_space<hbm>>
    tpu.wait_dma2 semaphore(%arg58 : memref<!tpu.dma_semaphore, #tpu.memory_space<semaphore_mem>>) src(%arg38 : memref<10x128xf32, #tpu.memory_space<vmem>>) dst(%dma_wait3A_100 : memref<10x128xf32, #tpu.memory_space<hbm>>)
    return
  }
}

#map = affine_map<(d0, d1) -> (0)>
#map1 = affine_map<(d0, d1) -> (0, 0, 0)>
#map2 = affine_map<(d0, d1) -> (0, 0)>
module attributes {stable_mosaic.version = 14 : i64} {
  func.func @_prop_body(%arg0: i32, %arg1: i32, %arg2: memref<640000xi32, #tpu.memory_space<hbm>>, %arg3: memref<640000xi32, #tpu.memory_space<hbm>>, %arg4: memref<2x40000x8xf32, #tpu.memory_space<hbm>>, %arg5: memref<10240xf32, #tpu.memory_space<hbm>>, %arg6: memref<2x10240xf32, #tpu.memory_space<hbm>>, %arg7: memref<20000xi32, #tpu.memory_space<vmem>>, %arg8: memref<20000xi32, #tpu.memory_space<vmem>>, %arg9: memref<2500x8xf32, #tpu.memory_space<vmem>>, %arg10: memref<10240xf32, #tpu.memory_space<vmem>>, %arg11: memref<10240xf32, #tpu.memory_space<vmem>>, %arg12: memref<16x10240xf32, #tpu.memory_space<vmem_shared>>, %arg13: memref<10240xf32, #tpu.memory_space<vmem_shared>>, %arg14: memref<!tpu.dma_semaphore, #tpu.memory_space<semaphore_mem>>) attributes {dimension_semantics = [#tpu.dimension_semantics<core_parallel>, #tpu.dimension_semantics<subcore_parallel>], iteration_bounds = array<i64: 2, 16>, scalar_prefetch = 0 : i64, scratch_operands = 8 : i64, tpu.core_type = #tpu.core_type<sc_vector_subcore>, window_params = [{transform_indices = #map}, {transform_indices = #map}, {transform_indices = #map1}, {transform_indices = #map}, {transform_indices = #map2}]} {
    %mul3A = arith.constant 20000 : i32
    %mul3A_0 = arith.muli %arg1, %mul3A : i32
    %mul3A_1 = arith.constant 640 : i32
    %mul3A_2 = arith.muli %arg1, %mul3A_1 : i32
    %eq3A = arith.constant 0 : i32
    %eq3A_3 = arith.cmpi eq, %arg0, %eq3A : i32
    %convert_element_type3A = arith.extui %eq3A_3 : i1 to i32
    %cond3A = arith.constant 0 : i32
    %cond3A_4 = arith.cmpi ne, %convert_element_type3A, %cond3A : i32
    scf.if %cond3A_4 {
      "tpu.region"() ({
        %run_scoped3A = tpu.sem_alloc : memref<!tpu.dma_semaphore, #tpu.memory_space<semaphore_mem>>
        %dma_start3A_986 = tpu.memref_slice %arg2[%mul3A_0] : memref<640000xi32, #tpu.memory_space<hbm>> -> memref<20000xi32, #tpu.memory_space<hbm>>
        %dma_start3A_987 = tpu.memref_slice %arg2[%mul3A_0] : memref<640000xi32, #tpu.memory_space<hbm>> -> memref<20000xi32, #tpu.memory_space<hbm>>
        tpu.enqueue_dma source(%dma_start3A_987 : memref<20000xi32, #tpu.memory_space<hbm>>) target(%arg7 : memref<20000xi32, #tpu.memory_space<vmem>>) target_semaphore(%run_scoped3A : memref<!tpu.dma_semaphore, #tpu.memory_space<semaphore_mem>>)
        %dma_wait3A_988 = tpu.memref_slice %arg2[%mul3A_0] : memref<640000xi32, #tpu.memory_space<hbm>> -> memref<20000xi32, #tpu.memory_space<hbm>>
        %dma_wait3A_989 = tpu.memref_slice %arg2[%mul3A_0] : memref<640000xi32, #tpu.memory_space<hbm>> -> memref<20000xi32, #tpu.memory_space<hbm>>
        tpu.wait_dma2 semaphore(%run_scoped3A : memref<!tpu.dma_semaphore, #tpu.memory_space<semaphore_mem>>) src(%dma_wait3A_989 : memref<20000xi32, #tpu.memory_space<hbm>>) dst(%arg7 : memref<20000xi32, #tpu.memory_space<vmem>>)
        tpu.yield
      }) : () -> ()
      %add3A_984 = arith.constant 320000 : i32
      %add3A_985 = arith.addi %add3A_984, %mul3A_0 : i32
      "tpu.region"() ({
        %run_scoped3A = tpu.sem_alloc : memref<!tpu.dma_semaphore, #tpu.memory_space<semaphore_mem>>
        %dma_start3A_986 = tpu.memref_slice %arg2[%add3A_985] : memref<640000xi32, #tpu.memory_space<hbm>> -> memref<20000xi32, #tpu.memory_space<hbm>>
        %dma_start3A_987 = tpu.memref_slice %arg2[%add3A_985] : memref<640000xi32, #tpu.memory_space<hbm>> -> memref<20000xi32, #tpu.memory_space<hbm>>
        tpu.enqueue_dma source(%dma_start3A_987 : memref<20000xi32, #tpu.memory_space<hbm>>) target(%arg8 : memref<20000xi32, #tpu.memory_space<vmem>>) target_semaphore(%run_scoped3A : memref<!tpu.dma_semaphore, #tpu.memory_space<semaphore_mem>>)
        %dma_wait3A_988 = tpu.memref_slice %arg2[%add3A_985] : memref<640000xi32, #tpu.memory_space<hbm>> -> memref<20000xi32, #tpu.memory_space<hbm>>
        %dma_wait3A_989 = tpu.memref_slice %arg2[%add3A_985] : memref<640000xi32, #tpu.memory_space<hbm>> -> memref<20000xi32, #tpu.memory_space<hbm>>
        tpu.wait_dma2 semaphore(%run_scoped3A : memref<!tpu.dma_semaphore, #tpu.memory_space<semaphore_mem>>) src(%dma_wait3A_989 : memref<20000xi32, #tpu.memory_space<hbm>>) dst(%arg8 : memref<20000xi32, #tpu.memory_space<vmem>>)
        tpu.yield
      }) : () -> ()
    } else {
    }
    %eq3A_5 = arith.constant 1 : i32
    %eq3A_6 = arith.cmpi eq, %arg0, %eq3A_5 : i32
    %convert_element_type3A_7 = arith.extui %eq3A_6 : i1 to i32
    %cond3A_8 = arith.constant 0 : i32
    %cond3A_9 = arith.cmpi ne, %convert_element_type3A_7, %cond3A_8 : i32
    scf.if %cond3A_9 {
      "tpu.region"() ({
        %run_scoped3A = tpu.sem_alloc : memref<!tpu.dma_semaphore, #tpu.memory_space<semaphore_mem>>
        %dma_start3A_986 = tpu.memref_slice %arg3[%mul3A_0] : memref<640000xi32, #tpu.memory_space<hbm>> -> memref<20000xi32, #tpu.memory_space<hbm>>
        %dma_start3A_987 = tpu.memref_slice %arg3[%mul3A_0] : memref<640000xi32, #tpu.memory_space<hbm>> -> memref<20000xi32, #tpu.memory_space<hbm>>
        tpu.enqueue_dma source(%dma_start3A_987 : memref<20000xi32, #tpu.memory_space<hbm>>) target(%arg7 : memref<20000xi32, #tpu.memory_space<vmem>>) target_semaphore(%run_scoped3A : memref<!tpu.dma_semaphore, #tpu.memory_space<semaphore_mem>>)
        %dma_wait3A_988 = tpu.memref_slice %arg3[%mul3A_0] : memref<640000xi32, #tpu.memory_space<hbm>> -> memref<20000xi32, #tpu.memory_space<hbm>>
        %dma_wait3A_989 = tpu.memref_slice %arg3[%mul3A_0] : memref<640000xi32, #tpu.memory_space<hbm>> -> memref<20000xi32, #tpu.memory_space<hbm>>
        tpu.wait_dma2 semaphore(%run_scoped3A : memref<!tpu.dma_semaphore, #tpu.memory_space<semaphore_mem>>) src(%dma_wait3A_989 : memref<20000xi32, #tpu.memory_space<hbm>>) dst(%arg7 : memref<20000xi32, #tpu.memory_space<vmem>>)
        tpu.yield
      }) : () -> ()
      %add3A_984 = arith.constant 320000 : i32
      %add3A_985 = arith.addi %add3A_984, %mul3A_0 : i32
      "tpu.region"() ({
        %run_scoped3A = tpu.sem_alloc : memref<!tpu.dma_semaphore, #tpu.memory_space<semaphore_mem>>
        %dma_start3A_986 = tpu.memref_slice %arg3[%add3A_985] : memref<640000xi32, #tpu.memory_space<hbm>> -> memref<20000xi32, #tpu.memory_space<hbm>>
        %dma_start3A_987 = tpu.memref_slice %arg3[%add3A_985] : memref<640000xi32, #tpu.memory_space<hbm>> -> memref<20000xi32, #tpu.memory_space<hbm>>
        tpu.enqueue_dma source(%dma_start3A_987 : memref<20000xi32, #tpu.memory_space<hbm>>) target(%arg8 : memref<20000xi32, #tpu.memory_space<vmem>>) target_semaphore(%run_scoped3A : memref<!tpu.dma_semaphore, #tpu.memory_space<semaphore_mem>>)
        %dma_wait3A_988 = tpu.memref_slice %arg3[%add3A_985] : memref<640000xi32, #tpu.memory_space<hbm>> -> memref<20000xi32, #tpu.memory_space<hbm>>
        %dma_wait3A_989 = tpu.memref_slice %arg3[%add3A_985] : memref<640000xi32, #tpu.memory_space<hbm>> -> memref<20000xi32, #tpu.memory_space<hbm>>
        tpu.wait_dma2 semaphore(%run_scoped3A : memref<!tpu.dma_semaphore, #tpu.memory_space<semaphore_mem>>) src(%dma_wait3A_989 : memref<20000xi32, #tpu.memory_space<hbm>>) dst(%arg8 : memref<20000xi32, #tpu.memory_space<vmem>>)
        tpu.yield
      }) : () -> ()
    } else {
    }
    %jit3A = arith.constant 8 : i32
    %div3A = arith.divsi %mul3A_0, %jit3A : i32
    %sign3A = arith.constant 0 : i32
    %sign3A_10 = arith.cmpi sgt, %mul3A_0, %sign3A : i32
    %sign3A_11 = arith.extui %sign3A_10 : i1 to i32
    %sign3A_12 = arith.constant 0 : i32
    %sign3A_13 = arith.cmpi slt, %mul3A_0, %sign3A_12 : i32
    %sign3A_14 = arith.extui %sign3A_13 : i1 to i32
    %sign3A_15 = arith.subi %sign3A_11, %sign3A_14 : i32
    %sign3A_16 = arith.constant 0 : i32
    %sign3A_17 = arith.cmpi sgt, %jit3A, %sign3A_16 : i32
    %sign3A_18 = arith.extui %sign3A_17 : i1 to i32
    %sign3A_19 = arith.constant 0 : i32
    %sign3A_20 = arith.cmpi slt, %jit3A, %sign3A_19 : i32
    %sign3A_21 = arith.extui %sign3A_20 : i1 to i32
    %sign3A_22 = arith.subi %sign3A_18, %sign3A_21 : i32
    %ne3A = arith.cmpi ne, %sign3A_15, %sign3A_22 : i32
    %rem3A = arith.remsi %mul3A_0, %jit3A : i32
    %ne3A_23 = arith.constant 0 : i32
    %ne3A_24 = arith.cmpi ne, %rem3A, %ne3A_23 : i32
    %and3A = arith.andi %ne3A, %ne3A_24 : i1
    %sub3A = arith.constant 1 : i32
    %sub3A_25 = arith.subi %div3A, %sub3A : i32
    %select_n3A = arith.select %and3A, %sub3A_25, %div3A : i32
    "tpu.region"() ({
      %run_scoped3A = tpu.sem_alloc : memref<!tpu.dma_semaphore, #tpu.memory_space<semaphore_mem>>
      %dma_start3A_984 = arith.constant 0 : i32
      %dma_start3A_985 = tpu.memref_slice %arg4[%arg0, %select_n3A, %dma_start3A_984] : memref<2x40000x8xf32, #tpu.memory_space<hbm>> -> memref<1x2500x8xf32, #tpu.memory_space<hbm>>
      %dma_start3A_986 = tpu.memref_squeeze %dma_start3A_985 : memref<1x2500x8xf32, #tpu.memory_space<hbm>> -> memref<2500x8xf32, #tpu.memory_space<hbm>>
      %dma_start3A_987 = arith.constant 0 : i32
      %dma_start3A_988 = tpu.memref_slice %arg4[%arg0, %select_n3A, %dma_start3A_987] : memref<2x40000x8xf32, #tpu.memory_space<hbm>> -> memref<1x2500x8xf32, #tpu.memory_space<hbm>>
      %dma_start3A_989 = tpu.memref_squeeze %dma_start3A_988 : memref<1x2500x8xf32, #tpu.memory_space<hbm>> -> memref<2500x8xf32, #tpu.memory_space<hbm>>
      tpu.enqueue_dma source(%dma_start3A_989 : memref<2500x8xf32, #tpu.memory_space<hbm>>) target(%arg9 : memref<2500x8xf32, #tpu.memory_space<vmem>>) target_semaphore(%run_scoped3A : memref<!tpu.dma_semaphore, #tpu.memory_space<semaphore_mem>>)
      %dma_wait3A_990 = arith.constant 0 : i32
      %dma_wait3A_991 = tpu.memref_slice %arg4[%arg0, %select_n3A, %dma_wait3A_990] : memref<2x40000x8xf32, #tpu.memory_space<hbm>> -> memref<1x2500x8xf32, #tpu.memory_space<hbm>>
      %dma_wait3A_992 = tpu.memref_squeeze %dma_wait3A_991 : memref<1x2500x8xf32, #tpu.memory_space<hbm>> -> memref<2500x8xf32, #tpu.memory_space<hbm>>
      %dma_wait3A_993 = arith.constant 0 : i32
      %dma_wait3A_994 = tpu.memref_slice %arg4[%arg0, %select_n3A, %dma_wait3A_993] : memref<2x40000x8xf32, #tpu.memory_space<hbm>> -> memref<1x2500x8xf32, #tpu.memory_space<hbm>>
      %dma_wait3A_995 = tpu.memref_squeeze %dma_wait3A_994 : memref<1x2500x8xf32, #tpu.memory_space<hbm>> -> memref<2500x8xf32, #tpu.memory_space<hbm>>
      tpu.wait_dma2 semaphore(%run_scoped3A : memref<!tpu.dma_semaphore, #tpu.memory_space<semaphore_mem>>) src(%dma_wait3A_995 : memref<2500x8xf32, #tpu.memory_space<hbm>>) dst(%arg9 : memref<2500x8xf32, #tpu.memory_space<vmem>>)
      tpu.yield
    }) : () -> ()
    "tpu.region"() ({
      %run_scoped3A = tpu.sem_alloc : memref<!tpu.dma_semaphore, #tpu.memory_space<semaphore_mem>>
      tpu.enqueue_dma source(%arg5 : memref<10240xf32, #tpu.memory_space<hbm>>) target(%arg10 : memref<10240xf32, #tpu.memory_space<vmem>>) target_semaphore(%run_scoped3A : memref<!tpu.dma_semaphore, #tpu.memory_space<semaphore_mem>>)
      tpu.wait_dma2 semaphore(%run_scoped3A : memref<!tpu.dma_semaphore, #tpu.memory_space<semaphore_mem>>) src(%arg5 : memref<10240xf32, #tpu.memory_space<hbm>>) dst(%arg10 : memref<10240xf32, #tpu.memory_space<vmem>>)
      tpu.yield
    }) : () -> ()
    "tpu.region"() ({
      %run_scoped3A = tpu.sem_alloc : memref<!tpu.dma_semaphore, #tpu.memory_space<semaphore_mem>>
      tpu.enqueue_dma source(%arg5 : memref<10240xf32, #tpu.memory_space<hbm>>) target(%arg11 : memref<10240xf32, #tpu.memory_space<vmem>>) target_semaphore(%run_scoped3A : memref<!tpu.dma_semaphore, #tpu.memory_space<semaphore_mem>>)
      tpu.wait_dma2 semaphore(%run_scoped3A : memref<!tpu.dma_semaphore, #tpu.memory_space<semaphore_mem>>) src(%arg5 : memref<10240xf32, #tpu.memory_space<hbm>>) dst(%arg11 : memref<10240xf32, #tpu.memory_space<vmem>>)
      tpu.yield
    }) : () -> ()
    %iota3A = tpu.iota {dimensions = array<i32: 0>} : vector<16xi32>
    %jit3A_26 = arith.constant 8 : i32
    %div3A_27 = vector.broadcast %jit3A_26 : i32 to vector<16xi32>
    %div3A_28 = arith.divsi %iota3A, %div3A_27 : vector<16xi32>
    %sign3A_29 = arith.constant 0 : i32
    %sign3A_30 = vector.broadcast %sign3A_29 : i32 to vector<16xi32>
    %sign3A_31 = arith.cmpi sgt, %iota3A, %sign3A_30 : vector<16xi32>
    %sign3A_32 = arith.extui %sign3A_31 : vector<16xi1> to vector<16xi32>
    %sign3A_33 = arith.constant 0 : i32
    %sign3A_34 = vector.broadcast %sign3A_33 : i32 to vector<16xi32>
    %sign3A_35 = arith.cmpi slt, %iota3A, %sign3A_34 : vector<16xi32>
    %sign3A_36 = arith.extui %sign3A_35 : vector<16xi1> to vector<16xi32>
    %sign3A_37 = arith.subi %sign3A_32, %sign3A_36 : vector<16xi32>
    %sign3A_38 = arith.constant 0 : i32
    %sign3A_39 = arith.cmpi sgt, %jit3A_26, %sign3A_38 : i32
    %sign3A_40 = arith.extui %sign3A_39 : i1 to i32
    %sign3A_41 = arith.constant 0 : i32
    %sign3A_42 = arith.cmpi slt, %jit3A_26, %sign3A_41 : i32
    %sign3A_43 = arith.extui %sign3A_42 : i1 to i32
    %sign3A_44 = arith.subi %sign3A_40, %sign3A_43 : i32
    %ne3A_45 = vector.broadcast %sign3A_44 : i32 to vector<16xi32>
    %ne3A_46 = arith.cmpi ne, %sign3A_37, %ne3A_45 : vector<16xi32>
    %rem3A_47 = vector.broadcast %jit3A_26 : i32 to vector<16xi32>
    %rem3A_48 = arith.remsi %iota3A, %rem3A_47 : vector<16xi32>
    %ne3A_49 = arith.constant 0 : i32
    %ne3A_50 = vector.broadcast %ne3A_49 : i32 to vector<16xi32>
    %ne3A_51 = arith.cmpi ne, %rem3A_48, %ne3A_50 : vector<16xi32>
    %and3A_52 = arith.andi %ne3A_46, %ne3A_51 : vector<16xi1>
    %sub3A_53 = arith.constant 1 : i32
    %sub3A_54 = vector.broadcast %sub3A_53 : i32 to vector<16xi32>
    %sub3A_55 = arith.subi %div3A_28, %sub3A_54 : vector<16xi32>
    %select_n3A_56 = arith.select %and3A_52, %sub3A_55, %div3A_28 : vector<16xi1>, vector<16xi32>
    %jit3A_57 = arith.constant 8 : i32
    %eq3A_58 = arith.constant 0 : i32
    %eq3A_59 = arith.cmpi eq, %jit3A_57, %eq3A_58 : i32
    %jit3A_60 = arith.constant 1 : i32
    %select_n3A_61 = arith.select %eq3A_59, %jit3A_60, %jit3A_57 : i32
    %rem3A_62 = vector.broadcast %select_n3A_61 : i32 to vector<16xi32>
    %rem3A_63 = arith.remsi %iota3A, %rem3A_62 : vector<16xi32>
    %ne3A_64 = arith.constant 0 : i32
    %ne3A_65 = vector.broadcast %ne3A_64 : i32 to vector<16xi32>
    %ne3A_66 = arith.cmpi ne, %rem3A_63, %ne3A_65 : vector<16xi32>
    %lt3A = arith.constant 0 : i32
    %lt3A_67 = vector.broadcast %lt3A : i32 to vector<16xi32>
    %lt3A_68 = arith.cmpi slt, %rem3A_63, %lt3A_67 : vector<16xi32>
    %lt3A_69 = arith.constant 0 : i32
    %lt3A_70 = arith.cmpi slt, %select_n3A_61, %lt3A_69 : i32
    %ne3A_71 = vector.broadcast %lt3A_70 : i1 to vector<16xi1>
    %ne3A_72 = vector.broadcast %ne3A_71 : vector<16xi1> to vector<16xi1>
    %ne3A_73 = arith.xori %lt3A_68, %ne3A_72 : vector<16xi1>
    %and3A_74 = arith.andi %ne3A_73, %ne3A_66 : vector<16xi1>
    %add3A = vector.broadcast %select_n3A_61 : i32 to vector<16xi32>
    %add3A_75 = arith.addi %rem3A_63, %add3A : vector<16xi32>
    %select_n3A_76 = arith.select %and3A_74, %add3A_75, %rem3A_63 : vector<16xi1>, vector<16xi32>
    %scan3A = arith.constant 0 : i32
    %scan3A_77 = arith.constant 0 : i32
    %scan3A_78 = arith.constant 1250 : i32
    %scan3A_79 = arith.addi %scan3A_77, %scan3A_78 : i32
    %scan3A_80 = arith.constant 1 : i32
    %scan3A_81 = scf.for %scan3A_984 = %scan3A_77 to %scan3A_79 step %scan3A_80 iter_args(%scan3A_985 = %scan3A) -> (i32)  : i32 {
      %mul3A_986 = arith.constant 16 : i32
      %mul3A_987 = arith.muli %scan3A_984, %mul3A_986 : i32
      %get3A = arith.index_cast %mul3A_987 : i32 to index
      %get3A_988 = tpu.vector_load %arg7[%get3A] {strides = array<i32>} : memref<20000xi32, #tpu.memory_space<vmem>>, vector<16xi32>,
      %get3A_989 = arith.index_cast %mul3A_987 : i32 to index
      %get3A_990 = tpu.vector_load %arg8[%get3A_989] {strides = array<i32>} : memref<20000xi32, #tpu.memory_space<vmem>>, vector<16xi32>,
      %mul3A_991 = arith.constant 2 : i32
      %mul3A_992 = arith.muli %mul3A_991, %scan3A_984 : i32
      %add3A_993 = vector.broadcast %mul3A_992 : i32 to vector<16xi32>
      %add3A_994 = arith.addi %add3A_993, %select_n3A_56 : vector<16xi32>
      %gather3A = tpu.vector_load_idx %arg9[%add3A_994, %select_n3A_76] : memref<2500x8xf32, #tpu.memory_space<vmem>>[vector<16xi32>, vector<16xi32>], vector<16xf32>,
      %gather3A_995 = tpu.vector_load_idx %arg10[%get3A_988] : memref<10240xf32, #tpu.memory_space<vmem>>[vector<16xi32>], vector<16xf32>,
      %mul3A_996 = arith.mulf %gather3A_995, %gather3A : vector<16xf32>
      %masked_sort3A = arith.constant dense<true> : vector<16xi1>
      %masked_sort3A_997 = arith.constant -2147483648 : i32
      %masked_sort3A_998 = vector.broadcast %masked_sort3A_997 : i32 to vector<16xi32>
      %masked_sort3A_999 = arith.xori %get3A_990, %masked_sort3A_998 : vector<16xi32>
      %masked_sort3A_1000, %masked_sort3A_1001, %masked_sort3A_1002 = tpu.sort %masked_sort3A_999, %mul3A_996 masked %masked_sort3A : (vector<16xi32>, vector<16xf32>, vector<16xi1>) -> (vector<16xi1>, vector<16xi32>, vector<16xf32>)
      %masked_sort3A_1003 = arith.xori %masked_sort3A_1001, %masked_sort3A_998 : vector<16xi32>
      %sub3A_1004 = arith.constant 1 : i32
      %sub3A_1005 = vector.broadcast %sub3A_1004 : i32 to vector<16xi32>
      %sub3A_1006 = arith.subi %iota3A, %sub3A_1005 : vector<16xi32>
      %max3A = arith.constant 0 : i32
      %max3A_1007 = vector.broadcast %max3A : i32 to vector<16xi32>
      %max3A_1008 = arith.maxsi %sub3A_1006, %max3A_1007 : vector<16xi32>
      %lt3A_1009 = arith.constant 0 : i32
      %lt3A_1010 = vector.broadcast %lt3A_1009 : i32 to vector<16xi32>
      %lt3A_1011 = arith.cmpi slt, %max3A_1008, %lt3A_1010 : vector<16xi32>
      %add3A_1012 = arith.constant 16 : i32
      %add3A_1013 = vector.broadcast %add3A_1012 : i32 to vector<16xi32>
      %add3A_1014 = arith.addi %max3A_1008, %add3A_1013 : vector<16xi32>
      %select_n3A_1015 = arith.select %lt3A_1011, %add3A_1014, %max3A_1008 : vector<16xi1>, vector<16xi32>
      %broadcast_in_dim3A = vector.shape_cast %select_n3A_1015 : vector<16xi32> to vector<16x1xi32>
      %gather3A_1016 = vector.shape_cast %broadcast_in_dim3A : vector<16x1xi32> to vector<16xi32>
      %gather3A_1017 = tpu.dynamic_gather %masked_sort3A_1003[%gather3A_1016] in [0] : vector<16xi32>, vector<16xi32> -> vector<16xi32>
      %lt3A_1018 = arith.constant 0 : i32
      %lt3A_1019 = vector.broadcast %lt3A_1018 : i32 to vector<16xi32>
      %lt3A_1020 = arith.cmpi slt, %max3A_1008, %lt3A_1019 : vector<16xi32>
      %add3A_1021 = arith.constant 16 : i32
      %add3A_1022 = vector.broadcast %add3A_1021 : i32 to vector<16xi32>
      %add3A_1023 = arith.addi %max3A_1008, %add3A_1022 : vector<16xi32>
      %select_n3A_1024 = arith.select %lt3A_1020, %add3A_1023, %max3A_1008 : vector<16xi1>, vector<16xi32>
      %broadcast_in_dim3A_1025 = vector.shape_cast %select_n3A_1024 : vector<16xi32> to vector<16x1xi32>
      %gather3A_1026 = vector.shape_cast %broadcast_in_dim3A_1025 : vector<16x1xi32> to vector<16xi32>
      %gather3A_1027 = tpu.dynamic_gather %masked_sort3A_1002[%gather3A_1026] in [0] : vector<16xf32>, vector<16xi32> -> vector<16xf32>
      %ge3A = arith.constant 1 : i32
      %ge3A_1028 = vector.broadcast %ge3A : i32 to vector<16xi32>
      %ge3A_1029 = arith.cmpi sge, %iota3A, %ge3A_1028 : vector<16xi32>
      %eq3A_1030 = arith.cmpi eq, %gather3A_1017, %masked_sort3A_1003 : vector<16xi32>
      %and3A_1031 = arith.andi %ge3A_1029, %eq3A_1030 : vector<16xi1>
      %max3A_1032 = arith.maximumf %masked_sort3A_1002, %gather3A_1027 : vector<16xf32>
      %select_n3A_1033 = arith.select %and3A_1031, %max3A_1032, %masked_sort3A_1002 : vector<16xi1>, vector<16xf32>
      %sub3A_1034 = arith.constant 2 : i32
      %sub3A_1035 = vector.broadcast %sub3A_1034 : i32 to vector<16xi32>
      %sub3A_1036 = arith.subi %iota3A, %sub3A_1035 : vector<16xi32>
      %max3A_1037 = arith.constant 0 : i32
      %max3A_1038 = vector.broadcast %max3A_1037 : i32 to vector<16xi32>
      %max3A_1039 = arith.maxsi %sub3A_1036, %max3A_1038 : vector<16xi32>
      %lt3A_1040 = arith.constant 0 : i32
      %lt3A_1041 = vector.broadcast %lt3A_1040 : i32 to vector<16xi32>
      %lt3A_1042 = arith.cmpi slt, %max3A_1039, %lt3A_1041 : vector<16xi32>
      %add3A_1043 = arith.constant 16 : i32
      %add3A_1044 = vector.broadcast %add3A_1043 : i32 to vector<16xi32>
      %add3A_1045 = arith.addi %max3A_1039, %add3A_1044 : vector<16xi32>
      %select_n3A_1046 = arith.select %lt3A_1042, %add3A_1045, %max3A_1039 : vector<16xi1>, vector<16xi32>
      %broadcast_in_dim3A_1047 = vector.shape_cast %select_n3A_1046 : vector<16xi32> to vector<16x1xi32>
      %gather3A_1048 = vector.shape_cast %broadcast_in_dim3A_1047 : vector<16x1xi32> to vector<16xi32>
      %gather3A_1049 = tpu.dynamic_gather %masked_sort3A_1003[%gather3A_1048] in [0] : vector<16xi32>, vector<16xi32> -> vector<16xi32>
      %lt3A_1050 = arith.constant 0 : i32
      %lt3A_1051 = vector.broadcast %lt3A_1050 : i32 to vector<16xi32>
      %lt3A_1052 = arith.cmpi slt, %max3A_1039, %lt3A_1051 : vector<16xi32>
      %add3A_1053 = arith.constant 16 : i32
      %add3A_1054 = vector.broadcast %add3A_1053 : i32 to vector<16xi32>
      %add3A_1055 = arith.addi %max3A_1039, %add3A_1054 : vector<16xi32>
      %select_n3A_1056 = arith.select %lt3A_1052, %add3A_1055, %max3A_1039 : vector<16xi1>, vector<16xi32>
      %broadcast_in_dim3A_1057 = vector.shape_cast %select_n3A_1056 : vector<16xi32> to vector<16x1xi32>
      %gather3A_1058 = vector.shape_cast %broadcast_in_dim3A_1057 : vector<16x1xi32> to vector<16xi32>
      %gather3A_1059 = tpu.dynamic_gather %select_n3A_1033[%gather3A_1058] in [0] : vector<16xf32>, vector<16xi32> -> vector<16xf32>
      %ge3A_1060 = arith.constant 2 : i32
      %ge3A_1061 = vector.broadcast %ge3A_1060 : i32 to vector<16xi32>
      %ge3A_1062 = arith.cmpi sge, %iota3A, %ge3A_1061 : vector<16xi32>
      %eq3A_1063 = arith.cmpi eq, %gather3A_1049, %masked_sort3A_1003 : vector<16xi32>
      %and3A_1064 = arith.andi %ge3A_1062, %eq3A_1063 : vector<16xi1>
      %max3A_1065 = arith.maximumf %select_n3A_1033, %gather3A_1059 : vector<16xf32>
      %select_n3A_1066 = arith.select %and3A_1064, %max3A_1065, %select_n3A_1033 : vector<16xi1>, vector<16xf32>
      %sub3A_1067 = arith.constant 4 : i32
      %sub3A_1068 = vector.broadcast %sub3A_1067 : i32 to vector<16xi32>
      %sub3A_1069 = arith.subi %iota3A, %sub3A_1068 : vector<16xi32>
      %max3A_1070 = arith.constant 0 : i32
      %max3A_1071 = vector.broadcast %max3A_1070 : i32 to vector<16xi32>
      %max3A_1072 = arith.maxsi %sub3A_1069, %max3A_1071 : vector<16xi32>
      %lt3A_1073 = arith.constant 0 : i32
      %lt3A_1074 = vector.broadcast %lt3A_1073 : i32 to vector<16xi32>
      %lt3A_1075 = arith.cmpi slt, %max3A_1072, %lt3A_1074 : vector<16xi32>
      %add3A_1076 = arith.constant 16 : i32
      %add3A_1077 = vector.broadcast %add3A_1076 : i32 to vector<16xi32>
      %add3A_1078 = arith.addi %max3A_1072, %add3A_1077 : vector<16xi32>
      %select_n3A_1079 = arith.select %lt3A_1075, %add3A_1078, %max3A_1072 : vector<16xi1>, vector<16xi32>
      %broadcast_in_dim3A_1080 = vector.shape_cast %select_n3A_1079 : vector<16xi32> to vector<16x1xi32>
      %gather3A_1081 = vector.shape_cast %broadcast_in_dim3A_1080 : vector<16x1xi32> to vector<16xi32>
      %gather3A_1082 = tpu.dynamic_gather %masked_sort3A_1003[%gather3A_1081] in [0] : vector<16xi32>, vector<16xi32> -> vector<16xi32>
      %lt3A_1083 = arith.constant 0 : i32
      %lt3A_1084 = vector.broadcast %lt3A_1083 : i32 to vector<16xi32>
      %lt3A_1085 = arith.cmpi slt, %max3A_1072, %lt3A_1084 : vector<16xi32>
      %add3A_1086 = arith.constant 16 : i32
      %add3A_1087 = vector.broadcast %add3A_1086 : i32 to vector<16xi32>
      %add3A_1088 = arith.addi %max3A_1072, %add3A_1087 : vector<16xi32>
      %select_n3A_1089 = arith.select %lt3A_1085, %add3A_1088, %max3A_1072 : vector<16xi1>, vector<16xi32>
      %broadcast_in_dim3A_1090 = vector.shape_cast %select_n3A_1089 : vector<16xi32> to vector<16x1xi32>
      %gather3A_1091 = vector.shape_cast %broadcast_in_dim3A_1090 : vector<16x1xi32> to vector<16xi32>
      %gather3A_1092 = tpu.dynamic_gather %select_n3A_1066[%gather3A_1091] in [0] : vector<16xf32>, vector<16xi32> -> vector<16xf32>
      %ge3A_1093 = arith.constant 4 : i32
      %ge3A_1094 = vector.broadcast %ge3A_1093 : i32 to vector<16xi32>
      %ge3A_1095 = arith.cmpi sge, %iota3A, %ge3A_1094 : vector<16xi32>
      %eq3A_1096 = arith.cmpi eq, %gather3A_1082, %masked_sort3A_1003 : vector<16xi32>
      %and3A_1097 = arith.andi %ge3A_1095, %eq3A_1096 : vector<16xi1>
      %max3A_1098 = arith.maximumf %select_n3A_1066, %gather3A_1092 : vector<16xf32>
      %select_n3A_1099 = arith.select %and3A_1097, %max3A_1098, %select_n3A_1066 : vector<16xi1>, vector<16xf32>
      %sub3A_1100 = arith.constant 8 : i32
      %sub3A_1101 = vector.broadcast %sub3A_1100 : i32 to vector<16xi32>
      %sub3A_1102 = arith.subi %iota3A, %sub3A_1101 : vector<16xi32>
      %max3A_1103 = arith.constant 0 : i32
      %max3A_1104 = vector.broadcast %max3A_1103 : i32 to vector<16xi32>
      %max3A_1105 = arith.maxsi %sub3A_1102, %max3A_1104 : vector<16xi32>
      %lt3A_1106 = arith.constant 0 : i32
      %lt3A_1107 = vector.broadcast %lt3A_1106 : i32 to vector<16xi32>
      %lt3A_1108 = arith.cmpi slt, %max3A_1105, %lt3A_1107 : vector<16xi32>
      %add3A_1109 = arith.constant 16 : i32
      %add3A_1110 = vector.broadcast %add3A_1109 : i32 to vector<16xi32>
      %add3A_1111 = arith.addi %max3A_1105, %add3A_1110 : vector<16xi32>
      %select_n3A_1112 = arith.select %lt3A_1108, %add3A_1111, %max3A_1105 : vector<16xi1>, vector<16xi32>
      %broadcast_in_dim3A_1113 = vector.shape_cast %select_n3A_1112 : vector<16xi32> to vector<16x1xi32>
      %gather3A_1114 = vector.shape_cast %broadcast_in_dim3A_1113 : vector<16x1xi32> to vector<16xi32>
      %gather3A_1115 = tpu.dynamic_gather %masked_sort3A_1003[%gather3A_1114] in [0] : vector<16xi32>, vector<16xi32> -> vector<16xi32>
      %lt3A_1116 = arith.constant 0 : i32
      %lt3A_1117 = vector.broadcast %lt3A_1116 : i32 to vector<16xi32>
      %lt3A_1118 = arith.cmpi slt, %max3A_1105, %lt3A_1117 : vector<16xi32>
      %add3A_1119 = arith.constant 16 : i32
      %add3A_1120 = vector.broadcast %add3A_1119 : i32 to vector<16xi32>
      %add3A_1121 = arith.addi %max3A_1105, %add3A_1120 : vector<16xi32>
      %select_n3A_1122 = arith.select %lt3A_1118, %add3A_1121, %max3A_1105 : vector<16xi1>, vector<16xi32>
      %broadcast_in_dim3A_1123 = vector.shape_cast %select_n3A_1122 : vector<16xi32> to vector<16x1xi32>
      %gather3A_1124 = vector.shape_cast %broadcast_in_dim3A_1123 : vector<16x1xi32> to vector<16xi32>
      %gather3A_1125 = tpu.dynamic_gather %select_n3A_1099[%gather3A_1124] in [0] : vector<16xf32>, vector<16xi32> -> vector<16xf32>
      %ge3A_1126 = arith.constant 8 : i32
      %ge3A_1127 = vector.broadcast %ge3A_1126 : i32 to vector<16xi32>
      %ge3A_1128 = arith.cmpi sge, %iota3A, %ge3A_1127 : vector<16xi32>
      %eq3A_1129 = arith.cmpi eq, %gather3A_1115, %masked_sort3A_1003 : vector<16xi32>
      %and3A_1130 = arith.andi %ge3A_1128, %eq3A_1129 : vector<16xi1>
      %max3A_1131 = arith.maximumf %select_n3A_1099, %gather3A_1125 : vector<16xf32>
      %select_n3A_1132 = arith.select %and3A_1130, %max3A_1131, %select_n3A_1099 : vector<16xi1>, vector<16xf32>
      %add3A_1133 = arith.constant 1 : i32
      %add3A_1134 = vector.broadcast %add3A_1133 : i32 to vector<16xi32>
      %add3A_1135 = arith.addi %iota3A, %add3A_1134 : vector<16xi32>
      %min3A = arith.constant 15 : i32
      %min3A_1136 = vector.broadcast %min3A : i32 to vector<16xi32>
      %min3A_1137 = arith.minsi %add3A_1135, %min3A_1136 : vector<16xi32>
      %lt3A_1138 = arith.constant 0 : i32
      %lt3A_1139 = vector.broadcast %lt3A_1138 : i32 to vector<16xi32>
      %lt3A_1140 = arith.cmpi slt, %min3A_1137, %lt3A_1139 : vector<16xi32>
      %add3A_1141 = arith.constant 16 : i32
      %add3A_1142 = vector.broadcast %add3A_1141 : i32 to vector<16xi32>
      %add3A_1143 = arith.addi %min3A_1137, %add3A_1142 : vector<16xi32>
      %select_n3A_1144 = arith.select %lt3A_1140, %add3A_1143, %min3A_1137 : vector<16xi1>, vector<16xi32>
      %broadcast_in_dim3A_1145 = vector.shape_cast %select_n3A_1144 : vector<16xi32> to vector<16x1xi32>
      %gather3A_1146 = vector.shape_cast %broadcast_in_dim3A_1145 : vector<16x1xi32> to vector<16xi32>
      %gather3A_1147 = tpu.dynamic_gather %masked_sort3A_1003[%gather3A_1146] in [0] : vector<16xi32>, vector<16xi32> -> vector<16xi32>
      %eq3A_1148 = arith.constant 15 : i32
      %eq3A_1149 = vector.broadcast %eq3A_1148 : i32 to vector<16xi32>
      %eq3A_1150 = arith.cmpi eq, %iota3A, %eq3A_1149 : vector<16xi32>
      %ne3A_1151 = arith.cmpi ne, %gather3A_1147, %masked_sort3A_1003 : vector<16xi32>
      %or3A = arith.ori %eq3A_1150, %ne3A_1151 : vector<16xi1>
      %gather3A_1152 = tpu.vector_load_idx %arg11[%masked_sort3A_1003] masked %or3A : memref<10240xf32, #tpu.memory_space<vmem>>[vector<16xi32>], vector<16xf32>, vector<16xi1>
      %max3A_1153 = arith.maximumf %select_n3A_1132, %gather3A_1152 : vector<16xf32>
      tpu.vector_store_idx %arg11[%masked_sort3A_1003], %max3A_1153 masked %or3A : memref<10240xf32, #tpu.memory_space<vmem>>[vector<16xi32>], vector<16xf32>, vector<16xi1>
      %scan3A_1154 = arith.constant 0 : i32
      scf.yield %scan3A_1154 : i32
    }
    %scan3A_82 = arith.constant 1250 : i32
    "tpu.region"() ({
      %run_scoped3A = tpu.sem_alloc : memref<!tpu.dma_semaphore, #tpu.memory_space<semaphore_mem>>
      %dma_start3A_984 = arith.constant 0 : i32
      %dma_start3A_985 = tpu.memref_slice %arg12[%arg1, %dma_start3A_984] : memref<16x10240xf32, #tpu.memory_space<vmem_shared>> -> memref<1x10240xf32, #tpu.memory_space<vmem_shared>>
      %dma_start3A_986 = tpu.memref_squeeze %dma_start3A_985 : memref<1x10240xf32, #tpu.memory_space<vmem_shared>> -> memref<10240xf32, #tpu.memory_space<vmem_shared>>
      %dma_start3A_987 = arith.constant 0 : i32
      %dma_start3A_988 = tpu.memref_slice %arg12[%arg1, %dma_start3A_987] : memref<16x10240xf32, #tpu.memory_space<vmem_shared>> -> memref<1x10240xf32, #tpu.memory_space<vmem_shared>>
      %dma_start3A_989 = tpu.memref_squeeze %dma_start3A_988 : memref<1x10240xf32, #tpu.memory_space<vmem_shared>> -> memref<10240xf32, #tpu.memory_space<vmem_shared>>
      tpu.enqueue_dma source(%arg11 : memref<10240xf32, #tpu.memory_space<vmem>>) target(%dma_start3A_989 : memref<10240xf32, #tpu.memory_space<vmem_shared>>) target_semaphore(%run_scoped3A : memref<!tpu.dma_semaphore, #tpu.memory_space<semaphore_mem>>)
      %dma_wait3A_990 = arith.constant 0 : i32
      %dma_wait3A_991 = tpu.memref_slice %arg12[%arg1, %dma_wait3A_990] : memref<16x10240xf32, #tpu.memory_space<vmem_shared>> -> memref<1x10240xf32, #tpu.memory_space<vmem_shared>>
      %dma_wait3A_992 = tpu.memref_squeeze %dma_wait3A_991 : memref<1x10240xf32, #tpu.memory_space<vmem_shared>> -> memref<10240xf32, #tpu.memory_space<vmem_shared>>
      %dma_wait3A_993 = arith.constant 0 : i32
      %dma_wait3A_994 = tpu.memref_slice %arg12[%arg1, %dma_wait3A_993] : memref<16x10240xf32, #tpu.memory_space<vmem_shared>> -> memref<1x10240xf32, #tpu.memory_space<vmem_shared>>
      %dma_wait3A_995 = tpu.memref_squeeze %dma_wait3A_994 : memref<1x10240xf32, #tpu.memory_space<vmem_shared>> -> memref<10240xf32, #tpu.memory_space<vmem_shared>>
      tpu.wait_dma2 semaphore(%run_scoped3A : memref<!tpu.dma_semaphore, #tpu.memory_space<semaphore_mem>>) src(%arg11 : memref<10240xf32, #tpu.memory_space<vmem>>) dst(%dma_wait3A_995 : memref<10240xf32, #tpu.memory_space<vmem_shared>>)
      tpu.yield
    }) : () -> ()
    %barrier3A = arith.constant 0 : index
    tpu.barrier barrier_id(%barrier3A)
    %dma_start3A = arith.constant 0 : i32
    %dma_start3A_83 = arith.constant 0 : i32
    %dma_start3A_84 = tpu.memref_slice %arg10[%dma_start3A_83] : memref<10240xf32, #tpu.memory_space<vmem>> -> memref<640xf32, #tpu.memory_space<vmem>>
    %dma_start3A_85 = tpu.memref_slice %arg12[%dma_start3A, %mul3A_2] : memref<16x10240xf32, #tpu.memory_space<vmem_shared>> -> memref<1x640xf32, #tpu.memory_space<vmem_shared>>
    %dma_start3A_86 = tpu.memref_squeeze %dma_start3A_85 : memref<1x640xf32, #tpu.memory_space<vmem_shared>> -> memref<640xf32, #tpu.memory_space<vmem_shared>>
    %dma_start3A_87 = arith.constant 0 : i32
    %dma_start3A_88 = tpu.memref_slice %arg10[%dma_start3A_87] : memref<10240xf32, #tpu.memory_space<vmem>> -> memref<640xf32, #tpu.memory_space<vmem>>
    %dma_start3A_89 = tpu.memref_slice %arg12[%dma_start3A, %mul3A_2] : memref<16x10240xf32, #tpu.memory_space<vmem_shared>> -> memref<1x640xf32, #tpu.memory_space<vmem_shared>>
    %dma_start3A_90 = tpu.memref_squeeze %dma_start3A_89 : memref<1x640xf32, #tpu.memory_space<vmem_shared>> -> memref<640xf32, #tpu.memory_space<vmem_shared>>
    tpu.enqueue_dma source(%dma_start3A_90 : memref<640xf32, #tpu.memory_space<vmem_shared>>) target(%dma_start3A_88 : memref<640xf32, #tpu.memory_space<vmem>>) target_semaphore(%arg14 : memref<!tpu.dma_semaphore, #tpu.memory_space<semaphore_mem>>)
    %dma_start3A_91 = arith.constant 1 : i32
    %dma_start3A_92 = arith.constant 640 : i32
    %dma_start3A_93 = tpu.memref_slice %arg10[%dma_start3A_92] : memref<10240xf32, #tpu.memory_space<vmem>> -> memref<640xf32, #tpu.memory_space<vmem>>
    %dma_start3A_94 = tpu.memref_slice %arg12[%dma_start3A_91, %mul3A_2] : memref<16x10240xf32, #tpu.memory_space<vmem_shared>> -> memref<1x640xf32, #tpu.memory_space<vmem_shared>>
    %dma_start3A_95 = tpu.memref_squeeze %dma_start3A_94 : memref<1x640xf32, #tpu.memory_space<vmem_shared>> -> memref<640xf32, #tpu.memory_space<vmem_shared>>
    %dma_start3A_96 = arith.constant 640 : i32
    %dma_start3A_97 = tpu.memref_slice %arg10[%dma_start3A_96] : memref<10240xf32, #tpu.memory_space<vmem>> -> memref<640xf32, #tpu.memory_space<vmem>>
    %dma_start3A_98 = tpu.memref_slice %arg12[%dma_start3A_91, %mul3A_2] : memref<16x10240xf32, #tpu.memory_space<vmem_shared>> -> memref<1x640xf32, #tpu.memory_space<vmem_shared>>
    %dma_start3A_99 = tpu.memref_squeeze %dma_start3A_98 : memref<1x640xf32, #tpu.memory_space<vmem_shared>> -> memref<640xf32, #tpu.memory_space<vmem_shared>>
    tpu.enqueue_dma source(%dma_start3A_99 : memref<640xf32, #tpu.memory_space<vmem_shared>>) target(%dma_start3A_97 : memref<640xf32, #tpu.memory_space<vmem>>) target_semaphore(%arg14 : memref<!tpu.dma_semaphore, #tpu.memory_space<semaphore_mem>>)
    %dma_start3A_100 = arith.constant 2 : i32
    %dma_start3A_101 = arith.constant 1280 : i32
    %dma_start3A_102 = tpu.memref_slice %arg10[%dma_start3A_101] : memref<10240xf32, #tpu.memory_space<vmem>> -> memref<640xf32, #tpu.memory_space<vmem>>
    %dma_start3A_103 = tpu.memref_slice %arg12[%dma_start3A_100, %mul3A_2] : memref<16x10240xf32, #tpu.memory_space<vmem_shared>> -> memref<1x640xf32, #tpu.memory_space<vmem_shared>>
    %dma_start3A_104 = tpu.memref_squeeze %dma_start3A_103 : memref<1x640xf32, #tpu.memory_space<vmem_shared>> -> memref<640xf32, #tpu.memory_space<vmem_shared>>
    %dma_start3A_105 = arith.constant 1280 : i32
    %dma_start3A_106 = tpu.memref_slice %arg10[%dma_start3A_105] : memref<10240xf32, #tpu.memory_space<vmem>> -> memref<640xf32, #tpu.memory_space<vmem>>
    %dma_start3A_107 = tpu.memref_slice %arg12[%dma_start3A_100, %mul3A_2] : memref<16x10240xf32, #tpu.memory_space<vmem_shared>> -> memref<1x640xf32, #tpu.memory_space<vmem_shared>>
    %dma_start3A_108 = tpu.memref_squeeze %dma_start3A_107 : memref<1x640xf32, #tpu.memory_space<vmem_shared>> -> memref<640xf32, #tpu.memory_space<vmem_shared>>
    tpu.enqueue_dma source(%dma_start3A_108 : memref<640xf32, #tpu.memory_space<vmem_shared>>) target(%dma_start3A_106 : memref<640xf32, #tpu.memory_space<vmem>>) target_semaphore(%arg14 : memref<!tpu.dma_semaphore, #tpu.memory_space<semaphore_mem>>)
    %dma_start3A_109 = arith.constant 3 : i32
    %dma_start3A_110 = arith.constant 1920 : i32
    %dma_start3A_111 = tpu.memref_slice %arg10[%dma_start3A_110] : memref<10240xf32, #tpu.memory_space<vmem>> -> memref<640xf32, #tpu.memory_space<vmem>>
    %dma_start3A_112 = tpu.memref_slice %arg12[%dma_start3A_109, %mul3A_2] : memref<16x10240xf32, #tpu.memory_space<vmem_shared>> -> memref<1x640xf32, #tpu.memory_space<vmem_shared>>
    %dma_start3A_113 = tpu.memref_squeeze %dma_start3A_112 : memref<1x640xf32, #tpu.memory_space<vmem_shared>> -> memref<640xf32, #tpu.memory_space<vmem_shared>>
    %dma_start3A_114 = arith.constant 1920 : i32
    %dma_start3A_115 = tpu.memref_slice %arg10[%dma_start3A_114] : memref<10240xf32, #tpu.memory_space<vmem>> -> memref<640xf32, #tpu.memory_space<vmem>>
    %dma_start3A_116 = tpu.memref_slice %arg12[%dma_start3A_109, %mul3A_2] : memref<16x10240xf32, #tpu.memory_space<vmem_shared>> -> memref<1x640xf32, #tpu.memory_space<vmem_shared>>
    %dma_start3A_117 = tpu.memref_squeeze %dma_start3A_116 : memref<1x640xf32, #tpu.memory_space<vmem_shared>> -> memref<640xf32, #tpu.memory_space<vmem_shared>>
    tpu.enqueue_dma source(%dma_start3A_117 : memref<640xf32, #tpu.memory_space<vmem_shared>>) target(%dma_start3A_115 : memref<640xf32, #tpu.memory_space<vmem>>) target_semaphore(%arg14 : memref<!tpu.dma_semaphore, #tpu.memory_space<semaphore_mem>>)
    %dma_start3A_118 = arith.constant 4 : i32
    %dma_start3A_119 = arith.constant 2560 : i32
    %dma_start3A_120 = tpu.memref_slice %arg10[%dma_start3A_119] : memref<10240xf32, #tpu.memory_space<vmem>> -> memref<640xf32, #tpu.memory_space<vmem>>
    %dma_start3A_121 = tpu.memref_slice %arg12[%dma_start3A_118, %mul3A_2] : memref<16x10240xf32, #tpu.memory_space<vmem_shared>> -> memref<1x640xf32, #tpu.memory_space<vmem_shared>>
    %dma_start3A_122 = tpu.memref_squeeze %dma_start3A_121 : memref<1x640xf32, #tpu.memory_space<vmem_shared>> -> memref<640xf32, #tpu.memory_space<vmem_shared>>
    %dma_start3A_123 = arith.constant 2560 : i32
    %dma_start3A_124 = tpu.memref_slice %arg10[%dma_start3A_123] : memref<10240xf32, #tpu.memory_space<vmem>> -> memref<640xf32, #tpu.memory_space<vmem>>
    %dma_start3A_125 = tpu.memref_slice %arg12[%dma_start3A_118, %mul3A_2] : memref<16x10240xf32, #tpu.memory_space<vmem_shared>> -> memref<1x640xf32, #tpu.memory_space<vmem_shared>>
    %dma_start3A_126 = tpu.memref_squeeze %dma_start3A_125 : memref<1x640xf32, #tpu.memory_space<vmem_shared>> -> memref<640xf32, #tpu.memory_space<vmem_shared>>
    tpu.enqueue_dma source(%dma_start3A_126 : memref<640xf32, #tpu.memory_space<vmem_shared>>) target(%dma_start3A_124 : memref<640xf32, #tpu.memory_space<vmem>>) target_semaphore(%arg14 : memref<!tpu.dma_semaphore, #tpu.memory_space<semaphore_mem>>)
    %dma_start3A_127 = arith.constant 5 : i32
    %dma_start3A_128 = arith.constant 3200 : i32
    %dma_start3A_129 = tpu.memref_slice %arg10[%dma_start3A_128] : memref<10240xf32, #tpu.memory_space<vmem>> -> memref<640xf32, #tpu.memory_space<vmem>>
    %dma_start3A_130 = tpu.memref_slice %arg12[%dma_start3A_127, %mul3A_2] : memref<16x10240xf32, #tpu.memory_space<vmem_shared>> -> memref<1x640xf32, #tpu.memory_space<vmem_shared>>
    %dma_start3A_131 = tpu.memref_squeeze %dma_start3A_130 : memref<1x640xf32, #tpu.memory_space<vmem_shared>> -> memref<640xf32, #tpu.memory_space<vmem_shared>>
    %dma_start3A_132 = arith.constant 3200 : i32
    %dma_start3A_133 = tpu.memref_slice %arg10[%dma_start3A_132] : memref<10240xf32, #tpu.memory_space<vmem>> -> memref<640xf32, #tpu.memory_space<vmem>>
    %dma_start3A_134 = tpu.memref_slice %arg12[%dma_start3A_127, %mul3A_2] : memref<16x10240xf32, #tpu.memory_space<vmem_shared>> -> memref<1x640xf32, #tpu.memory_space<vmem_shared>>
    %dma_start3A_135 = tpu.memref_squeeze %dma_start3A_134 : memref<1x640xf32, #tpu.memory_space<vmem_shared>> -> memref<640xf32, #tpu.memory_space<vmem_shared>>
    tpu.enqueue_dma source(%dma_start3A_135 : memref<640xf32, #tpu.memory_space<vmem_shared>>) target(%dma_start3A_133 : memref<640xf32, #tpu.memory_space<vmem>>) target_semaphore(%arg14 : memref<!tpu.dma_semaphore, #tpu.memory_space<semaphore_mem>>)
    %dma_start3A_136 = arith.constant 6 : i32
    %dma_start3A_137 = arith.constant 3840 : i32
    %dma_start3A_138 = tpu.memref_slice %arg10[%dma_start3A_137] : memref<10240xf32, #tpu.memory_space<vmem>> -> memref<640xf32, #tpu.memory_space<vmem>>
    %dma_start3A_139 = tpu.memref_slice %arg12[%dma_start3A_136, %mul3A_2] : memref<16x10240xf32, #tpu.memory_space<vmem_shared>> -> memref<1x640xf32, #tpu.memory_space<vmem_shared>>
    %dma_start3A_140 = tpu.memref_squeeze %dma_start3A_139 : memref<1x640xf32, #tpu.memory_space<vmem_shared>> -> memref<640xf32, #tpu.memory_space<vmem_shared>>
    %dma_start3A_141 = arith.constant 3840 : i32
    %dma_start3A_142 = tpu.memref_slice %arg10[%dma_start3A_141] : memref<10240xf32, #tpu.memory_space<vmem>> -> memref<640xf32, #tpu.memory_space<vmem>>
    %dma_start3A_143 = tpu.memref_slice %arg12[%dma_start3A_136, %mul3A_2] : memref<16x10240xf32, #tpu.memory_space<vmem_shared>> -> memref<1x640xf32, #tpu.memory_space<vmem_shared>>
    %dma_start3A_144 = tpu.memref_squeeze %dma_start3A_143 : memref<1x640xf32, #tpu.memory_space<vmem_shared>> -> memref<640xf32, #tpu.memory_space<vmem_shared>>
    tpu.enqueue_dma source(%dma_start3A_144 : memref<640xf32, #tpu.memory_space<vmem_shared>>) target(%dma_start3A_142 : memref<640xf32, #tpu.memory_space<vmem>>) target_semaphore(%arg14 : memref<!tpu.dma_semaphore, #tpu.memory_space<semaphore_mem>>)
    %dma_start3A_145 = arith.constant 7 : i32
    %dma_start3A_146 = arith.constant 4480 : i32
    %dma_start3A_147 = tpu.memref_slice %arg10[%dma_start3A_146] : memref<10240xf32, #tpu.memory_space<vmem>> -> memref<640xf32, #tpu.memory_space<vmem>>
    %dma_start3A_148 = tpu.memref_slice %arg12[%dma_start3A_145, %mul3A_2] : memref<16x10240xf32, #tpu.memory_space<vmem_shared>> -> memref<1x640xf32, #tpu.memory_space<vmem_shared>>
    %dma_start3A_149 = tpu.memref_squeeze %dma_start3A_148 : memref<1x640xf32, #tpu.memory_space<vmem_shared>> -> memref<640xf32, #tpu.memory_space<vmem_shared>>
    %dma_start3A_150 = arith.constant 4480 : i32
    %dma_start3A_151 = tpu.memref_slice %arg10[%dma_start3A_150] : memref<10240xf32, #tpu.memory_space<vmem>> -> memref<640xf32, #tpu.memory_space<vmem>>
    %dma_start3A_152 = tpu.memref_slice %arg12[%dma_start3A_145, %mul3A_2] : memref<16x10240xf32, #tpu.memory_space<vmem_shared>> -> memref<1x640xf32, #tpu.memory_space<vmem_shared>>
    %dma_start3A_153 = tpu.memref_squeeze %dma_start3A_152 : memref<1x640xf32, #tpu.memory_space<vmem_shared>> -> memref<640xf32, #tpu.memory_space<vmem_shared>>
    tpu.enqueue_dma source(%dma_start3A_153 : memref<640xf32, #tpu.memory_space<vmem_shared>>) target(%dma_start3A_151 : memref<640xf32, #tpu.memory_space<vmem>>) target_semaphore(%arg14 : memref<!tpu.dma_semaphore, #tpu.memory_space<semaphore_mem>>)
    %dma_start3A_154 = arith.constant 8 : i32
    %dma_start3A_155 = arith.constant 5120 : i32
    %dma_start3A_156 = tpu.memref_slice %arg10[%dma_start3A_155] : memref<10240xf32, #tpu.memory_space<vmem>> -> memref<640xf32, #tpu.memory_space<vmem>>
    %dma_start3A_157 = tpu.memref_slice %arg12[%dma_start3A_154, %mul3A_2] : memref<16x10240xf32, #tpu.memory_space<vmem_shared>> -> memref<1x640xf32, #tpu.memory_space<vmem_shared>>
    %dma_start3A_158 = tpu.memref_squeeze %dma_start3A_157 : memref<1x640xf32, #tpu.memory_space<vmem_shared>> -> memref<640xf32, #tpu.memory_space<vmem_shared>>
    %dma_start3A_159 = arith.constant 5120 : i32
    %dma_start3A_160 = tpu.memref_slice %arg10[%dma_start3A_159] : memref<10240xf32, #tpu.memory_space<vmem>> -> memref<640xf32, #tpu.memory_space<vmem>>
    %dma_start3A_161 = tpu.memref_slice %arg12[%dma_start3A_154, %mul3A_2] : memref<16x10240xf32, #tpu.memory_space<vmem_shared>> -> memref<1x640xf32, #tpu.memory_space<vmem_shared>>
    %dma_start3A_162 = tpu.memref_squeeze %dma_start3A_161 : memref<1x640xf32, #tpu.memory_space<vmem_shared>> -> memref<640xf32, #tpu.memory_space<vmem_shared>>
    tpu.enqueue_dma source(%dma_start3A_162 : memref<640xf32, #tpu.memory_space<vmem_shared>>) target(%dma_start3A_160 : memref<640xf32, #tpu.memory_space<vmem>>) target_semaphore(%arg14 : memref<!tpu.dma_semaphore, #tpu.memory_space<semaphore_mem>>)
    %dma_start3A_163 = arith.constant 9 : i32
    %dma_start3A_164 = arith.constant 5760 : i32
    %dma_start3A_165 = tpu.memref_slice %arg10[%dma_start3A_164] : memref<10240xf32, #tpu.memory_space<vmem>> -> memref<640xf32, #tpu.memory_space<vmem>>
    %dma_start3A_166 = tpu.memref_slice %arg12[%dma_start3A_163, %mul3A_2] : memref<16x10240xf32, #tpu.memory_space<vmem_shared>> -> memref<1x640xf32, #tpu.memory_space<vmem_shared>>
    %dma_start3A_167 = tpu.memref_squeeze %dma_start3A_166 : memref<1x640xf32, #tpu.memory_space<vmem_shared>> -> memref<640xf32, #tpu.memory_space<vmem_shared>>
    %dma_start3A_168 = arith.constant 5760 : i32
    %dma_start3A_169 = tpu.memref_slice %arg10[%dma_start3A_168] : memref<10240xf32, #tpu.memory_space<vmem>> -> memref<640xf32, #tpu.memory_space<vmem>>
    %dma_start3A_170 = tpu.memref_slice %arg12[%dma_start3A_163, %mul3A_2] : memref<16x10240xf32, #tpu.memory_space<vmem_shared>> -> memref<1x640xf32, #tpu.memory_space<vmem_shared>>
    %dma_start3A_171 = tpu.memref_squeeze %dma_start3A_170 : memref<1x640xf32, #tpu.memory_space<vmem_shared>> -> memref<640xf32, #tpu.memory_space<vmem_shared>>
    tpu.enqueue_dma source(%dma_start3A_171 : memref<640xf32, #tpu.memory_space<vmem_shared>>) target(%dma_start3A_169 : memref<640xf32, #tpu.memory_space<vmem>>) target_semaphore(%arg14 : memref<!tpu.dma_semaphore, #tpu.memory_space<semaphore_mem>>)
    %dma_start3A_172 = arith.constant 10 : i32
    %dma_start3A_173 = arith.constant 6400 : i32
    %dma_start3A_174 = tpu.memref_slice %arg10[%dma_start3A_173] : memref<10240xf32, #tpu.memory_space<vmem>> -> memref<640xf32, #tpu.memory_space<vmem>>
    %dma_start3A_175 = tpu.memref_slice %arg12[%dma_start3A_172, %mul3A_2] : memref<16x10240xf32, #tpu.memory_space<vmem_shared>> -> memref<1x640xf32, #tpu.memory_space<vmem_shared>>
    %dma_start3A_176 = tpu.memref_squeeze %dma_start3A_175 : memref<1x640xf32, #tpu.memory_space<vmem_shared>> -> memref<640xf32, #tpu.memory_space<vmem_shared>>
    %dma_start3A_177 = arith.constant 6400 : i32
    %dma_start3A_178 = tpu.memref_slice %arg10[%dma_start3A_177] : memref<10240xf32, #tpu.memory_space<vmem>> -> memref<640xf32, #tpu.memory_space<vmem>>
    %dma_start3A_179 = tpu.memref_slice %arg12[%dma_start3A_172, %mul3A_2] : memref<16x10240xf32, #tpu.memory_space<vmem_shared>> -> memref<1x640xf32, #tpu.memory_space<vmem_shared>>
    %dma_start3A_180 = tpu.memref_squeeze %dma_start3A_179 : memref<1x640xf32, #tpu.memory_space<vmem_shared>> -> memref<640xf32, #tpu.memory_space<vmem_shared>>
    tpu.enqueue_dma source(%dma_start3A_180 : memref<640xf32, #tpu.memory_space<vmem_shared>>) target(%dma_start3A_178 : memref<640xf32, #tpu.memory_space<vmem>>) target_semaphore(%arg14 : memref<!tpu.dma_semaphore, #tpu.memory_space<semaphore_mem>>)
    %dma_start3A_181 = arith.constant 11 : i32
    %dma_start3A_182 = arith.constant 7040 : i32
    %dma_start3A_183 = tpu.memref_slice %arg10[%dma_start3A_182] : memref<10240xf32, #tpu.memory_space<vmem>> -> memref<640xf32, #tpu.memory_space<vmem>>
    %dma_start3A_184 = tpu.memref_slice %arg12[%dma_start3A_181, %mul3A_2] : memref<16x10240xf32, #tpu.memory_space<vmem_shared>> -> memref<1x640xf32, #tpu.memory_space<vmem_shared>>
    %dma_start3A_185 = tpu.memref_squeeze %dma_start3A_184 : memref<1x640xf32, #tpu.memory_space<vmem_shared>> -> memref<640xf32, #tpu.memory_space<vmem_shared>>
    %dma_start3A_186 = arith.constant 7040 : i32
    %dma_start3A_187 = tpu.memref_slice %arg10[%dma_start3A_186] : memref<10240xf32, #tpu.memory_space<vmem>> -> memref<640xf32, #tpu.memory_space<vmem>>
    %dma_start3A_188 = tpu.memref_slice %arg12[%dma_start3A_181, %mul3A_2] : memref<16x10240xf32, #tpu.memory_space<vmem_shared>> -> memref<1x640xf32, #tpu.memory_space<vmem_shared>>
    %dma_start3A_189 = tpu.memref_squeeze %dma_start3A_188 : memref<1x640xf32, #tpu.memory_space<vmem_shared>> -> memref<640xf32, #tpu.memory_space<vmem_shared>>
    tpu.enqueue_dma source(%dma_start3A_189 : memref<640xf32, #tpu.memory_space<vmem_shared>>) target(%dma_start3A_187 : memref<640xf32, #tpu.memory_space<vmem>>) target_semaphore(%arg14 : memref<!tpu.dma_semaphore, #tpu.memory_space<semaphore_mem>>)
    %dma_start3A_190 = arith.constant 12 : i32
    %dma_start3A_191 = arith.constant 7680 : i32
    %dma_start3A_192 = tpu.memref_slice %arg10[%dma_start3A_191] : memref<10240xf32, #tpu.memory_space<vmem>> -> memref<640xf32, #tpu.memory_space<vmem>>
    %dma_start3A_193 = tpu.memref_slice %arg12[%dma_start3A_190, %mul3A_2] : memref<16x10240xf32, #tpu.memory_space<vmem_shared>> -> memref<1x640xf32, #tpu.memory_space<vmem_shared>>
    %dma_start3A_194 = tpu.memref_squeeze %dma_start3A_193 : memref<1x640xf32, #tpu.memory_space<vmem_shared>> -> memref<640xf32, #tpu.memory_space<vmem_shared>>
    %dma_start3A_195 = arith.constant 7680 : i32
    %dma_start3A_196 = tpu.memref_slice %arg10[%dma_start3A_195] : memref<10240xf32, #tpu.memory_space<vmem>> -> memref<640xf32, #tpu.memory_space<vmem>>
    %dma_start3A_197 = tpu.memref_slice %arg12[%dma_start3A_190, %mul3A_2] : memref<16x10240xf32, #tpu.memory_space<vmem_shared>> -> memref<1x640xf32, #tpu.memory_space<vmem_shared>>
    %dma_start3A_198 = tpu.memref_squeeze %dma_start3A_197 : memref<1x640xf32, #tpu.memory_space<vmem_shared>> -> memref<640xf32, #tpu.memory_space<vmem_shared>>
    tpu.enqueue_dma source(%dma_start3A_198 : memref<640xf32, #tpu.memory_space<vmem_shared>>) target(%dma_start3A_196 : memref<640xf32, #tpu.memory_space<vmem>>) target_semaphore(%arg14 : memref<!tpu.dma_semaphore, #tpu.memory_space<semaphore_mem>>)
    %dma_start3A_199 = arith.constant 13 : i32
    %dma_start3A_200 = arith.constant 8320 : i32
    %dma_start3A_201 = tpu.memref_slice %arg10[%dma_start3A_200] : memref<10240xf32, #tpu.memory_space<vmem>> -> memref<640xf32, #tpu.memory_space<vmem>>
    %dma_start3A_202 = tpu.memref_slice %arg12[%dma_start3A_199, %mul3A_2] : memref<16x10240xf32, #tpu.memory_space<vmem_shared>> -> memref<1x640xf32, #tpu.memory_space<vmem_shared>>
    %dma_start3A_203 = tpu.memref_squeeze %dma_start3A_202 : memref<1x640xf32, #tpu.memory_space<vmem_shared>> -> memref<640xf32, #tpu.memory_space<vmem_shared>>
    %dma_start3A_204 = arith.constant 8320 : i32
    %dma_start3A_205 = tpu.memref_slice %arg10[%dma_start3A_204] : memref<10240xf32, #tpu.memory_space<vmem>> -> memref<640xf32, #tpu.memory_space<vmem>>
    %dma_start3A_206 = tpu.memref_slice %arg12[%dma_start3A_199, %mul3A_2] : memref<16x10240xf32, #tpu.memory_space<vmem_shared>> -> memref<1x640xf32, #tpu.memory_space<vmem_shared>>
    %dma_start3A_207 = tpu.memref_squeeze %dma_start3A_206 : memref<1x640xf32, #tpu.memory_space<vmem_shared>> -> memref<640xf32, #tpu.memory_space<vmem_shared>>
    tpu.enqueue_dma source(%dma_start3A_207 : memref<640xf32, #tpu.memory_space<vmem_shared>>) target(%dma_start3A_205 : memref<640xf32, #tpu.memory_space<vmem>>) target_semaphore(%arg14 : memref<!tpu.dma_semaphore, #tpu.memory_space<semaphore_mem>>)
    %dma_start3A_208 = arith.constant 14 : i32
    %dma_start3A_209 = arith.constant 8960 : i32
    %dma_start3A_210 = tpu.memref_slice %arg10[%dma_start3A_209] : memref<10240xf32, #tpu.memory_space<vmem>> -> memref<640xf32, #tpu.memory_space<vmem>>
    %dma_start3A_211 = tpu.memref_slice %arg12[%dma_start3A_208, %mul3A_2] : memref<16x10240xf32, #tpu.memory_space<vmem_shared>> -> memref<1x640xf32, #tpu.memory_space<vmem_shared>>
    %dma_start3A_212 = tpu.memref_squeeze %dma_start3A_211 : memref<1x640xf32, #tpu.memory_space<vmem_shared>> -> memref<640xf32, #tpu.memory_space<vmem_shared>>
    %dma_start3A_213 = arith.constant 8960 : i32
    %dma_start3A_214 = tpu.memref_slice %arg10[%dma_start3A_213] : memref<10240xf32, #tpu.memory_space<vmem>> -> memref<640xf32, #tpu.memory_space<vmem>>
    %dma_start3A_215 = tpu.memref_slice %arg12[%dma_start3A_208, %mul3A_2] : memref<16x10240xf32, #tpu.memory_space<vmem_shared>> -> memref<1x640xf32, #tpu.memory_space<vmem_shared>>
    %dma_start3A_216 = tpu.memref_squeeze %dma_start3A_215 : memref<1x640xf32, #tpu.memory_space<vmem_shared>> -> memref<640xf32, #tpu.memory_space<vmem_shared>>
    tpu.enqueue_dma source(%dma_start3A_216 : memref<640xf32, #tpu.memory_space<vmem_shared>>) target(%dma_start3A_214 : memref<640xf32, #tpu.memory_space<vmem>>) target_semaphore(%arg14 : memref<!tpu.dma_semaphore, #tpu.memory_space<semaphore_mem>>)
    %dma_start3A_217 = arith.constant 15 : i32
    %dma_start3A_218 = arith.constant 9600 : i32
    %dma_start3A_219 = tpu.memref_slice %arg10[%dma_start3A_218] : memref<10240xf32, #tpu.memory_space<vmem>> -> memref<640xf32, #tpu.memory_space<vmem>>
    %dma_start3A_220 = tpu.memref_slice %arg12[%dma_start3A_217, %mul3A_2] : memref<16x10240xf32, #tpu.memory_space<vmem_shared>> -> memref<1x640xf32, #tpu.memory_space<vmem_shared>>
    %dma_start3A_221 = tpu.memref_squeeze %dma_start3A_220 : memref<1x640xf32, #tpu.memory_space<vmem_shared>> -> memref<640xf32, #tpu.memory_space<vmem_shared>>
    %dma_start3A_222 = arith.constant 9600 : i32
    %dma_start3A_223 = tpu.memref_slice %arg10[%dma_start3A_222] : memref<10240xf32, #tpu.memory_space<vmem>> -> memref<640xf32, #tpu.memory_space<vmem>>
    %dma_start3A_224 = tpu.memref_slice %arg12[%dma_start3A_217, %mul3A_2] : memref<16x10240xf32, #tpu.memory_space<vmem_shared>> -> memref<1x640xf32, #tpu.memory_space<vmem_shared>>
    %dma_start3A_225 = tpu.memref_squeeze %dma_start3A_224 : memref<1x640xf32, #tpu.memory_space<vmem_shared>> -> memref<640xf32, #tpu.memory_space<vmem_shared>>
    tpu.enqueue_dma source(%dma_start3A_225 : memref<640xf32, #tpu.memory_space<vmem_shared>>) target(%dma_start3A_223 : memref<640xf32, #tpu.memory_space<vmem>>) target_semaphore(%arg14 : memref<!tpu.dma_semaphore, #tpu.memory_space<semaphore_mem>>)
    %dma_wait3A = arith.constant 0 : i32
    %dma_wait3A_226 = arith.constant 0 : i32
    %dma_wait3A_227 = tpu.memref_slice %arg10[%dma_wait3A_226] : memref<10240xf32, #tpu.memory_space<vmem>> -> memref<640xf32, #tpu.memory_space<vmem>>
    %dma_wait3A_228 = tpu.memref_slice %arg12[%dma_wait3A, %mul3A_2] : memref<16x10240xf32, #tpu.memory_space<vmem_shared>> -> memref<1x640xf32, #tpu.memory_space<vmem_shared>>
    %dma_wait3A_229 = tpu.memref_squeeze %dma_wait3A_228 : memref<1x640xf32, #tpu.memory_space<vmem_shared>> -> memref<640xf32, #tpu.memory_space<vmem_shared>>
    %dma_wait3A_230 = arith.constant 0 : i32
    %dma_wait3A_231 = tpu.memref_slice %arg10[%dma_wait3A_230] : memref<10240xf32, #tpu.memory_space<vmem>> -> memref<640xf32, #tpu.memory_space<vmem>>
    %dma_wait3A_232 = tpu.memref_slice %arg12[%dma_wait3A, %mul3A_2] : memref<16x10240xf32, #tpu.memory_space<vmem_shared>> -> memref<1x640xf32, #tpu.memory_space<vmem_shared>>
    %dma_wait3A_233 = tpu.memref_squeeze %dma_wait3A_232 : memref<1x640xf32, #tpu.memory_space<vmem_shared>> -> memref<640xf32, #tpu.memory_space<vmem_shared>>
    tpu.wait_dma2 semaphore(%arg14 : memref<!tpu.dma_semaphore, #tpu.memory_space<semaphore_mem>>) src(%dma_wait3A_233 : memref<640xf32, #tpu.memory_space<vmem_shared>>) dst(%dma_wait3A_231 : memref<640xf32, #tpu.memory_space<vmem>>)
    %dma_wait3A_234 = arith.constant 1 : i32
    %dma_wait3A_235 = arith.constant 640 : i32
    %dma_wait3A_236 = tpu.memref_slice %arg10[%dma_wait3A_235] : memref<10240xf32, #tpu.memory_space<vmem>> -> memref<640xf32, #tpu.memory_space<vmem>>
    %dma_wait3A_237 = tpu.memref_slice %arg12[%dma_wait3A_234, %mul3A_2] : memref<16x10240xf32, #tpu.memory_space<vmem_shared>> -> memref<1x640xf32, #tpu.memory_space<vmem_shared>>
    %dma_wait3A_238 = tpu.memref_squeeze %dma_wait3A_237 : memref<1x640xf32, #tpu.memory_space<vmem_shared>> -> memref<640xf32, #tpu.memory_space<vmem_shared>>
    %dma_wait3A_239 = arith.constant 640 : i32
    %dma_wait3A_240 = tpu.memref_slice %arg10[%dma_wait3A_239] : memref<10240xf32, #tpu.memory_space<vmem>> -> memref<640xf32, #tpu.memory_space<vmem>>
    %dma_wait3A_241 = tpu.memref_slice %arg12[%dma_wait3A_234, %mul3A_2] : memref<16x10240xf32, #tpu.memory_space<vmem_shared>> -> memref<1x640xf32, #tpu.memory_space<vmem_shared>>
    %dma_wait3A_242 = tpu.memref_squeeze %dma_wait3A_241 : memref<1x640xf32, #tpu.memory_space<vmem_shared>> -> memref<640xf32, #tpu.memory_space<vmem_shared>>
    tpu.wait_dma2 semaphore(%arg14 : memref<!tpu.dma_semaphore, #tpu.memory_space<semaphore_mem>>) src(%dma_wait3A_242 : memref<640xf32, #tpu.memory_space<vmem_shared>>) dst(%dma_wait3A_240 : memref<640xf32, #tpu.memory_space<vmem>>)
    %dma_wait3A_243 = arith.constant 2 : i32
    %dma_wait3A_244 = arith.constant 1280 : i32
    %dma_wait3A_245 = tpu.memref_slice %arg10[%dma_wait3A_244] : memref<10240xf32, #tpu.memory_space<vmem>> -> memref<640xf32, #tpu.memory_space<vmem>>
    %dma_wait3A_246 = tpu.memref_slice %arg12[%dma_wait3A_243, %mul3A_2] : memref<16x10240xf32, #tpu.memory_space<vmem_shared>> -> memref<1x640xf32, #tpu.memory_space<vmem_shared>>
    %dma_wait3A_247 = tpu.memref_squeeze %dma_wait3A_246 : memref<1x640xf32, #tpu.memory_space<vmem_shared>> -> memref<640xf32, #tpu.memory_space<vmem_shared>>
    %dma_wait3A_248 = arith.constant 1280 : i32
    %dma_wait3A_249 = tpu.memref_slice %arg10[%dma_wait3A_248] : memref<10240xf32, #tpu.memory_space<vmem>> -> memref<640xf32, #tpu.memory_space<vmem>>
    %dma_wait3A_250 = tpu.memref_slice %arg12[%dma_wait3A_243, %mul3A_2] : memref<16x10240xf32, #tpu.memory_space<vmem_shared>> -> memref<1x640xf32, #tpu.memory_space<vmem_shared>>
    %dma_wait3A_251 = tpu.memref_squeeze %dma_wait3A_250 : memref<1x640xf32, #tpu.memory_space<vmem_shared>> -> memref<640xf32, #tpu.memory_space<vmem_shared>>
    tpu.wait_dma2 semaphore(%arg14 : memref<!tpu.dma_semaphore, #tpu.memory_space<semaphore_mem>>) src(%dma_wait3A_251 : memref<640xf32, #tpu.memory_space<vmem_shared>>) dst(%dma_wait3A_249 : memref<640xf32, #tpu.memory_space<vmem>>)
    %dma_wait3A_252 = arith.constant 3 : i32
    %dma_wait3A_253 = arith.constant 1920 : i32
    %dma_wait3A_254 = tpu.memref_slice %arg10[%dma_wait3A_253] : memref<10240xf32, #tpu.memory_space<vmem>> -> memref<640xf32, #tpu.memory_space<vmem>>
    %dma_wait3A_255 = tpu.memref_slice %arg12[%dma_wait3A_252, %mul3A_2] : memref<16x10240xf32, #tpu.memory_space<vmem_shared>> -> memref<1x640xf32, #tpu.memory_space<vmem_shared>>
    %dma_wait3A_256 = tpu.memref_squeeze %dma_wait3A_255 : memref<1x640xf32, #tpu.memory_space<vmem_shared>> -> memref<640xf32, #tpu.memory_space<vmem_shared>>
    %dma_wait3A_257 = arith.constant 1920 : i32
    %dma_wait3A_258 = tpu.memref_slice %arg10[%dma_wait3A_257] : memref<10240xf32, #tpu.memory_space<vmem>> -> memref<640xf32, #tpu.memory_space<vmem>>
    %dma_wait3A_259 = tpu.memref_slice %arg12[%dma_wait3A_252, %mul3A_2] : memref<16x10240xf32, #tpu.memory_space<vmem_shared>> -> memref<1x640xf32, #tpu.memory_space<vmem_shared>>
    %dma_wait3A_260 = tpu.memref_squeeze %dma_wait3A_259 : memref<1x640xf32, #tpu.memory_space<vmem_shared>> -> memref<640xf32, #tpu.memory_space<vmem_shared>>
    tpu.wait_dma2 semaphore(%arg14 : memref<!tpu.dma_semaphore, #tpu.memory_space<semaphore_mem>>) src(%dma_wait3A_260 : memref<640xf32, #tpu.memory_space<vmem_shared>>) dst(%dma_wait3A_258 : memref<640xf32, #tpu.memory_space<vmem>>)
    %dma_wait3A_261 = arith.constant 4 : i32
    %dma_wait3A_262 = arith.constant 2560 : i32
    %dma_wait3A_263 = tpu.memref_slice %arg10[%dma_wait3A_262] : memref<10240xf32, #tpu.memory_space<vmem>> -> memref<640xf32, #tpu.memory_space<vmem>>
    %dma_wait3A_264 = tpu.memref_slice %arg12[%dma_wait3A_261, %mul3A_2] : memref<16x10240xf32, #tpu.memory_space<vmem_shared>> -> memref<1x640xf32, #tpu.memory_space<vmem_shared>>
    %dma_wait3A_265 = tpu.memref_squeeze %dma_wait3A_264 : memref<1x640xf32, #tpu.memory_space<vmem_shared>> -> memref<640xf32, #tpu.memory_space<vmem_shared>>
    %dma_wait3A_266 = arith.constant 2560 : i32
    %dma_wait3A_267 = tpu.memref_slice %arg10[%dma_wait3A_266] : memref<10240xf32, #tpu.memory_space<vmem>> -> memref<640xf32, #tpu.memory_space<vmem>>
    %dma_wait3A_268 = tpu.memref_slice %arg12[%dma_wait3A_261, %mul3A_2] : memref<16x10240xf32, #tpu.memory_space<vmem_shared>> -> memref<1x640xf32, #tpu.memory_space<vmem_shared>>
    %dma_wait3A_269 = tpu.memref_squeeze %dma_wait3A_268 : memref<1x640xf32, #tpu.memory_space<vmem_shared>> -> memref<640xf32, #tpu.memory_space<vmem_shared>>
    tpu.wait_dma2 semaphore(%arg14 : memref<!tpu.dma_semaphore, #tpu.memory_space<semaphore_mem>>) src(%dma_wait3A_269 : memref<640xf32, #tpu.memory_space<vmem_shared>>) dst(%dma_wait3A_267 : memref<640xf32, #tpu.memory_space<vmem>>)
    %dma_wait3A_270 = arith.constant 5 : i32
    %dma_wait3A_271 = arith.constant 3200 : i32
    %dma_wait3A_272 = tpu.memref_slice %arg10[%dma_wait3A_271] : memref<10240xf32, #tpu.memory_space<vmem>> -> memref<640xf32, #tpu.memory_space<vmem>>
    %dma_wait3A_273 = tpu.memref_slice %arg12[%dma_wait3A_270, %mul3A_2] : memref<16x10240xf32, #tpu.memory_space<vmem_shared>> -> memref<1x640xf32, #tpu.memory_space<vmem_shared>>
    %dma_wait3A_274 = tpu.memref_squeeze %dma_wait3A_273 : memref<1x640xf32, #tpu.memory_space<vmem_shared>> -> memref<640xf32, #tpu.memory_space<vmem_shared>>
    %dma_wait3A_275 = arith.constant 3200 : i32
    %dma_wait3A_276 = tpu.memref_slice %arg10[%dma_wait3A_275] : memref<10240xf32, #tpu.memory_space<vmem>> -> memref<640xf32, #tpu.memory_space<vmem>>
    %dma_wait3A_277 = tpu.memref_slice %arg12[%dma_wait3A_270, %mul3A_2] : memref<16x10240xf32, #tpu.memory_space<vmem_shared>> -> memref<1x640xf32, #tpu.memory_space<vmem_shared>>
    %dma_wait3A_278 = tpu.memref_squeeze %dma_wait3A_277 : memref<1x640xf32, #tpu.memory_space<vmem_shared>> -> memref<640xf32, #tpu.memory_space<vmem_shared>>
    tpu.wait_dma2 semaphore(%arg14 : memref<!tpu.dma_semaphore, #tpu.memory_space<semaphore_mem>>) src(%dma_wait3A_278 : memref<640xf32, #tpu.memory_space<vmem_shared>>) dst(%dma_wait3A_276 : memref<640xf32, #tpu.memory_space<vmem>>)
    %dma_wait3A_279 = arith.constant 6 : i32
    %dma_wait3A_280 = arith.constant 3840 : i32
    %dma_wait3A_281 = tpu.memref_slice %arg10[%dma_wait3A_280] : memref<10240xf32, #tpu.memory_space<vmem>> -> memref<640xf32, #tpu.memory_space<vmem>>
    %dma_wait3A_282 = tpu.memref_slice %arg12[%dma_wait3A_279, %mul3A_2] : memref<16x10240xf32, #tpu.memory_space<vmem_shared>> -> memref<1x640xf32, #tpu.memory_space<vmem_shared>>
    %dma_wait3A_283 = tpu.memref_squeeze %dma_wait3A_282 : memref<1x640xf32, #tpu.memory_space<vmem_shared>> -> memref<640xf32, #tpu.memory_space<vmem_shared>>
    %dma_wait3A_284 = arith.constant 3840 : i32
    %dma_wait3A_285 = tpu.memref_slice %arg10[%dma_wait3A_284] : memref<10240xf32, #tpu.memory_space<vmem>> -> memref<640xf32, #tpu.memory_space<vmem>>
    %dma_wait3A_286 = tpu.memref_slice %arg12[%dma_wait3A_279, %mul3A_2] : memref<16x10240xf32, #tpu.memory_space<vmem_shared>> -> memref<1x640xf32, #tpu.memory_space<vmem_shared>>
    %dma_wait3A_287 = tpu.memref_squeeze %dma_wait3A_286 : memref<1x640xf32, #tpu.memory_space<vmem_shared>> -> memref<640xf32, #tpu.memory_space<vmem_shared>>
    tpu.wait_dma2 semaphore(%arg14 : memref<!tpu.dma_semaphore, #tpu.memory_space<semaphore_mem>>) src(%dma_wait3A_287 : memref<640xf32, #tpu.memory_space<vmem_shared>>) dst(%dma_wait3A_285 : memref<640xf32, #tpu.memory_space<vmem>>)
    %dma_wait3A_288 = arith.constant 7 : i32
    %dma_wait3A_289 = arith.constant 4480 : i32
    %dma_wait3A_290 = tpu.memref_slice %arg10[%dma_wait3A_289] : memref<10240xf32, #tpu.memory_space<vmem>> -> memref<640xf32, #tpu.memory_space<vmem>>
    %dma_wait3A_291 = tpu.memref_slice %arg12[%dma_wait3A_288, %mul3A_2] : memref<16x10240xf32, #tpu.memory_space<vmem_shared>> -> memref<1x640xf32, #tpu.memory_space<vmem_shared>>
    %dma_wait3A_292 = tpu.memref_squeeze %dma_wait3A_291 : memref<1x640xf32, #tpu.memory_space<vmem_shared>> -> memref<640xf32, #tpu.memory_space<vmem_shared>>
    %dma_wait3A_293 = arith.constant 4480 : i32
    %dma_wait3A_294 = tpu.memref_slice %arg10[%dma_wait3A_293] : memref<10240xf32, #tpu.memory_space<vmem>> -> memref<640xf32, #tpu.memory_space<vmem>>
    %dma_wait3A_295 = tpu.memref_slice %arg12[%dma_wait3A_288, %mul3A_2] : memref<16x10240xf32, #tpu.memory_space<vmem_shared>> -> memref<1x640xf32, #tpu.memory_space<vmem_shared>>
    %dma_wait3A_296 = tpu.memref_squeeze %dma_wait3A_295 : memref<1x640xf32, #tpu.memory_space<vmem_shared>> -> memref<640xf32, #tpu.memory_space<vmem_shared>>
    tpu.wait_dma2 semaphore(%arg14 : memref<!tpu.dma_semaphore, #tpu.memory_space<semaphore_mem>>) src(%dma_wait3A_296 : memref<640xf32, #tpu.memory_space<vmem_shared>>) dst(%dma_wait3A_294 : memref<640xf32, #tpu.memory_space<vmem>>)
    %dma_wait3A_297 = arith.constant 8 : i32
    %dma_wait3A_298 = arith.constant 5120 : i32
    %dma_wait3A_299 = tpu.memref_slice %arg10[%dma_wait3A_298] : memref<10240xf32, #tpu.memory_space<vmem>> -> memref<640xf32, #tpu.memory_space<vmem>>
    %dma_wait3A_300 = tpu.memref_slice %arg12[%dma_wait3A_297, %mul3A_2] : memref<16x10240xf32, #tpu.memory_space<vmem_shared>> -> memref<1x640xf32, #tpu.memory_space<vmem_shared>>
    %dma_wait3A_301 = tpu.memref_squeeze %dma_wait3A_300 : memref<1x640xf32, #tpu.memory_space<vmem_shared>> -> memref<640xf32, #tpu.memory_space<vmem_shared>>
    %dma_wait3A_302 = arith.constant 5120 : i32
    %dma_wait3A_303 = tpu.memref_slice %arg10[%dma_wait3A_302] : memref<10240xf32, #tpu.memory_space<vmem>> -> memref<640xf32, #tpu.memory_space<vmem>>
    %dma_wait3A_304 = tpu.memref_slice %arg12[%dma_wait3A_297, %mul3A_2] : memref<16x10240xf32, #tpu.memory_space<vmem_shared>> -> memref<1x640xf32, #tpu.memory_space<vmem_shared>>
    %dma_wait3A_305 = tpu.memref_squeeze %dma_wait3A_304 : memref<1x640xf32, #tpu.memory_space<vmem_shared>> -> memref<640xf32, #tpu.memory_space<vmem_shared>>
    tpu.wait_dma2 semaphore(%arg14 : memref<!tpu.dma_semaphore, #tpu.memory_space<semaphore_mem>>) src(%dma_wait3A_305 : memref<640xf32, #tpu.memory_space<vmem_shared>>) dst(%dma_wait3A_303 : memref<640xf32, #tpu.memory_space<vmem>>)
    %dma_wait3A_306 = arith.constant 9 : i32
    %dma_wait3A_307 = arith.constant 5760 : i32
    %dma_wait3A_308 = tpu.memref_slice %arg10[%dma_wait3A_307] : memref<10240xf32, #tpu.memory_space<vmem>> -> memref<640xf32, #tpu.memory_space<vmem>>
    %dma_wait3A_309 = tpu.memref_slice %arg12[%dma_wait3A_306, %mul3A_2] : memref<16x10240xf32, #tpu.memory_space<vmem_shared>> -> memref<1x640xf32, #tpu.memory_space<vmem_shared>>
    %dma_wait3A_310 = tpu.memref_squeeze %dma_wait3A_309 : memref<1x640xf32, #tpu.memory_space<vmem_shared>> -> memref<640xf32, #tpu.memory_space<vmem_shared>>
    %dma_wait3A_311 = arith.constant 5760 : i32
    %dma_wait3A_312 = tpu.memref_slice %arg10[%dma_wait3A_311] : memref<10240xf32, #tpu.memory_space<vmem>> -> memref<640xf32, #tpu.memory_space<vmem>>
    %dma_wait3A_313 = tpu.memref_slice %arg12[%dma_wait3A_306, %mul3A_2] : memref<16x10240xf32, #tpu.memory_space<vmem_shared>> -> memref<1x640xf32, #tpu.memory_space<vmem_shared>>
    %dma_wait3A_314 = tpu.memref_squeeze %dma_wait3A_313 : memref<1x640xf32, #tpu.memory_space<vmem_shared>> -> memref<640xf32, #tpu.memory_space<vmem_shared>>
    tpu.wait_dma2 semaphore(%arg14 : memref<!tpu.dma_semaphore, #tpu.memory_space<semaphore_mem>>) src(%dma_wait3A_314 : memref<640xf32, #tpu.memory_space<vmem_shared>>) dst(%dma_wait3A_312 : memref<640xf32, #tpu.memory_space<vmem>>)
    %dma_wait3A_315 = arith.constant 10 : i32
    %dma_wait3A_316 = arith.constant 6400 : i32
    %dma_wait3A_317 = tpu.memref_slice %arg10[%dma_wait3A_316] : memref<10240xf32, #tpu.memory_space<vmem>> -> memref<640xf32, #tpu.memory_space<vmem>>
    %dma_wait3A_318 = tpu.memref_slice %arg12[%dma_wait3A_315, %mul3A_2] : memref<16x10240xf32, #tpu.memory_space<vmem_shared>> -> memref<1x640xf32, #tpu.memory_space<vmem_shared>>
    %dma_wait3A_319 = tpu.memref_squeeze %dma_wait3A_318 : memref<1x640xf32, #tpu.memory_space<vmem_shared>> -> memref<640xf32, #tpu.memory_space<vmem_shared>>
    %dma_wait3A_320 = arith.constant 6400 : i32
    %dma_wait3A_321 = tpu.memref_slice %arg10[%dma_wait3A_320] : memref<10240xf32, #tpu.memory_space<vmem>> -> memref<640xf32, #tpu.memory_space<vmem>>
    %dma_wait3A_322 = tpu.memref_slice %arg12[%dma_wait3A_315, %mul3A_2] : memref<16x10240xf32, #tpu.memory_space<vmem_shared>> -> memref<1x640xf32, #tpu.memory_space<vmem_shared>>
    %dma_wait3A_323 = tpu.memref_squeeze %dma_wait3A_322 : memref<1x640xf32, #tpu.memory_space<vmem_shared>> -> memref<640xf32, #tpu.memory_space<vmem_shared>>
    tpu.wait_dma2 semaphore(%arg14 : memref<!tpu.dma_semaphore, #tpu.memory_space<semaphore_mem>>) src(%dma_wait3A_323 : memref<640xf32, #tpu.memory_space<vmem_shared>>) dst(%dma_wait3A_321 : memref<640xf32, #tpu.memory_space<vmem>>)
    %dma_wait3A_324 = arith.constant 11 : i32
    %dma_wait3A_325 = arith.constant 7040 : i32
    %dma_wait3A_326 = tpu.memref_slice %arg10[%dma_wait3A_325] : memref<10240xf32, #tpu.memory_space<vmem>> -> memref<640xf32, #tpu.memory_space<vmem>>
    %dma_wait3A_327 = tpu.memref_slice %arg12[%dma_wait3A_324, %mul3A_2] : memref<16x10240xf32, #tpu.memory_space<vmem_shared>> -> memref<1x640xf32, #tpu.memory_space<vmem_shared>>
    %dma_wait3A_328 = tpu.memref_squeeze %dma_wait3A_327 : memref<1x640xf32, #tpu.memory_space<vmem_shared>> -> memref<640xf32, #tpu.memory_space<vmem_shared>>
    %dma_wait3A_329 = arith.constant 7040 : i32
    %dma_wait3A_330 = tpu.memref_slice %arg10[%dma_wait3A_329] : memref<10240xf32, #tpu.memory_space<vmem>> -> memref<640xf32, #tpu.memory_space<vmem>>
    %dma_wait3A_331 = tpu.memref_slice %arg12[%dma_wait3A_324, %mul3A_2] : memref<16x10240xf32, #tpu.memory_space<vmem_shared>> -> memref<1x640xf32, #tpu.memory_space<vmem_shared>>
    %dma_wait3A_332 = tpu.memref_squeeze %dma_wait3A_331 : memref<1x640xf32, #tpu.memory_space<vmem_shared>> -> memref<640xf32, #tpu.memory_space<vmem_shared>>
    tpu.wait_dma2 semaphore(%arg14 : memref<!tpu.dma_semaphore, #tpu.memory_space<semaphore_mem>>) src(%dma_wait3A_332 : memref<640xf32, #tpu.memory_space<vmem_shared>>) dst(%dma_wait3A_330 : memref<640xf32, #tpu.memory_space<vmem>>)
    %dma_wait3A_333 = arith.constant 12 : i32
    %dma_wait3A_334 = arith.constant 7680 : i32
    %dma_wait3A_335 = tpu.memref_slice %arg10[%dma_wait3A_334] : memref<10240xf32, #tpu.memory_space<vmem>> -> memref<640xf32, #tpu.memory_space<vmem>>
    %dma_wait3A_336 = tpu.memref_slice %arg12[%dma_wait3A_333, %mul3A_2] : memref<16x10240xf32, #tpu.memory_space<vmem_shared>> -> memref<1x640xf32, #tpu.memory_space<vmem_shared>>
    %dma_wait3A_337 = tpu.memref_squeeze %dma_wait3A_336 : memref<1x640xf32, #tpu.memory_space<vmem_shared>> -> memref<640xf32, #tpu.memory_space<vmem_shared>>
    %dma_wait3A_338 = arith.constant 7680 : i32
    %dma_wait3A_339 = tpu.memref_slice %arg10[%dma_wait3A_338] : memref<10240xf32, #tpu.memory_space<vmem>> -> memref<640xf32, #tpu.memory_space<vmem>>
    %dma_wait3A_340 = tpu.memref_slice %arg12[%dma_wait3A_333, %mul3A_2] : memref<16x10240xf32, #tpu.memory_space<vmem_shared>> -> memref<1x640xf32, #tpu.memory_space<vmem_shared>>
    %dma_wait3A_341 = tpu.memref_squeeze %dma_wait3A_340 : memref<1x640xf32, #tpu.memory_space<vmem_shared>> -> memref<640xf32, #tpu.memory_space<vmem_shared>>
    tpu.wait_dma2 semaphore(%arg14 : memref<!tpu.dma_semaphore, #tpu.memory_space<semaphore_mem>>) src(%dma_wait3A_341 : memref<640xf32, #tpu.memory_space<vmem_shared>>) dst(%dma_wait3A_339 : memref<640xf32, #tpu.memory_space<vmem>>)
    %dma_wait3A_342 = arith.constant 13 : i32
    %dma_wait3A_343 = arith.constant 8320 : i32
    %dma_wait3A_344 = tpu.memref_slice %arg10[%dma_wait3A_343] : memref<10240xf32, #tpu.memory_space<vmem>> -> memref<640xf32, #tpu.memory_space<vmem>>
    %dma_wait3A_345 = tpu.memref_slice %arg12[%dma_wait3A_342, %mul3A_2] : memref<16x10240xf32, #tpu.memory_space<vmem_shared>> -> memref<1x640xf32, #tpu.memory_space<vmem_shared>>
    %dma_wait3A_346 = tpu.memref_squeeze %dma_wait3A_345 : memref<1x640xf32, #tpu.memory_space<vmem_shared>> -> memref<640xf32, #tpu.memory_space<vmem_shared>>
    %dma_wait3A_347 = arith.constant 8320 : i32
    %dma_wait3A_348 = tpu.memref_slice %arg10[%dma_wait3A_347] : memref<10240xf32, #tpu.memory_space<vmem>> -> memref<640xf32, #tpu.memory_space<vmem>>
    %dma_wait3A_349 = tpu.memref_slice %arg12[%dma_wait3A_342, %mul3A_2] : memref<16x10240xf32, #tpu.memory_space<vmem_shared>> -> memref<1x640xf32, #tpu.memory_space<vmem_shared>>
    %dma_wait3A_350 = tpu.memref_squeeze %dma_wait3A_349 : memref<1x640xf32, #tpu.memory_space<vmem_shared>> -> memref<640xf32, #tpu.memory_space<vmem_shared>>
    tpu.wait_dma2 semaphore(%arg14 : memref<!tpu.dma_semaphore, #tpu.memory_space<semaphore_mem>>) src(%dma_wait3A_350 : memref<640xf32, #tpu.memory_space<vmem_shared>>) dst(%dma_wait3A_348 : memref<640xf32, #tpu.memory_space<vmem>>)
    %dma_wait3A_351 = arith.constant 14 : i32
    %dma_wait3A_352 = arith.constant 8960 : i32
    %dma_wait3A_353 = tpu.memref_slice %arg10[%dma_wait3A_352] : memref<10240xf32, #tpu.memory_space<vmem>> -> memref<640xf32, #tpu.memory_space<vmem>>
    %dma_wait3A_354 = tpu.memref_slice %arg12[%dma_wait3A_351, %mul3A_2] : memref<16x10240xf32, #tpu.memory_space<vmem_shared>> -> memref<1x640xf32, #tpu.memory_space<vmem_shared>>
    %dma_wait3A_355 = tpu.memref_squeeze %dma_wait3A_354 : memref<1x640xf32, #tpu.memory_space<vmem_shared>> -> memref<640xf32, #tpu.memory_space<vmem_shared>>
    %dma_wait3A_356 = arith.constant 8960 : i32
    %dma_wait3A_357 = tpu.memref_slice %arg10[%dma_wait3A_356] : memref<10240xf32, #tpu.memory_space<vmem>> -> memref<640xf32, #tpu.memory_space<vmem>>
    %dma_wait3A_358 = tpu.memref_slice %arg12[%dma_wait3A_351, %mul3A_2] : memref<16x10240xf32, #tpu.memory_space<vmem_shared>> -> memref<1x640xf32, #tpu.memory_space<vmem_shared>>
    %dma_wait3A_359 = tpu.memref_squeeze %dma_wait3A_358 : memref<1x640xf32, #tpu.memory_space<vmem_shared>> -> memref<640xf32, #tpu.memory_space<vmem_shared>>
    tpu.wait_dma2 semaphore(%arg14 : memref<!tpu.dma_semaphore, #tpu.memory_space<semaphore_mem>>) src(%dma_wait3A_359 : memref<640xf32, #tpu.memory_space<vmem_shared>>) dst(%dma_wait3A_357 : memref<640xf32, #tpu.memory_space<vmem>>)
    %dma_wait3A_360 = arith.constant 15 : i32
    %dma_wait3A_361 = arith.constant 9600 : i32
    %dma_wait3A_362 = tpu.memref_slice %arg10[%dma_wait3A_361] : memref<10240xf32, #tpu.memory_space<vmem>> -> memref<640xf32, #tpu.memory_space<vmem>>
    %dma_wait3A_363 = tpu.memref_slice %arg12[%dma_wait3A_360, %mul3A_2] : memref<16x10240xf32, #tpu.memory_space<vmem_shared>> -> memref<1x640xf32, #tpu.memory_space<vmem_shared>>
    %dma_wait3A_364 = tpu.memref_squeeze %dma_wait3A_363 : memref<1x640xf32, #tpu.memory_space<vmem_shared>> -> memref<640xf32, #tpu.memory_space<vmem_shared>>
    %dma_wait3A_365 = arith.constant 9600 : i32
    %dma_wait3A_366 = tpu.memref_slice %arg10[%dma_wait3A_365] : memref<10240xf32, #tpu.memory_space<vmem>> -> memref<640xf32, #tpu.memory_space<vmem>>
    %dma_wait3A_367 = tpu.memref_slice %arg12[%dma_wait3A_360, %mul3A_2] : memref<16x10240xf32, #tpu.memory_space<vmem_shared>> -> memref<1x640xf32, #tpu.memory_space<vmem_shared>>
    %dma_wait3A_368 = tpu.memref_squeeze %dma_wait3A_367 : memref<1x640xf32, #tpu.memory_space<vmem_shared>> -> memref<640xf32, #tpu.memory_space<vmem_shared>>
    tpu.wait_dma2 semaphore(%arg14 : memref<!tpu.dma_semaphore, #tpu.memory_space<semaphore_mem>>) src(%dma_wait3A_368 : memref<640xf32, #tpu.memory_space<vmem_shared>>) dst(%dma_wait3A_366 : memref<640xf32, #tpu.memory_space<vmem>>)
    %scan3A_369 = arith.constant 0 : i32
    %scan3A_370 = arith.constant 0 : i32
    %scan3A_371 = arith.constant 40 : i32
    %scan3A_372 = arith.addi %scan3A_370, %scan3A_371 : i32
    %scan3A_373 = arith.constant 1 : i32
    %scan3A_374 = scf.for %scan3A_984 = %scan3A_370 to %scan3A_372 step %scan3A_373 iter_args(%scan3A_985 = %scan3A_369) -> (i32)  : i32 {
      %mul3A_986 = arith.constant 16 : i32
      %mul3A_987 = arith.muli %scan3A_984, %mul3A_986 : i32
      %get3A = arith.index_cast %mul3A_987 : i32 to index
      %get3A_988 = tpu.vector_load %arg10[%get3A] {strides = array<i32>} : memref<10240xf32, #tpu.memory_space<vmem>>, vector<16xf32>,
      %add3A_989 = arith.constant 640 : i32
      %add3A_990 = arith.addi %add3A_989, %mul3A_987 : i32
      %get3A_991 = arith.index_cast %add3A_990 : i32 to index
      %get3A_992 = tpu.vector_load %arg10[%get3A_991] {strides = array<i32>} : memref<10240xf32, #tpu.memory_space<vmem>>, vector<16xf32>,
      %max3A = arith.maximumf %get3A_988, %get3A_992 : vector<16xf32>
      %add3A_993 = arith.constant 1280 : i32
      %add3A_994 = arith.addi %add3A_993, %mul3A_987 : i32
      %get3A_995 = arith.index_cast %add3A_994 : i32 to index
      %get3A_996 = tpu.vector_load %arg10[%get3A_995] {strides = array<i32>} : memref<10240xf32, #tpu.memory_space<vmem>>, vector<16xf32>,
      %max3A_997 = arith.maximumf %max3A, %get3A_996 : vector<16xf32>
      %add3A_998 = arith.constant 1920 : i32
      %add3A_999 = arith.addi %add3A_998, %mul3A_987 : i32
      %get3A_1000 = arith.index_cast %add3A_999 : i32 to index
      %get3A_1001 = tpu.vector_load %arg10[%get3A_1000] {strides = array<i32>} : memref<10240xf32, #tpu.memory_space<vmem>>, vector<16xf32>,
      %max3A_1002 = arith.maximumf %max3A_997, %get3A_1001 : vector<16xf32>
      %add3A_1003 = arith.constant 2560 : i32
      %add3A_1004 = arith.addi %add3A_1003, %mul3A_987 : i32
      %get3A_1005 = arith.index_cast %add3A_1004 : i32 to index
      %get3A_1006 = tpu.vector_load %arg10[%get3A_1005] {strides = array<i32>} : memref<10240xf32, #tpu.memory_space<vmem>>, vector<16xf32>,
      %max3A_1007 = arith.maximumf %max3A_1002, %get3A_1006 : vector<16xf32>
      %add3A_1008 = arith.constant 3200 : i32
      %add3A_1009 = arith.addi %add3A_1008, %mul3A_987 : i32
      %get3A_1010 = arith.index_cast %add3A_1009 : i32 to index
      %get3A_1011 = tpu.vector_load %arg10[%get3A_1010] {strides = array<i32>} : memref<10240xf32, #tpu.memory_space<vmem>>, vector<16xf32>,
      %max3A_1012 = arith.maximumf %max3A_1007, %get3A_1011 : vector<16xf32>
      %add3A_1013 = arith.constant 3840 : i32
      %add3A_1014 = arith.addi %add3A_1013, %mul3A_987 : i32
      %get3A_1015 = arith.index_cast %add3A_1014 : i32 to index
      %get3A_1016 = tpu.vector_load %arg10[%get3A_1015] {strides = array<i32>} : memref<10240xf32, #tpu.memory_space<vmem>>, vector<16xf32>,
      %max3A_1017 = arith.maximumf %max3A_1012, %get3A_1016 : vector<16xf32>
      %add3A_1018 = arith.constant 4480 : i32
      %add3A_1019 = arith.addi %add3A_1018, %mul3A_987 : i32
      %get3A_1020 = arith.index_cast %add3A_1019 : i32 to index
      %get3A_1021 = tpu.vector_load %arg10[%get3A_1020] {strides = array<i32>} : memref<10240xf32, #tpu.memory_space<vmem>>, vector<16xf32>,
      %max3A_1022 = arith.maximumf %max3A_1017, %get3A_1021 : vector<16xf32>
      %add3A_1023 = arith.constant 5120 : i32
      %add3A_1024 = arith.addi %add3A_1023, %mul3A_987 : i32
      %get3A_1025 = arith.index_cast %add3A_1024 : i32 to index
      %get3A_1026 = tpu.vector_load %arg10[%get3A_1025] {strides = array<i32>} : memref<10240xf32, #tpu.memory_space<vmem>>, vector<16xf32>,
      %max3A_1027 = arith.maximumf %max3A_1022, %get3A_1026 : vector<16xf32>
      %add3A_1028 = arith.constant 5760 : i32
      %add3A_1029 = arith.addi %add3A_1028, %mul3A_987 : i32
      %get3A_1030 = arith.index_cast %add3A_1029 : i32 to index
      %get3A_1031 = tpu.vector_load %arg10[%get3A_1030] {strides = array<i32>} : memref<10240xf32, #tpu.memory_space<vmem>>, vector<16xf32>,
      %max3A_1032 = arith.maximumf %max3A_1027, %get3A_1031 : vector<16xf32>
      %add3A_1033 = arith.constant 6400 : i32
      %add3A_1034 = arith.addi %add3A_1033, %mul3A_987 : i32
      %get3A_1035 = arith.index_cast %add3A_1034 : i32 to index
      %get3A_1036 = tpu.vector_load %arg10[%get3A_1035] {strides = array<i32>} : memref<10240xf32, #tpu.memory_space<vmem>>, vector<16xf32>,
      %max3A_1037 = arith.maximumf %max3A_1032, %get3A_1036 : vector<16xf32>
      %add3A_1038 = arith.constant 7040 : i32
      %add3A_1039 = arith.addi %add3A_1038, %mul3A_987 : i32
      %get3A_1040 = arith.index_cast %add3A_1039 : i32 to index
      %get3A_1041 = tpu.vector_load %arg10[%get3A_1040] {strides = array<i32>} : memref<10240xf32, #tpu.memory_space<vmem>>, vector<16xf32>,
      %max3A_1042 = arith.maximumf %max3A_1037, %get3A_1041 : vector<16xf32>
      %add3A_1043 = arith.constant 7680 : i32
      %add3A_1044 = arith.addi %add3A_1043, %mul3A_987 : i32
      %get3A_1045 = arith.index_cast %add3A_1044 : i32 to index
      %get3A_1046 = tpu.vector_load %arg10[%get3A_1045] {strides = array<i32>} : memref<10240xf32, #tpu.memory_space<vmem>>, vector<16xf32>,
      %max3A_1047 = arith.maximumf %max3A_1042, %get3A_1046 : vector<16xf32>
      %add3A_1048 = arith.constant 8320 : i32
      %add3A_1049 = arith.addi %add3A_1048, %mul3A_987 : i32
      %get3A_1050 = arith.index_cast %add3A_1049 : i32 to index
      %get3A_1051 = tpu.vector_load %arg10[%get3A_1050] {strides = array<i32>} : memref<10240xf32, #tpu.memory_space<vmem>>, vector<16xf32>,
      %max3A_1052 = arith.maximumf %max3A_1047, %get3A_1051 : vector<16xf32>
      %add3A_1053 = arith.constant 8960 : i32
      %add3A_1054 = arith.addi %add3A_1053, %mul3A_987 : i32
      %get3A_1055 = arith.index_cast %add3A_1054 : i32 to index
      %get3A_1056 = tpu.vector_load %arg10[%get3A_1055] {strides = array<i32>} : memref<10240xf32, #tpu.memory_space<vmem>>, vector<16xf32>,
      %max3A_1057 = arith.maximumf %max3A_1052, %get3A_1056 : vector<16xf32>
      %add3A_1058 = arith.constant 9600 : i32
      %add3A_1059 = arith.addi %add3A_1058, %mul3A_987 : i32
      %get3A_1060 = arith.index_cast %add3A_1059 : i32 to index
      %get3A_1061 = tpu.vector_load %arg10[%get3A_1060] {strides = array<i32>} : memref<10240xf32, #tpu.memory_space<vmem>>, vector<16xf32>,
      %max3A_1062 = arith.maximumf %max3A_1057, %get3A_1061 : vector<16xf32>
      %swap3A = arith.index_cast %mul3A_987 : i32 to index
      %swap3A_1063 = tpu.vector_load %arg11[%swap3A] {strides = array<i32>} : memref<10240xf32, #tpu.memory_space<vmem>>, vector<16xf32>,
      tpu.vector_store %arg11[%swap3A], %max3A_1062 {strides = array<i32>} : memref<10240xf32, #tpu.memory_space<vmem>>, vector<16xf32>,
      %scan3A_1064 = arith.constant 0 : i32
      scf.yield %scan3A_1064 : i32
    }
    %scan3A_375 = arith.constant 40 : i32
    "tpu.region"() ({
      %run_scoped3A = tpu.sem_alloc : memref<!tpu.dma_semaphore, #tpu.memory_space<semaphore_mem>>
      %dma_start3A_984 = arith.constant 0 : i32
      %dma_start3A_985 = tpu.memref_slice %arg11[%dma_start3A_984] : memref<10240xf32, #tpu.memory_space<vmem>> -> memref<640xf32, #tpu.memory_space<vmem>>
      %dma_start3A_986 = tpu.memref_slice %arg13[%mul3A_2] : memref<10240xf32, #tpu.memory_space<vmem_shared>> -> memref<640xf32, #tpu.memory_space<vmem_shared>>
      %dma_start3A_987 = tpu.memref_slice %arg13[%mul3A_2] : memref<10240xf32, #tpu.memory_space<vmem_shared>> -> memref<640xf32, #tpu.memory_space<vmem_shared>>
      %dma_start3A_988 = arith.constant 0 : i32
      %dma_start3A_989 = tpu.memref_slice %arg11[%dma_start3A_988] : memref<10240xf32, #tpu.memory_space<vmem>> -> memref<640xf32, #tpu.memory_space<vmem>>
      tpu.enqueue_dma source(%dma_start3A_989 : memref<640xf32, #tpu.memory_space<vmem>>) target(%dma_start3A_987 : memref<640xf32, #tpu.memory_space<vmem_shared>>) target_semaphore(%run_scoped3A : memref<!tpu.dma_semaphore, #tpu.memory_space<semaphore_mem>>)
      %dma_wait3A_990 = arith.constant 0 : i32
      %dma_wait3A_991 = tpu.memref_slice %arg11[%dma_wait3A_990] : memref<10240xf32, #tpu.memory_space<vmem>> -> memref<640xf32, #tpu.memory_space<vmem>>
      %dma_wait3A_992 = tpu.memref_slice %arg13[%mul3A_2] : memref<10240xf32, #tpu.memory_space<vmem_shared>> -> memref<640xf32, #tpu.memory_space<vmem_shared>>
      %dma_wait3A_993 = tpu.memref_slice %arg13[%mul3A_2] : memref<10240xf32, #tpu.memory_space<vmem_shared>> -> memref<640xf32, #tpu.memory_space<vmem_shared>>
      %dma_wait3A_994 = arith.constant 0 : i32
      %dma_wait3A_995 = tpu.memref_slice %arg11[%dma_wait3A_994] : memref<10240xf32, #tpu.memory_space<vmem>> -> memref<640xf32, #tpu.memory_space<vmem>>
      tpu.wait_dma2 semaphore(%run_scoped3A : memref<!tpu.dma_semaphore, #tpu.memory_space<semaphore_mem>>) src(%dma_wait3A_995 : memref<640xf32, #tpu.memory_space<vmem>>) dst(%dma_wait3A_993 : memref<640xf32, #tpu.memory_space<vmem_shared>>)
      tpu.yield
    }) : () -> ()
    %barrier3A_376 = arith.constant 0 : index
    tpu.barrier barrier_id(%barrier3A_376)
    "tpu.region"() ({
      %run_scoped3A = tpu.sem_alloc : memref<!tpu.dma_semaphore, #tpu.memory_space<semaphore_mem>>
      tpu.enqueue_dma source(%arg13 : memref<10240xf32, #tpu.memory_space<vmem_shared>>) target(%arg10 : memref<10240xf32, #tpu.memory_space<vmem>>) target_semaphore(%run_scoped3A : memref<!tpu.dma_semaphore, #tpu.memory_space<semaphore_mem>>)
      tpu.wait_dma2 semaphore(%run_scoped3A : memref<!tpu.dma_semaphore, #tpu.memory_space<semaphore_mem>>) src(%arg13 : memref<10240xf32, #tpu.memory_space<vmem_shared>>) dst(%arg10 : memref<10240xf32, #tpu.memory_space<vmem>>)
      tpu.yield
    }) : () -> ()
    "tpu.region"() ({
      %run_scoped3A = tpu.sem_alloc : memref<!tpu.dma_semaphore, #tpu.memory_space<semaphore_mem>>
      tpu.enqueue_dma source(%arg13 : memref<10240xf32, #tpu.memory_space<vmem_shared>>) target(%arg11 : memref<10240xf32, #tpu.memory_space<vmem>>) target_semaphore(%run_scoped3A : memref<!tpu.dma_semaphore, #tpu.memory_space<semaphore_mem>>)
      tpu.wait_dma2 semaphore(%run_scoped3A : memref<!tpu.dma_semaphore, #tpu.memory_space<semaphore_mem>>) src(%arg13 : memref<10240xf32, #tpu.memory_space<vmem_shared>>) dst(%arg11 : memref<10240xf32, #tpu.memory_space<vmem>>)
      tpu.yield
    }) : () -> ()
    %scan3A_377 = arith.constant 0 : i32
    %scan3A_378 = arith.constant 0 : i32
    %scan3A_379 = arith.constant 1250 : i32
    %scan3A_380 = arith.addi %scan3A_378, %scan3A_379 : i32
    %scan3A_381 = arith.constant 1 : i32
    %scan3A_382 = scf.for %scan3A_984 = %scan3A_378 to %scan3A_380 step %scan3A_381 iter_args(%scan3A_985 = %scan3A_377) -> (i32)  : i32 {
      %mul3A_986 = arith.constant 16 : i32
      %mul3A_987 = arith.muli %scan3A_984, %mul3A_986 : i32
      %get3A = arith.index_cast %mul3A_987 : i32 to index
      %get3A_988 = tpu.vector_load %arg7[%get3A] {strides = array<i32>} : memref<20000xi32, #tpu.memory_space<vmem>>, vector<16xi32>,
      %get3A_989 = arith.index_cast %mul3A_987 : i32 to index
      %get3A_990 = tpu.vector_load %arg8[%get3A_989] {strides = array<i32>} : memref<20000xi32, #tpu.memory_space<vmem>>, vector<16xi32>,
      %mul3A_991 = arith.constant 2 : i32
      %mul3A_992 = arith.muli %mul3A_991, %scan3A_984 : i32
      %add3A_993 = vector.broadcast %mul3A_992 : i32 to vector<16xi32>
      %add3A_994 = arith.addi %add3A_993, %select_n3A_56 : vector<16xi32>
      %gather3A = tpu.vector_load_idx %arg9[%add3A_994, %select_n3A_76] : memref<2500x8xf32, #tpu.memory_space<vmem>>[vector<16xi32>, vector<16xi32>], vector<16xf32>,
      %gather3A_995 = tpu.vector_load_idx %arg10[%get3A_988] : memref<10240xf32, #tpu.memory_space<vmem>>[vector<16xi32>], vector<16xf32>,
      %mul3A_996 = arith.mulf %gather3A_995, %gather3A : vector<16xf32>
      %masked_sort3A = arith.constant dense<true> : vector<16xi1>
      %masked_sort3A_997 = arith.constant -2147483648 : i32
      %masked_sort3A_998 = vector.broadcast %masked_sort3A_997 : i32 to vector<16xi32>
      %masked_sort3A_999 = arith.xori %get3A_990, %masked_sort3A_998 : vector<16xi32>
      %masked_sort3A_1000, %masked_sort3A_1001, %masked_sort3A_1002 = tpu.sort %masked_sort3A_999, %mul3A_996 masked %masked_sort3A : (vector<16xi32>, vector<16xf32>, vector<16xi1>) -> (vector<16xi1>, vector<16xi32>, vector<16xf32>)
      %masked_sort3A_1003 = arith.xori %masked_sort3A_1001, %masked_sort3A_998 : vector<16xi32>
      %sub3A_1004 = arith.constant 1 : i32
      %sub3A_1005 = vector.broadcast %sub3A_1004 : i32 to vector<16xi32>
      %sub3A_1006 = arith.subi %iota3A, %sub3A_1005 : vector<16xi32>
      %max3A = arith.constant 0 : i32
      %max3A_1007 = vector.broadcast %max3A : i32 to vector<16xi32>
      %max3A_1008 = arith.maxsi %sub3A_1006, %max3A_1007 : vector<16xi32>
      %lt3A_1009 = arith.constant 0 : i32
      %lt3A_1010 = vector.broadcast %lt3A_1009 : i32 to vector<16xi32>
      %lt3A_1011 = arith.cmpi slt, %max3A_1008, %lt3A_1010 : vector<16xi32>
      %add3A_1012 = arith.constant 16 : i32
      %add3A_1013 = vector.broadcast %add3A_1012 : i32 to vector<16xi32>
      %add3A_1014 = arith.addi %max3A_1008, %add3A_1013 : vector<16xi32>
      %select_n3A_1015 = arith.select %lt3A_1011, %add3A_1014, %max3A_1008 : vector<16xi1>, vector<16xi32>
      %broadcast_in_dim3A = vector.shape_cast %select_n3A_1015 : vector<16xi32> to vector<16x1xi32>
      %gather3A_1016 = vector.shape_cast %broadcast_in_dim3A : vector<16x1xi32> to vector<16xi32>
      %gather3A_1017 = tpu.dynamic_gather %masked_sort3A_1003[%gather3A_1016] in [0] : vector<16xi32>, vector<16xi32> -> vector<16xi32>
      %lt3A_1018 = arith.constant 0 : i32
      %lt3A_1019 = vector.broadcast %lt3A_1018 : i32 to vector<16xi32>
      %lt3A_1020 = arith.cmpi slt, %max3A_1008, %lt3A_1019 : vector<16xi32>
      %add3A_1021 = arith.constant 16 : i32
      %add3A_1022 = vector.broadcast %add3A_1021 : i32 to vector<16xi32>
      %add3A_1023 = arith.addi %max3A_1008, %add3A_1022 : vector<16xi32>
      %select_n3A_1024 = arith.select %lt3A_1020, %add3A_1023, %max3A_1008 : vector<16xi1>, vector<16xi32>
      %broadcast_in_dim3A_1025 = vector.shape_cast %select_n3A_1024 : vector<16xi32> to vector<16x1xi32>
      %gather3A_1026 = vector.shape_cast %broadcast_in_dim3A_1025 : vector<16x1xi32> to vector<16xi32>
      %gather3A_1027 = tpu.dynamic_gather %masked_sort3A_1002[%gather3A_1026] in [0] : vector<16xf32>, vector<16xi32> -> vector<16xf32>
      %ge3A = arith.constant 1 : i32
      %ge3A_1028 = vector.broadcast %ge3A : i32 to vector<16xi32>
      %ge3A_1029 = arith.cmpi sge, %iota3A, %ge3A_1028 : vector<16xi32>
      %eq3A_1030 = arith.cmpi eq, %gather3A_1017, %masked_sort3A_1003 : vector<16xi32>
      %and3A_1031 = arith.andi %ge3A_1029, %eq3A_1030 : vector<16xi1>
      %max3A_1032 = arith.maximumf %masked_sort3A_1002, %gather3A_1027 : vector<16xf32>
      %select_n3A_1033 = arith.select %and3A_1031, %max3A_1032, %masked_sort3A_1002 : vector<16xi1>, vector<16xf32>
      %sub3A_1034 = arith.constant 2 : i32
      %sub3A_1035 = vector.broadcast %sub3A_1034 : i32 to vector<16xi32>
      %sub3A_1036 = arith.subi %iota3A, %sub3A_1035 : vector<16xi32>
      %max3A_1037 = arith.constant 0 : i32
      %max3A_1038 = vector.broadcast %max3A_1037 : i32 to vector<16xi32>
      %max3A_1039 = arith.maxsi %sub3A_1036, %max3A_1038 : vector<16xi32>
      %lt3A_1040 = arith.constant 0 : i32
      %lt3A_1041 = vector.broadcast %lt3A_1040 : i32 to vector<16xi32>
      %lt3A_1042 = arith.cmpi slt, %max3A_1039, %lt3A_1041 : vector<16xi32>
      %add3A_1043 = arith.constant 16 : i32
      %add3A_1044 = vector.broadcast %add3A_1043 : i32 to vector<16xi32>
      %add3A_1045 = arith.addi %max3A_1039, %add3A_1044 : vector<16xi32>
      %select_n3A_1046 = arith.select %lt3A_1042, %add3A_1045, %max3A_1039 : vector<16xi1>, vector<16xi32>
      %broadcast_in_dim3A_1047 = vector.shape_cast %select_n3A_1046 : vector<16xi32> to vector<16x1xi32>
      %gather3A_1048 = vector.shape_cast %broadcast_in_dim3A_1047 : vector<16x1xi32> to vector<16xi32>
      %gather3A_1049 = tpu.dynamic_gather %masked_sort3A_1003[%gather3A_1048] in [0] : vector<16xi32>, vector<16xi32> -> vector<16xi32>
      %lt3A_1050 = arith.constant 0 : i32
      %lt3A_1051 = vector.broadcast %lt3A_1050 : i32 to vector<16xi32>
      %lt3A_1052 = arith.cmpi slt, %max3A_1039, %lt3A_1051 : vector<16xi32>
      %add3A_1053 = arith.constant 16 : i32
      %add3A_1054 = vector.broadcast %add3A_1053 : i32 to vector<16xi32>
      %add3A_1055 = arith.addi %max3A_1039, %add3A_1054 : vector<16xi32>
      %select_n3A_1056 = arith.select %lt3A_1052, %add3A_1055, %max3A_1039 : vector<16xi1>, vector<16xi32>
      %broadcast_in_dim3A_1057 = vector.shape_cast %select_n3A_1056 : vector<16xi32> to vector<16x1xi32>
      %gather3A_1058 = vector.shape_cast %broadcast_in_dim3A_1057 : vector<16x1xi32> to vector<16xi32>
      %gather3A_1059 = tpu.dynamic_gather %select_n3A_1033[%gather3A_1058] in [0] : vector<16xf32>, vector<16xi32> -> vector<16xf32>
      %ge3A_1060 = arith.constant 2 : i32
      %ge3A_1061 = vector.broadcast %ge3A_1060 : i32 to vector<16xi32>
      %ge3A_1062 = arith.cmpi sge, %iota3A, %ge3A_1061 : vector<16xi32>
      %eq3A_1063 = arith.cmpi eq, %gather3A_1049, %masked_sort3A_1003 : vector<16xi32>
      %and3A_1064 = arith.andi %ge3A_1062, %eq3A_1063 : vector<16xi1>
      %max3A_1065 = arith.maximumf %select_n3A_1033, %gather3A_1059 : vector<16xf32>
      %select_n3A_1066 = arith.select %and3A_1064, %max3A_1065, %select_n3A_1033 : vector<16xi1>, vector<16xf32>
      %sub3A_1067 = arith.constant 4 : i32
      %sub3A_1068 = vector.broadcast %sub3A_1067 : i32 to vector<16xi32>
      %sub3A_1069 = arith.subi %iota3A, %sub3A_1068 : vector<16xi32>
      %max3A_1070 = arith.constant 0 : i32
      %max3A_1071 = vector.broadcast %max3A_1070 : i32 to vector<16xi32>
      %max3A_1072 = arith.maxsi %sub3A_1069, %max3A_1071 : vector<16xi32>
      %lt3A_1073 = arith.constant 0 : i32
      %lt3A_1074 = vector.broadcast %lt3A_1073 : i32 to vector<16xi32>
      %lt3A_1075 = arith.cmpi slt, %max3A_1072, %lt3A_1074 : vector<16xi32>
      %add3A_1076 = arith.constant 16 : i32
      %add3A_1077 = vector.broadcast %add3A_1076 : i32 to vector<16xi32>
      %add3A_1078 = arith.addi %max3A_1072, %add3A_1077 : vector<16xi32>
      %select_n3A_1079 = arith.select %lt3A_1075, %add3A_1078, %max3A_1072 : vector<16xi1>, vector<16xi32>
      %broadcast_in_dim3A_1080 = vector.shape_cast %select_n3A_1079 : vector<16xi32> to vector<16x1xi32>
      %gather3A_1081 = vector.shape_cast %broadcast_in_dim3A_1080 : vector<16x1xi32> to vector<16xi32>
      %gather3A_1082 = tpu.dynamic_gather %masked_sort3A_1003[%gather3A_1081] in [0] : vector<16xi32>, vector<16xi32> -> vector<16xi32>
      %lt3A_1083 = arith.constant 0 : i32
      %lt3A_1084 = vector.broadcast %lt3A_1083 : i32 to vector<16xi32>
      %lt3A_1085 = arith.cmpi slt, %max3A_1072, %lt3A_1084 : vector<16xi32>
      %add3A_1086 = arith.constant 16 : i32
      %add3A_1087 = vector.broadcast %add3A_1086 : i32 to vector<16xi32>
      %add3A_1088 = arith.addi %max3A_1072, %add3A_1087 : vector<16xi32>
      %select_n3A_1089 = arith.select %lt3A_1085, %add3A_1088, %max3A_1072 : vector<16xi1>, vector<16xi32>
      %broadcast_in_dim3A_1090 = vector.shape_cast %select_n3A_1089 : vector<16xi32> to vector<16x1xi32>
      %gather3A_1091 = vector.shape_cast %broadcast_in_dim3A_1090 : vector<16x1xi32> to vector<16xi32>
      %gather3A_1092 = tpu.dynamic_gather %select_n3A_1066[%gather3A_1091] in [0] : vector<16xf32>, vector<16xi32> -> vector<16xf32>
      %ge3A_1093 = arith.constant 4 : i32
      %ge3A_1094 = vector.broadcast %ge3A_1093 : i32 to vector<16xi32>
      %ge3A_1095 = arith.cmpi sge, %iota3A, %ge3A_1094 : vector<16xi32>
      %eq3A_1096 = arith.cmpi eq, %gather3A_1082, %masked_sort3A_1003 : vector<16xi32>
      %and3A_1097 = arith.andi %ge3A_1095, %eq3A_1096 : vector<16xi1>
      %max3A_1098 = arith.maximumf %select_n3A_1066, %gather3A_1092 : vector<16xf32>
      %select_n3A_1099 = arith.select %and3A_1097, %max3A_1098, %select_n3A_1066 : vector<16xi1>, vector<16xf32>
      %sub3A_1100 = arith.constant 8 : i32
      %sub3A_1101 = vector.broadcast %sub3A_1100 : i32 to vector<16xi32>
      %sub3A_1102 = arith.subi %iota3A, %sub3A_1101 : vector<16xi32>
      %max3A_1103 = arith.constant 0 : i32
      %max3A_1104 = vector.broadcast %max3A_1103 : i32 to vector<16xi32>
      %max3A_1105 = arith.maxsi %sub3A_1102, %max3A_1104 : vector<16xi32>
      %lt3A_1106 = arith.constant 0 : i32
      %lt3A_1107 = vector.broadcast %lt3A_1106 : i32 to vector<16xi32>
      %lt3A_1108 = arith.cmpi slt, %max3A_1105, %lt3A_1107 : vector<16xi32>
      %add3A_1109 = arith.constant 16 : i32
      %add3A_1110 = vector.broadcast %add3A_1109 : i32 to vector<16xi32>
      %add3A_1111 = arith.addi %max3A_1105, %add3A_1110 : vector<16xi32>
      %select_n3A_1112 = arith.select %lt3A_1108, %add3A_1111, %max3A_1105 : vector<16xi1>, vector<16xi32>
      %broadcast_in_dim3A_1113 = vector.shape_cast %select_n3A_1112 : vector<16xi32> to vector<16x1xi32>
      %gather3A_1114 = vector.shape_cast %broadcast_in_dim3A_1113 : vector<16x1xi32> to vector<16xi32>
      %gather3A_1115 = tpu.dynamic_gather %masked_sort3A_1003[%gather3A_1114] in [0] : vector<16xi32>, vector<16xi32> -> vector<16xi32>
      %lt3A_1116 = arith.constant 0 : i32
      %lt3A_1117 = vector.broadcast %lt3A_1116 : i32 to vector<16xi32>
      %lt3A_1118 = arith.cmpi slt, %max3A_1105, %lt3A_1117 : vector<16xi32>
      %add3A_1119 = arith.constant 16 : i32
      %add3A_1120 = vector.broadcast %add3A_1119 : i32 to vector<16xi32>
      %add3A_1121 = arith.addi %max3A_1105, %add3A_1120 : vector<16xi32>
      %select_n3A_1122 = arith.select %lt3A_1118, %add3A_1121, %max3A_1105 : vector<16xi1>, vector<16xi32>
      %broadcast_in_dim3A_1123 = vector.shape_cast %select_n3A_1122 : vector<16xi32> to vector<16x1xi32>
      %gather3A_1124 = vector.shape_cast %broadcast_in_dim3A_1123 : vector<16x1xi32> to vector<16xi32>
      %gather3A_1125 = tpu.dynamic_gather %select_n3A_1099[%gather3A_1124] in [0] : vector<16xf32>, vector<16xi32> -> vector<16xf32>
      %ge3A_1126 = arith.constant 8 : i32
      %ge3A_1127 = vector.broadcast %ge3A_1126 : i32 to vector<16xi32>
      %ge3A_1128 = arith.cmpi sge, %iota3A, %ge3A_1127 : vector<16xi32>
      %eq3A_1129 = arith.cmpi eq, %gather3A_1115, %masked_sort3A_1003 : vector<16xi32>
      %and3A_1130 = arith.andi %ge3A_1128, %eq3A_1129 : vector<16xi1>
      %max3A_1131 = arith.maximumf %select_n3A_1099, %gather3A_1125 : vector<16xf32>
      %select_n3A_1132 = arith.select %and3A_1130, %max3A_1131, %select_n3A_1099 : vector<16xi1>, vector<16xf32>
      %add3A_1133 = arith.constant 1 : i32
      %add3A_1134 = vector.broadcast %add3A_1133 : i32 to vector<16xi32>
      %add3A_1135 = arith.addi %iota3A, %add3A_1134 : vector<16xi32>
      %min3A = arith.constant 15 : i32
      %min3A_1136 = vector.broadcast %min3A : i32 to vector<16xi32>
      %min3A_1137 = arith.minsi %add3A_1135, %min3A_1136 : vector<16xi32>
      %lt3A_1138 = arith.constant 0 : i32
      %lt3A_1139 = vector.broadcast %lt3A_1138 : i32 to vector<16xi32>
      %lt3A_1140 = arith.cmpi slt, %min3A_1137, %lt3A_1139 : vector<16xi32>
      %add3A_1141 = arith.constant 16 : i32
      %add3A_1142 = vector.broadcast %add3A_1141 : i32 to vector<16xi32>
      %add3A_1143 = arith.addi %min3A_1137, %add3A_1142 : vector<16xi32>
      %select_n3A_1144 = arith.select %lt3A_1140, %add3A_1143, %min3A_1137 : vector<16xi1>, vector<16xi32>
      %broadcast_in_dim3A_1145 = vector.shape_cast %select_n3A_1144 : vector<16xi32> to vector<16x1xi32>
      %gather3A_1146 = vector.shape_cast %broadcast_in_dim3A_1145 : vector<16x1xi32> to vector<16xi32>
      %gather3A_1147 = tpu.dynamic_gather %masked_sort3A_1003[%gather3A_1146] in [0] : vector<16xi32>, vector<16xi32> -> vector<16xi32>
      %eq3A_1148 = arith.constant 15 : i32
      %eq3A_1149 = vector.broadcast %eq3A_1148 : i32 to vector<16xi32>
      %eq3A_1150 = arith.cmpi eq, %iota3A, %eq3A_1149 : vector<16xi32>
      %ne3A_1151 = arith.cmpi ne, %gather3A_1147, %masked_sort3A_1003 : vector<16xi32>
      %or3A = arith.ori %eq3A_1150, %ne3A_1151 : vector<16xi1>
      %gather3A_1152 = tpu.vector_load_idx %arg11[%masked_sort3A_1003] masked %or3A : memref<10240xf32, #tpu.memory_space<vmem>>[vector<16xi32>], vector<16xf32>, vector<16xi1>
      %max3A_1153 = arith.maximumf %select_n3A_1132, %gather3A_1152 : vector<16xf32>
      tpu.vector_store_idx %arg11[%masked_sort3A_1003], %max3A_1153 masked %or3A : memref<10240xf32, #tpu.memory_space<vmem>>[vector<16xi32>], vector<16xf32>, vector<16xi1>
      %scan3A_1154 = arith.constant 0 : i32
      scf.yield %scan3A_1154 : i32
    }
    %scan3A_383 = arith.constant 1250 : i32
    "tpu.region"() ({
      %run_scoped3A = tpu.sem_alloc : memref<!tpu.dma_semaphore, #tpu.memory_space<semaphore_mem>>
      %dma_start3A_984 = arith.constant 0 : i32
      %dma_start3A_985 = tpu.memref_slice %arg12[%arg1, %dma_start3A_984] : memref<16x10240xf32, #tpu.memory_space<vmem_shared>> -> memref<1x10240xf32, #tpu.memory_space<vmem_shared>>
      %dma_start3A_986 = tpu.memref_squeeze %dma_start3A_985 : memref<1x10240xf32, #tpu.memory_space<vmem_shared>> -> memref<10240xf32, #tpu.memory_space<vmem_shared>>
      %dma_start3A_987 = arith.constant 0 : i32
      %dma_start3A_988 = tpu.memref_slice %arg12[%arg1, %dma_start3A_987] : memref<16x10240xf32, #tpu.memory_space<vmem_shared>> -> memref<1x10240xf32, #tpu.memory_space<vmem_shared>>
      %dma_start3A_989 = tpu.memref_squeeze %dma_start3A_988 : memref<1x10240xf32, #tpu.memory_space<vmem_shared>> -> memref<10240xf32, #tpu.memory_space<vmem_shared>>
      tpu.enqueue_dma source(%arg11 : memref<10240xf32, #tpu.memory_space<vmem>>) target(%dma_start3A_989 : memref<10240xf32, #tpu.memory_space<vmem_shared>>) target_semaphore(%run_scoped3A : memref<!tpu.dma_semaphore, #tpu.memory_space<semaphore_mem>>)
      %dma_wait3A_990 = arith.constant 0 : i32
      %dma_wait3A_991 = tpu.memref_slice %arg12[%arg1, %dma_wait3A_990] : memref<16x10240xf32, #tpu.memory_space<vmem_shared>> -> memref<1x10240xf32, #tpu.memory_space<vmem_shared>>
      %dma_wait3A_992 = tpu.memref_squeeze %dma_wait3A_991 : memref<1x10240xf32, #tpu.memory_space<vmem_shared>> -> memref<10240xf32, #tpu.memory_space<vmem_shared>>
      %dma_wait3A_993 = arith.constant 0 : i32
      %dma_wait3A_994 = tpu.memref_slice %arg12[%arg1, %dma_wait3A_993] : memref<16x10240xf32, #tpu.memory_space<vmem_shared>> -> memref<1x10240xf32, #tpu.memory_space<vmem_shared>>
      %dma_wait3A_995 = tpu.memref_squeeze %dma_wait3A_994 : memref<1x10240xf32, #tpu.memory_space<vmem_shared>> -> memref<10240xf32, #tpu.memory_space<vmem_shared>>
      tpu.wait_dma2 semaphore(%run_scoped3A : memref<!tpu.dma_semaphore, #tpu.memory_space<semaphore_mem>>) src(%arg11 : memref<10240xf32, #tpu.memory_space<vmem>>) dst(%dma_wait3A_995 : memref<10240xf32, #tpu.memory_space<vmem_shared>>)
      tpu.yield
    }) : () -> ()
    %barrier3A_384 = arith.constant 0 : index
    tpu.barrier barrier_id(%barrier3A_384)
    %dma_start3A_385 = arith.constant 0 : i32
    %dma_start3A_386 = arith.constant 0 : i32
    %dma_start3A_387 = tpu.memref_slice %arg10[%dma_start3A_386] : memref<10240xf32, #tpu.memory_space<vmem>> -> memref<640xf32, #tpu.memory_space<vmem>>
    %dma_start3A_388 = tpu.memref_slice %arg12[%dma_start3A_385, %mul3A_2] : memref<16x10240xf32, #tpu.memory_space<vmem_shared>> -> memref<1x640xf32, #tpu.memory_space<vmem_shared>>
    %dma_start3A_389 = tpu.memref_squeeze %dma_start3A_388 : memref<1x640xf32, #tpu.memory_space<vmem_shared>> -> memref<640xf32, #tpu.memory_space<vmem_shared>>
    %dma_start3A_390 = arith.constant 0 : i32
    %dma_start3A_391 = tpu.memref_slice %arg10[%dma_start3A_390] : memref<10240xf32, #tpu.memory_space<vmem>> -> memref<640xf32, #tpu.memory_space<vmem>>
    %dma_start3A_392 = tpu.memref_slice %arg12[%dma_start3A_385, %mul3A_2] : memref<16x10240xf32, #tpu.memory_space<vmem_shared>> -> memref<1x640xf32, #tpu.memory_space<vmem_shared>>
    %dma_start3A_393 = tpu.memref_squeeze %dma_start3A_392 : memref<1x640xf32, #tpu.memory_space<vmem_shared>> -> memref<640xf32, #tpu.memory_space<vmem_shared>>
    tpu.enqueue_dma source(%dma_start3A_393 : memref<640xf32, #tpu.memory_space<vmem_shared>>) target(%dma_start3A_391 : memref<640xf32, #tpu.memory_space<vmem>>) target_semaphore(%arg14 : memref<!tpu.dma_semaphore, #tpu.memory_space<semaphore_mem>>)
    %dma_start3A_394 = arith.constant 1 : i32
    %dma_start3A_395 = arith.constant 640 : i32
    %dma_start3A_396 = tpu.memref_slice %arg10[%dma_start3A_395] : memref<10240xf32, #tpu.memory_space<vmem>> -> memref<640xf32, #tpu.memory_space<vmem>>
    %dma_start3A_397 = tpu.memref_slice %arg12[%dma_start3A_394, %mul3A_2] : memref<16x10240xf32, #tpu.memory_space<vmem_shared>> -> memref<1x640xf32, #tpu.memory_space<vmem_shared>>
    %dma_start3A_398 = tpu.memref_squeeze %dma_start3A_397 : memref<1x640xf32, #tpu.memory_space<vmem_shared>> -> memref<640xf32, #tpu.memory_space<vmem_shared>>
    %dma_start3A_399 = arith.constant 640 : i32
    %dma_start3A_400 = tpu.memref_slice %arg10[%dma_start3A_399] : memref<10240xf32, #tpu.memory_space<vmem>> -> memref<640xf32, #tpu.memory_space<vmem>>
    %dma_start3A_401 = tpu.memref_slice %arg12[%dma_start3A_394, %mul3A_2] : memref<16x10240xf32, #tpu.memory_space<vmem_shared>> -> memref<1x640xf32, #tpu.memory_space<vmem_shared>>
    %dma_start3A_402 = tpu.memref_squeeze %dma_start3A_401 : memref<1x640xf32, #tpu.memory_space<vmem_shared>> -> memref<640xf32, #tpu.memory_space<vmem_shared>>
    tpu.enqueue_dma source(%dma_start3A_402 : memref<640xf32, #tpu.memory_space<vmem_shared>>) target(%dma_start3A_400 : memref<640xf32, #tpu.memory_space<vmem>>) target_semaphore(%arg14 : memref<!tpu.dma_semaphore, #tpu.memory_space<semaphore_mem>>)
    %dma_start3A_403 = arith.constant 2 : i32
    %dma_start3A_404 = arith.constant 1280 : i32
    %dma_start3A_405 = tpu.memref_slice %arg10[%dma_start3A_404] : memref<10240xf32, #tpu.memory_space<vmem>> -> memref<640xf32, #tpu.memory_space<vmem>>
    %dma_start3A_406 = tpu.memref_slice %arg12[%dma_start3A_403, %mul3A_2] : memref<16x10240xf32, #tpu.memory_space<vmem_shared>> -> memref<1x640xf32, #tpu.memory_space<vmem_shared>>
    %dma_start3A_407 = tpu.memref_squeeze %dma_start3A_406 : memref<1x640xf32, #tpu.memory_space<vmem_shared>> -> memref<640xf32, #tpu.memory_space<vmem_shared>>
    %dma_start3A_408 = arith.constant 1280 : i32
    %dma_start3A_409 = tpu.memref_slice %arg10[%dma_start3A_408] : memref<10240xf32, #tpu.memory_space<vmem>> -> memref<640xf32, #tpu.memory_space<vmem>>
    %dma_start3A_410 = tpu.memref_slice %arg12[%dma_start3A_403, %mul3A_2] : memref<16x10240xf32, #tpu.memory_space<vmem_shared>> -> memref<1x640xf32, #tpu.memory_space<vmem_shared>>
    %dma_start3A_411 = tpu.memref_squeeze %dma_start3A_410 : memref<1x640xf32, #tpu.memory_space<vmem_shared>> -> memref<640xf32, #tpu.memory_space<vmem_shared>>
    tpu.enqueue_dma source(%dma_start3A_411 : memref<640xf32, #tpu.memory_space<vmem_shared>>) target(%dma_start3A_409 : memref<640xf32, #tpu.memory_space<vmem>>) target_semaphore(%arg14 : memref<!tpu.dma_semaphore, #tpu.memory_space<semaphore_mem>>)
    %dma_start3A_412 = arith.constant 3 : i32
    %dma_start3A_413 = arith.constant 1920 : i32
    %dma_start3A_414 = tpu.memref_slice %arg10[%dma_start3A_413] : memref<10240xf32, #tpu.memory_space<vmem>> -> memref<640xf32, #tpu.memory_space<vmem>>
    %dma_start3A_415 = tpu.memref_slice %arg12[%dma_start3A_412, %mul3A_2] : memref<16x10240xf32, #tpu.memory_space<vmem_shared>> -> memref<1x640xf32, #tpu.memory_space<vmem_shared>>
    %dma_start3A_416 = tpu.memref_squeeze %dma_start3A_415 : memref<1x640xf32, #tpu.memory_space<vmem_shared>> -> memref<640xf32, #tpu.memory_space<vmem_shared>>
    %dma_start3A_417 = arith.constant 1920 : i32
    %dma_start3A_418 = tpu.memref_slice %arg10[%dma_start3A_417] : memref<10240xf32, #tpu.memory_space<vmem>> -> memref<640xf32, #tpu.memory_space<vmem>>
    %dma_start3A_419 = tpu.memref_slice %arg12[%dma_start3A_412, %mul3A_2] : memref<16x10240xf32, #tpu.memory_space<vmem_shared>> -> memref<1x640xf32, #tpu.memory_space<vmem_shared>>
    %dma_start3A_420 = tpu.memref_squeeze %dma_start3A_419 : memref<1x640xf32, #tpu.memory_space<vmem_shared>> -> memref<640xf32, #tpu.memory_space<vmem_shared>>
    tpu.enqueue_dma source(%dma_start3A_420 : memref<640xf32, #tpu.memory_space<vmem_shared>>) target(%dma_start3A_418 : memref<640xf32, #tpu.memory_space<vmem>>) target_semaphore(%arg14 : memref<!tpu.dma_semaphore, #tpu.memory_space<semaphore_mem>>)
    %dma_start3A_421 = arith.constant 4 : i32
    %dma_start3A_422 = arith.constant 2560 : i32
    %dma_start3A_423 = tpu.memref_slice %arg10[%dma_start3A_422] : memref<10240xf32, #tpu.memory_space<vmem>> -> memref<640xf32, #tpu.memory_space<vmem>>
    %dma_start3A_424 = tpu.memref_slice %arg12[%dma_start3A_421, %mul3A_2] : memref<16x10240xf32, #tpu.memory_space<vmem_shared>> -> memref<1x640xf32, #tpu.memory_space<vmem_shared>>
    %dma_start3A_425 = tpu.memref_squeeze %dma_start3A_424 : memref<1x640xf32, #tpu.memory_space<vmem_shared>> -> memref<640xf32, #tpu.memory_space<vmem_shared>>
    %dma_start3A_426 = arith.constant 2560 : i32
    %dma_start3A_427 = tpu.memref_slice %arg10[%dma_start3A_426] : memref<10240xf32, #tpu.memory_space<vmem>> -> memref<640xf32, #tpu.memory_space<vmem>>
    %dma_start3A_428 = tpu.memref_slice %arg12[%dma_start3A_421, %mul3A_2] : memref<16x10240xf32, #tpu.memory_space<vmem_shared>> -> memref<1x640xf32, #tpu.memory_space<vmem_shared>>
    %dma_start3A_429 = tpu.memref_squeeze %dma_start3A_428 : memref<1x640xf32, #tpu.memory_space<vmem_shared>> -> memref<640xf32, #tpu.memory_space<vmem_shared>>
    tpu.enqueue_dma source(%dma_start3A_429 : memref<640xf32, #tpu.memory_space<vmem_shared>>) target(%dma_start3A_427 : memref<640xf32, #tpu.memory_space<vmem>>) target_semaphore(%arg14 : memref<!tpu.dma_semaphore, #tpu.memory_space<semaphore_mem>>)
    %dma_start3A_430 = arith.constant 5 : i32
    %dma_start3A_431 = arith.constant 3200 : i32
    %dma_start3A_432 = tpu.memref_slice %arg10[%dma_start3A_431] : memref<10240xf32, #tpu.memory_space<vmem>> -> memref<640xf32, #tpu.memory_space<vmem>>
    %dma_start3A_433 = tpu.memref_slice %arg12[%dma_start3A_430, %mul3A_2] : memref<16x10240xf32, #tpu.memory_space<vmem_shared>> -> memref<1x640xf32, #tpu.memory_space<vmem_shared>>
    %dma_start3A_434 = tpu.memref_squeeze %dma_start3A_433 : memref<1x640xf32, #tpu.memory_space<vmem_shared>> -> memref<640xf32, #tpu.memory_space<vmem_shared>>
    %dma_start3A_435 = arith.constant 3200 : i32
    %dma_start3A_436 = tpu.memref_slice %arg10[%dma_start3A_435] : memref<10240xf32, #tpu.memory_space<vmem>> -> memref<640xf32, #tpu.memory_space<vmem>>
    %dma_start3A_437 = tpu.memref_slice %arg12[%dma_start3A_430, %mul3A_2] : memref<16x10240xf32, #tpu.memory_space<vmem_shared>> -> memref<1x640xf32, #tpu.memory_space<vmem_shared>>
    %dma_start3A_438 = tpu.memref_squeeze %dma_start3A_437 : memref<1x640xf32, #tpu.memory_space<vmem_shared>> -> memref<640xf32, #tpu.memory_space<vmem_shared>>
    tpu.enqueue_dma source(%dma_start3A_438 : memref<640xf32, #tpu.memory_space<vmem_shared>>) target(%dma_start3A_436 : memref<640xf32, #tpu.memory_space<vmem>>) target_semaphore(%arg14 : memref<!tpu.dma_semaphore, #tpu.memory_space<semaphore_mem>>)
    %dma_start3A_439 = arith.constant 6 : i32
    %dma_start3A_440 = arith.constant 3840 : i32
    %dma_start3A_441 = tpu.memref_slice %arg10[%dma_start3A_440] : memref<10240xf32, #tpu.memory_space<vmem>> -> memref<640xf32, #tpu.memory_space<vmem>>
    %dma_start3A_442 = tpu.memref_slice %arg12[%dma_start3A_439, %mul3A_2] : memref<16x10240xf32, #tpu.memory_space<vmem_shared>> -> memref<1x640xf32, #tpu.memory_space<vmem_shared>>
    %dma_start3A_443 = tpu.memref_squeeze %dma_start3A_442 : memref<1x640xf32, #tpu.memory_space<vmem_shared>> -> memref<640xf32, #tpu.memory_space<vmem_shared>>
    %dma_start3A_444 = arith.constant 3840 : i32
    %dma_start3A_445 = tpu.memref_slice %arg10[%dma_start3A_444] : memref<10240xf32, #tpu.memory_space<vmem>> -> memref<640xf32, #tpu.memory_space<vmem>>
    %dma_start3A_446 = tpu.memref_slice %arg12[%dma_start3A_439, %mul3A_2] : memref<16x10240xf32, #tpu.memory_space<vmem_shared>> -> memref<1x640xf32, #tpu.memory_space<vmem_shared>>
    %dma_start3A_447 = tpu.memref_squeeze %dma_start3A_446 : memref<1x640xf32, #tpu.memory_space<vmem_shared>> -> memref<640xf32, #tpu.memory_space<vmem_shared>>
    tpu.enqueue_dma source(%dma_start3A_447 : memref<640xf32, #tpu.memory_space<vmem_shared>>) target(%dma_start3A_445 : memref<640xf32, #tpu.memory_space<vmem>>) target_semaphore(%arg14 : memref<!tpu.dma_semaphore, #tpu.memory_space<semaphore_mem>>)
    %dma_start3A_448 = arith.constant 7 : i32
    %dma_start3A_449 = arith.constant 4480 : i32
    %dma_start3A_450 = tpu.memref_slice %arg10[%dma_start3A_449] : memref<10240xf32, #tpu.memory_space<vmem>> -> memref<640xf32, #tpu.memory_space<vmem>>
    %dma_start3A_451 = tpu.memref_slice %arg12[%dma_start3A_448, %mul3A_2] : memref<16x10240xf32, #tpu.memory_space<vmem_shared>> -> memref<1x640xf32, #tpu.memory_space<vmem_shared>>
    %dma_start3A_452 = tpu.memref_squeeze %dma_start3A_451 : memref<1x640xf32, #tpu.memory_space<vmem_shared>> -> memref<640xf32, #tpu.memory_space<vmem_shared>>
    %dma_start3A_453 = arith.constant 4480 : i32
    %dma_start3A_454 = tpu.memref_slice %arg10[%dma_start3A_453] : memref<10240xf32, #tpu.memory_space<vmem>> -> memref<640xf32, #tpu.memory_space<vmem>>
    %dma_start3A_455 = tpu.memref_slice %arg12[%dma_start3A_448, %mul3A_2] : memref<16x10240xf32, #tpu.memory_space<vmem_shared>> -> memref<1x640xf32, #tpu.memory_space<vmem_shared>>
    %dma_start3A_456 = tpu.memref_squeeze %dma_start3A_455 : memref<1x640xf32, #tpu.memory_space<vmem_shared>> -> memref<640xf32, #tpu.memory_space<vmem_shared>>
    tpu.enqueue_dma source(%dma_start3A_456 : memref<640xf32, #tpu.memory_space<vmem_shared>>) target(%dma_start3A_454 : memref<640xf32, #tpu.memory_space<vmem>>) target_semaphore(%arg14 : memref<!tpu.dma_semaphore, #tpu.memory_space<semaphore_mem>>)
    %dma_start3A_457 = arith.constant 8 : i32
    %dma_start3A_458 = arith.constant 5120 : i32
    %dma_start3A_459 = tpu.memref_slice %arg10[%dma_start3A_458] : memref<10240xf32, #tpu.memory_space<vmem>> -> memref<640xf32, #tpu.memory_space<vmem>>
    %dma_start3A_460 = tpu.memref_slice %arg12[%dma_start3A_457, %mul3A_2] : memref<16x10240xf32, #tpu.memory_space<vmem_shared>> -> memref<1x640xf32, #tpu.memory_space<vmem_shared>>
    %dma_start3A_461 = tpu.memref_squeeze %dma_start3A_460 : memref<1x640xf32, #tpu.memory_space<vmem_shared>> -> memref<640xf32, #tpu.memory_space<vmem_shared>>
    %dma_start3A_462 = arith.constant 5120 : i32
    %dma_start3A_463 = tpu.memref_slice %arg10[%dma_start3A_462] : memref<10240xf32, #tpu.memory_space<vmem>> -> memref<640xf32, #tpu.memory_space<vmem>>
    %dma_start3A_464 = tpu.memref_slice %arg12[%dma_start3A_457, %mul3A_2] : memref<16x10240xf32, #tpu.memory_space<vmem_shared>> -> memref<1x640xf32, #tpu.memory_space<vmem_shared>>
    %dma_start3A_465 = tpu.memref_squeeze %dma_start3A_464 : memref<1x640xf32, #tpu.memory_space<vmem_shared>> -> memref<640xf32, #tpu.memory_space<vmem_shared>>
    tpu.enqueue_dma source(%dma_start3A_465 : memref<640xf32, #tpu.memory_space<vmem_shared>>) target(%dma_start3A_463 : memref<640xf32, #tpu.memory_space<vmem>>) target_semaphore(%arg14 : memref<!tpu.dma_semaphore, #tpu.memory_space<semaphore_mem>>)
    %dma_start3A_466 = arith.constant 9 : i32
    %dma_start3A_467 = arith.constant 5760 : i32
    %dma_start3A_468 = tpu.memref_slice %arg10[%dma_start3A_467] : memref<10240xf32, #tpu.memory_space<vmem>> -> memref<640xf32, #tpu.memory_space<vmem>>
    %dma_start3A_469 = tpu.memref_slice %arg12[%dma_start3A_466, %mul3A_2] : memref<16x10240xf32, #tpu.memory_space<vmem_shared>> -> memref<1x640xf32, #tpu.memory_space<vmem_shared>>
    %dma_start3A_470 = tpu.memref_squeeze %dma_start3A_469 : memref<1x640xf32, #tpu.memory_space<vmem_shared>> -> memref<640xf32, #tpu.memory_space<vmem_shared>>
    %dma_start3A_471 = arith.constant 5760 : i32
    %dma_start3A_472 = tpu.memref_slice %arg10[%dma_start3A_471] : memref<10240xf32, #tpu.memory_space<vmem>> -> memref<640xf32, #tpu.memory_space<vmem>>
    %dma_start3A_473 = tpu.memref_slice %arg12[%dma_start3A_466, %mul3A_2] : memref<16x10240xf32, #tpu.memory_space<vmem_shared>> -> memref<1x640xf32, #tpu.memory_space<vmem_shared>>
    %dma_start3A_474 = tpu.memref_squeeze %dma_start3A_473 : memref<1x640xf32, #tpu.memory_space<vmem_shared>> -> memref<640xf32, #tpu.memory_space<vmem_shared>>
    tpu.enqueue_dma source(%dma_start3A_474 : memref<640xf32, #tpu.memory_space<vmem_shared>>) target(%dma_start3A_472 : memref<640xf32, #tpu.memory_space<vmem>>) target_semaphore(%arg14 : memref<!tpu.dma_semaphore, #tpu.memory_space<semaphore_mem>>)
    %dma_start3A_475 = arith.constant 10 : i32
    %dma_start3A_476 = arith.constant 6400 : i32
    %dma_start3A_477 = tpu.memref_slice %arg10[%dma_start3A_476] : memref<10240xf32, #tpu.memory_space<vmem>> -> memref<640xf32, #tpu.memory_space<vmem>>
    %dma_start3A_478 = tpu.memref_slice %arg12[%dma_start3A_475, %mul3A_2] : memref<16x10240xf32, #tpu.memory_space<vmem_shared>> -> memref<1x640xf32, #tpu.memory_space<vmem_shared>>
    %dma_start3A_479 = tpu.memref_squeeze %dma_start3A_478 : memref<1x640xf32, #tpu.memory_space<vmem_shared>> -> memref<640xf32, #tpu.memory_space<vmem_shared>>
    %dma_start3A_480 = arith.constant 6400 : i32
    %dma_start3A_481 = tpu.memref_slice %arg10[%dma_start3A_480] : memref<10240xf32, #tpu.memory_space<vmem>> -> memref<640xf32, #tpu.memory_space<vmem>>
    %dma_start3A_482 = tpu.memref_slice %arg12[%dma_start3A_475, %mul3A_2] : memref<16x10240xf32, #tpu.memory_space<vmem_shared>> -> memref<1x640xf32, #tpu.memory_space<vmem_shared>>
    %dma_start3A_483 = tpu.memref_squeeze %dma_start3A_482 : memref<1x640xf32, #tpu.memory_space<vmem_shared>> -> memref<640xf32, #tpu.memory_space<vmem_shared>>
    tpu.enqueue_dma source(%dma_start3A_483 : memref<640xf32, #tpu.memory_space<vmem_shared>>) target(%dma_start3A_481 : memref<640xf32, #tpu.memory_space<vmem>>) target_semaphore(%arg14 : memref<!tpu.dma_semaphore, #tpu.memory_space<semaphore_mem>>)
    %dma_start3A_484 = arith.constant 11 : i32
    %dma_start3A_485 = arith.constant 7040 : i32
    %dma_start3A_486 = tpu.memref_slice %arg10[%dma_start3A_485] : memref<10240xf32, #tpu.memory_space<vmem>> -> memref<640xf32, #tpu.memory_space<vmem>>
    %dma_start3A_487 = tpu.memref_slice %arg12[%dma_start3A_484, %mul3A_2] : memref<16x10240xf32, #tpu.memory_space<vmem_shared>> -> memref<1x640xf32, #tpu.memory_space<vmem_shared>>
    %dma_start3A_488 = tpu.memref_squeeze %dma_start3A_487 : memref<1x640xf32, #tpu.memory_space<vmem_shared>> -> memref<640xf32, #tpu.memory_space<vmem_shared>>
    %dma_start3A_489 = arith.constant 7040 : i32
    %dma_start3A_490 = tpu.memref_slice %arg10[%dma_start3A_489] : memref<10240xf32, #tpu.memory_space<vmem>> -> memref<640xf32, #tpu.memory_space<vmem>>
    %dma_start3A_491 = tpu.memref_slice %arg12[%dma_start3A_484, %mul3A_2] : memref<16x10240xf32, #tpu.memory_space<vmem_shared>> -> memref<1x640xf32, #tpu.memory_space<vmem_shared>>
    %dma_start3A_492 = tpu.memref_squeeze %dma_start3A_491 : memref<1x640xf32, #tpu.memory_space<vmem_shared>> -> memref<640xf32, #tpu.memory_space<vmem_shared>>
    tpu.enqueue_dma source(%dma_start3A_492 : memref<640xf32, #tpu.memory_space<vmem_shared>>) target(%dma_start3A_490 : memref<640xf32, #tpu.memory_space<vmem>>) target_semaphore(%arg14 : memref<!tpu.dma_semaphore, #tpu.memory_space<semaphore_mem>>)
    %dma_start3A_493 = arith.constant 12 : i32
    %dma_start3A_494 = arith.constant 7680 : i32
    %dma_start3A_495 = tpu.memref_slice %arg10[%dma_start3A_494] : memref<10240xf32, #tpu.memory_space<vmem>> -> memref<640xf32, #tpu.memory_space<vmem>>
    %dma_start3A_496 = tpu.memref_slice %arg12[%dma_start3A_493, %mul3A_2] : memref<16x10240xf32, #tpu.memory_space<vmem_shared>> -> memref<1x640xf32, #tpu.memory_space<vmem_shared>>
    %dma_start3A_497 = tpu.memref_squeeze %dma_start3A_496 : memref<1x640xf32, #tpu.memory_space<vmem_shared>> -> memref<640xf32, #tpu.memory_space<vmem_shared>>
    %dma_start3A_498 = arith.constant 7680 : i32
    %dma_start3A_499 = tpu.memref_slice %arg10[%dma_start3A_498] : memref<10240xf32, #tpu.memory_space<vmem>> -> memref<640xf32, #tpu.memory_space<vmem>>
    %dma_start3A_500 = tpu.memref_slice %arg12[%dma_start3A_493, %mul3A_2] : memref<16x10240xf32, #tpu.memory_space<vmem_shared>> -> memref<1x640xf32, #tpu.memory_space<vmem_shared>>
    %dma_start3A_501 = tpu.memref_squeeze %dma_start3A_500 : memref<1x640xf32, #tpu.memory_space<vmem_shared>> -> memref<640xf32, #tpu.memory_space<vmem_shared>>
    tpu.enqueue_dma source(%dma_start3A_501 : memref<640xf32, #tpu.memory_space<vmem_shared>>) target(%dma_start3A_499 : memref<640xf32, #tpu.memory_space<vmem>>) target_semaphore(%arg14 : memref<!tpu.dma_semaphore, #tpu.memory_space<semaphore_mem>>)
    %dma_start3A_502 = arith.constant 13 : i32
    %dma_start3A_503 = arith.constant 8320 : i32
    %dma_start3A_504 = tpu.memref_slice %arg10[%dma_start3A_503] : memref<10240xf32, #tpu.memory_space<vmem>> -> memref<640xf32, #tpu.memory_space<vmem>>
    %dma_start3A_505 = tpu.memref_slice %arg12[%dma_start3A_502, %mul3A_2] : memref<16x10240xf32, #tpu.memory_space<vmem_shared>> -> memref<1x640xf32, #tpu.memory_space<vmem_shared>>
    %dma_start3A_506 = tpu.memref_squeeze %dma_start3A_505 : memref<1x640xf32, #tpu.memory_space<vmem_shared>> -> memref<640xf32, #tpu.memory_space<vmem_shared>>
    %dma_start3A_507 = arith.constant 8320 : i32
    %dma_start3A_508 = tpu.memref_slice %arg10[%dma_start3A_507] : memref<10240xf32, #tpu.memory_space<vmem>> -> memref<640xf32, #tpu.memory_space<vmem>>
    %dma_start3A_509 = tpu.memref_slice %arg12[%dma_start3A_502, %mul3A_2] : memref<16x10240xf32, #tpu.memory_space<vmem_shared>> -> memref<1x640xf32, #tpu.memory_space<vmem_shared>>
    %dma_start3A_510 = tpu.memref_squeeze %dma_start3A_509 : memref<1x640xf32, #tpu.memory_space<vmem_shared>> -> memref<640xf32, #tpu.memory_space<vmem_shared>>
    tpu.enqueue_dma source(%dma_start3A_510 : memref<640xf32, #tpu.memory_space<vmem_shared>>) target(%dma_start3A_508 : memref<640xf32, #tpu.memory_space<vmem>>) target_semaphore(%arg14 : memref<!tpu.dma_semaphore, #tpu.memory_space<semaphore_mem>>)
    %dma_start3A_511 = arith.constant 14 : i32
    %dma_start3A_512 = arith.constant 8960 : i32
    %dma_start3A_513 = tpu.memref_slice %arg10[%dma_start3A_512] : memref<10240xf32, #tpu.memory_space<vmem>> -> memref<640xf32, #tpu.memory_space<vmem>>
    %dma_start3A_514 = tpu.memref_slice %arg12[%dma_start3A_511, %mul3A_2] : memref<16x10240xf32, #tpu.memory_space<vmem_shared>> -> memref<1x640xf32, #tpu.memory_space<vmem_shared>>
    %dma_start3A_515 = tpu.memref_squeeze %dma_start3A_514 : memref<1x640xf32, #tpu.memory_space<vmem_shared>> -> memref<640xf32, #tpu.memory_space<vmem_shared>>
    %dma_start3A_516 = arith.constant 8960 : i32
    %dma_start3A_517 = tpu.memref_slice %arg10[%dma_start3A_516] : memref<10240xf32, #tpu.memory_space<vmem>> -> memref<640xf32, #tpu.memory_space<vmem>>
    %dma_start3A_518 = tpu.memref_slice %arg12[%dma_start3A_511, %mul3A_2] : memref<16x10240xf32, #tpu.memory_space<vmem_shared>> -> memref<1x640xf32, #tpu.memory_space<vmem_shared>>
    %dma_start3A_519 = tpu.memref_squeeze %dma_start3A_518 : memref<1x640xf32, #tpu.memory_space<vmem_shared>> -> memref<640xf32, #tpu.memory_space<vmem_shared>>
    tpu.enqueue_dma source(%dma_start3A_519 : memref<640xf32, #tpu.memory_space<vmem_shared>>) target(%dma_start3A_517 : memref<640xf32, #tpu.memory_space<vmem>>) target_semaphore(%arg14 : memref<!tpu.dma_semaphore, #tpu.memory_space<semaphore_mem>>)
    %dma_start3A_520 = arith.constant 15 : i32
    %dma_start3A_521 = arith.constant 9600 : i32
    %dma_start3A_522 = tpu.memref_slice %arg10[%dma_start3A_521] : memref<10240xf32, #tpu.memory_space<vmem>> -> memref<640xf32, #tpu.memory_space<vmem>>
    %dma_start3A_523 = tpu.memref_slice %arg12[%dma_start3A_520, %mul3A_2] : memref<16x10240xf32, #tpu.memory_space<vmem_shared>> -> memref<1x640xf32, #tpu.memory_space<vmem_shared>>
    %dma_start3A_524 = tpu.memref_squeeze %dma_start3A_523 : memref<1x640xf32, #tpu.memory_space<vmem_shared>> -> memref<640xf32, #tpu.memory_space<vmem_shared>>
    %dma_start3A_525 = arith.constant 9600 : i32
    %dma_start3A_526 = tpu.memref_slice %arg10[%dma_start3A_525] : memref<10240xf32, #tpu.memory_space<vmem>> -> memref<640xf32, #tpu.memory_space<vmem>>
    %dma_start3A_527 = tpu.memref_slice %arg12[%dma_start3A_520, %mul3A_2] : memref<16x10240xf32, #tpu.memory_space<vmem_shared>> -> memref<1x640xf32, #tpu.memory_space<vmem_shared>>
    %dma_start3A_528 = tpu.memref_squeeze %dma_start3A_527 : memref<1x640xf32, #tpu.memory_space<vmem_shared>> -> memref<640xf32, #tpu.memory_space<vmem_shared>>
    tpu.enqueue_dma source(%dma_start3A_528 : memref<640xf32, #tpu.memory_space<vmem_shared>>) target(%dma_start3A_526 : memref<640xf32, #tpu.memory_space<vmem>>) target_semaphore(%arg14 : memref<!tpu.dma_semaphore, #tpu.memory_space<semaphore_mem>>)
    %dma_wait3A_529 = arith.constant 0 : i32
    %dma_wait3A_530 = arith.constant 0 : i32
    %dma_wait3A_531 = tpu.memref_slice %arg10[%dma_wait3A_530] : memref<10240xf32, #tpu.memory_space<vmem>> -> memref<640xf32, #tpu.memory_space<vmem>>
    %dma_wait3A_532 = tpu.memref_slice %arg12[%dma_wait3A_529, %mul3A_2] : memref<16x10240xf32, #tpu.memory_space<vmem_shared>> -> memref<1x640xf32, #tpu.memory_space<vmem_shared>>
    %dma_wait3A_533 = tpu.memref_squeeze %dma_wait3A_532 : memref<1x640xf32, #tpu.memory_space<vmem_shared>> -> memref<640xf32, #tpu.memory_space<vmem_shared>>
    %dma_wait3A_534 = arith.constant 0 : i32
    %dma_wait3A_535 = tpu.memref_slice %arg10[%dma_wait3A_534] : memref<10240xf32, #tpu.memory_space<vmem>> -> memref<640xf32, #tpu.memory_space<vmem>>
    %dma_wait3A_536 = tpu.memref_slice %arg12[%dma_wait3A_529, %mul3A_2] : memref<16x10240xf32, #tpu.memory_space<vmem_shared>> -> memref<1x640xf32, #tpu.memory_space<vmem_shared>>
    %dma_wait3A_537 = tpu.memref_squeeze %dma_wait3A_536 : memref<1x640xf32, #tpu.memory_space<vmem_shared>> -> memref<640xf32, #tpu.memory_space<vmem_shared>>
    tpu.wait_dma2 semaphore(%arg14 : memref<!tpu.dma_semaphore, #tpu.memory_space<semaphore_mem>>) src(%dma_wait3A_537 : memref<640xf32, #tpu.memory_space<vmem_shared>>) dst(%dma_wait3A_535 : memref<640xf32, #tpu.memory_space<vmem>>)
    %dma_wait3A_538 = arith.constant 1 : i32
    %dma_wait3A_539 = arith.constant 640 : i32
    %dma_wait3A_540 = tpu.memref_slice %arg10[%dma_wait3A_539] : memref<10240xf32, #tpu.memory_space<vmem>> -> memref<640xf32, #tpu.memory_space<vmem>>
    %dma_wait3A_541 = tpu.memref_slice %arg12[%dma_wait3A_538, %mul3A_2] : memref<16x10240xf32, #tpu.memory_space<vmem_shared>> -> memref<1x640xf32, #tpu.memory_space<vmem_shared>>
    %dma_wait3A_542 = tpu.memref_squeeze %dma_wait3A_541 : memref<1x640xf32, #tpu.memory_space<vmem_shared>> -> memref<640xf32, #tpu.memory_space<vmem_shared>>
    %dma_wait3A_543 = arith.constant 640 : i32
    %dma_wait3A_544 = tpu.memref_slice %arg10[%dma_wait3A_543] : memref<10240xf32, #tpu.memory_space<vmem>> -> memref<640xf32, #tpu.memory_space<vmem>>
    %dma_wait3A_545 = tpu.memref_slice %arg12[%dma_wait3A_538, %mul3A_2] : memref<16x10240xf32, #tpu.memory_space<vmem_shared>> -> memref<1x640xf32, #tpu.memory_space<vmem_shared>>
    %dma_wait3A_546 = tpu.memref_squeeze %dma_wait3A_545 : memref<1x640xf32, #tpu.memory_space<vmem_shared>> -> memref<640xf32, #tpu.memory_space<vmem_shared>>
    tpu.wait_dma2 semaphore(%arg14 : memref<!tpu.dma_semaphore, #tpu.memory_space<semaphore_mem>>) src(%dma_wait3A_546 : memref<640xf32, #tpu.memory_space<vmem_shared>>) dst(%dma_wait3A_544 : memref<640xf32, #tpu.memory_space<vmem>>)
    %dma_wait3A_547 = arith.constant 2 : i32
    %dma_wait3A_548 = arith.constant 1280 : i32
    %dma_wait3A_549 = tpu.memref_slice %arg10[%dma_wait3A_548] : memref<10240xf32, #tpu.memory_space<vmem>> -> memref<640xf32, #tpu.memory_space<vmem>>
    %dma_wait3A_550 = tpu.memref_slice %arg12[%dma_wait3A_547, %mul3A_2] : memref<16x10240xf32, #tpu.memory_space<vmem_shared>> -> memref<1x640xf32, #tpu.memory_space<vmem_shared>>
    %dma_wait3A_551 = tpu.memref_squeeze %dma_wait3A_550 : memref<1x640xf32, #tpu.memory_space<vmem_shared>> -> memref<640xf32, #tpu.memory_space<vmem_shared>>
    %dma_wait3A_552 = arith.constant 1280 : i32
    %dma_wait3A_553 = tpu.memref_slice %arg10[%dma_wait3A_552] : memref<10240xf32, #tpu.memory_space<vmem>> -> memref<640xf32, #tpu.memory_space<vmem>>
    %dma_wait3A_554 = tpu.memref_slice %arg12[%dma_wait3A_547, %mul3A_2] : memref<16x10240xf32, #tpu.memory_space<vmem_shared>> -> memref<1x640xf32, #tpu.memory_space<vmem_shared>>
    %dma_wait3A_555 = tpu.memref_squeeze %dma_wait3A_554 : memref<1x640xf32, #tpu.memory_space<vmem_shared>> -> memref<640xf32, #tpu.memory_space<vmem_shared>>
    tpu.wait_dma2 semaphore(%arg14 : memref<!tpu.dma_semaphore, #tpu.memory_space<semaphore_mem>>) src(%dma_wait3A_555 : memref<640xf32, #tpu.memory_space<vmem_shared>>) dst(%dma_wait3A_553 : memref<640xf32, #tpu.memory_space<vmem>>)
    %dma_wait3A_556 = arith.constant 3 : i32
    %dma_wait3A_557 = arith.constant 1920 : i32
    %dma_wait3A_558 = tpu.memref_slice %arg10[%dma_wait3A_557] : memref<10240xf32, #tpu.memory_space<vmem>> -> memref<640xf32, #tpu.memory_space<vmem>>
    %dma_wait3A_559 = tpu.memref_slice %arg12[%dma_wait3A_556, %mul3A_2] : memref<16x10240xf32, #tpu.memory_space<vmem_shared>> -> memref<1x640xf32, #tpu.memory_space<vmem_shared>>
    %dma_wait3A_560 = tpu.memref_squeeze %dma_wait3A_559 : memref<1x640xf32, #tpu.memory_space<vmem_shared>> -> memref<640xf32, #tpu.memory_space<vmem_shared>>
    %dma_wait3A_561 = arith.constant 1920 : i32
    %dma_wait3A_562 = tpu.memref_slice %arg10[%dma_wait3A_561] : memref<10240xf32, #tpu.memory_space<vmem>> -> memref<640xf32, #tpu.memory_space<vmem>>
    %dma_wait3A_563 = tpu.memref_slice %arg12[%dma_wait3A_556, %mul3A_2] : memref<16x10240xf32, #tpu.memory_space<vmem_shared>> -> memref<1x640xf32, #tpu.memory_space<vmem_shared>>
    %dma_wait3A_564 = tpu.memref_squeeze %dma_wait3A_563 : memref<1x640xf32, #tpu.memory_space<vmem_shared>> -> memref<640xf32, #tpu.memory_space<vmem_shared>>
    tpu.wait_dma2 semaphore(%arg14 : memref<!tpu.dma_semaphore, #tpu.memory_space<semaphore_mem>>) src(%dma_wait3A_564 : memref<640xf32, #tpu.memory_space<vmem_shared>>) dst(%dma_wait3A_562 : memref<640xf32, #tpu.memory_space<vmem>>)
    %dma_wait3A_565 = arith.constant 4 : i32
    %dma_wait3A_566 = arith.constant 2560 : i32
    %dma_wait3A_567 = tpu.memref_slice %arg10[%dma_wait3A_566] : memref<10240xf32, #tpu.memory_space<vmem>> -> memref<640xf32, #tpu.memory_space<vmem>>
    %dma_wait3A_568 = tpu.memref_slice %arg12[%dma_wait3A_565, %mul3A_2] : memref<16x10240xf32, #tpu.memory_space<vmem_shared>> -> memref<1x640xf32, #tpu.memory_space<vmem_shared>>
    %dma_wait3A_569 = tpu.memref_squeeze %dma_wait3A_568 : memref<1x640xf32, #tpu.memory_space<vmem_shared>> -> memref<640xf32, #tpu.memory_space<vmem_shared>>
    %dma_wait3A_570 = arith.constant 2560 : i32
    %dma_wait3A_571 = tpu.memref_slice %arg10[%dma_wait3A_570] : memref<10240xf32, #tpu.memory_space<vmem>> -> memref<640xf32, #tpu.memory_space<vmem>>
    %dma_wait3A_572 = tpu.memref_slice %arg12[%dma_wait3A_565, %mul3A_2] : memref<16x10240xf32, #tpu.memory_space<vmem_shared>> -> memref<1x640xf32, #tpu.memory_space<vmem_shared>>
    %dma_wait3A_573 = tpu.memref_squeeze %dma_wait3A_572 : memref<1x640xf32, #tpu.memory_space<vmem_shared>> -> memref<640xf32, #tpu.memory_space<vmem_shared>>
    tpu.wait_dma2 semaphore(%arg14 : memref<!tpu.dma_semaphore, #tpu.memory_space<semaphore_mem>>) src(%dma_wait3A_573 : memref<640xf32, #tpu.memory_space<vmem_shared>>) dst(%dma_wait3A_571 : memref<640xf32, #tpu.memory_space<vmem>>)
    %dma_wait3A_574 = arith.constant 5 : i32
    %dma_wait3A_575 = arith.constant 3200 : i32
    %dma_wait3A_576 = tpu.memref_slice %arg10[%dma_wait3A_575] : memref<10240xf32, #tpu.memory_space<vmem>> -> memref<640xf32, #tpu.memory_space<vmem>>
    %dma_wait3A_577 = tpu.memref_slice %arg12[%dma_wait3A_574, %mul3A_2] : memref<16x10240xf32, #tpu.memory_space<vmem_shared>> -> memref<1x640xf32, #tpu.memory_space<vmem_shared>>
    %dma_wait3A_578 = tpu.memref_squeeze %dma_wait3A_577 : memref<1x640xf32, #tpu.memory_space<vmem_shared>> -> memref<640xf32, #tpu.memory_space<vmem_shared>>
    %dma_wait3A_579 = arith.constant 3200 : i32
    %dma_wait3A_580 = tpu.memref_slice %arg10[%dma_wait3A_579] : memref<10240xf32, #tpu.memory_space<vmem>> -> memref<640xf32, #tpu.memory_space<vmem>>
    %dma_wait3A_581 = tpu.memref_slice %arg12[%dma_wait3A_574, %mul3A_2] : memref<16x10240xf32, #tpu.memory_space<vmem_shared>> -> memref<1x640xf32, #tpu.memory_space<vmem_shared>>
    %dma_wait3A_582 = tpu.memref_squeeze %dma_wait3A_581 : memref<1x640xf32, #tpu.memory_space<vmem_shared>> -> memref<640xf32, #tpu.memory_space<vmem_shared>>
    tpu.wait_dma2 semaphore(%arg14 : memref<!tpu.dma_semaphore, #tpu.memory_space<semaphore_mem>>) src(%dma_wait3A_582 : memref<640xf32, #tpu.memory_space<vmem_shared>>) dst(%dma_wait3A_580 : memref<640xf32, #tpu.memory_space<vmem>>)
    %dma_wait3A_583 = arith.constant 6 : i32
    %dma_wait3A_584 = arith.constant 3840 : i32
    %dma_wait3A_585 = tpu.memref_slice %arg10[%dma_wait3A_584] : memref<10240xf32, #tpu.memory_space<vmem>> -> memref<640xf32, #tpu.memory_space<vmem>>
    %dma_wait3A_586 = tpu.memref_slice %arg12[%dma_wait3A_583, %mul3A_2] : memref<16x10240xf32, #tpu.memory_space<vmem_shared>> -> memref<1x640xf32, #tpu.memory_space<vmem_shared>>
    %dma_wait3A_587 = tpu.memref_squeeze %dma_wait3A_586 : memref<1x640xf32, #tpu.memory_space<vmem_shared>> -> memref<640xf32, #tpu.memory_space<vmem_shared>>
    %dma_wait3A_588 = arith.constant 3840 : i32
    %dma_wait3A_589 = tpu.memref_slice %arg10[%dma_wait3A_588] : memref<10240xf32, #tpu.memory_space<vmem>> -> memref<640xf32, #tpu.memory_space<vmem>>
    %dma_wait3A_590 = tpu.memref_slice %arg12[%dma_wait3A_583, %mul3A_2] : memref<16x10240xf32, #tpu.memory_space<vmem_shared>> -> memref<1x640xf32, #tpu.memory_space<vmem_shared>>
    %dma_wait3A_591 = tpu.memref_squeeze %dma_wait3A_590 : memref<1x640xf32, #tpu.memory_space<vmem_shared>> -> memref<640xf32, #tpu.memory_space<vmem_shared>>
    tpu.wait_dma2 semaphore(%arg14 : memref<!tpu.dma_semaphore, #tpu.memory_space<semaphore_mem>>) src(%dma_wait3A_591 : memref<640xf32, #tpu.memory_space<vmem_shared>>) dst(%dma_wait3A_589 : memref<640xf32, #tpu.memory_space<vmem>>)
    %dma_wait3A_592 = arith.constant 7 : i32
    %dma_wait3A_593 = arith.constant 4480 : i32
    %dma_wait3A_594 = tpu.memref_slice %arg10[%dma_wait3A_593] : memref<10240xf32, #tpu.memory_space<vmem>> -> memref<640xf32, #tpu.memory_space<vmem>>
    %dma_wait3A_595 = tpu.memref_slice %arg12[%dma_wait3A_592, %mul3A_2] : memref<16x10240xf32, #tpu.memory_space<vmem_shared>> -> memref<1x640xf32, #tpu.memory_space<vmem_shared>>
    %dma_wait3A_596 = tpu.memref_squeeze %dma_wait3A_595 : memref<1x640xf32, #tpu.memory_space<vmem_shared>> -> memref<640xf32, #tpu.memory_space<vmem_shared>>
    %dma_wait3A_597 = arith.constant 4480 : i32
    %dma_wait3A_598 = tpu.memref_slice %arg10[%dma_wait3A_597] : memref<10240xf32, #tpu.memory_space<vmem>> -> memref<640xf32, #tpu.memory_space<vmem>>
    %dma_wait3A_599 = tpu.memref_slice %arg12[%dma_wait3A_592, %mul3A_2] : memref<16x10240xf32, #tpu.memory_space<vmem_shared>> -> memref<1x640xf32, #tpu.memory_space<vmem_shared>>
    %dma_wait3A_600 = tpu.memref_squeeze %dma_wait3A_599 : memref<1x640xf32, #tpu.memory_space<vmem_shared>> -> memref<640xf32, #tpu.memory_space<vmem_shared>>
    tpu.wait_dma2 semaphore(%arg14 : memref<!tpu.dma_semaphore, #tpu.memory_space<semaphore_mem>>) src(%dma_wait3A_600 : memref<640xf32, #tpu.memory_space<vmem_shared>>) dst(%dma_wait3A_598 : memref<640xf32, #tpu.memory_space<vmem>>)
    %dma_wait3A_601 = arith.constant 8 : i32
    %dma_wait3A_602 = arith.constant 5120 : i32
    %dma_wait3A_603 = tpu.memref_slice %arg10[%dma_wait3A_602] : memref<10240xf32, #tpu.memory_space<vmem>> -> memref<640xf32, #tpu.memory_space<vmem>>
    %dma_wait3A_604 = tpu.memref_slice %arg12[%dma_wait3A_601, %mul3A_2] : memref<16x10240xf32, #tpu.memory_space<vmem_shared>> -> memref<1x640xf32, #tpu.memory_space<vmem_shared>>
    %dma_wait3A_605 = tpu.memref_squeeze %dma_wait3A_604 : memref<1x640xf32, #tpu.memory_space<vmem_shared>> -> memref<640xf32, #tpu.memory_space<vmem_shared>>
    %dma_wait3A_606 = arith.constant 5120 : i32
    %dma_wait3A_607 = tpu.memref_slice %arg10[%dma_wait3A_606] : memref<10240xf32, #tpu.memory_space<vmem>> -> memref<640xf32, #tpu.memory_space<vmem>>
    %dma_wait3A_608 = tpu.memref_slice %arg12[%dma_wait3A_601, %mul3A_2] : memref<16x10240xf32, #tpu.memory_space<vmem_shared>> -> memref<1x640xf32, #tpu.memory_space<vmem_shared>>
    %dma_wait3A_609 = tpu.memref_squeeze %dma_wait3A_608 : memref<1x640xf32, #tpu.memory_space<vmem_shared>> -> memref<640xf32, #tpu.memory_space<vmem_shared>>
    tpu.wait_dma2 semaphore(%arg14 : memref<!tpu.dma_semaphore, #tpu.memory_space<semaphore_mem>>) src(%dma_wait3A_609 : memref<640xf32, #tpu.memory_space<vmem_shared>>) dst(%dma_wait3A_607 : memref<640xf32, #tpu.memory_space<vmem>>)
    %dma_wait3A_610 = arith.constant 9 : i32
    %dma_wait3A_611 = arith.constant 5760 : i32
    %dma_wait3A_612 = tpu.memref_slice %arg10[%dma_wait3A_611] : memref<10240xf32, #tpu.memory_space<vmem>> -> memref<640xf32, #tpu.memory_space<vmem>>
    %dma_wait3A_613 = tpu.memref_slice %arg12[%dma_wait3A_610, %mul3A_2] : memref<16x10240xf32, #tpu.memory_space<vmem_shared>> -> memref<1x640xf32, #tpu.memory_space<vmem_shared>>
    %dma_wait3A_614 = tpu.memref_squeeze %dma_wait3A_613 : memref<1x640xf32, #tpu.memory_space<vmem_shared>> -> memref<640xf32, #tpu.memory_space<vmem_shared>>
    %dma_wait3A_615 = arith.constant 5760 : i32
    %dma_wait3A_616 = tpu.memref_slice %arg10[%dma_wait3A_615] : memref<10240xf32, #tpu.memory_space<vmem>> -> memref<640xf32, #tpu.memory_space<vmem>>
    %dma_wait3A_617 = tpu.memref_slice %arg12[%dma_wait3A_610, %mul3A_2] : memref<16x10240xf32, #tpu.memory_space<vmem_shared>> -> memref<1x640xf32, #tpu.memory_space<vmem_shared>>
    %dma_wait3A_618 = tpu.memref_squeeze %dma_wait3A_617 : memref<1x640xf32, #tpu.memory_space<vmem_shared>> -> memref<640xf32, #tpu.memory_space<vmem_shared>>
    tpu.wait_dma2 semaphore(%arg14 : memref<!tpu.dma_semaphore, #tpu.memory_space<semaphore_mem>>) src(%dma_wait3A_618 : memref<640xf32, #tpu.memory_space<vmem_shared>>) dst(%dma_wait3A_616 : memref<640xf32, #tpu.memory_space<vmem>>)
    %dma_wait3A_619 = arith.constant 10 : i32
    %dma_wait3A_620 = arith.constant 6400 : i32
    %dma_wait3A_621 = tpu.memref_slice %arg10[%dma_wait3A_620] : memref<10240xf32, #tpu.memory_space<vmem>> -> memref<640xf32, #tpu.memory_space<vmem>>
    %dma_wait3A_622 = tpu.memref_slice %arg12[%dma_wait3A_619, %mul3A_2] : memref<16x10240xf32, #tpu.memory_space<vmem_shared>> -> memref<1x640xf32, #tpu.memory_space<vmem_shared>>
    %dma_wait3A_623 = tpu.memref_squeeze %dma_wait3A_622 : memref<1x640xf32, #tpu.memory_space<vmem_shared>> -> memref<640xf32, #tpu.memory_space<vmem_shared>>
    %dma_wait3A_624 = arith.constant 6400 : i32
    %dma_wait3A_625 = tpu.memref_slice %arg10[%dma_wait3A_624] : memref<10240xf32, #tpu.memory_space<vmem>> -> memref<640xf32, #tpu.memory_space<vmem>>
    %dma_wait3A_626 = tpu.memref_slice %arg12[%dma_wait3A_619, %mul3A_2] : memref<16x10240xf32, #tpu.memory_space<vmem_shared>> -> memref<1x640xf32, #tpu.memory_space<vmem_shared>>
    %dma_wait3A_627 = tpu.memref_squeeze %dma_wait3A_626 : memref<1x640xf32, #tpu.memory_space<vmem_shared>> -> memref<640xf32, #tpu.memory_space<vmem_shared>>
    tpu.wait_dma2 semaphore(%arg14 : memref<!tpu.dma_semaphore, #tpu.memory_space<semaphore_mem>>) src(%dma_wait3A_627 : memref<640xf32, #tpu.memory_space<vmem_shared>>) dst(%dma_wait3A_625 : memref<640xf32, #tpu.memory_space<vmem>>)
    %dma_wait3A_628 = arith.constant 11 : i32
    %dma_wait3A_629 = arith.constant 7040 : i32
    %dma_wait3A_630 = tpu.memref_slice %arg10[%dma_wait3A_629] : memref<10240xf32, #tpu.memory_space<vmem>> -> memref<640xf32, #tpu.memory_space<vmem>>
    %dma_wait3A_631 = tpu.memref_slice %arg12[%dma_wait3A_628, %mul3A_2] : memref<16x10240xf32, #tpu.memory_space<vmem_shared>> -> memref<1x640xf32, #tpu.memory_space<vmem_shared>>
    %dma_wait3A_632 = tpu.memref_squeeze %dma_wait3A_631 : memref<1x640xf32, #tpu.memory_space<vmem_shared>> -> memref<640xf32, #tpu.memory_space<vmem_shared>>
    %dma_wait3A_633 = arith.constant 7040 : i32
    %dma_wait3A_634 = tpu.memref_slice %arg10[%dma_wait3A_633] : memref<10240xf32, #tpu.memory_space<vmem>> -> memref<640xf32, #tpu.memory_space<vmem>>
    %dma_wait3A_635 = tpu.memref_slice %arg12[%dma_wait3A_628, %mul3A_2] : memref<16x10240xf32, #tpu.memory_space<vmem_shared>> -> memref<1x640xf32, #tpu.memory_space<vmem_shared>>
    %dma_wait3A_636 = tpu.memref_squeeze %dma_wait3A_635 : memref<1x640xf32, #tpu.memory_space<vmem_shared>> -> memref<640xf32, #tpu.memory_space<vmem_shared>>
    tpu.wait_dma2 semaphore(%arg14 : memref<!tpu.dma_semaphore, #tpu.memory_space<semaphore_mem>>) src(%dma_wait3A_636 : memref<640xf32, #tpu.memory_space<vmem_shared>>) dst(%dma_wait3A_634 : memref<640xf32, #tpu.memory_space<vmem>>)
    %dma_wait3A_637 = arith.constant 12 : i32
    %dma_wait3A_638 = arith.constant 7680 : i32
    %dma_wait3A_639 = tpu.memref_slice %arg10[%dma_wait3A_638] : memref<10240xf32, #tpu.memory_space<vmem>> -> memref<640xf32, #tpu.memory_space<vmem>>
    %dma_wait3A_640 = tpu.memref_slice %arg12[%dma_wait3A_637, %mul3A_2] : memref<16x10240xf32, #tpu.memory_space<vmem_shared>> -> memref<1x640xf32, #tpu.memory_space<vmem_shared>>
    %dma_wait3A_641 = tpu.memref_squeeze %dma_wait3A_640 : memref<1x640xf32, #tpu.memory_space<vmem_shared>> -> memref<640xf32, #tpu.memory_space<vmem_shared>>
    %dma_wait3A_642 = arith.constant 7680 : i32
    %dma_wait3A_643 = tpu.memref_slice %arg10[%dma_wait3A_642] : memref<10240xf32, #tpu.memory_space<vmem>> -> memref<640xf32, #tpu.memory_space<vmem>>
    %dma_wait3A_644 = tpu.memref_slice %arg12[%dma_wait3A_637, %mul3A_2] : memref<16x10240xf32, #tpu.memory_space<vmem_shared>> -> memref<1x640xf32, #tpu.memory_space<vmem_shared>>
    %dma_wait3A_645 = tpu.memref_squeeze %dma_wait3A_644 : memref<1x640xf32, #tpu.memory_space<vmem_shared>> -> memref<640xf32, #tpu.memory_space<vmem_shared>>
    tpu.wait_dma2 semaphore(%arg14 : memref<!tpu.dma_semaphore, #tpu.memory_space<semaphore_mem>>) src(%dma_wait3A_645 : memref<640xf32, #tpu.memory_space<vmem_shared>>) dst(%dma_wait3A_643 : memref<640xf32, #tpu.memory_space<vmem>>)
    %dma_wait3A_646 = arith.constant 13 : i32
    %dma_wait3A_647 = arith.constant 8320 : i32
    %dma_wait3A_648 = tpu.memref_slice %arg10[%dma_wait3A_647] : memref<10240xf32, #tpu.memory_space<vmem>> -> memref<640xf32, #tpu.memory_space<vmem>>
    %dma_wait3A_649 = tpu.memref_slice %arg12[%dma_wait3A_646, %mul3A_2] : memref<16x10240xf32, #tpu.memory_space<vmem_shared>> -> memref<1x640xf32, #tpu.memory_space<vmem_shared>>
    %dma_wait3A_650 = tpu.memref_squeeze %dma_wait3A_649 : memref<1x640xf32, #tpu.memory_space<vmem_shared>> -> memref<640xf32, #tpu.memory_space<vmem_shared>>
    %dma_wait3A_651 = arith.constant 8320 : i32
    %dma_wait3A_652 = tpu.memref_slice %arg10[%dma_wait3A_651] : memref<10240xf32, #tpu.memory_space<vmem>> -> memref<640xf32, #tpu.memory_space<vmem>>
    %dma_wait3A_653 = tpu.memref_slice %arg12[%dma_wait3A_646, %mul3A_2] : memref<16x10240xf32, #tpu.memory_space<vmem_shared>> -> memref<1x640xf32, #tpu.memory_space<vmem_shared>>
    %dma_wait3A_654 = tpu.memref_squeeze %dma_wait3A_653 : memref<1x640xf32, #tpu.memory_space<vmem_shared>> -> memref<640xf32, #tpu.memory_space<vmem_shared>>
    tpu.wait_dma2 semaphore(%arg14 : memref<!tpu.dma_semaphore, #tpu.memory_space<semaphore_mem>>) src(%dma_wait3A_654 : memref<640xf32, #tpu.memory_space<vmem_shared>>) dst(%dma_wait3A_652 : memref<640xf32, #tpu.memory_space<vmem>>)
    %dma_wait3A_655 = arith.constant 14 : i32
    %dma_wait3A_656 = arith.constant 8960 : i32
    %dma_wait3A_657 = tpu.memref_slice %arg10[%dma_wait3A_656] : memref<10240xf32, #tpu.memory_space<vmem>> -> memref<640xf32, #tpu.memory_space<vmem>>
    %dma_wait3A_658 = tpu.memref_slice %arg12[%dma_wait3A_655, %mul3A_2] : memref<16x10240xf32, #tpu.memory_space<vmem_shared>> -> memref<1x640xf32, #tpu.memory_space<vmem_shared>>
    %dma_wait3A_659 = tpu.memref_squeeze %dma_wait3A_658 : memref<1x640xf32, #tpu.memory_space<vmem_shared>> -> memref<640xf32, #tpu.memory_space<vmem_shared>>
    %dma_wait3A_660 = arith.constant 8960 : i32
    %dma_wait3A_661 = tpu.memref_slice %arg10[%dma_wait3A_660] : memref<10240xf32, #tpu.memory_space<vmem>> -> memref<640xf32, #tpu.memory_space<vmem>>
    %dma_wait3A_662 = tpu.memref_slice %arg12[%dma_wait3A_655, %mul3A_2] : memref<16x10240xf32, #tpu.memory_space<vmem_shared>> -> memref<1x640xf32, #tpu.memory_space<vmem_shared>>
    %dma_wait3A_663 = tpu.memref_squeeze %dma_wait3A_662 : memref<1x640xf32, #tpu.memory_space<vmem_shared>> -> memref<640xf32, #tpu.memory_space<vmem_shared>>
    tpu.wait_dma2 semaphore(%arg14 : memref<!tpu.dma_semaphore, #tpu.memory_space<semaphore_mem>>) src(%dma_wait3A_663 : memref<640xf32, #tpu.memory_space<vmem_shared>>) dst(%dma_wait3A_661 : memref<640xf32, #tpu.memory_space<vmem>>)
    %dma_wait3A_664 = arith.constant 15 : i32
    %dma_wait3A_665 = arith.constant 9600 : i32
    %dma_wait3A_666 = tpu.memref_slice %arg10[%dma_wait3A_665] : memref<10240xf32, #tpu.memory_space<vmem>> -> memref<640xf32, #tpu.memory_space<vmem>>
    %dma_wait3A_667 = tpu.memref_slice %arg12[%dma_wait3A_664, %mul3A_2] : memref<16x10240xf32, #tpu.memory_space<vmem_shared>> -> memref<1x640xf32, #tpu.memory_space<vmem_shared>>
    %dma_wait3A_668 = tpu.memref_squeeze %dma_wait3A_667 : memref<1x640xf32, #tpu.memory_space<vmem_shared>> -> memref<640xf32, #tpu.memory_space<vmem_shared>>
    %dma_wait3A_669 = arith.constant 9600 : i32
    %dma_wait3A_670 = tpu.memref_slice %arg10[%dma_wait3A_669] : memref<10240xf32, #tpu.memory_space<vmem>> -> memref<640xf32, #tpu.memory_space<vmem>>
    %dma_wait3A_671 = tpu.memref_slice %arg12[%dma_wait3A_664, %mul3A_2] : memref<16x10240xf32, #tpu.memory_space<vmem_shared>> -> memref<1x640xf32, #tpu.memory_space<vmem_shared>>
    %dma_wait3A_672 = tpu.memref_squeeze %dma_wait3A_671 : memref<1x640xf32, #tpu.memory_space<vmem_shared>> -> memref<640xf32, #tpu.memory_space<vmem_shared>>
    tpu.wait_dma2 semaphore(%arg14 : memref<!tpu.dma_semaphore, #tpu.memory_space<semaphore_mem>>) src(%dma_wait3A_672 : memref<640xf32, #tpu.memory_space<vmem_shared>>) dst(%dma_wait3A_670 : memref<640xf32, #tpu.memory_space<vmem>>)
    %scan3A_673 = arith.constant 0 : i32
    %scan3A_674 = arith.constant 0 : i32
    %scan3A_675 = arith.constant 40 : i32
    %scan3A_676 = arith.addi %scan3A_674, %scan3A_675 : i32
    %scan3A_677 = arith.constant 1 : i32
    %scan3A_678 = scf.for %scan3A_984 = %scan3A_674 to %scan3A_676 step %scan3A_677 iter_args(%scan3A_985 = %scan3A_673) -> (i32)  : i32 {
      %mul3A_986 = arith.constant 16 : i32
      %mul3A_987 = arith.muli %scan3A_984, %mul3A_986 : i32
      %get3A = arith.index_cast %mul3A_987 : i32 to index
      %get3A_988 = tpu.vector_load %arg10[%get3A] {strides = array<i32>} : memref<10240xf32, #tpu.memory_space<vmem>>, vector<16xf32>,
      %add3A_989 = arith.constant 640 : i32
      %add3A_990 = arith.addi %add3A_989, %mul3A_987 : i32
      %get3A_991 = arith.index_cast %add3A_990 : i32 to index
      %get3A_992 = tpu.vector_load %arg10[%get3A_991] {strides = array<i32>} : memref<10240xf32, #tpu.memory_space<vmem>>, vector<16xf32>,
      %max3A = arith.maximumf %get3A_988, %get3A_992 : vector<16xf32>
      %add3A_993 = arith.constant 1280 : i32
      %add3A_994 = arith.addi %add3A_993, %mul3A_987 : i32
      %get3A_995 = arith.index_cast %add3A_994 : i32 to index
      %get3A_996 = tpu.vector_load %arg10[%get3A_995] {strides = array<i32>} : memref<10240xf32, #tpu.memory_space<vmem>>, vector<16xf32>,
      %max3A_997 = arith.maximumf %max3A, %get3A_996 : vector<16xf32>
      %add3A_998 = arith.constant 1920 : i32
      %add3A_999 = arith.addi %add3A_998, %mul3A_987 : i32
      %get3A_1000 = arith.index_cast %add3A_999 : i32 to index
      %get3A_1001 = tpu.vector_load %arg10[%get3A_1000] {strides = array<i32>} : memref<10240xf32, #tpu.memory_space<vmem>>, vector<16xf32>,
      %max3A_1002 = arith.maximumf %max3A_997, %get3A_1001 : vector<16xf32>
      %add3A_1003 = arith.constant 2560 : i32
      %add3A_1004 = arith.addi %add3A_1003, %mul3A_987 : i32
      %get3A_1005 = arith.index_cast %add3A_1004 : i32 to index
      %get3A_1006 = tpu.vector_load %arg10[%get3A_1005] {strides = array<i32>} : memref<10240xf32, #tpu.memory_space<vmem>>, vector<16xf32>,
      %max3A_1007 = arith.maximumf %max3A_1002, %get3A_1006 : vector<16xf32>
      %add3A_1008 = arith.constant 3200 : i32
      %add3A_1009 = arith.addi %add3A_1008, %mul3A_987 : i32
      %get3A_1010 = arith.index_cast %add3A_1009 : i32 to index
      %get3A_1011 = tpu.vector_load %arg10[%get3A_1010] {strides = array<i32>} : memref<10240xf32, #tpu.memory_space<vmem>>, vector<16xf32>,
      %max3A_1012 = arith.maximumf %max3A_1007, %get3A_1011 : vector<16xf32>
      %add3A_1013 = arith.constant 3840 : i32
      %add3A_1014 = arith.addi %add3A_1013, %mul3A_987 : i32
      %get3A_1015 = arith.index_cast %add3A_1014 : i32 to index
      %get3A_1016 = tpu.vector_load %arg10[%get3A_1015] {strides = array<i32>} : memref<10240xf32, #tpu.memory_space<vmem>>, vector<16xf32>,
      %max3A_1017 = arith.maximumf %max3A_1012, %get3A_1016 : vector<16xf32>
      %add3A_1018 = arith.constant 4480 : i32
      %add3A_1019 = arith.addi %add3A_1018, %mul3A_987 : i32
      %get3A_1020 = arith.index_cast %add3A_1019 : i32 to index
      %get3A_1021 = tpu.vector_load %arg10[%get3A_1020] {strides = array<i32>} : memref<10240xf32, #tpu.memory_space<vmem>>, vector<16xf32>,
      %max3A_1022 = arith.maximumf %max3A_1017, %get3A_1021 : vector<16xf32>
      %add3A_1023 = arith.constant 5120 : i32
      %add3A_1024 = arith.addi %add3A_1023, %mul3A_987 : i32
      %get3A_1025 = arith.index_cast %add3A_1024 : i32 to index
      %get3A_1026 = tpu.vector_load %arg10[%get3A_1025] {strides = array<i32>} : memref<10240xf32, #tpu.memory_space<vmem>>, vector<16xf32>,
      %max3A_1027 = arith.maximumf %max3A_1022, %get3A_1026 : vector<16xf32>
      %add3A_1028 = arith.constant 5760 : i32
      %add3A_1029 = arith.addi %add3A_1028, %mul3A_987 : i32
      %get3A_1030 = arith.index_cast %add3A_1029 : i32 to index
      %get3A_1031 = tpu.vector_load %arg10[%get3A_1030] {strides = array<i32>} : memref<10240xf32, #tpu.memory_space<vmem>>, vector<16xf32>,
      %max3A_1032 = arith.maximumf %max3A_1027, %get3A_1031 : vector<16xf32>
      %add3A_1033 = arith.constant 6400 : i32
      %add3A_1034 = arith.addi %add3A_1033, %mul3A_987 : i32
      %get3A_1035 = arith.index_cast %add3A_1034 : i32 to index
      %get3A_1036 = tpu.vector_load %arg10[%get3A_1035] {strides = array<i32>} : memref<10240xf32, #tpu.memory_space<vmem>>, vector<16xf32>,
      %max3A_1037 = arith.maximumf %max3A_1032, %get3A_1036 : vector<16xf32>
      %add3A_1038 = arith.constant 7040 : i32
      %add3A_1039 = arith.addi %add3A_1038, %mul3A_987 : i32
      %get3A_1040 = arith.index_cast %add3A_1039 : i32 to index
      %get3A_1041 = tpu.vector_load %arg10[%get3A_1040] {strides = array<i32>} : memref<10240xf32, #tpu.memory_space<vmem>>, vector<16xf32>,
      %max3A_1042 = arith.maximumf %max3A_1037, %get3A_1041 : vector<16xf32>
      %add3A_1043 = arith.constant 7680 : i32
      %add3A_1044 = arith.addi %add3A_1043, %mul3A_987 : i32
      %get3A_1045 = arith.index_cast %add3A_1044 : i32 to index
      %get3A_1046 = tpu.vector_load %arg10[%get3A_1045] {strides = array<i32>} : memref<10240xf32, #tpu.memory_space<vmem>>, vector<16xf32>,
      %max3A_1047 = arith.maximumf %max3A_1042, %get3A_1046 : vector<16xf32>
      %add3A_1048 = arith.constant 8320 : i32
      %add3A_1049 = arith.addi %add3A_1048, %mul3A_987 : i32
      %get3A_1050 = arith.index_cast %add3A_1049 : i32 to index
      %get3A_1051 = tpu.vector_load %arg10[%get3A_1050] {strides = array<i32>} : memref<10240xf32, #tpu.memory_space<vmem>>, vector<16xf32>,
      %max3A_1052 = arith.maximumf %max3A_1047, %get3A_1051 : vector<16xf32>
      %add3A_1053 = arith.constant 8960 : i32
      %add3A_1054 = arith.addi %add3A_1053, %mul3A_987 : i32
      %get3A_1055 = arith.index_cast %add3A_1054 : i32 to index
      %get3A_1056 = tpu.vector_load %arg10[%get3A_1055] {strides = array<i32>} : memref<10240xf32, #tpu.memory_space<vmem>>, vector<16xf32>,
      %max3A_1057 = arith.maximumf %max3A_1052, %get3A_1056 : vector<16xf32>
      %add3A_1058 = arith.constant 9600 : i32
      %add3A_1059 = arith.addi %add3A_1058, %mul3A_987 : i32
      %get3A_1060 = arith.index_cast %add3A_1059 : i32 to index
      %get3A_1061 = tpu.vector_load %arg10[%get3A_1060] {strides = array<i32>} : memref<10240xf32, #tpu.memory_space<vmem>>, vector<16xf32>,
      %max3A_1062 = arith.maximumf %max3A_1057, %get3A_1061 : vector<16xf32>
      %swap3A = arith.index_cast %mul3A_987 : i32 to index
      %swap3A_1063 = tpu.vector_load %arg11[%swap3A] {strides = array<i32>} : memref<10240xf32, #tpu.memory_space<vmem>>, vector<16xf32>,
      tpu.vector_store %arg11[%swap3A], %max3A_1062 {strides = array<i32>} : memref<10240xf32, #tpu.memory_space<vmem>>, vector<16xf32>,
      %scan3A_1064 = arith.constant 0 : i32
      scf.yield %scan3A_1064 : i32
    }
    %scan3A_679 = arith.constant 40 : i32
    "tpu.region"() ({
      %run_scoped3A = tpu.sem_alloc : memref<!tpu.dma_semaphore, #tpu.memory_space<semaphore_mem>>
      %dma_start3A_984 = arith.constant 0 : i32
      %dma_start3A_985 = tpu.memref_slice %arg11[%dma_start3A_984] : memref<10240xf32, #tpu.memory_space<vmem>> -> memref<640xf32, #tpu.memory_space<vmem>>
      %dma_start3A_986 = tpu.memref_slice %arg13[%mul3A_2] : memref<10240xf32, #tpu.memory_space<vmem_shared>> -> memref<640xf32, #tpu.memory_space<vmem_shared>>
      %dma_start3A_987 = tpu.memref_slice %arg13[%mul3A_2] : memref<10240xf32, #tpu.memory_space<vmem_shared>> -> memref<640xf32, #tpu.memory_space<vmem_shared>>
      %dma_start3A_988 = arith.constant 0 : i32
      %dma_start3A_989 = tpu.memref_slice %arg11[%dma_start3A_988] : memref<10240xf32, #tpu.memory_space<vmem>> -> memref<640xf32, #tpu.memory_space<vmem>>
      tpu.enqueue_dma source(%dma_start3A_989 : memref<640xf32, #tpu.memory_space<vmem>>) target(%dma_start3A_987 : memref<640xf32, #tpu.memory_space<vmem_shared>>) target_semaphore(%run_scoped3A : memref<!tpu.dma_semaphore, #tpu.memory_space<semaphore_mem>>)
      %dma_wait3A_990 = arith.constant 0 : i32
      %dma_wait3A_991 = tpu.memref_slice %arg11[%dma_wait3A_990] : memref<10240xf32, #tpu.memory_space<vmem>> -> memref<640xf32, #tpu.memory_space<vmem>>
      %dma_wait3A_992 = tpu.memref_slice %arg13[%mul3A_2] : memref<10240xf32, #tpu.memory_space<vmem_shared>> -> memref<640xf32, #tpu.memory_space<vmem_shared>>
      %dma_wait3A_993 = tpu.memref_slice %arg13[%mul3A_2] : memref<10240xf32, #tpu.memory_space<vmem_shared>> -> memref<640xf32, #tpu.memory_space<vmem_shared>>
      %dma_wait3A_994 = arith.constant 0 : i32
      %dma_wait3A_995 = tpu.memref_slice %arg11[%dma_wait3A_994] : memref<10240xf32, #tpu.memory_space<vmem>> -> memref<640xf32, #tpu.memory_space<vmem>>
      tpu.wait_dma2 semaphore(%run_scoped3A : memref<!tpu.dma_semaphore, #tpu.memory_space<semaphore_mem>>) src(%dma_wait3A_995 : memref<640xf32, #tpu.memory_space<vmem>>) dst(%dma_wait3A_993 : memref<640xf32, #tpu.memory_space<vmem_shared>>)
      tpu.yield
    }) : () -> ()
    %barrier3A_680 = arith.constant 0 : index
    tpu.barrier barrier_id(%barrier3A_680)
    "tpu.region"() ({
      %run_scoped3A = tpu.sem_alloc : memref<!tpu.dma_semaphore, #tpu.memory_space<semaphore_mem>>
      tpu.enqueue_dma source(%arg13 : memref<10240xf32, #tpu.memory_space<vmem_shared>>) target(%arg10 : memref<10240xf32, #tpu.memory_space<vmem>>) target_semaphore(%run_scoped3A : memref<!tpu.dma_semaphore, #tpu.memory_space<semaphore_mem>>)
      tpu.wait_dma2 semaphore(%run_scoped3A : memref<!tpu.dma_semaphore, #tpu.memory_space<semaphore_mem>>) src(%arg13 : memref<10240xf32, #tpu.memory_space<vmem_shared>>) dst(%arg10 : memref<10240xf32, #tpu.memory_space<vmem>>)
      tpu.yield
    }) : () -> ()
    "tpu.region"() ({
      %run_scoped3A = tpu.sem_alloc : memref<!tpu.dma_semaphore, #tpu.memory_space<semaphore_mem>>
      tpu.enqueue_dma source(%arg13 : memref<10240xf32, #tpu.memory_space<vmem_shared>>) target(%arg11 : memref<10240xf32, #tpu.memory_space<vmem>>) target_semaphore(%run_scoped3A : memref<!tpu.dma_semaphore, #tpu.memory_space<semaphore_mem>>)
      tpu.wait_dma2 semaphore(%run_scoped3A : memref<!tpu.dma_semaphore, #tpu.memory_space<semaphore_mem>>) src(%arg13 : memref<10240xf32, #tpu.memory_space<vmem_shared>>) dst(%arg11 : memref<10240xf32, #tpu.memory_space<vmem>>)
      tpu.yield
    }) : () -> ()
    %scan3A_681 = arith.constant 0 : i32
    %scan3A_682 = arith.constant 0 : i32
    %scan3A_683 = arith.constant 1250 : i32
    %scan3A_684 = arith.addi %scan3A_682, %scan3A_683 : i32
    %scan3A_685 = arith.constant 1 : i32
    %scan3A_686 = scf.for %scan3A_984 = %scan3A_682 to %scan3A_684 step %scan3A_685 iter_args(%scan3A_985 = %scan3A_681) -> (i32)  : i32 {
      %mul3A_986 = arith.constant 16 : i32
      %mul3A_987 = arith.muli %scan3A_984, %mul3A_986 : i32
      %get3A = arith.index_cast %mul3A_987 : i32 to index
      %get3A_988 = tpu.vector_load %arg7[%get3A] {strides = array<i32>} : memref<20000xi32, #tpu.memory_space<vmem>>, vector<16xi32>,
      %get3A_989 = arith.index_cast %mul3A_987 : i32 to index
      %get3A_990 = tpu.vector_load %arg8[%get3A_989] {strides = array<i32>} : memref<20000xi32, #tpu.memory_space<vmem>>, vector<16xi32>,
      %mul3A_991 = arith.constant 2 : i32
      %mul3A_992 = arith.muli %mul3A_991, %scan3A_984 : i32
      %add3A_993 = vector.broadcast %mul3A_992 : i32 to vector<16xi32>
      %add3A_994 = arith.addi %add3A_993, %select_n3A_56 : vector<16xi32>
      %gather3A = tpu.vector_load_idx %arg9[%add3A_994, %select_n3A_76] : memref<2500x8xf32, #tpu.memory_space<vmem>>[vector<16xi32>, vector<16xi32>], vector<16xf32>,
      %gather3A_995 = tpu.vector_load_idx %arg10[%get3A_988] : memref<10240xf32, #tpu.memory_space<vmem>>[vector<16xi32>], vector<16xf32>,
      %mul3A_996 = arith.mulf %gather3A_995, %gather3A : vector<16xf32>
      %masked_sort3A = arith.constant dense<true> : vector<16xi1>
      %masked_sort3A_997 = arith.constant -2147483648 : i32
      %masked_sort3A_998 = vector.broadcast %masked_sort3A_997 : i32 to vector<16xi32>
      %masked_sort3A_999 = arith.xori %get3A_990, %masked_sort3A_998 : vector<16xi32>
      %masked_sort3A_1000, %masked_sort3A_1001, %masked_sort3A_1002 = tpu.sort %masked_sort3A_999, %mul3A_996 masked %masked_sort3A : (vector<16xi32>, vector<16xf32>, vector<16xi1>) -> (vector<16xi1>, vector<16xi32>, vector<16xf32>)
      %masked_sort3A_1003 = arith.xori %masked_sort3A_1001, %masked_sort3A_998 : vector<16xi32>
      %sub3A_1004 = arith.constant 1 : i32
      %sub3A_1005 = vector.broadcast %sub3A_1004 : i32 to vector<16xi32>
      %sub3A_1006 = arith.subi %iota3A, %sub3A_1005 : vector<16xi32>
      %max3A = arith.constant 0 : i32
      %max3A_1007 = vector.broadcast %max3A : i32 to vector<16xi32>
      %max3A_1008 = arith.maxsi %sub3A_1006, %max3A_1007 : vector<16xi32>
      %lt3A_1009 = arith.constant 0 : i32
      %lt3A_1010 = vector.broadcast %lt3A_1009 : i32 to vector<16xi32>
      %lt3A_1011 = arith.cmpi slt, %max3A_1008, %lt3A_1010 : vector<16xi32>
      %add3A_1012 = arith.constant 16 : i32
      %add3A_1013 = vector.broadcast %add3A_1012 : i32 to vector<16xi32>
      %add3A_1014 = arith.addi %max3A_1008, %add3A_1013 : vector<16xi32>
      %select_n3A_1015 = arith.select %lt3A_1011, %add3A_1014, %max3A_1008 : vector<16xi1>, vector<16xi32>
      %broadcast_in_dim3A = vector.shape_cast %select_n3A_1015 : vector<16xi32> to vector<16x1xi32>
      %gather3A_1016 = vector.shape_cast %broadcast_in_dim3A : vector<16x1xi32> to vector<16xi32>
      %gather3A_1017 = tpu.dynamic_gather %masked_sort3A_1003[%gather3A_1016] in [0] : vector<16xi32>, vector<16xi32> -> vector<16xi32>
      %lt3A_1018 = arith.constant 0 : i32
      %lt3A_1019 = vector.broadcast %lt3A_1018 : i32 to vector<16xi32>
      %lt3A_1020 = arith.cmpi slt, %max3A_1008, %lt3A_1019 : vector<16xi32>
      %add3A_1021 = arith.constant 16 : i32
      %add3A_1022 = vector.broadcast %add3A_1021 : i32 to vector<16xi32>
      %add3A_1023 = arith.addi %max3A_1008, %add3A_1022 : vector<16xi32>
      %select_n3A_1024 = arith.select %lt3A_1020, %add3A_1023, %max3A_1008 : vector<16xi1>, vector<16xi32>
      %broadcast_in_dim3A_1025 = vector.shape_cast %select_n3A_1024 : vector<16xi32> to vector<16x1xi32>
      %gather3A_1026 = vector.shape_cast %broadcast_in_dim3A_1025 : vector<16x1xi32> to vector<16xi32>
      %gather3A_1027 = tpu.dynamic_gather %masked_sort3A_1002[%gather3A_1026] in [0] : vector<16xf32>, vector<16xi32> -> vector<16xf32>
      %ge3A = arith.constant 1 : i32
      %ge3A_1028 = vector.broadcast %ge3A : i32 to vector<16xi32>
      %ge3A_1029 = arith.cmpi sge, %iota3A, %ge3A_1028 : vector<16xi32>
      %eq3A_1030 = arith.cmpi eq, %gather3A_1017, %masked_sort3A_1003 : vector<16xi32>
      %and3A_1031 = arith.andi %ge3A_1029, %eq3A_1030 : vector<16xi1>
      %max3A_1032 = arith.maximumf %masked_sort3A_1002, %gather3A_1027 : vector<16xf32>
      %select_n3A_1033 = arith.select %and3A_1031, %max3A_1032, %masked_sort3A_1002 : vector<16xi1>, vector<16xf32>
      %sub3A_1034 = arith.constant 2 : i32
      %sub3A_1035 = vector.broadcast %sub3A_1034 : i32 to vector<16xi32>
      %sub3A_1036 = arith.subi %iota3A, %sub3A_1035 : vector<16xi32>
      %max3A_1037 = arith.constant 0 : i32
      %max3A_1038 = vector.broadcast %max3A_1037 : i32 to vector<16xi32>
      %max3A_1039 = arith.maxsi %sub3A_1036, %max3A_1038 : vector<16xi32>
      %lt3A_1040 = arith.constant 0 : i32
      %lt3A_1041 = vector.broadcast %lt3A_1040 : i32 to vector<16xi32>
      %lt3A_1042 = arith.cmpi slt, %max3A_1039, %lt3A_1041 : vector<16xi32>
      %add3A_1043 = arith.constant 16 : i32
      %add3A_1044 = vector.broadcast %add3A_1043 : i32 to vector<16xi32>
      %add3A_1045 = arith.addi %max3A_1039, %add3A_1044 : vector<16xi32>
      %select_n3A_1046 = arith.select %lt3A_1042, %add3A_1045, %max3A_1039 : vector<16xi1>, vector<16xi32>
      %broadcast_in_dim3A_1047 = vector.shape_cast %select_n3A_1046 : vector<16xi32> to vector<16x1xi32>
      %gather3A_1048 = vector.shape_cast %broadcast_in_dim3A_1047 : vector<16x1xi32> to vector<16xi32>
      %gather3A_1049 = tpu.dynamic_gather %masked_sort3A_1003[%gather3A_1048] in [0] : vector<16xi32>, vector<16xi32> -> vector<16xi32>
      %lt3A_1050 = arith.constant 0 : i32
      %lt3A_1051 = vector.broadcast %lt3A_1050 : i32 to vector<16xi32>
      %lt3A_1052 = arith.cmpi slt, %max3A_1039, %lt3A_1051 : vector<16xi32>
      %add3A_1053 = arith.constant 16 : i32
      %add3A_1054 = vector.broadcast %add3A_1053 : i32 to vector<16xi32>
      %add3A_1055 = arith.addi %max3A_1039, %add3A_1054 : vector<16xi32>
      %select_n3A_1056 = arith.select %lt3A_1052, %add3A_1055, %max3A_1039 : vector<16xi1>, vector<16xi32>
      %broadcast_in_dim3A_1057 = vector.shape_cast %select_n3A_1056 : vector<16xi32> to vector<16x1xi32>
      %gather3A_1058 = vector.shape_cast %broadcast_in_dim3A_1057 : vector<16x1xi32> to vector<16xi32>
      %gather3A_1059 = tpu.dynamic_gather %select_n3A_1033[%gather3A_1058] in [0] : vector<16xf32>, vector<16xi32> -> vector<16xf32>
      %ge3A_1060 = arith.constant 2 : i32
      %ge3A_1061 = vector.broadcast %ge3A_1060 : i32 to vector<16xi32>
      %ge3A_1062 = arith.cmpi sge, %iota3A, %ge3A_1061 : vector<16xi32>
      %eq3A_1063 = arith.cmpi eq, %gather3A_1049, %masked_sort3A_1003 : vector<16xi32>
      %and3A_1064 = arith.andi %ge3A_1062, %eq3A_1063 : vector<16xi1>
      %max3A_1065 = arith.maximumf %select_n3A_1033, %gather3A_1059 : vector<16xf32>
      %select_n3A_1066 = arith.select %and3A_1064, %max3A_1065, %select_n3A_1033 : vector<16xi1>, vector<16xf32>
      %sub3A_1067 = arith.constant 4 : i32
      %sub3A_1068 = vector.broadcast %sub3A_1067 : i32 to vector<16xi32>
      %sub3A_1069 = arith.subi %iota3A, %sub3A_1068 : vector<16xi32>
      %max3A_1070 = arith.constant 0 : i32
      %max3A_1071 = vector.broadcast %max3A_1070 : i32 to vector<16xi32>
      %max3A_1072 = arith.maxsi %sub3A_1069, %max3A_1071 : vector<16xi32>
      %lt3A_1073 = arith.constant 0 : i32
      %lt3A_1074 = vector.broadcast %lt3A_1073 : i32 to vector<16xi32>
      %lt3A_1075 = arith.cmpi slt, %max3A_1072, %lt3A_1074 : vector<16xi32>
      %add3A_1076 = arith.constant 16 : i32
      %add3A_1077 = vector.broadcast %add3A_1076 : i32 to vector<16xi32>
      %add3A_1078 = arith.addi %max3A_1072, %add3A_1077 : vector<16xi32>
      %select_n3A_1079 = arith.select %lt3A_1075, %add3A_1078, %max3A_1072 : vector<16xi1>, vector<16xi32>
      %broadcast_in_dim3A_1080 = vector.shape_cast %select_n3A_1079 : vector<16xi32> to vector<16x1xi32>
      %gather3A_1081 = vector.shape_cast %broadcast_in_dim3A_1080 : vector<16x1xi32> to vector<16xi32>
      %gather3A_1082 = tpu.dynamic_gather %masked_sort3A_1003[%gather3A_1081] in [0] : vector<16xi32>, vector<16xi32> -> vector<16xi32>
      %lt3A_1083 = arith.constant 0 : i32
      %lt3A_1084 = vector.broadcast %lt3A_1083 : i32 to vector<16xi32>
      %lt3A_1085 = arith.cmpi slt, %max3A_1072, %lt3A_1084 : vector<16xi32>
      %add3A_1086 = arith.constant 16 : i32
      %add3A_1087 = vector.broadcast %add3A_1086 : i32 to vector<16xi32>
      %add3A_1088 = arith.addi %max3A_1072, %add3A_1087 : vector<16xi32>
      %select_n3A_1089 = arith.select %lt3A_1085, %add3A_1088, %max3A_1072 : vector<16xi1>, vector<16xi32>
      %broadcast_in_dim3A_1090 = vector.shape_cast %select_n3A_1089 : vector<16xi32> to vector<16x1xi32>
      %gather3A_1091 = vector.shape_cast %broadcast_in_dim3A_1090 : vector<16x1xi32> to vector<16xi32>
      %gather3A_1092 = tpu.dynamic_gather %select_n3A_1066[%gather3A_1091] in [0] : vector<16xf32>, vector<16xi32> -> vector<16xf32>
      %ge3A_1093 = arith.constant 4 : i32
      %ge3A_1094 = vector.broadcast %ge3A_1093 : i32 to vector<16xi32>
      %ge3A_1095 = arith.cmpi sge, %iota3A, %ge3A_1094 : vector<16xi32>
      %eq3A_1096 = arith.cmpi eq, %gather3A_1082, %masked_sort3A_1003 : vector<16xi32>
      %and3A_1097 = arith.andi %ge3A_1095, %eq3A_1096 : vector<16xi1>
      %max3A_1098 = arith.maximumf %select_n3A_1066, %gather3A_1092 : vector<16xf32>
      %select_n3A_1099 = arith.select %and3A_1097, %max3A_1098, %select_n3A_1066 : vector<16xi1>, vector<16xf32>
      %sub3A_1100 = arith.constant 8 : i32
      %sub3A_1101 = vector.broadcast %sub3A_1100 : i32 to vector<16xi32>
      %sub3A_1102 = arith.subi %iota3A, %sub3A_1101 : vector<16xi32>
      %max3A_1103 = arith.constant 0 : i32
      %max3A_1104 = vector.broadcast %max3A_1103 : i32 to vector<16xi32>
      %max3A_1105 = arith.maxsi %sub3A_1102, %max3A_1104 : vector<16xi32>
      %lt3A_1106 = arith.constant 0 : i32
      %lt3A_1107 = vector.broadcast %lt3A_1106 : i32 to vector<16xi32>
      %lt3A_1108 = arith.cmpi slt, %max3A_1105, %lt3A_1107 : vector<16xi32>
      %add3A_1109 = arith.constant 16 : i32
      %add3A_1110 = vector.broadcast %add3A_1109 : i32 to vector<16xi32>
      %add3A_1111 = arith.addi %max3A_1105, %add3A_1110 : vector<16xi32>
      %select_n3A_1112 = arith.select %lt3A_1108, %add3A_1111, %max3A_1105 : vector<16xi1>, vector<16xi32>
      %broadcast_in_dim3A_1113 = vector.shape_cast %select_n3A_1112 : vector<16xi32> to vector<16x1xi32>
      %gather3A_1114 = vector.shape_cast %broadcast_in_dim3A_1113 : vector<16x1xi32> to vector<16xi32>
      %gather3A_1115 = tpu.dynamic_gather %masked_sort3A_1003[%gather3A_1114] in [0] : vector<16xi32>, vector<16xi32> -> vector<16xi32>
      %lt3A_1116 = arith.constant 0 : i32
      %lt3A_1117 = vector.broadcast %lt3A_1116 : i32 to vector<16xi32>
      %lt3A_1118 = arith.cmpi slt, %max3A_1105, %lt3A_1117 : vector<16xi32>
      %add3A_1119 = arith.constant 16 : i32
      %add3A_1120 = vector.broadcast %add3A_1119 : i32 to vector<16xi32>
      %add3A_1121 = arith.addi %max3A_1105, %add3A_1120 : vector<16xi32>
      %select_n3A_1122 = arith.select %lt3A_1118, %add3A_1121, %max3A_1105 : vector<16xi1>, vector<16xi32>
      %broadcast_in_dim3A_1123 = vector.shape_cast %select_n3A_1122 : vector<16xi32> to vector<16x1xi32>
      %gather3A_1124 = vector.shape_cast %broadcast_in_dim3A_1123 : vector<16x1xi32> to vector<16xi32>
      %gather3A_1125 = tpu.dynamic_gather %select_n3A_1099[%gather3A_1124] in [0] : vector<16xf32>, vector<16xi32> -> vector<16xf32>
      %ge3A_1126 = arith.constant 8 : i32
      %ge3A_1127 = vector.broadcast %ge3A_1126 : i32 to vector<16xi32>
      %ge3A_1128 = arith.cmpi sge, %iota3A, %ge3A_1127 : vector<16xi32>
      %eq3A_1129 = arith.cmpi eq, %gather3A_1115, %masked_sort3A_1003 : vector<16xi32>
      %and3A_1130 = arith.andi %ge3A_1128, %eq3A_1129 : vector<16xi1>
      %max3A_1131 = arith.maximumf %select_n3A_1099, %gather3A_1125 : vector<16xf32>
      %select_n3A_1132 = arith.select %and3A_1130, %max3A_1131, %select_n3A_1099 : vector<16xi1>, vector<16xf32>
      %add3A_1133 = arith.constant 1 : i32
      %add3A_1134 = vector.broadcast %add3A_1133 : i32 to vector<16xi32>
      %add3A_1135 = arith.addi %iota3A, %add3A_1134 : vector<16xi32>
      %min3A = arith.constant 15 : i32
      %min3A_1136 = vector.broadcast %min3A : i32 to vector<16xi32>
      %min3A_1137 = arith.minsi %add3A_1135, %min3A_1136 : vector<16xi32>
      %lt3A_1138 = arith.constant 0 : i32
      %lt3A_1139 = vector.broadcast %lt3A_1138 : i32 to vector<16xi32>
      %lt3A_1140 = arith.cmpi slt, %min3A_1137, %lt3A_1139 : vector<16xi32>
      %add3A_1141 = arith.constant 16 : i32
      %add3A_1142 = vector.broadcast %add3A_1141 : i32 to vector<16xi32>
      %add3A_1143 = arith.addi %min3A_1137, %add3A_1142 : vector<16xi32>
      %select_n3A_1144 = arith.select %lt3A_1140, %add3A_1143, %min3A_1137 : vector<16xi1>, vector<16xi32>
      %broadcast_in_dim3A_1145 = vector.shape_cast %select_n3A_1144 : vector<16xi32> to vector<16x1xi32>
      %gather3A_1146 = vector.shape_cast %broadcast_in_dim3A_1145 : vector<16x1xi32> to vector<16xi32>
      %gather3A_1147 = tpu.dynamic_gather %masked_sort3A_1003[%gather3A_1146] in [0] : vector<16xi32>, vector<16xi32> -> vector<16xi32>
      %eq3A_1148 = arith.constant 15 : i32
      %eq3A_1149 = vector.broadcast %eq3A_1148 : i32 to vector<16xi32>
      %eq3A_1150 = arith.cmpi eq, %iota3A, %eq3A_1149 : vector<16xi32>
      %ne3A_1151 = arith.cmpi ne, %gather3A_1147, %masked_sort3A_1003 : vector<16xi32>
      %or3A = arith.ori %eq3A_1150, %ne3A_1151 : vector<16xi1>
      %gather3A_1152 = tpu.vector_load_idx %arg11[%masked_sort3A_1003] masked %or3A : memref<10240xf32, #tpu.memory_space<vmem>>[vector<16xi32>], vector<16xf32>, vector<16xi1>
      %max3A_1153 = arith.maximumf %select_n3A_1132, %gather3A_1152 : vector<16xf32>
      tpu.vector_store_idx %arg11[%masked_sort3A_1003], %max3A_1153 masked %or3A : memref<10240xf32, #tpu.memory_space<vmem>>[vector<16xi32>], vector<16xf32>, vector<16xi1>
      %scan3A_1154 = arith.constant 0 : i32
      scf.yield %scan3A_1154 : i32
    }
    %scan3A_687 = arith.constant 1250 : i32
    "tpu.region"() ({
      %run_scoped3A = tpu.sem_alloc : memref<!tpu.dma_semaphore, #tpu.memory_space<semaphore_mem>>
      %dma_start3A_984 = arith.constant 0 : i32
      %dma_start3A_985 = tpu.memref_slice %arg12[%arg1, %dma_start3A_984] : memref<16x10240xf32, #tpu.memory_space<vmem_shared>> -> memref<1x10240xf32, #tpu.memory_space<vmem_shared>>
      %dma_start3A_986 = tpu.memref_squeeze %dma_start3A_985 : memref<1x10240xf32, #tpu.memory_space<vmem_shared>> -> memref<10240xf32, #tpu.memory_space<vmem_shared>>
      %dma_start3A_987 = arith.constant 0 : i32
      %dma_start3A_988 = tpu.memref_slice %arg12[%arg1, %dma_start3A_987] : memref<16x10240xf32, #tpu.memory_space<vmem_shared>> -> memref<1x10240xf32, #tpu.memory_space<vmem_shared>>
      %dma_start3A_989 = tpu.memref_squeeze %dma_start3A_988 : memref<1x10240xf32, #tpu.memory_space<vmem_shared>> -> memref<10240xf32, #tpu.memory_space<vmem_shared>>
      tpu.enqueue_dma source(%arg11 : memref<10240xf32, #tpu.memory_space<vmem>>) target(%dma_start3A_989 : memref<10240xf32, #tpu.memory_space<vmem_shared>>) target_semaphore(%run_scoped3A : memref<!tpu.dma_semaphore, #tpu.memory_space<semaphore_mem>>)
      %dma_wait3A_990 = arith.constant 0 : i32
      %dma_wait3A_991 = tpu.memref_slice %arg12[%arg1, %dma_wait3A_990] : memref<16x10240xf32, #tpu.memory_space<vmem_shared>> -> memref<1x10240xf32, #tpu.memory_space<vmem_shared>>
      %dma_wait3A_992 = tpu.memref_squeeze %dma_wait3A_991 : memref<1x10240xf32, #tpu.memory_space<vmem_shared>> -> memref<10240xf32, #tpu.memory_space<vmem_shared>>
      %dma_wait3A_993 = arith.constant 0 : i32
      %dma_wait3A_994 = tpu.memref_slice %arg12[%arg1, %dma_wait3A_993] : memref<16x10240xf32, #tpu.memory_space<vmem_shared>> -> memref<1x10240xf32, #tpu.memory_space<vmem_shared>>
      %dma_wait3A_995 = tpu.memref_squeeze %dma_wait3A_994 : memref<1x10240xf32, #tpu.memory_space<vmem_shared>> -> memref<10240xf32, #tpu.memory_space<vmem_shared>>
      tpu.wait_dma2 semaphore(%run_scoped3A : memref<!tpu.dma_semaphore, #tpu.memory_space<semaphore_mem>>) src(%arg11 : memref<10240xf32, #tpu.memory_space<vmem>>) dst(%dma_wait3A_995 : memref<10240xf32, #tpu.memory_space<vmem_shared>>)
      tpu.yield
    }) : () -> ()
    %barrier3A_688 = arith.constant 0 : index
    tpu.barrier barrier_id(%barrier3A_688)
    %dma_start3A_689 = arith.constant 0 : i32
    %dma_start3A_690 = arith.constant 0 : i32
    %dma_start3A_691 = tpu.memref_slice %arg10[%dma_start3A_690] : memref<10240xf32, #tpu.memory_space<vmem>> -> memref<640xf32, #tpu.memory_space<vmem>>
    %dma_start3A_692 = tpu.memref_slice %arg12[%dma_start3A_689, %mul3A_2] : memref<16x10240xf32, #tpu.memory_space<vmem_shared>> -> memref<1x640xf32, #tpu.memory_space<vmem_shared>>
    %dma_start3A_693 = tpu.memref_squeeze %dma_start3A_692 : memref<1x640xf32, #tpu.memory_space<vmem_shared>> -> memref<640xf32, #tpu.memory_space<vmem_shared>>
    %dma_start3A_694 = arith.constant 0 : i32
    %dma_start3A_695 = tpu.memref_slice %arg10[%dma_start3A_694] : memref<10240xf32, #tpu.memory_space<vmem>> -> memref<640xf32, #tpu.memory_space<vmem>>
    %dma_start3A_696 = tpu.memref_slice %arg12[%dma_start3A_689, %mul3A_2] : memref<16x10240xf32, #tpu.memory_space<vmem_shared>> -> memref<1x640xf32, #tpu.memory_space<vmem_shared>>
    %dma_start3A_697 = tpu.memref_squeeze %dma_start3A_696 : memref<1x640xf32, #tpu.memory_space<vmem_shared>> -> memref<640xf32, #tpu.memory_space<vmem_shared>>
    tpu.enqueue_dma source(%dma_start3A_697 : memref<640xf32, #tpu.memory_space<vmem_shared>>) target(%dma_start3A_695 : memref<640xf32, #tpu.memory_space<vmem>>) target_semaphore(%arg14 : memref<!tpu.dma_semaphore, #tpu.memory_space<semaphore_mem>>)
    %dma_start3A_698 = arith.constant 1 : i32
    %dma_start3A_699 = arith.constant 640 : i32
    %dma_start3A_700 = tpu.memref_slice %arg10[%dma_start3A_699] : memref<10240xf32, #tpu.memory_space<vmem>> -> memref<640xf32, #tpu.memory_space<vmem>>
    %dma_start3A_701 = tpu.memref_slice %arg12[%dma_start3A_698, %mul3A_2] : memref<16x10240xf32, #tpu.memory_space<vmem_shared>> -> memref<1x640xf32, #tpu.memory_space<vmem_shared>>
    %dma_start3A_702 = tpu.memref_squeeze %dma_start3A_701 : memref<1x640xf32, #tpu.memory_space<vmem_shared>> -> memref<640xf32, #tpu.memory_space<vmem_shared>>
    %dma_start3A_703 = arith.constant 640 : i32
    %dma_start3A_704 = tpu.memref_slice %arg10[%dma_start3A_703] : memref<10240xf32, #tpu.memory_space<vmem>> -> memref<640xf32, #tpu.memory_space<vmem>>
    %dma_start3A_705 = tpu.memref_slice %arg12[%dma_start3A_698, %mul3A_2] : memref<16x10240xf32, #tpu.memory_space<vmem_shared>> -> memref<1x640xf32, #tpu.memory_space<vmem_shared>>
    %dma_start3A_706 = tpu.memref_squeeze %dma_start3A_705 : memref<1x640xf32, #tpu.memory_space<vmem_shared>> -> memref<640xf32, #tpu.memory_space<vmem_shared>>
    tpu.enqueue_dma source(%dma_start3A_706 : memref<640xf32, #tpu.memory_space<vmem_shared>>) target(%dma_start3A_704 : memref<640xf32, #tpu.memory_space<vmem>>) target_semaphore(%arg14 : memref<!tpu.dma_semaphore, #tpu.memory_space<semaphore_mem>>)
    %dma_start3A_707 = arith.constant 2 : i32
    %dma_start3A_708 = arith.constant 1280 : i32
    %dma_start3A_709 = tpu.memref_slice %arg10[%dma_start3A_708] : memref<10240xf32, #tpu.memory_space<vmem>> -> memref<640xf32, #tpu.memory_space<vmem>>
    %dma_start3A_710 = tpu.memref_slice %arg12[%dma_start3A_707, %mul3A_2] : memref<16x10240xf32, #tpu.memory_space<vmem_shared>> -> memref<1x640xf32, #tpu.memory_space<vmem_shared>>
    %dma_start3A_711 = tpu.memref_squeeze %dma_start3A_710 : memref<1x640xf32, #tpu.memory_space<vmem_shared>> -> memref<640xf32, #tpu.memory_space<vmem_shared>>
    %dma_start3A_712 = arith.constant 1280 : i32
    %dma_start3A_713 = tpu.memref_slice %arg10[%dma_start3A_712] : memref<10240xf32, #tpu.memory_space<vmem>> -> memref<640xf32, #tpu.memory_space<vmem>>
    %dma_start3A_714 = tpu.memref_slice %arg12[%dma_start3A_707, %mul3A_2] : memref<16x10240xf32, #tpu.memory_space<vmem_shared>> -> memref<1x640xf32, #tpu.memory_space<vmem_shared>>
    %dma_start3A_715 = tpu.memref_squeeze %dma_start3A_714 : memref<1x640xf32, #tpu.memory_space<vmem_shared>> -> memref<640xf32, #tpu.memory_space<vmem_shared>>
    tpu.enqueue_dma source(%dma_start3A_715 : memref<640xf32, #tpu.memory_space<vmem_shared>>) target(%dma_start3A_713 : memref<640xf32, #tpu.memory_space<vmem>>) target_semaphore(%arg14 : memref<!tpu.dma_semaphore, #tpu.memory_space<semaphore_mem>>)
    %dma_start3A_716 = arith.constant 3 : i32
    %dma_start3A_717 = arith.constant 1920 : i32
    %dma_start3A_718 = tpu.memref_slice %arg10[%dma_start3A_717] : memref<10240xf32, #tpu.memory_space<vmem>> -> memref<640xf32, #tpu.memory_space<vmem>>
    %dma_start3A_719 = tpu.memref_slice %arg12[%dma_start3A_716, %mul3A_2] : memref<16x10240xf32, #tpu.memory_space<vmem_shared>> -> memref<1x640xf32, #tpu.memory_space<vmem_shared>>
    %dma_start3A_720 = tpu.memref_squeeze %dma_start3A_719 : memref<1x640xf32, #tpu.memory_space<vmem_shared>> -> memref<640xf32, #tpu.memory_space<vmem_shared>>
    %dma_start3A_721 = arith.constant 1920 : i32
    %dma_start3A_722 = tpu.memref_slice %arg10[%dma_start3A_721] : memref<10240xf32, #tpu.memory_space<vmem>> -> memref<640xf32, #tpu.memory_space<vmem>>
    %dma_start3A_723 = tpu.memref_slice %arg12[%dma_start3A_716, %mul3A_2] : memref<16x10240xf32, #tpu.memory_space<vmem_shared>> -> memref<1x640xf32, #tpu.memory_space<vmem_shared>>
    %dma_start3A_724 = tpu.memref_squeeze %dma_start3A_723 : memref<1x640xf32, #tpu.memory_space<vmem_shared>> -> memref<640xf32, #tpu.memory_space<vmem_shared>>
    tpu.enqueue_dma source(%dma_start3A_724 : memref<640xf32, #tpu.memory_space<vmem_shared>>) target(%dma_start3A_722 : memref<640xf32, #tpu.memory_space<vmem>>) target_semaphore(%arg14 : memref<!tpu.dma_semaphore, #tpu.memory_space<semaphore_mem>>)
    %dma_start3A_725 = arith.constant 4 : i32
    %dma_start3A_726 = arith.constant 2560 : i32
    %dma_start3A_727 = tpu.memref_slice %arg10[%dma_start3A_726] : memref<10240xf32, #tpu.memory_space<vmem>> -> memref<640xf32, #tpu.memory_space<vmem>>
    %dma_start3A_728 = tpu.memref_slice %arg12[%dma_start3A_725, %mul3A_2] : memref<16x10240xf32, #tpu.memory_space<vmem_shared>> -> memref<1x640xf32, #tpu.memory_space<vmem_shared>>
    %dma_start3A_729 = tpu.memref_squeeze %dma_start3A_728 : memref<1x640xf32, #tpu.memory_space<vmem_shared>> -> memref<640xf32, #tpu.memory_space<vmem_shared>>
    %dma_start3A_730 = arith.constant 2560 : i32
    %dma_start3A_731 = tpu.memref_slice %arg10[%dma_start3A_730] : memref<10240xf32, #tpu.memory_space<vmem>> -> memref<640xf32, #tpu.memory_space<vmem>>
    %dma_start3A_732 = tpu.memref_slice %arg12[%dma_start3A_725, %mul3A_2] : memref<16x10240xf32, #tpu.memory_space<vmem_shared>> -> memref<1x640xf32, #tpu.memory_space<vmem_shared>>
    %dma_start3A_733 = tpu.memref_squeeze %dma_start3A_732 : memref<1x640xf32, #tpu.memory_space<vmem_shared>> -> memref<640xf32, #tpu.memory_space<vmem_shared>>
    tpu.enqueue_dma source(%dma_start3A_733 : memref<640xf32, #tpu.memory_space<vmem_shared>>) target(%dma_start3A_731 : memref<640xf32, #tpu.memory_space<vmem>>) target_semaphore(%arg14 : memref<!tpu.dma_semaphore, #tpu.memory_space<semaphore_mem>>)
    %dma_start3A_734 = arith.constant 5 : i32
    %dma_start3A_735 = arith.constant 3200 : i32
    %dma_start3A_736 = tpu.memref_slice %arg10[%dma_start3A_735] : memref<10240xf32, #tpu.memory_space<vmem>> -> memref<640xf32, #tpu.memory_space<vmem>>
    %dma_start3A_737 = tpu.memref_slice %arg12[%dma_start3A_734, %mul3A_2] : memref<16x10240xf32, #tpu.memory_space<vmem_shared>> -> memref<1x640xf32, #tpu.memory_space<vmem_shared>>
    %dma_start3A_738 = tpu.memref_squeeze %dma_start3A_737 : memref<1x640xf32, #tpu.memory_space<vmem_shared>> -> memref<640xf32, #tpu.memory_space<vmem_shared>>
    %dma_start3A_739 = arith.constant 3200 : i32
    %dma_start3A_740 = tpu.memref_slice %arg10[%dma_start3A_739] : memref<10240xf32, #tpu.memory_space<vmem>> -> memref<640xf32, #tpu.memory_space<vmem>>
    %dma_start3A_741 = tpu.memref_slice %arg12[%dma_start3A_734, %mul3A_2] : memref<16x10240xf32, #tpu.memory_space<vmem_shared>> -> memref<1x640xf32, #tpu.memory_space<vmem_shared>>
    %dma_start3A_742 = tpu.memref_squeeze %dma_start3A_741 : memref<1x640xf32, #tpu.memory_space<vmem_shared>> -> memref<640xf32, #tpu.memory_space<vmem_shared>>
    tpu.enqueue_dma source(%dma_start3A_742 : memref<640xf32, #tpu.memory_space<vmem_shared>>) target(%dma_start3A_740 : memref<640xf32, #tpu.memory_space<vmem>>) target_semaphore(%arg14 : memref<!tpu.dma_semaphore, #tpu.memory_space<semaphore_mem>>)
    %dma_start3A_743 = arith.constant 6 : i32
    %dma_start3A_744 = arith.constant 3840 : i32
    %dma_start3A_745 = tpu.memref_slice %arg10[%dma_start3A_744] : memref<10240xf32, #tpu.memory_space<vmem>> -> memref<640xf32, #tpu.memory_space<vmem>>
    %dma_start3A_746 = tpu.memref_slice %arg12[%dma_start3A_743, %mul3A_2] : memref<16x10240xf32, #tpu.memory_space<vmem_shared>> -> memref<1x640xf32, #tpu.memory_space<vmem_shared>>
    %dma_start3A_747 = tpu.memref_squeeze %dma_start3A_746 : memref<1x640xf32, #tpu.memory_space<vmem_shared>> -> memref<640xf32, #tpu.memory_space<vmem_shared>>
    %dma_start3A_748 = arith.constant 3840 : i32
    %dma_start3A_749 = tpu.memref_slice %arg10[%dma_start3A_748] : memref<10240xf32, #tpu.memory_space<vmem>> -> memref<640xf32, #tpu.memory_space<vmem>>
    %dma_start3A_750 = tpu.memref_slice %arg12[%dma_start3A_743, %mul3A_2] : memref<16x10240xf32, #tpu.memory_space<vmem_shared>> -> memref<1x640xf32, #tpu.memory_space<vmem_shared>>
    %dma_start3A_751 = tpu.memref_squeeze %dma_start3A_750 : memref<1x640xf32, #tpu.memory_space<vmem_shared>> -> memref<640xf32, #tpu.memory_space<vmem_shared>>
    tpu.enqueue_dma source(%dma_start3A_751 : memref<640xf32, #tpu.memory_space<vmem_shared>>) target(%dma_start3A_749 : memref<640xf32, #tpu.memory_space<vmem>>) target_semaphore(%arg14 : memref<!tpu.dma_semaphore, #tpu.memory_space<semaphore_mem>>)
    %dma_start3A_752 = arith.constant 7 : i32
    %dma_start3A_753 = arith.constant 4480 : i32
    %dma_start3A_754 = tpu.memref_slice %arg10[%dma_start3A_753] : memref<10240xf32, #tpu.memory_space<vmem>> -> memref<640xf32, #tpu.memory_space<vmem>>
    %dma_start3A_755 = tpu.memref_slice %arg12[%dma_start3A_752, %mul3A_2] : memref<16x10240xf32, #tpu.memory_space<vmem_shared>> -> memref<1x640xf32, #tpu.memory_space<vmem_shared>>
    %dma_start3A_756 = tpu.memref_squeeze %dma_start3A_755 : memref<1x640xf32, #tpu.memory_space<vmem_shared>> -> memref<640xf32, #tpu.memory_space<vmem_shared>>
    %dma_start3A_757 = arith.constant 4480 : i32
    %dma_start3A_758 = tpu.memref_slice %arg10[%dma_start3A_757] : memref<10240xf32, #tpu.memory_space<vmem>> -> memref<640xf32, #tpu.memory_space<vmem>>
    %dma_start3A_759 = tpu.memref_slice %arg12[%dma_start3A_752, %mul3A_2] : memref<16x10240xf32, #tpu.memory_space<vmem_shared>> -> memref<1x640xf32, #tpu.memory_space<vmem_shared>>
    %dma_start3A_760 = tpu.memref_squeeze %dma_start3A_759 : memref<1x640xf32, #tpu.memory_space<vmem_shared>> -> memref<640xf32, #tpu.memory_space<vmem_shared>>
    tpu.enqueue_dma source(%dma_start3A_760 : memref<640xf32, #tpu.memory_space<vmem_shared>>) target(%dma_start3A_758 : memref<640xf32, #tpu.memory_space<vmem>>) target_semaphore(%arg14 : memref<!tpu.dma_semaphore, #tpu.memory_space<semaphore_mem>>)
    %dma_start3A_761 = arith.constant 8 : i32
    %dma_start3A_762 = arith.constant 5120 : i32
    %dma_start3A_763 = tpu.memref_slice %arg10[%dma_start3A_762] : memref<10240xf32, #tpu.memory_space<vmem>> -> memref<640xf32, #tpu.memory_space<vmem>>
    %dma_start3A_764 = tpu.memref_slice %arg12[%dma_start3A_761, %mul3A_2] : memref<16x10240xf32, #tpu.memory_space<vmem_shared>> -> memref<1x640xf32, #tpu.memory_space<vmem_shared>>
    %dma_start3A_765 = tpu.memref_squeeze %dma_start3A_764 : memref<1x640xf32, #tpu.memory_space<vmem_shared>> -> memref<640xf32, #tpu.memory_space<vmem_shared>>
    %dma_start3A_766 = arith.constant 5120 : i32
    %dma_start3A_767 = tpu.memref_slice %arg10[%dma_start3A_766] : memref<10240xf32, #tpu.memory_space<vmem>> -> memref<640xf32, #tpu.memory_space<vmem>>
    %dma_start3A_768 = tpu.memref_slice %arg12[%dma_start3A_761, %mul3A_2] : memref<16x10240xf32, #tpu.memory_space<vmem_shared>> -> memref<1x640xf32, #tpu.memory_space<vmem_shared>>
    %dma_start3A_769 = tpu.memref_squeeze %dma_start3A_768 : memref<1x640xf32, #tpu.memory_space<vmem_shared>> -> memref<640xf32, #tpu.memory_space<vmem_shared>>
    tpu.enqueue_dma source(%dma_start3A_769 : memref<640xf32, #tpu.memory_space<vmem_shared>>) target(%dma_start3A_767 : memref<640xf32, #tpu.memory_space<vmem>>) target_semaphore(%arg14 : memref<!tpu.dma_semaphore, #tpu.memory_space<semaphore_mem>>)
    %dma_start3A_770 = arith.constant 9 : i32
    %dma_start3A_771 = arith.constant 5760 : i32
    %dma_start3A_772 = tpu.memref_slice %arg10[%dma_start3A_771] : memref<10240xf32, #tpu.memory_space<vmem>> -> memref<640xf32, #tpu.memory_space<vmem>>
    %dma_start3A_773 = tpu.memref_slice %arg12[%dma_start3A_770, %mul3A_2] : memref<16x10240xf32, #tpu.memory_space<vmem_shared>> -> memref<1x640xf32, #tpu.memory_space<vmem_shared>>
    %dma_start3A_774 = tpu.memref_squeeze %dma_start3A_773 : memref<1x640xf32, #tpu.memory_space<vmem_shared>> -> memref<640xf32, #tpu.memory_space<vmem_shared>>
    %dma_start3A_775 = arith.constant 5760 : i32
    %dma_start3A_776 = tpu.memref_slice %arg10[%dma_start3A_775] : memref<10240xf32, #tpu.memory_space<vmem>> -> memref<640xf32, #tpu.memory_space<vmem>>
    %dma_start3A_777 = tpu.memref_slice %arg12[%dma_start3A_770, %mul3A_2] : memref<16x10240xf32, #tpu.memory_space<vmem_shared>> -> memref<1x640xf32, #tpu.memory_space<vmem_shared>>
    %dma_start3A_778 = tpu.memref_squeeze %dma_start3A_777 : memref<1x640xf32, #tpu.memory_space<vmem_shared>> -> memref<640xf32, #tpu.memory_space<vmem_shared>>
    tpu.enqueue_dma source(%dma_start3A_778 : memref<640xf32, #tpu.memory_space<vmem_shared>>) target(%dma_start3A_776 : memref<640xf32, #tpu.memory_space<vmem>>) target_semaphore(%arg14 : memref<!tpu.dma_semaphore, #tpu.memory_space<semaphore_mem>>)
    %dma_start3A_779 = arith.constant 10 : i32
    %dma_start3A_780 = arith.constant 6400 : i32
    %dma_start3A_781 = tpu.memref_slice %arg10[%dma_start3A_780] : memref<10240xf32, #tpu.memory_space<vmem>> -> memref<640xf32, #tpu.memory_space<vmem>>
    %dma_start3A_782 = tpu.memref_slice %arg12[%dma_start3A_779, %mul3A_2] : memref<16x10240xf32, #tpu.memory_space<vmem_shared>> -> memref<1x640xf32, #tpu.memory_space<vmem_shared>>
    %dma_start3A_783 = tpu.memref_squeeze %dma_start3A_782 : memref<1x640xf32, #tpu.memory_space<vmem_shared>> -> memref<640xf32, #tpu.memory_space<vmem_shared>>
    %dma_start3A_784 = arith.constant 6400 : i32
    %dma_start3A_785 = tpu.memref_slice %arg10[%dma_start3A_784] : memref<10240xf32, #tpu.memory_space<vmem>> -> memref<640xf32, #tpu.memory_space<vmem>>
    %dma_start3A_786 = tpu.memref_slice %arg12[%dma_start3A_779, %mul3A_2] : memref<16x10240xf32, #tpu.memory_space<vmem_shared>> -> memref<1x640xf32, #tpu.memory_space<vmem_shared>>
    %dma_start3A_787 = tpu.memref_squeeze %dma_start3A_786 : memref<1x640xf32, #tpu.memory_space<vmem_shared>> -> memref<640xf32, #tpu.memory_space<vmem_shared>>
    tpu.enqueue_dma source(%dma_start3A_787 : memref<640xf32, #tpu.memory_space<vmem_shared>>) target(%dma_start3A_785 : memref<640xf32, #tpu.memory_space<vmem>>) target_semaphore(%arg14 : memref<!tpu.dma_semaphore, #tpu.memory_space<semaphore_mem>>)
    %dma_start3A_788 = arith.constant 11 : i32
    %dma_start3A_789 = arith.constant 7040 : i32
    %dma_start3A_790 = tpu.memref_slice %arg10[%dma_start3A_789] : memref<10240xf32, #tpu.memory_space<vmem>> -> memref<640xf32, #tpu.memory_space<vmem>>
    %dma_start3A_791 = tpu.memref_slice %arg12[%dma_start3A_788, %mul3A_2] : memref<16x10240xf32, #tpu.memory_space<vmem_shared>> -> memref<1x640xf32, #tpu.memory_space<vmem_shared>>
    %dma_start3A_792 = tpu.memref_squeeze %dma_start3A_791 : memref<1x640xf32, #tpu.memory_space<vmem_shared>> -> memref<640xf32, #tpu.memory_space<vmem_shared>>
    %dma_start3A_793 = arith.constant 7040 : i32
    %dma_start3A_794 = tpu.memref_slice %arg10[%dma_start3A_793] : memref<10240xf32, #tpu.memory_space<vmem>> -> memref<640xf32, #tpu.memory_space<vmem>>
    %dma_start3A_795 = tpu.memref_slice %arg12[%dma_start3A_788, %mul3A_2] : memref<16x10240xf32, #tpu.memory_space<vmem_shared>> -> memref<1x640xf32, #tpu.memory_space<vmem_shared>>
    %dma_start3A_796 = tpu.memref_squeeze %dma_start3A_795 : memref<1x640xf32, #tpu.memory_space<vmem_shared>> -> memref<640xf32, #tpu.memory_space<vmem_shared>>
    tpu.enqueue_dma source(%dma_start3A_796 : memref<640xf32, #tpu.memory_space<vmem_shared>>) target(%dma_start3A_794 : memref<640xf32, #tpu.memory_space<vmem>>) target_semaphore(%arg14 : memref<!tpu.dma_semaphore, #tpu.memory_space<semaphore_mem>>)
    %dma_start3A_797 = arith.constant 12 : i32
    %dma_start3A_798 = arith.constant 7680 : i32
    %dma_start3A_799 = tpu.memref_slice %arg10[%dma_start3A_798] : memref<10240xf32, #tpu.memory_space<vmem>> -> memref<640xf32, #tpu.memory_space<vmem>>
    %dma_start3A_800 = tpu.memref_slice %arg12[%dma_start3A_797, %mul3A_2] : memref<16x10240xf32, #tpu.memory_space<vmem_shared>> -> memref<1x640xf32, #tpu.memory_space<vmem_shared>>
    %dma_start3A_801 = tpu.memref_squeeze %dma_start3A_800 : memref<1x640xf32, #tpu.memory_space<vmem_shared>> -> memref<640xf32, #tpu.memory_space<vmem_shared>>
    %dma_start3A_802 = arith.constant 7680 : i32
    %dma_start3A_803 = tpu.memref_slice %arg10[%dma_start3A_802] : memref<10240xf32, #tpu.memory_space<vmem>> -> memref<640xf32, #tpu.memory_space<vmem>>
    %dma_start3A_804 = tpu.memref_slice %arg12[%dma_start3A_797, %mul3A_2] : memref<16x10240xf32, #tpu.memory_space<vmem_shared>> -> memref<1x640xf32, #tpu.memory_space<vmem_shared>>
    %dma_start3A_805 = tpu.memref_squeeze %dma_start3A_804 : memref<1x640xf32, #tpu.memory_space<vmem_shared>> -> memref<640xf32, #tpu.memory_space<vmem_shared>>
    tpu.enqueue_dma source(%dma_start3A_805 : memref<640xf32, #tpu.memory_space<vmem_shared>>) target(%dma_start3A_803 : memref<640xf32, #tpu.memory_space<vmem>>) target_semaphore(%arg14 : memref<!tpu.dma_semaphore, #tpu.memory_space<semaphore_mem>>)
    %dma_start3A_806 = arith.constant 13 : i32
    %dma_start3A_807 = arith.constant 8320 : i32
    %dma_start3A_808 = tpu.memref_slice %arg10[%dma_start3A_807] : memref<10240xf32, #tpu.memory_space<vmem>> -> memref<640xf32, #tpu.memory_space<vmem>>
    %dma_start3A_809 = tpu.memref_slice %arg12[%dma_start3A_806, %mul3A_2] : memref<16x10240xf32, #tpu.memory_space<vmem_shared>> -> memref<1x640xf32, #tpu.memory_space<vmem_shared>>
    %dma_start3A_810 = tpu.memref_squeeze %dma_start3A_809 : memref<1x640xf32, #tpu.memory_space<vmem_shared>> -> memref<640xf32, #tpu.memory_space<vmem_shared>>
    %dma_start3A_811 = arith.constant 8320 : i32
    %dma_start3A_812 = tpu.memref_slice %arg10[%dma_start3A_811] : memref<10240xf32, #tpu.memory_space<vmem>> -> memref<640xf32, #tpu.memory_space<vmem>>
    %dma_start3A_813 = tpu.memref_slice %arg12[%dma_start3A_806, %mul3A_2] : memref<16x10240xf32, #tpu.memory_space<vmem_shared>> -> memref<1x640xf32, #tpu.memory_space<vmem_shared>>
    %dma_start3A_814 = tpu.memref_squeeze %dma_start3A_813 : memref<1x640xf32, #tpu.memory_space<vmem_shared>> -> memref<640xf32, #tpu.memory_space<vmem_shared>>
    tpu.enqueue_dma source(%dma_start3A_814 : memref<640xf32, #tpu.memory_space<vmem_shared>>) target(%dma_start3A_812 : memref<640xf32, #tpu.memory_space<vmem>>) target_semaphore(%arg14 : memref<!tpu.dma_semaphore, #tpu.memory_space<semaphore_mem>>)
    %dma_start3A_815 = arith.constant 14 : i32
    %dma_start3A_816 = arith.constant 8960 : i32
    %dma_start3A_817 = tpu.memref_slice %arg10[%dma_start3A_816] : memref<10240xf32, #tpu.memory_space<vmem>> -> memref<640xf32, #tpu.memory_space<vmem>>
    %dma_start3A_818 = tpu.memref_slice %arg12[%dma_start3A_815, %mul3A_2] : memref<16x10240xf32, #tpu.memory_space<vmem_shared>> -> memref<1x640xf32, #tpu.memory_space<vmem_shared>>
    %dma_start3A_819 = tpu.memref_squeeze %dma_start3A_818 : memref<1x640xf32, #tpu.memory_space<vmem_shared>> -> memref<640xf32, #tpu.memory_space<vmem_shared>>
    %dma_start3A_820 = arith.constant 8960 : i32
    %dma_start3A_821 = tpu.memref_slice %arg10[%dma_start3A_820] : memref<10240xf32, #tpu.memory_space<vmem>> -> memref<640xf32, #tpu.memory_space<vmem>>
    %dma_start3A_822 = tpu.memref_slice %arg12[%dma_start3A_815, %mul3A_2] : memref<16x10240xf32, #tpu.memory_space<vmem_shared>> -> memref<1x640xf32, #tpu.memory_space<vmem_shared>>
    %dma_start3A_823 = tpu.memref_squeeze %dma_start3A_822 : memref<1x640xf32, #tpu.memory_space<vmem_shared>> -> memref<640xf32, #tpu.memory_space<vmem_shared>>
    tpu.enqueue_dma source(%dma_start3A_823 : memref<640xf32, #tpu.memory_space<vmem_shared>>) target(%dma_start3A_821 : memref<640xf32, #tpu.memory_space<vmem>>) target_semaphore(%arg14 : memref<!tpu.dma_semaphore, #tpu.memory_space<semaphore_mem>>)
    %dma_start3A_824 = arith.constant 15 : i32
    %dma_start3A_825 = arith.constant 9600 : i32
    %dma_start3A_826 = tpu.memref_slice %arg10[%dma_start3A_825] : memref<10240xf32, #tpu.memory_space<vmem>> -> memref<640xf32, #tpu.memory_space<vmem>>
    %dma_start3A_827 = tpu.memref_slice %arg12[%dma_start3A_824, %mul3A_2] : memref<16x10240xf32, #tpu.memory_space<vmem_shared>> -> memref<1x640xf32, #tpu.memory_space<vmem_shared>>
    %dma_start3A_828 = tpu.memref_squeeze %dma_start3A_827 : memref<1x640xf32, #tpu.memory_space<vmem_shared>> -> memref<640xf32, #tpu.memory_space<vmem_shared>>
    %dma_start3A_829 = arith.constant 9600 : i32
    %dma_start3A_830 = tpu.memref_slice %arg10[%dma_start3A_829] : memref<10240xf32, #tpu.memory_space<vmem>> -> memref<640xf32, #tpu.memory_space<vmem>>
    %dma_start3A_831 = tpu.memref_slice %arg12[%dma_start3A_824, %mul3A_2] : memref<16x10240xf32, #tpu.memory_space<vmem_shared>> -> memref<1x640xf32, #tpu.memory_space<vmem_shared>>
    %dma_start3A_832 = tpu.memref_squeeze %dma_start3A_831 : memref<1x640xf32, #tpu.memory_space<vmem_shared>> -> memref<640xf32, #tpu.memory_space<vmem_shared>>
    tpu.enqueue_dma source(%dma_start3A_832 : memref<640xf32, #tpu.memory_space<vmem_shared>>) target(%dma_start3A_830 : memref<640xf32, #tpu.memory_space<vmem>>) target_semaphore(%arg14 : memref<!tpu.dma_semaphore, #tpu.memory_space<semaphore_mem>>)
    %dma_wait3A_833 = arith.constant 0 : i32
    %dma_wait3A_834 = arith.constant 0 : i32
    %dma_wait3A_835 = tpu.memref_slice %arg10[%dma_wait3A_834] : memref<10240xf32, #tpu.memory_space<vmem>> -> memref<640xf32, #tpu.memory_space<vmem>>
    %dma_wait3A_836 = tpu.memref_slice %arg12[%dma_wait3A_833, %mul3A_2] : memref<16x10240xf32, #tpu.memory_space<vmem_shared>> -> memref<1x640xf32, #tpu.memory_space<vmem_shared>>
    %dma_wait3A_837 = tpu.memref_squeeze %dma_wait3A_836 : memref<1x640xf32, #tpu.memory_space<vmem_shared>> -> memref<640xf32, #tpu.memory_space<vmem_shared>>
    %dma_wait3A_838 = arith.constant 0 : i32
    %dma_wait3A_839 = tpu.memref_slice %arg10[%dma_wait3A_838] : memref<10240xf32, #tpu.memory_space<vmem>> -> memref<640xf32, #tpu.memory_space<vmem>>
    %dma_wait3A_840 = tpu.memref_slice %arg12[%dma_wait3A_833, %mul3A_2] : memref<16x10240xf32, #tpu.memory_space<vmem_shared>> -> memref<1x640xf32, #tpu.memory_space<vmem_shared>>
    %dma_wait3A_841 = tpu.memref_squeeze %dma_wait3A_840 : memref<1x640xf32, #tpu.memory_space<vmem_shared>> -> memref<640xf32, #tpu.memory_space<vmem_shared>>
    tpu.wait_dma2 semaphore(%arg14 : memref<!tpu.dma_semaphore, #tpu.memory_space<semaphore_mem>>) src(%dma_wait3A_841 : memref<640xf32, #tpu.memory_space<vmem_shared>>) dst(%dma_wait3A_839 : memref<640xf32, #tpu.memory_space<vmem>>)
    %dma_wait3A_842 = arith.constant 1 : i32
    %dma_wait3A_843 = arith.constant 640 : i32
    %dma_wait3A_844 = tpu.memref_slice %arg10[%dma_wait3A_843] : memref<10240xf32, #tpu.memory_space<vmem>> -> memref<640xf32, #tpu.memory_space<vmem>>
    %dma_wait3A_845 = tpu.memref_slice %arg12[%dma_wait3A_842, %mul3A_2] : memref<16x10240xf32, #tpu.memory_space<vmem_shared>> -> memref<1x640xf32, #tpu.memory_space<vmem_shared>>
    %dma_wait3A_846 = tpu.memref_squeeze %dma_wait3A_845 : memref<1x640xf32, #tpu.memory_space<vmem_shared>> -> memref<640xf32, #tpu.memory_space<vmem_shared>>
    %dma_wait3A_847 = arith.constant 640 : i32
    %dma_wait3A_848 = tpu.memref_slice %arg10[%dma_wait3A_847] : memref<10240xf32, #tpu.memory_space<vmem>> -> memref<640xf32, #tpu.memory_space<vmem>>
    %dma_wait3A_849 = tpu.memref_slice %arg12[%dma_wait3A_842, %mul3A_2] : memref<16x10240xf32, #tpu.memory_space<vmem_shared>> -> memref<1x640xf32, #tpu.memory_space<vmem_shared>>
    %dma_wait3A_850 = tpu.memref_squeeze %dma_wait3A_849 : memref<1x640xf32, #tpu.memory_space<vmem_shared>> -> memref<640xf32, #tpu.memory_space<vmem_shared>>
    tpu.wait_dma2 semaphore(%arg14 : memref<!tpu.dma_semaphore, #tpu.memory_space<semaphore_mem>>) src(%dma_wait3A_850 : memref<640xf32, #tpu.memory_space<vmem_shared>>) dst(%dma_wait3A_848 : memref<640xf32, #tpu.memory_space<vmem>>)
    %dma_wait3A_851 = arith.constant 2 : i32
    %dma_wait3A_852 = arith.constant 1280 : i32
    %dma_wait3A_853 = tpu.memref_slice %arg10[%dma_wait3A_852] : memref<10240xf32, #tpu.memory_space<vmem>> -> memref<640xf32, #tpu.memory_space<vmem>>
    %dma_wait3A_854 = tpu.memref_slice %arg12[%dma_wait3A_851, %mul3A_2] : memref<16x10240xf32, #tpu.memory_space<vmem_shared>> -> memref<1x640xf32, #tpu.memory_space<vmem_shared>>
    %dma_wait3A_855 = tpu.memref_squeeze %dma_wait3A_854 : memref<1x640xf32, #tpu.memory_space<vmem_shared>> -> memref<640xf32, #tpu.memory_space<vmem_shared>>
    %dma_wait3A_856 = arith.constant 1280 : i32
    %dma_wait3A_857 = tpu.memref_slice %arg10[%dma_wait3A_856] : memref<10240xf32, #tpu.memory_space<vmem>> -> memref<640xf32, #tpu.memory_space<vmem>>
    %dma_wait3A_858 = tpu.memref_slice %arg12[%dma_wait3A_851, %mul3A_2] : memref<16x10240xf32, #tpu.memory_space<vmem_shared>> -> memref<1x640xf32, #tpu.memory_space<vmem_shared>>
    %dma_wait3A_859 = tpu.memref_squeeze %dma_wait3A_858 : memref<1x640xf32, #tpu.memory_space<vmem_shared>> -> memref<640xf32, #tpu.memory_space<vmem_shared>>
    tpu.wait_dma2 semaphore(%arg14 : memref<!tpu.dma_semaphore, #tpu.memory_space<semaphore_mem>>) src(%dma_wait3A_859 : memref<640xf32, #tpu.memory_space<vmem_shared>>) dst(%dma_wait3A_857 : memref<640xf32, #tpu.memory_space<vmem>>)
    %dma_wait3A_860 = arith.constant 3 : i32
    %dma_wait3A_861 = arith.constant 1920 : i32
    %dma_wait3A_862 = tpu.memref_slice %arg10[%dma_wait3A_861] : memref<10240xf32, #tpu.memory_space<vmem>> -> memref<640xf32, #tpu.memory_space<vmem>>
    %dma_wait3A_863 = tpu.memref_slice %arg12[%dma_wait3A_860, %mul3A_2] : memref<16x10240xf32, #tpu.memory_space<vmem_shared>> -> memref<1x640xf32, #tpu.memory_space<vmem_shared>>
    %dma_wait3A_864 = tpu.memref_squeeze %dma_wait3A_863 : memref<1x640xf32, #tpu.memory_space<vmem_shared>> -> memref<640xf32, #tpu.memory_space<vmem_shared>>
    %dma_wait3A_865 = arith.constant 1920 : i32
    %dma_wait3A_866 = tpu.memref_slice %arg10[%dma_wait3A_865] : memref<10240xf32, #tpu.memory_space<vmem>> -> memref<640xf32, #tpu.memory_space<vmem>>
    %dma_wait3A_867 = tpu.memref_slice %arg12[%dma_wait3A_860, %mul3A_2] : memref<16x10240xf32, #tpu.memory_space<vmem_shared>> -> memref<1x640xf32, #tpu.memory_space<vmem_shared>>
    %dma_wait3A_868 = tpu.memref_squeeze %dma_wait3A_867 : memref<1x640xf32, #tpu.memory_space<vmem_shared>> -> memref<640xf32, #tpu.memory_space<vmem_shared>>
    tpu.wait_dma2 semaphore(%arg14 : memref<!tpu.dma_semaphore, #tpu.memory_space<semaphore_mem>>) src(%dma_wait3A_868 : memref<640xf32, #tpu.memory_space<vmem_shared>>) dst(%dma_wait3A_866 : memref<640xf32, #tpu.memory_space<vmem>>)
    %dma_wait3A_869 = arith.constant 4 : i32
    %dma_wait3A_870 = arith.constant 2560 : i32
    %dma_wait3A_871 = tpu.memref_slice %arg10[%dma_wait3A_870] : memref<10240xf32, #tpu.memory_space<vmem>> -> memref<640xf32, #tpu.memory_space<vmem>>
    %dma_wait3A_872 = tpu.memref_slice %arg12[%dma_wait3A_869, %mul3A_2] : memref<16x10240xf32, #tpu.memory_space<vmem_shared>> -> memref<1x640xf32, #tpu.memory_space<vmem_shared>>
    %dma_wait3A_873 = tpu.memref_squeeze %dma_wait3A_872 : memref<1x640xf32, #tpu.memory_space<vmem_shared>> -> memref<640xf32, #tpu.memory_space<vmem_shared>>
    %dma_wait3A_874 = arith.constant 2560 : i32
    %dma_wait3A_875 = tpu.memref_slice %arg10[%dma_wait3A_874] : memref<10240xf32, #tpu.memory_space<vmem>> -> memref<640xf32, #tpu.memory_space<vmem>>
    %dma_wait3A_876 = tpu.memref_slice %arg12[%dma_wait3A_869, %mul3A_2] : memref<16x10240xf32, #tpu.memory_space<vmem_shared>> -> memref<1x640xf32, #tpu.memory_space<vmem_shared>>
    %dma_wait3A_877 = tpu.memref_squeeze %dma_wait3A_876 : memref<1x640xf32, #tpu.memory_space<vmem_shared>> -> memref<640xf32, #tpu.memory_space<vmem_shared>>
    tpu.wait_dma2 semaphore(%arg14 : memref<!tpu.dma_semaphore, #tpu.memory_space<semaphore_mem>>) src(%dma_wait3A_877 : memref<640xf32, #tpu.memory_space<vmem_shared>>) dst(%dma_wait3A_875 : memref<640xf32, #tpu.memory_space<vmem>>)
    %dma_wait3A_878 = arith.constant 5 : i32
    %dma_wait3A_879 = arith.constant 3200 : i32
    %dma_wait3A_880 = tpu.memref_slice %arg10[%dma_wait3A_879] : memref<10240xf32, #tpu.memory_space<vmem>> -> memref<640xf32, #tpu.memory_space<vmem>>
    %dma_wait3A_881 = tpu.memref_slice %arg12[%dma_wait3A_878, %mul3A_2] : memref<16x10240xf32, #tpu.memory_space<vmem_shared>> -> memref<1x640xf32, #tpu.memory_space<vmem_shared>>
    %dma_wait3A_882 = tpu.memref_squeeze %dma_wait3A_881 : memref<1x640xf32, #tpu.memory_space<vmem_shared>> -> memref<640xf32, #tpu.memory_space<vmem_shared>>
    %dma_wait3A_883 = arith.constant 3200 : i32
    %dma_wait3A_884 = tpu.memref_slice %arg10[%dma_wait3A_883] : memref<10240xf32, #tpu.memory_space<vmem>> -> memref<640xf32, #tpu.memory_space<vmem>>
    %dma_wait3A_885 = tpu.memref_slice %arg12[%dma_wait3A_878, %mul3A_2] : memref<16x10240xf32, #tpu.memory_space<vmem_shared>> -> memref<1x640xf32, #tpu.memory_space<vmem_shared>>
    %dma_wait3A_886 = tpu.memref_squeeze %dma_wait3A_885 : memref<1x640xf32, #tpu.memory_space<vmem_shared>> -> memref<640xf32, #tpu.memory_space<vmem_shared>>
    tpu.wait_dma2 semaphore(%arg14 : memref<!tpu.dma_semaphore, #tpu.memory_space<semaphore_mem>>) src(%dma_wait3A_886 : memref<640xf32, #tpu.memory_space<vmem_shared>>) dst(%dma_wait3A_884 : memref<640xf32, #tpu.memory_space<vmem>>)
    %dma_wait3A_887 = arith.constant 6 : i32
    %dma_wait3A_888 = arith.constant 3840 : i32
    %dma_wait3A_889 = tpu.memref_slice %arg10[%dma_wait3A_888] : memref<10240xf32, #tpu.memory_space<vmem>> -> memref<640xf32, #tpu.memory_space<vmem>>
    %dma_wait3A_890 = tpu.memref_slice %arg12[%dma_wait3A_887, %mul3A_2] : memref<16x10240xf32, #tpu.memory_space<vmem_shared>> -> memref<1x640xf32, #tpu.memory_space<vmem_shared>>
    %dma_wait3A_891 = tpu.memref_squeeze %dma_wait3A_890 : memref<1x640xf32, #tpu.memory_space<vmem_shared>> -> memref<640xf32, #tpu.memory_space<vmem_shared>>
    %dma_wait3A_892 = arith.constant 3840 : i32
    %dma_wait3A_893 = tpu.memref_slice %arg10[%dma_wait3A_892] : memref<10240xf32, #tpu.memory_space<vmem>> -> memref<640xf32, #tpu.memory_space<vmem>>
    %dma_wait3A_894 = tpu.memref_slice %arg12[%dma_wait3A_887, %mul3A_2] : memref<16x10240xf32, #tpu.memory_space<vmem_shared>> -> memref<1x640xf32, #tpu.memory_space<vmem_shared>>
    %dma_wait3A_895 = tpu.memref_squeeze %dma_wait3A_894 : memref<1x640xf32, #tpu.memory_space<vmem_shared>> -> memref<640xf32, #tpu.memory_space<vmem_shared>>
    tpu.wait_dma2 semaphore(%arg14 : memref<!tpu.dma_semaphore, #tpu.memory_space<semaphore_mem>>) src(%dma_wait3A_895 : memref<640xf32, #tpu.memory_space<vmem_shared>>) dst(%dma_wait3A_893 : memref<640xf32, #tpu.memory_space<vmem>>)
    %dma_wait3A_896 = arith.constant 7 : i32
    %dma_wait3A_897 = arith.constant 4480 : i32
    %dma_wait3A_898 = tpu.memref_slice %arg10[%dma_wait3A_897] : memref<10240xf32, #tpu.memory_space<vmem>> -> memref<640xf32, #tpu.memory_space<vmem>>
    %dma_wait3A_899 = tpu.memref_slice %arg12[%dma_wait3A_896, %mul3A_2] : memref<16x10240xf32, #tpu.memory_space<vmem_shared>> -> memref<1x640xf32, #tpu.memory_space<vmem_shared>>
    %dma_wait3A_900 = tpu.memref_squeeze %dma_wait3A_899 : memref<1x640xf32, #tpu.memory_space<vmem_shared>> -> memref<640xf32, #tpu.memory_space<vmem_shared>>
    %dma_wait3A_901 = arith.constant 4480 : i32
    %dma_wait3A_902 = tpu.memref_slice %arg10[%dma_wait3A_901] : memref<10240xf32, #tpu.memory_space<vmem>> -> memref<640xf32, #tpu.memory_space<vmem>>
    %dma_wait3A_903 = tpu.memref_slice %arg12[%dma_wait3A_896, %mul3A_2] : memref<16x10240xf32, #tpu.memory_space<vmem_shared>> -> memref<1x640xf32, #tpu.memory_space<vmem_shared>>
    %dma_wait3A_904 = tpu.memref_squeeze %dma_wait3A_903 : memref<1x640xf32, #tpu.memory_space<vmem_shared>> -> memref<640xf32, #tpu.memory_space<vmem_shared>>
    tpu.wait_dma2 semaphore(%arg14 : memref<!tpu.dma_semaphore, #tpu.memory_space<semaphore_mem>>) src(%dma_wait3A_904 : memref<640xf32, #tpu.memory_space<vmem_shared>>) dst(%dma_wait3A_902 : memref<640xf32, #tpu.memory_space<vmem>>)
    %dma_wait3A_905 = arith.constant 8 : i32
    %dma_wait3A_906 = arith.constant 5120 : i32
    %dma_wait3A_907 = tpu.memref_slice %arg10[%dma_wait3A_906] : memref<10240xf32, #tpu.memory_space<vmem>> -> memref<640xf32, #tpu.memory_space<vmem>>
    %dma_wait3A_908 = tpu.memref_slice %arg12[%dma_wait3A_905, %mul3A_2] : memref<16x10240xf32, #tpu.memory_space<vmem_shared>> -> memref<1x640xf32, #tpu.memory_space<vmem_shared>>
    %dma_wait3A_909 = tpu.memref_squeeze %dma_wait3A_908 : memref<1x640xf32, #tpu.memory_space<vmem_shared>> -> memref<640xf32, #tpu.memory_space<vmem_shared>>
    %dma_wait3A_910 = arith.constant 5120 : i32
    %dma_wait3A_911 = tpu.memref_slice %arg10[%dma_wait3A_910] : memref<10240xf32, #tpu.memory_space<vmem>> -> memref<640xf32, #tpu.memory_space<vmem>>
    %dma_wait3A_912 = tpu.memref_slice %arg12[%dma_wait3A_905, %mul3A_2] : memref<16x10240xf32, #tpu.memory_space<vmem_shared>> -> memref<1x640xf32, #tpu.memory_space<vmem_shared>>
    %dma_wait3A_913 = tpu.memref_squeeze %dma_wait3A_912 : memref<1x640xf32, #tpu.memory_space<vmem_shared>> -> memref<640xf32, #tpu.memory_space<vmem_shared>>
    tpu.wait_dma2 semaphore(%arg14 : memref<!tpu.dma_semaphore, #tpu.memory_space<semaphore_mem>>) src(%dma_wait3A_913 : memref<640xf32, #tpu.memory_space<vmem_shared>>) dst(%dma_wait3A_911 : memref<640xf32, #tpu.memory_space<vmem>>)
    %dma_wait3A_914 = arith.constant 9 : i32
    %dma_wait3A_915 = arith.constant 5760 : i32
    %dma_wait3A_916 = tpu.memref_slice %arg10[%dma_wait3A_915] : memref<10240xf32, #tpu.memory_space<vmem>> -> memref<640xf32, #tpu.memory_space<vmem>>
    %dma_wait3A_917 = tpu.memref_slice %arg12[%dma_wait3A_914, %mul3A_2] : memref<16x10240xf32, #tpu.memory_space<vmem_shared>> -> memref<1x640xf32, #tpu.memory_space<vmem_shared>>
    %dma_wait3A_918 = tpu.memref_squeeze %dma_wait3A_917 : memref<1x640xf32, #tpu.memory_space<vmem_shared>> -> memref<640xf32, #tpu.memory_space<vmem_shared>>
    %dma_wait3A_919 = arith.constant 5760 : i32
    %dma_wait3A_920 = tpu.memref_slice %arg10[%dma_wait3A_919] : memref<10240xf32, #tpu.memory_space<vmem>> -> memref<640xf32, #tpu.memory_space<vmem>>
    %dma_wait3A_921 = tpu.memref_slice %arg12[%dma_wait3A_914, %mul3A_2] : memref<16x10240xf32, #tpu.memory_space<vmem_shared>> -> memref<1x640xf32, #tpu.memory_space<vmem_shared>>
    %dma_wait3A_922 = tpu.memref_squeeze %dma_wait3A_921 : memref<1x640xf32, #tpu.memory_space<vmem_shared>> -> memref<640xf32, #tpu.memory_space<vmem_shared>>
    tpu.wait_dma2 semaphore(%arg14 : memref<!tpu.dma_semaphore, #tpu.memory_space<semaphore_mem>>) src(%dma_wait3A_922 : memref<640xf32, #tpu.memory_space<vmem_shared>>) dst(%dma_wait3A_920 : memref<640xf32, #tpu.memory_space<vmem>>)
    %dma_wait3A_923 = arith.constant 10 : i32
    %dma_wait3A_924 = arith.constant 6400 : i32
    %dma_wait3A_925 = tpu.memref_slice %arg10[%dma_wait3A_924] : memref<10240xf32, #tpu.memory_space<vmem>> -> memref<640xf32, #tpu.memory_space<vmem>>
    %dma_wait3A_926 = tpu.memref_slice %arg12[%dma_wait3A_923, %mul3A_2] : memref<16x10240xf32, #tpu.memory_space<vmem_shared>> -> memref<1x640xf32, #tpu.memory_space<vmem_shared>>
    %dma_wait3A_927 = tpu.memref_squeeze %dma_wait3A_926 : memref<1x640xf32, #tpu.memory_space<vmem_shared>> -> memref<640xf32, #tpu.memory_space<vmem_shared>>
    %dma_wait3A_928 = arith.constant 6400 : i32
    %dma_wait3A_929 = tpu.memref_slice %arg10[%dma_wait3A_928] : memref<10240xf32, #tpu.memory_space<vmem>> -> memref<640xf32, #tpu.memory_space<vmem>>
    %dma_wait3A_930 = tpu.memref_slice %arg12[%dma_wait3A_923, %mul3A_2] : memref<16x10240xf32, #tpu.memory_space<vmem_shared>> -> memref<1x640xf32, #tpu.memory_space<vmem_shared>>
    %dma_wait3A_931 = tpu.memref_squeeze %dma_wait3A_930 : memref<1x640xf32, #tpu.memory_space<vmem_shared>> -> memref<640xf32, #tpu.memory_space<vmem_shared>>
    tpu.wait_dma2 semaphore(%arg14 : memref<!tpu.dma_semaphore, #tpu.memory_space<semaphore_mem>>) src(%dma_wait3A_931 : memref<640xf32, #tpu.memory_space<vmem_shared>>) dst(%dma_wait3A_929 : memref<640xf32, #tpu.memory_space<vmem>>)
    %dma_wait3A_932 = arith.constant 11 : i32
    %dma_wait3A_933 = arith.constant 7040 : i32
    %dma_wait3A_934 = tpu.memref_slice %arg10[%dma_wait3A_933] : memref<10240xf32, #tpu.memory_space<vmem>> -> memref<640xf32, #tpu.memory_space<vmem>>
    %dma_wait3A_935 = tpu.memref_slice %arg12[%dma_wait3A_932, %mul3A_2] : memref<16x10240xf32, #tpu.memory_space<vmem_shared>> -> memref<1x640xf32, #tpu.memory_space<vmem_shared>>
    %dma_wait3A_936 = tpu.memref_squeeze %dma_wait3A_935 : memref<1x640xf32, #tpu.memory_space<vmem_shared>> -> memref<640xf32, #tpu.memory_space<vmem_shared>>
    %dma_wait3A_937 = arith.constant 7040 : i32
    %dma_wait3A_938 = tpu.memref_slice %arg10[%dma_wait3A_937] : memref<10240xf32, #tpu.memory_space<vmem>> -> memref<640xf32, #tpu.memory_space<vmem>>
    %dma_wait3A_939 = tpu.memref_slice %arg12[%dma_wait3A_932, %mul3A_2] : memref<16x10240xf32, #tpu.memory_space<vmem_shared>> -> memref<1x640xf32, #tpu.memory_space<vmem_shared>>
    %dma_wait3A_940 = tpu.memref_squeeze %dma_wait3A_939 : memref<1x640xf32, #tpu.memory_space<vmem_shared>> -> memref<640xf32, #tpu.memory_space<vmem_shared>>
    tpu.wait_dma2 semaphore(%arg14 : memref<!tpu.dma_semaphore, #tpu.memory_space<semaphore_mem>>) src(%dma_wait3A_940 : memref<640xf32, #tpu.memory_space<vmem_shared>>) dst(%dma_wait3A_938 : memref<640xf32, #tpu.memory_space<vmem>>)
    %dma_wait3A_941 = arith.constant 12 : i32
    %dma_wait3A_942 = arith.constant 7680 : i32
    %dma_wait3A_943 = tpu.memref_slice %arg10[%dma_wait3A_942] : memref<10240xf32, #tpu.memory_space<vmem>> -> memref<640xf32, #tpu.memory_space<vmem>>
    %dma_wait3A_944 = tpu.memref_slice %arg12[%dma_wait3A_941, %mul3A_2] : memref<16x10240xf32, #tpu.memory_space<vmem_shared>> -> memref<1x640xf32, #tpu.memory_space<vmem_shared>>
    %dma_wait3A_945 = tpu.memref_squeeze %dma_wait3A_944 : memref<1x640xf32, #tpu.memory_space<vmem_shared>> -> memref<640xf32, #tpu.memory_space<vmem_shared>>
    %dma_wait3A_946 = arith.constant 7680 : i32
    %dma_wait3A_947 = tpu.memref_slice %arg10[%dma_wait3A_946] : memref<10240xf32, #tpu.memory_space<vmem>> -> memref<640xf32, #tpu.memory_space<vmem>>
    %dma_wait3A_948 = tpu.memref_slice %arg12[%dma_wait3A_941, %mul3A_2] : memref<16x10240xf32, #tpu.memory_space<vmem_shared>> -> memref<1x640xf32, #tpu.memory_space<vmem_shared>>
    %dma_wait3A_949 = tpu.memref_squeeze %dma_wait3A_948 : memref<1x640xf32, #tpu.memory_space<vmem_shared>> -> memref<640xf32, #tpu.memory_space<vmem_shared>>
    tpu.wait_dma2 semaphore(%arg14 : memref<!tpu.dma_semaphore, #tpu.memory_space<semaphore_mem>>) src(%dma_wait3A_949 : memref<640xf32, #tpu.memory_space<vmem_shared>>) dst(%dma_wait3A_947 : memref<640xf32, #tpu.memory_space<vmem>>)
    %dma_wait3A_950 = arith.constant 13 : i32
    %dma_wait3A_951 = arith.constant 8320 : i32
    %dma_wait3A_952 = tpu.memref_slice %arg10[%dma_wait3A_951] : memref<10240xf32, #tpu.memory_space<vmem>> -> memref<640xf32, #tpu.memory_space<vmem>>
    %dma_wait3A_953 = tpu.memref_slice %arg12[%dma_wait3A_950, %mul3A_2] : memref<16x10240xf32, #tpu.memory_space<vmem_shared>> -> memref<1x640xf32, #tpu.memory_space<vmem_shared>>
    %dma_wait3A_954 = tpu.memref_squeeze %dma_wait3A_953 : memref<1x640xf32, #tpu.memory_space<vmem_shared>> -> memref<640xf32, #tpu.memory_space<vmem_shared>>
    %dma_wait3A_955 = arith.constant 8320 : i32
    %dma_wait3A_956 = tpu.memref_slice %arg10[%dma_wait3A_955] : memref<10240xf32, #tpu.memory_space<vmem>> -> memref<640xf32, #tpu.memory_space<vmem>>
    %dma_wait3A_957 = tpu.memref_slice %arg12[%dma_wait3A_950, %mul3A_2] : memref<16x10240xf32, #tpu.memory_space<vmem_shared>> -> memref<1x640xf32, #tpu.memory_space<vmem_shared>>
    %dma_wait3A_958 = tpu.memref_squeeze %dma_wait3A_957 : memref<1x640xf32, #tpu.memory_space<vmem_shared>> -> memref<640xf32, #tpu.memory_space<vmem_shared>>
    tpu.wait_dma2 semaphore(%arg14 : memref<!tpu.dma_semaphore, #tpu.memory_space<semaphore_mem>>) src(%dma_wait3A_958 : memref<640xf32, #tpu.memory_space<vmem_shared>>) dst(%dma_wait3A_956 : memref<640xf32, #tpu.memory_space<vmem>>)
    %dma_wait3A_959 = arith.constant 14 : i32
    %dma_wait3A_960 = arith.constant 8960 : i32
    %dma_wait3A_961 = tpu.memref_slice %arg10[%dma_wait3A_960] : memref<10240xf32, #tpu.memory_space<vmem>> -> memref<640xf32, #tpu.memory_space<vmem>>
    %dma_wait3A_962 = tpu.memref_slice %arg12[%dma_wait3A_959, %mul3A_2] : memref<16x10240xf32, #tpu.memory_space<vmem_shared>> -> memref<1x640xf32, #tpu.memory_space<vmem_shared>>
    %dma_wait3A_963 = tpu.memref_squeeze %dma_wait3A_962 : memref<1x640xf32, #tpu.memory_space<vmem_shared>> -> memref<640xf32, #tpu.memory_space<vmem_shared>>
    %dma_wait3A_964 = arith.constant 8960 : i32
    %dma_wait3A_965 = tpu.memref_slice %arg10[%dma_wait3A_964] : memref<10240xf32, #tpu.memory_space<vmem>> -> memref<640xf32, #tpu.memory_space<vmem>>
    %dma_wait3A_966 = tpu.memref_slice %arg12[%dma_wait3A_959, %mul3A_2] : memref<16x10240xf32, #tpu.memory_space<vmem_shared>> -> memref<1x640xf32, #tpu.memory_space<vmem_shared>>
    %dma_wait3A_967 = tpu.memref_squeeze %dma_wait3A_966 : memref<1x640xf32, #tpu.memory_space<vmem_shared>> -> memref<640xf32, #tpu.memory_space<vmem_shared>>
    tpu.wait_dma2 semaphore(%arg14 : memref<!tpu.dma_semaphore, #tpu.memory_space<semaphore_mem>>) src(%dma_wait3A_967 : memref<640xf32, #tpu.memory_space<vmem_shared>>) dst(%dma_wait3A_965 : memref<640xf32, #tpu.memory_space<vmem>>)
    %dma_wait3A_968 = arith.constant 15 : i32
    %dma_wait3A_969 = arith.constant 9600 : i32
    %dma_wait3A_970 = tpu.memref_slice %arg10[%dma_wait3A_969] : memref<10240xf32, #tpu.memory_space<vmem>> -> memref<640xf32, #tpu.memory_space<vmem>>
    %dma_wait3A_971 = tpu.memref_slice %arg12[%dma_wait3A_968, %mul3A_2] : memref<16x10240xf32, #tpu.memory_space<vmem_shared>> -> memref<1x640xf32, #tpu.memory_space<vmem_shared>>
    %dma_wait3A_972 = tpu.memref_squeeze %dma_wait3A_971 : memref<1x640xf32, #tpu.memory_space<vmem_shared>> -> memref<640xf32, #tpu.memory_space<vmem_shared>>
    %dma_wait3A_973 = arith.constant 9600 : i32
    %dma_wait3A_974 = tpu.memref_slice %arg10[%dma_wait3A_973] : memref<10240xf32, #tpu.memory_space<vmem>> -> memref<640xf32, #tpu.memory_space<vmem>>
    %dma_wait3A_975 = tpu.memref_slice %arg12[%dma_wait3A_968, %mul3A_2] : memref<16x10240xf32, #tpu.memory_space<vmem_shared>> -> memref<1x640xf32, #tpu.memory_space<vmem_shared>>
    %dma_wait3A_976 = tpu.memref_squeeze %dma_wait3A_975 : memref<1x640xf32, #tpu.memory_space<vmem_shared>> -> memref<640xf32, #tpu.memory_space<vmem_shared>>
    tpu.wait_dma2 semaphore(%arg14 : memref<!tpu.dma_semaphore, #tpu.memory_space<semaphore_mem>>) src(%dma_wait3A_976 : memref<640xf32, #tpu.memory_space<vmem_shared>>) dst(%dma_wait3A_974 : memref<640xf32, #tpu.memory_space<vmem>>)
    %scan3A_977 = arith.constant 0 : i32
    %scan3A_978 = arith.constant 0 : i32
    %scan3A_979 = arith.constant 40 : i32
    %scan3A_980 = arith.addi %scan3A_978, %scan3A_979 : i32
    %scan3A_981 = arith.constant 1 : i32
    %scan3A_982 = scf.for %scan3A_984 = %scan3A_978 to %scan3A_980 step %scan3A_981 iter_args(%scan3A_985 = %scan3A_977) -> (i32)  : i32 {
      %mul3A_986 = arith.constant 16 : i32
      %mul3A_987 = arith.muli %scan3A_984, %mul3A_986 : i32
      %get3A = arith.index_cast %mul3A_987 : i32 to index
      %get3A_988 = tpu.vector_load %arg10[%get3A] {strides = array<i32>} : memref<10240xf32, #tpu.memory_space<vmem>>, vector<16xf32>,
      %add3A_989 = arith.constant 640 : i32
      %add3A_990 = arith.addi %add3A_989, %mul3A_987 : i32
      %get3A_991 = arith.index_cast %add3A_990 : i32 to index
      %get3A_992 = tpu.vector_load %arg10[%get3A_991] {strides = array<i32>} : memref<10240xf32, #tpu.memory_space<vmem>>, vector<16xf32>,
      %max3A = arith.maximumf %get3A_988, %get3A_992 : vector<16xf32>
      %add3A_993 = arith.constant 1280 : i32
      %add3A_994 = arith.addi %add3A_993, %mul3A_987 : i32
      %get3A_995 = arith.index_cast %add3A_994 : i32 to index
      %get3A_996 = tpu.vector_load %arg10[%get3A_995] {strides = array<i32>} : memref<10240xf32, #tpu.memory_space<vmem>>, vector<16xf32>,
      %max3A_997 = arith.maximumf %max3A, %get3A_996 : vector<16xf32>
      %add3A_998 = arith.constant 1920 : i32
      %add3A_999 = arith.addi %add3A_998, %mul3A_987 : i32
      %get3A_1000 = arith.index_cast %add3A_999 : i32 to index
      %get3A_1001 = tpu.vector_load %arg10[%get3A_1000] {strides = array<i32>} : memref<10240xf32, #tpu.memory_space<vmem>>, vector<16xf32>,
      %max3A_1002 = arith.maximumf %max3A_997, %get3A_1001 : vector<16xf32>
      %add3A_1003 = arith.constant 2560 : i32
      %add3A_1004 = arith.addi %add3A_1003, %mul3A_987 : i32
      %get3A_1005 = arith.index_cast %add3A_1004 : i32 to index
      %get3A_1006 = tpu.vector_load %arg10[%get3A_1005] {strides = array<i32>} : memref<10240xf32, #tpu.memory_space<vmem>>, vector<16xf32>,
      %max3A_1007 = arith.maximumf %max3A_1002, %get3A_1006 : vector<16xf32>
      %add3A_1008 = arith.constant 3200 : i32
      %add3A_1009 = arith.addi %add3A_1008, %mul3A_987 : i32
      %get3A_1010 = arith.index_cast %add3A_1009 : i32 to index
      %get3A_1011 = tpu.vector_load %arg10[%get3A_1010] {strides = array<i32>} : memref<10240xf32, #tpu.memory_space<vmem>>, vector<16xf32>,
      %max3A_1012 = arith.maximumf %max3A_1007, %get3A_1011 : vector<16xf32>
      %add3A_1013 = arith.constant 3840 : i32
      %add3A_1014 = arith.addi %add3A_1013, %mul3A_987 : i32
      %get3A_1015 = arith.index_cast %add3A_1014 : i32 to index
      %get3A_1016 = tpu.vector_load %arg10[%get3A_1015] {strides = array<i32>} : memref<10240xf32, #tpu.memory_space<vmem>>, vector<16xf32>,
      %max3A_1017 = arith.maximumf %max3A_1012, %get3A_1016 : vector<16xf32>
      %add3A_1018 = arith.constant 4480 : i32
      %add3A_1019 = arith.addi %add3A_1018, %mul3A_987 : i32
      %get3A_1020 = arith.index_cast %add3A_1019 : i32 to index
      %get3A_1021 = tpu.vector_load %arg10[%get3A_1020] {strides = array<i32>} : memref<10240xf32, #tpu.memory_space<vmem>>, vector<16xf32>,
      %max3A_1022 = arith.maximumf %max3A_1017, %get3A_1021 : vector<16xf32>
      %add3A_1023 = arith.constant 5120 : i32
      %add3A_1024 = arith.addi %add3A_1023, %mul3A_987 : i32
      %get3A_1025 = arith.index_cast %add3A_1024 : i32 to index
      %get3A_1026 = tpu.vector_load %arg10[%get3A_1025] {strides = array<i32>} : memref<10240xf32, #tpu.memory_space<vmem>>, vector<16xf32>,
      %max3A_1027 = arith.maximumf %max3A_1022, %get3A_1026 : vector<16xf32>
      %add3A_1028 = arith.constant 5760 : i32
      %add3A_1029 = arith.addi %add3A_1028, %mul3A_987 : i32
      %get3A_1030 = arith.index_cast %add3A_1029 : i32 to index
      %get3A_1031 = tpu.vector_load %arg10[%get3A_1030] {strides = array<i32>} : memref<10240xf32, #tpu.memory_space<vmem>>, vector<16xf32>,
      %max3A_1032 = arith.maximumf %max3A_1027, %get3A_1031 : vector<16xf32>
      %add3A_1033 = arith.constant 6400 : i32
      %add3A_1034 = arith.addi %add3A_1033, %mul3A_987 : i32
      %get3A_1035 = arith.index_cast %add3A_1034 : i32 to index
      %get3A_1036 = tpu.vector_load %arg10[%get3A_1035] {strides = array<i32>} : memref<10240xf32, #tpu.memory_space<vmem>>, vector<16xf32>,
      %max3A_1037 = arith.maximumf %max3A_1032, %get3A_1036 : vector<16xf32>
      %add3A_1038 = arith.constant 7040 : i32
      %add3A_1039 = arith.addi %add3A_1038, %mul3A_987 : i32
      %get3A_1040 = arith.index_cast %add3A_1039 : i32 to index
      %get3A_1041 = tpu.vector_load %arg10[%get3A_1040] {strides = array<i32>} : memref<10240xf32, #tpu.memory_space<vmem>>, vector<16xf32>,
      %max3A_1042 = arith.maximumf %max3A_1037, %get3A_1041 : vector<16xf32>
      %add3A_1043 = arith.constant 7680 : i32
      %add3A_1044 = arith.addi %add3A_1043, %mul3A_987 : i32
      %get3A_1045 = arith.index_cast %add3A_1044 : i32 to index
      %get3A_1046 = tpu.vector_load %arg10[%get3A_1045] {strides = array<i32>} : memref<10240xf32, #tpu.memory_space<vmem>>, vector<16xf32>,
      %max3A_1047 = arith.maximumf %max3A_1042, %get3A_1046 : vector<16xf32>
      %add3A_1048 = arith.constant 8320 : i32
      %add3A_1049 = arith.addi %add3A_1048, %mul3A_987 : i32
      %get3A_1050 = arith.index_cast %add3A_1049 : i32 to index
      %get3A_1051 = tpu.vector_load %arg10[%get3A_1050] {strides = array<i32>} : memref<10240xf32, #tpu.memory_space<vmem>>, vector<16xf32>,
      %max3A_1052 = arith.maximumf %max3A_1047, %get3A_1051 : vector<16xf32>
      %add3A_1053 = arith.constant 8960 : i32
      %add3A_1054 = arith.addi %add3A_1053, %mul3A_987 : i32
      %get3A_1055 = arith.index_cast %add3A_1054 : i32 to index
      %get3A_1056 = tpu.vector_load %arg10[%get3A_1055] {strides = array<i32>} : memref<10240xf32, #tpu.memory_space<vmem>>, vector<16xf32>,
      %max3A_1057 = arith.maximumf %max3A_1052, %get3A_1056 : vector<16xf32>
      %add3A_1058 = arith.constant 9600 : i32
      %add3A_1059 = arith.addi %add3A_1058, %mul3A_987 : i32
      %get3A_1060 = arith.index_cast %add3A_1059 : i32 to index
      %get3A_1061 = tpu.vector_load %arg10[%get3A_1060] {strides = array<i32>} : memref<10240xf32, #tpu.memory_space<vmem>>, vector<16xf32>,
      %max3A_1062 = arith.maximumf %max3A_1057, %get3A_1061 : vector<16xf32>
      %swap3A = arith.index_cast %mul3A_987 : i32 to index
      %swap3A_1063 = tpu.vector_load %arg11[%swap3A] {strides = array<i32>} : memref<10240xf32, #tpu.memory_space<vmem>>, vector<16xf32>,
      tpu.vector_store %arg11[%swap3A], %max3A_1062 {strides = array<i32>} : memref<10240xf32, #tpu.memory_space<vmem>>, vector<16xf32>,
      %scan3A_1064 = arith.constant 0 : i32
      scf.yield %scan3A_1064 : i32
    }
    %scan3A_983 = arith.constant 40 : i32
    "tpu.region"() ({
      %run_scoped3A = tpu.sem_alloc : memref<!tpu.dma_semaphore, #tpu.memory_space<semaphore_mem>>
      %dma_start3A_984 = arith.constant 0 : i32
      %dma_start3A_985 = tpu.memref_slice %arg11[%dma_start3A_984] : memref<10240xf32, #tpu.memory_space<vmem>> -> memref<640xf32, #tpu.memory_space<vmem>>
      %dma_start3A_986 = tpu.memref_slice %arg6[%arg0, %mul3A_2] : memref<2x10240xf32, #tpu.memory_space<hbm>> -> memref<1x640xf32, #tpu.memory_space<hbm>>
      %dma_start3A_987 = tpu.memref_squeeze %dma_start3A_986 : memref<1x640xf32, #tpu.memory_space<hbm>> -> memref<640xf32, #tpu.memory_space<hbm>>
      %dma_start3A_988 = tpu.memref_slice %arg6[%arg0, %mul3A_2] : memref<2x10240xf32, #tpu.memory_space<hbm>> -> memref<1x640xf32, #tpu.memory_space<hbm>>
      %dma_start3A_989 = tpu.memref_squeeze %dma_start3A_988 : memref<1x640xf32, #tpu.memory_space<hbm>> -> memref<640xf32, #tpu.memory_space<hbm>>
      %dma_start3A_990 = arith.constant 0 : i32
      %dma_start3A_991 = tpu.memref_slice %arg11[%dma_start3A_990] : memref<10240xf32, #tpu.memory_space<vmem>> -> memref<640xf32, #tpu.memory_space<vmem>>
      tpu.enqueue_dma source(%dma_start3A_991 : memref<640xf32, #tpu.memory_space<vmem>>) target(%dma_start3A_989 : memref<640xf32, #tpu.memory_space<hbm>>) target_semaphore(%run_scoped3A : memref<!tpu.dma_semaphore, #tpu.memory_space<semaphore_mem>>)
      %dma_wait3A_992 = arith.constant 0 : i32
      %dma_wait3A_993 = tpu.memref_slice %arg11[%dma_wait3A_992] : memref<10240xf32, #tpu.memory_space<vmem>> -> memref<640xf32, #tpu.memory_space<vmem>>
      %dma_wait3A_994 = tpu.memref_slice %arg6[%arg0, %mul3A_2] : memref<2x10240xf32, #tpu.memory_space<hbm>> -> memref<1x640xf32, #tpu.memory_space<hbm>>
      %dma_wait3A_995 = tpu.memref_squeeze %dma_wait3A_994 : memref<1x640xf32, #tpu.memory_space<hbm>> -> memref<640xf32, #tpu.memory_space<hbm>>
      %dma_wait3A_996 = tpu.memref_slice %arg6[%arg0, %mul3A_2] : memref<2x10240xf32, #tpu.memory_space<hbm>> -> memref<1x640xf32, #tpu.memory_space<hbm>>
      %dma_wait3A_997 = tpu.memref_squeeze %dma_wait3A_996 : memref<1x640xf32, #tpu.memory_space<hbm>> -> memref<640xf32, #tpu.memory_space<hbm>>
      %dma_wait3A_998 = arith.constant 0 : i32
      %dma_wait3A_999 = tpu.memref_slice %arg11[%dma_wait3A_998] : memref<10240xf32, #tpu.memory_space<vmem>> -> memref<640xf32, #tpu.memory_space<vmem>>
      tpu.wait_dma2 semaphore(%run_scoped3A : memref<!tpu.dma_semaphore, #tpu.memory_space<semaphore_mem>>) src(%dma_wait3A_999 : memref<640xf32, #tpu.memory_space<vmem>>) dst(%dma_wait3A_997 : memref<640xf32, #tpu.memory_space<hbm>>)
      tpu.yield
    }) : () -> ()
    return
  }
}

module attributes {stable_mosaic.version = 14 : i64} {
  func.func @_proj_body(%arg0: memref<10240x128xf32, #tpu.memory_space<vmem>>, %arg1: memref<128x16xf32, #tpu.memory_space<vmem>>, %arg2: memref<128x16xf32, #tpu.memory_space<vmem>>, %arg3: memref<1x16xf32, #tpu.memory_space<vmem>>, %arg4: memref<10240x16xf32, #tpu.memory_space<vmem>>, %arg5: memref<10240x16xf32, #tpu.memory_space<vmem>>) attributes {dimension_semantics = [], scalar_prefetch = 0 : i64, scratch_operands = 0 : i64, tpu.core_type = #tpu.core_type<tc>} {
    %get3A = arith.constant 0 : index
    %get3A_0 = arith.constant 0 : index
    %get3A_1 = vector.load %arg0[%get3A, %get3A_0] : memref<10240x128xf32, #tpu.memory_space<vmem>>, vector<10240x128xf32>
    %get3A_2 = arith.constant 0 : index
    %get3A_3 = arith.constant 0 : index
    %get3A_4 = vector.load %arg1[%get3A_2, %get3A_3] : memref<128x16xf32, #tpu.memory_space<vmem>>, vector<128x16xf32>
    %dot_general3A = arith.constant dense<0.000000e+00> : vector<10240x16xf32>
    %dot_general3A_5 = tpu.matmul %get3A_1, %get3A_4, %dot_general3A {dimension_numbers = #tpu.dot_dimension_numbers<[1], [0], [0], [1], [0, 0, 1, 1], [], []>, transpose_lhs_hint = false} : vector<10240x128xf32>, vector<128x16xf32>, vector<10240x16xf32> -> vector<10240x16xf32>
    %swap3A = arith.constant 0 : index
    %swap3A_6 = arith.constant 0 : index
    %swap3A_7 = vector.load %arg4[%swap3A, %swap3A_6] : memref<10240x16xf32, #tpu.memory_space<vmem>>, vector<10240x16xf32>
    tpu.vector_store %arg4[%swap3A, %swap3A_6], %dot_general3A_5 {strides = array<i32>} : memref<10240x16xf32, #tpu.memory_space<vmem>>, vector<10240x16xf32>,
    %get3A_8 = arith.constant 0 : index
    %get3A_9 = arith.constant 0 : index
    %get3A_10 = vector.load %arg2[%get3A_8, %get3A_9] : memref<128x16xf32, #tpu.memory_space<vmem>>, vector<128x16xf32>
    %dot_general3A_11 = arith.constant dense<0.000000e+00> : vector<10240x16xf32>
    %dot_general3A_12 = tpu.matmul %get3A_1, %get3A_10, %dot_general3A_11 {dimension_numbers = #tpu.dot_dimension_numbers<[1], [0], [0], [1], [0, 0, 1, 1], [], []>, transpose_lhs_hint = false} : vector<10240x128xf32>, vector<128x16xf32>, vector<10240x16xf32> -> vector<10240x16xf32>
    %get3A_13 = arith.constant 0 : index
    %get3A_14 = arith.constant 0 : index
    %get3A_15 = vector.load %arg3[%get3A_13, %get3A_14] : memref<1x16xf32, #tpu.memory_space<vmem>>, vector<1x16xf32>
    %add3A = vector.broadcast %get3A_15 : vector<1x16xf32> to vector<10240x16xf32>
    %add3A_16 = arith.addf %dot_general3A_12, %add3A : vector<10240x16xf32>
    %swap3A_17 = arith.constant 0 : index
    %swap3A_18 = arith.constant 0 : index
    %swap3A_19 = vector.load %arg5[%swap3A_17, %swap3A_18] : memref<10240x16xf32, #tpu.memory_space<vmem>>, vector<10240x16xf32>
    tpu.vector_store %arg5[%swap3A_17, %swap3A_18], %add3A_16 {strides = array<i32>} : memref<10240x16xf32, #tpu.memory_space<vmem>>, vector<10240x16xf32>,
    return
  }
}

module attributes {stable_mosaic.version = 14 : i64} {
  func.func @_mlp_body(%arg0: i32, %arg1: memref<2x2000x128xf32, #tpu.memory_space<vmem>>, %arg2: memref<2000x32xf32, #tpu.memory_space<vmem>>, %arg3: memref<2000x8xf32, #tpu.memory_space<vmem>>, %arg4: memref<2x128x256xf32, #tpu.memory_space<vmem>>, %arg5: memref<32x256xf32, #tpu.memory_space<vmem>>, %arg6: memref<8x256xf32, #tpu.memory_space<vmem>>, %arg7: memref<2x256xf32, #tpu.memory_space<vmem>>, %arg8: memref<2x256x8xf32, #tpu.memory_space<vmem>>, %arg9: memref<2x8xf32, #tpu.memory_space<vmem>>, %arg10: memref<2x2000x8xf32, #tpu.memory_space<vmem>>) attributes {dimension_semantics = [#tpu.dimension_semantics<arbitrary>], iteration_bounds = array<i64: 20>, scalar_prefetch = 0 : i64, scratch_operands = 0 : i64, tpu.core_type = #tpu.core_type<tc>, window_params = [{transform_indices = @transform_0, window_bounds = array<i64: 2, 2000, 128>}, {transform_indices = @transform_1, window_bounds = array<i64: 2000, 32>}, {transform_indices = @transform_2, window_bounds = array<i64: 2000, 8>}, {pipeline_mode = #tpu.pipeline_mode<synchronous>, transform_indices = @transform_3, window_bounds = array<i64: 2, 128, 256>}, {pipeline_mode = #tpu.pipeline_mode<synchronous>, transform_indices = @transform_4, window_bounds = array<i64: 32, 256>}, {pipeline_mode = #tpu.pipeline_mode<synchronous>, transform_indices = @transform_5, window_bounds = array<i64: 8, 256>}, {pipeline_mode = #tpu.pipeline_mode<synchronous>, transform_indices = @transform_6, window_bounds = array<i64: 2, 256>}, {pipeline_mode = #tpu.pipeline_mode<synchronous>, transform_indices = @transform_7, window_bounds = array<i64: 2, 256, 8>}, {pipeline_mode = #tpu.pipeline_mode<synchronous>, transform_indices = @transform_8, window_bounds = array<i64: 2, 8>}, {transform_indices = @transform_9, window_bounds = array<i64: 2, 2000, 8>}]} {
    %get3A = arith.constant 0 : index
    %get3A_0 = arith.constant 0 : index
    %get3A_1 = arith.constant 0 : index
    %get3A_2 = vector.load %arg1[%get3A, %get3A_0, %get3A_1] : memref<2x2000x128xf32, #tpu.memory_space<vmem>>, vector<1x2000x128xf32>
    %get3A_3 = vector.shape_cast %get3A_2 : vector<1x2000x128xf32> to vector<2000x128xf32>
    %tanh3A = math.tanh %get3A_3 : vector<2000x128xf32>
    %get3A_4 = arith.constant 0 : index
    %get3A_5 = arith.constant 0 : index
    %get3A_6 = arith.constant 0 : index
    %get3A_7 = vector.load %arg4[%get3A_4, %get3A_5, %get3A_6] : memref<2x128x256xf32, #tpu.memory_space<vmem>>, vector<1x128x256xf32>
    %get3A_8 = vector.shape_cast %get3A_7 : vector<1x128x256xf32> to vector<128x256xf32>
    %dot_general3A = arith.constant dense<0.000000e+00> : vector<2000x256xf32>
    %dot_general3A_9 = tpu.matmul %tanh3A, %get3A_8, %dot_general3A {dimension_numbers = #tpu.dot_dimension_numbers<[1], [0], [0], [1], [0, 0, 1, 1], [], []>, transpose_lhs_hint = false} : vector<2000x128xf32>, vector<128x256xf32>, vector<2000x256xf32> -> vector<2000x256xf32>
    %get3A_10 = arith.constant 0 : index
    %get3A_11 = arith.constant 0 : index
    %get3A_12 = vector.load %arg2[%get3A_10, %get3A_11] : memref<2000x32xf32, #tpu.memory_space<vmem>>, vector<2000x32xf32>
    %get3A_13 = arith.constant 0 : index
    %get3A_14 = arith.constant 0 : index
    %get3A_15 = vector.load %arg5[%get3A_13, %get3A_14] : memref<32x256xf32, #tpu.memory_space<vmem>>, vector<32x256xf32>
    %dot_general3A_16 = arith.constant dense<0.000000e+00> : vector<2000x256xf32>
    %dot_general3A_17 = tpu.matmul %get3A_12, %get3A_15, %dot_general3A_16 {dimension_numbers = #tpu.dot_dimension_numbers<[1], [0], [0], [1], [0, 0, 1, 1], [], []>, transpose_lhs_hint = false} : vector<2000x32xf32>, vector<32x256xf32>, vector<2000x256xf32> -> vector<2000x256xf32>
    %add3A = arith.addf %dot_general3A_9, %dot_general3A_17 : vector<2000x256xf32>
    %get3A_18 = arith.constant 0 : index
    %get3A_19 = arith.constant 0 : index
    %get3A_20 = vector.load %arg7[%get3A_18, %get3A_19] : memref<2x256xf32, #tpu.memory_space<vmem>>, vector<1x256xf32>
    %get3A_21 = vector.shape_cast %get3A_20 : vector<1x256xf32> to vector<256xf32>
    %broadcast_in_dim3A = vector.shape_cast %get3A_21 : vector<256xf32> to vector<1x256xf32>
    %add3A_22 = vector.broadcast %broadcast_in_dim3A : vector<1x256xf32> to vector<2000x256xf32>
    %add3A_23 = arith.addf %add3A, %add3A_22 : vector<2000x256xf32>
    %max3A = arith.constant 0.000000e+00 : f32
    %max3A_24 = vector.broadcast %max3A : f32 to vector<2000x256xf32>
    %max3A_25 = arith.maximumf %add3A_23, %max3A_24 : vector<2000x256xf32>
    %get3A_26 = arith.constant 0 : index
    %get3A_27 = arith.constant 0 : index
    %get3A_28 = arith.constant 0 : index
    %get3A_29 = vector.load %arg8[%get3A_26, %get3A_27, %get3A_28] : memref<2x256x8xf32, #tpu.memory_space<vmem>>, vector<1x256x8xf32>
    %get3A_30 = vector.shape_cast %get3A_29 : vector<1x256x8xf32> to vector<256x8xf32>
    %dot_general3A_31 = arith.constant dense<0.000000e+00> : vector<2000x8xf32>
    %dot_general3A_32 = tpu.matmul %max3A_25, %get3A_30, %dot_general3A_31 {dimension_numbers = #tpu.dot_dimension_numbers<[1], [0], [0], [1], [0, 0, 1, 1], [], []>, transpose_lhs_hint = false} : vector<2000x256xf32>, vector<256x8xf32>, vector<2000x8xf32> -> vector<2000x8xf32>
    %get3A_33 = arith.constant 0 : index
    %get3A_34 = arith.constant 0 : index
    %get3A_35 = vector.load %arg9[%get3A_33, %get3A_34] : memref<2x8xf32, #tpu.memory_space<vmem>>, vector<1x8xf32>
    %get3A_36 = vector.shape_cast %get3A_35 : vector<1x8xf32> to vector<8xf32>
    %broadcast_in_dim3A_37 = vector.shape_cast %get3A_36 : vector<8xf32> to vector<1x8xf32>
    %add3A_38 = vector.broadcast %broadcast_in_dim3A_37 : vector<1x8xf32> to vector<2000x8xf32>
    %add3A_39 = arith.addf %dot_general3A_32, %add3A_38 : vector<2000x8xf32>
    %logistic3A = arith.negf %add3A_39 : vector<2000x8xf32>
    %logistic3A_40 = math.exp %logistic3A : vector<2000x8xf32>
    %logistic3A_41 = arith.constant 1.000000e+00 : f32
    %logistic3A_42 = vector.broadcast %logistic3A_41 : f32 to vector<2000x8xf32>
    %logistic3A_43 = arith.addf %logistic3A_42, %logistic3A_40 : vector<2000x8xf32>
    %logistic3A_44 = arith.divf %logistic3A_42, %logistic3A_43 : vector<2000x8xf32>
    %swap3A = arith.constant 0 : index
    %swap3A_45 = arith.constant 0 : index
    %swap3A_46 = arith.constant 0 : index
    %swap3A_47 = vector.load %arg10[%swap3A, %swap3A_45, %swap3A_46] : memref<2x2000x8xf32, #tpu.memory_space<vmem>>, vector<1x2000x8xf32>
    %swap3A_48 = vector.shape_cast %swap3A_47 : vector<1x2000x8xf32> to vector<2000x8xf32>
    %swap3A_49 = vector.shape_cast %logistic3A_44 : vector<2000x8xf32> to vector<1x2000x8xf32>
    tpu.vector_store %arg10[%swap3A, %swap3A_45, %swap3A_46], %swap3A_49 {strides = array<i32>} : memref<2x2000x8xf32, #tpu.memory_space<vmem>>, vector<1x2000x8xf32>,
    %get3A_50 = arith.constant 1 : index
    %get3A_51 = arith.constant 0 : index
    %get3A_52 = arith.constant 0 : index
    %get3A_53 = vector.load %arg1[%get3A_50, %get3A_51, %get3A_52] : memref<2x2000x128xf32, #tpu.memory_space<vmem>>, vector<1x2000x128xf32>
    %get3A_54 = vector.shape_cast %get3A_53 : vector<1x2000x128xf32> to vector<2000x128xf32>
    %tanh3A_55 = math.tanh %get3A_54 : vector<2000x128xf32>
    %get3A_56 = arith.constant 1 : index
    %get3A_57 = arith.constant 0 : index
    %get3A_58 = arith.constant 0 : index
    %get3A_59 = vector.load %arg4[%get3A_56, %get3A_57, %get3A_58] : memref<2x128x256xf32, #tpu.memory_space<vmem>>, vector<1x128x256xf32>
    %get3A_60 = vector.shape_cast %get3A_59 : vector<1x128x256xf32> to vector<128x256xf32>
    %dot_general3A_61 = arith.constant dense<0.000000e+00> : vector<2000x256xf32>
    %dot_general3A_62 = tpu.matmul %tanh3A_55, %get3A_60, %dot_general3A_61 {dimension_numbers = #tpu.dot_dimension_numbers<[1], [0], [0], [1], [0, 0, 1, 1], [], []>, transpose_lhs_hint = false} : vector<2000x128xf32>, vector<128x256xf32>, vector<2000x256xf32> -> vector<2000x256xf32>
    %get3A_63 = arith.constant 0 : index
    %get3A_64 = arith.constant 0 : index
    %get3A_65 = vector.load %arg3[%get3A_63, %get3A_64] : memref<2000x8xf32, #tpu.memory_space<vmem>>, vector<2000x8xf32>
    %get3A_66 = arith.constant 0 : index
    %get3A_67 = arith.constant 0 : index
    %get3A_68 = vector.load %arg6[%get3A_66, %get3A_67] : memref<8x256xf32, #tpu.memory_space<vmem>>, vector<8x256xf32>
    %dot_general3A_69 = arith.constant dense<0.000000e+00> : vector<2000x256xf32>
    %dot_general3A_70 = tpu.matmul %get3A_65, %get3A_68, %dot_general3A_69 {dimension_numbers = #tpu.dot_dimension_numbers<[1], [0], [0], [1], [0, 0, 1, 1], [], []>, transpose_lhs_hint = false} : vector<2000x8xf32>, vector<8x256xf32>, vector<2000x256xf32> -> vector<2000x256xf32>
    %add3A_71 = arith.addf %dot_general3A_62, %dot_general3A_70 : vector<2000x256xf32>
    %get3A_72 = arith.constant 1 : index
    %get3A_73 = arith.constant 0 : index
    %get3A_74 = vector.load %arg7[%get3A_72, %get3A_73] : memref<2x256xf32, #tpu.memory_space<vmem>>, vector<1x256xf32>
    %get3A_75 = vector.shape_cast %get3A_74 : vector<1x256xf32> to vector<256xf32>
    %broadcast_in_dim3A_76 = vector.shape_cast %get3A_75 : vector<256xf32> to vector<1x256xf32>
    %add3A_77 = vector.broadcast %broadcast_in_dim3A_76 : vector<1x256xf32> to vector<2000x256xf32>
    %add3A_78 = arith.addf %add3A_71, %add3A_77 : vector<2000x256xf32>
    %max3A_79 = arith.constant 0.000000e+00 : f32
    %max3A_80 = vector.broadcast %max3A_79 : f32 to vector<2000x256xf32>
    %max3A_81 = arith.maximumf %add3A_78, %max3A_80 : vector<2000x256xf32>
    %get3A_82 = arith.constant 1 : index
    %get3A_83 = arith.constant 0 : index
    %get3A_84 = arith.constant 0 : index
    %get3A_85 = vector.load %arg8[%get3A_82, %get3A_83, %get3A_84] : memref<2x256x8xf32, #tpu.memory_space<vmem>>, vector<1x256x8xf32>
    %get3A_86 = vector.shape_cast %get3A_85 : vector<1x256x8xf32> to vector<256x8xf32>
    %dot_general3A_87 = arith.constant dense<0.000000e+00> : vector<2000x8xf32>
    %dot_general3A_88 = tpu.matmul %max3A_81, %get3A_86, %dot_general3A_87 {dimension_numbers = #tpu.dot_dimension_numbers<[1], [0], [0], [1], [0, 0, 1, 1], [], []>, transpose_lhs_hint = false} : vector<2000x256xf32>, vector<256x8xf32>, vector<2000x8xf32> -> vector<2000x8xf32>
    %get3A_89 = arith.constant 1 : index
    %get3A_90 = arith.constant 0 : index
    %get3A_91 = vector.load %arg9[%get3A_89, %get3A_90] : memref<2x8xf32, #tpu.memory_space<vmem>>, vector<1x8xf32>
    %get3A_92 = vector.shape_cast %get3A_91 : vector<1x8xf32> to vector<8xf32>
    %broadcast_in_dim3A_93 = vector.shape_cast %get3A_92 : vector<8xf32> to vector<1x8xf32>
    %add3A_94 = vector.broadcast %broadcast_in_dim3A_93 : vector<1x8xf32> to vector<2000x8xf32>
    %add3A_95 = arith.addf %dot_general3A_88, %add3A_94 : vector<2000x8xf32>
    %logistic3A_96 = arith.negf %add3A_95 : vector<2000x8xf32>
    %logistic3A_97 = math.exp %logistic3A_96 : vector<2000x8xf32>
    %logistic3A_98 = arith.constant 1.000000e+00 : f32
    %logistic3A_99 = vector.broadcast %logistic3A_98 : f32 to vector<2000x8xf32>
    %logistic3A_100 = arith.addf %logistic3A_99, %logistic3A_97 : vector<2000x8xf32>
    %logistic3A_101 = arith.divf %logistic3A_99, %logistic3A_100 : vector<2000x8xf32>
    %swap3A_102 = arith.constant 1 : index
    %swap3A_103 = arith.constant 0 : index
    %swap3A_104 = arith.constant 0 : index
    %swap3A_105 = vector.load %arg10[%swap3A_102, %swap3A_103, %swap3A_104] : memref<2x2000x8xf32, #tpu.memory_space<vmem>>, vector<1x2000x8xf32>
    %swap3A_106 = vector.shape_cast %swap3A_105 : vector<1x2000x8xf32> to vector<2000x8xf32>
    %swap3A_107 = vector.shape_cast %logistic3A_101 : vector<2000x8xf32> to vector<1x2000x8xf32>
    tpu.vector_store %arg10[%swap3A_102, %swap3A_103, %swap3A_104], %swap3A_107 {strides = array<i32>} : memref<2x2000x8xf32, #tpu.memory_space<vmem>>, vector<1x2000x8xf32>,
    return
  }
  func.func @transform_0(%arg0: i32) -> (i32, i32, i32) {
    %c0_i32 = arith.constant 0 : i32
    %c0_i32_0 = arith.constant 0 : i32
    %c0_i32_1 = arith.constant 0 : i32
    return %c0_i32, %arg0, %c0_i32_0 : i32, i32, i32
  }
  func.func @transform_1(%arg0: i32) -> (i32, i32) {
    %c0_i32 = arith.constant 0 : i32
    %c0_i32_0 = arith.constant 0 : i32
    return %arg0, %c0_i32 : i32, i32
  }
  func.func @transform_2(%arg0: i32) -> (i32, i32) {
    %c0_i32 = arith.constant 0 : i32
    %c0_i32_0 = arith.constant 0 : i32
    return %arg0, %c0_i32 : i32, i32
  }
  func.func @transform_3(%arg0: i32) -> (i32, i32, i32) {
    %c0_i32 = arith.constant 0 : i32
    %c0_i32_0 = arith.constant 0 : i32
    %c0_i32_1 = arith.constant 0 : i32
    %c0_i32_2 = arith.constant 0 : i32
    return %c0_i32, %c0_i32_0, %c0_i32_1 : i32, i32, i32
  }
  func.func @transform_4(%arg0: i32) -> (i32, i32) {
    %c0_i32 = arith.constant 0 : i32
    %c0_i32_0 = arith.constant 0 : i32
    %c0_i32_1 = arith.constant 0 : i32
    return %c0_i32, %c0_i32_0 : i32, i32
  }
  func.func @transform_5(%arg0: i32) -> (i32, i32) {
    %c0_i32 = arith.constant 0 : i32
    %c0_i32_0 = arith.constant 0 : i32
    %c0_i32_1 = arith.constant 0 : i32
    return %c0_i32, %c0_i32_0 : i32, i32
  }
  func.func @transform_6(%arg0: i32) -> (i32, i32) {
    %c0_i32 = arith.constant 0 : i32
    %c0_i32_0 = arith.constant 0 : i32
    %c0_i32_1 = arith.constant 0 : i32
    return %c0_i32, %c0_i32_0 : i32, i32
  }
  func.func @transform_7(%arg0: i32) -> (i32, i32, i32) {
    %c0_i32 = arith.constant 0 : i32
    %c0_i32_0 = arith.constant 0 : i32
    %c0_i32_1 = arith.constant 0 : i32
    %c0_i32_2 = arith.constant 0 : i32
    return %c0_i32, %c0_i32_0, %c0_i32_1 : i32, i32, i32
  }
  func.func @transform_8(%arg0: i32) -> (i32, i32) {
    %c0_i32 = arith.constant 0 : i32
    %c0_i32_0 = arith.constant 0 : i32
    %c0_i32_1 = arith.constant 0 : i32
    return %c0_i32, %c0_i32_0 : i32, i32
  }
  func.func @transform_9(%arg0: i32) -> (i32, i32, i32) {
    %c0_i32 = arith.constant 0 : i32
    %c0_i32_0 = arith.constant 0 : i32
    %c0_i32_1 = arith.constant 0 : i32
    return %c0_i32, %arg0, %c0_i32_0 : i32, i32, i32
  }
}

module attributes {stable_mosaic.version = 14 : i64} {
  func.func @_combine_body(%arg0: memref<2x10240xf32, #tpu.memory_space<vmem>>, %arg1: memref<1x10240xf32, #tpu.memory_space<vmem>>, %arg2: memref<1x10240xf32, #tpu.memory_space<vmem>>) attributes {dimension_semantics = [], scalar_prefetch = 0 : i64, scratch_operands = 0 : i64, tpu.core_type = #tpu.core_type<tc>} {
    %get3A = arith.constant 0 : index
    %get3A_0 = arith.constant 0 : index
    %get3A_1 = vector.load %arg0[%get3A, %get3A_0] : memref<2x10240xf32, #tpu.memory_space<vmem>>, vector<1x10240xf32>
    %get3A_2 = arith.constant 1 : index
    %get3A_3 = arith.constant 0 : index
    %get3A_4 = vector.load %arg0[%get3A_2, %get3A_3] : memref<2x10240xf32, #tpu.memory_space<vmem>>, vector<1x10240xf32>
    %max3A = arith.maximumf %get3A_1, %get3A_4 : vector<1x10240xf32>
    %get3A_5 = arith.constant 0 : index
    %get3A_6 = arith.constant 0 : index
    %get3A_7 = vector.load %arg1[%get3A_5, %get3A_6] : memref<1x10240xf32, #tpu.memory_space<vmem>>, vector<1x10240xf32>
    %max3A_8 = arith.maximumf %max3A, %get3A_7 : vector<1x10240xf32>
    %swap3A = arith.constant 0 : index
    %swap3A_9 = arith.constant 0 : index
    %swap3A_10 = vector.load %arg2[%swap3A, %swap3A_9] : memref<1x10240xf32, #tpu.memory_space<vmem>>, vector<1x10240xf32>
    tpu.vector_store %arg2[%swap3A, %swap3A_9], %max3A_8 {strides = array<i32>} : memref<1x10240xf32, #tpu.memory_space<vmem>>, vector<1x10240xf32>,
    return
  }
}

</mosaic_0001>

<sc_bundles>
// kernel: kernel.10.cloned.1.call-start
scs
__scs_entry_jumppad:
0x0: {  	(pc) =	sbr.rel $0x88, $3  }
0x1: {  	(tag) =	ssettag $0x0;
	lr =	simm.s32 $0x1  }
0x2: {  	[smem:$0x3F91] =	sst lr;
	_ =	strace $0xD0000000  }
0x3: {  	_ = 	snop  }
0x4: {  	_ = 	snop  }
0x5: {  	_ = 	snop  }
0x6: {  	_ = 	snop  }
0x7: {  	_ = 	snop  }
__scs_overlays_trampoline_lowered:
0x8: {  	[smem:$0x3FA0] =	sst s0  }
0x9: {  	[smem:$0x3FA1] =	sst s1  }
0xa: {  	[smem:$0x3FA2] =	sst s2  }
0xb: {  	[smem:$0x3FA3] =	sst s3  }
0xc: {  	[smem:$0x3FA4] =	sst s4  }
0xd: {  	[smem:$0x3FA5] =	sst s5  }
0xe: {  	[smem:$0x3FA6] =	sst s6  }
0xf: {  	[smem:$0x3FA7] =	sst s7  }
0x10: {  	[smem:$0x3FA8] =	sst s8  }
0x11: {  	[smem:$0x3FA9] =	sst s9;
	s0 =	simm.s32 @!p0 $0x0  }
0x12: {  	s1 =	sld [smem:$0x3F8F];
	s0 =	simm.s32 @p0 $0x1  }
0x13: {  	[smem:$0x3FAA] =	sst s0;
	s0 =	simm.s32 @!p1 $0x0  }
0x14: {  	s2 =	sld [smem:$0x3F8E];
	s0 =	simm.s32 @p1 $0x1  }
0x15: {  	[smem:$0x3FAB] =	sst s0;
	s0 =	simm.s32 @!p2 $0x0  }
0x16: {  	s3 =	sld [smem:$0x3FDB];
	s0 =	simm.s32 @p2 $0x1  }
0x17: {  	s4 =	simm.s32 $0x1BF5;
	[smem:$0x3FAD] =	sst s0  }
0x18: {  	s0 =	sld [smem:$0x3F90];
	_ =	swait.ge [sflag:s4], $0x0  }
0x19: {  	s7 =	sld [smem:$0x3F91]  }
0x1a: {  	s8 =	sadd.s32 $0xFFFFE003, lr  }
0x1b: {  	s9 =	sadd.s32 $0xFFFFFEF7, lr;
	s5 =	simm.s32 $0xFFFFFFFF;
	p2 =	slt.u32 s8, $0xFFFFF086  }
0x1c: {  	p1 =	slt.u32 s9, $0xF7A;
	s5 =	simm.s32 @!p2 $0x0  }
0x1d: {  	s5 =	simm.s32 @p1 $0x1;
	p0 =	seq.s32 s7, s2  }
0x1e: {  	s7 =	smul.u32 @!p0 $0xF7A, s2;
	p2 =	seq.s32 @!p0 s5, $0x0  }
0x1f: {  	s9 =	smul.u32 $0xF7A, s1;
	s8 =	simm.s32 @!p0 $0x1BF5;
	p2 =	por !p2, p0  }
0x20: {  	[sflag:s8] =	ssyncset.s32 @!p0 $0xFFFFF086;
	s6 =	sadd.s32 @!p0 s3, s7;
	s7 =	simm.s32 @!p0 $0x108  }
0x21: {  	s3 =	sadd.s32 s3, s9;
	s6 =	sadd.s32 @!p0 $0x88, s6;
	s7 =	simm.s32 @p2 $0x1082  }
0x22: {  	[simem:s7], [sflag:s8] =	dma.local @!p0 [hbm:s6], $0xF7A  }
0x23: {  	s9 =	sor.u32 $0xD0000000, s2;
	s6 =	simm.s32 $0x108;
	_ =	swait.ge @!p0 [sflag:s8], $0x0  }
0x24: {  	s3 =	sadd.s32 $0x88, s3;
	s6 =	simm.s32 @!p1 $0x1082;
	[sflag:s4] =	ssyncset.s32 $0xFFFFF086  }
0x25: {  	[simem:s6], [sflag:s4] =	dma.local [hbm:s3], $0xF7A  }
0x26: {  	[smem:$0x3F91] =	sst s1;
	(tag) =	ssettag s2;
	_ =	strace s9  }
0x27: {  	s1 =	sld [smem:$0x3FA1]  }
0x28: {  	s2 =	sld [smem:$0x3FA2]  }
0x29: {  	s4 =	sld [smem:$0x3FA4]  }
0x2a: {  	p0 =	seq.s32 s5, $0x0;
	s5 =	sld [smem:$0x3FA5]  }
0x2b: {  	s6 =	sld [smem:$0x3FA6]  }
0x2c: {  	s7 =	sld [smem:$0x3FA7]  }
0x2d: {  	s3 =	simm.s32 $0x108;
	s8 =	sld [smem:$0x3FA8]  }
0x2e: {  	s3 =	simm.s32 @!p0 $0x1082;
	s9 =	sld [smem:$0x3FA9]  }
0x2f: {  	lr =	sadd.s32 s0, s3;
	s0 =	sld [smem:$0x3FA0]  }
0x30: {  	s3 =	sld [smem:$0x3FA3]  }
0x31: {  	[smem:$0x3FAC] =	sst s10  }
0x32: {  	s10 =	sld [smem:$0x3FAA];
	_ =	sdelay $0x3  }
0x33: {  	p0 =	seq.s32 s10, $0x1;
	s10 =	sld [smem:$0x3FAC];
	_ =	sdelay $0x3  }
0x34: {  	[smem:$0x3FAC] =	sst s10  }
0x35: {  	s10 =	sld [smem:$0x3FAB];
	_ =	sdelay $0x3  }
0x36: {  	p1 =	seq.s32 s10, $0x1;
	s10 =	sld [smem:$0x3FAC];
	_ =	sdelay $0x3  }
0x37: {  	[smem:$0x3FAC] =	sst s10  }
0x38: {  	s10 =	sld [smem:$0x3FAD]  }
0x39: {  	_ = 	snop;
	(pc) =	sbr.ind lr, $3  }
0x3a: {  	_ = 	snop  }
0x3b: {  	_ = 	snop  }
0x3c: {  	p2 =	seq.s32 s10, $0x1;
	s10 =	sld [smem:$0x3FAC]  }
0x3d: {  	_ =	shalt  }
0x3e: {  	_ =	shalt  }
0x3f: {  	_ =	shalt  }
0x40: {  	_ =	shalt  }
0x41: {  	_ =	shalt  }
0x42: {  	_ =	shalt  }
0x43: {  	_ =	shalt  }
0x44: {  	_ =	shalt  }
0x45: {  	_ =	shalt  }
0x46: {  	_ =	shalt  }
0x47: {  	_ =	shalt  }
0x48: {  	_ =	shalt  }
0x49: {  	_ =	shalt  }
0x4a: {  	_ =	shalt  }
0x4b: {  	_ =	shalt  }
0x4c: {  	_ =	shalt  }
0x4d: {  	_ =	shalt  }
0x4e: {  	_ =	shalt  }
0x4f: {  	_ =	shalt  }
0x50: {  	_ =	shalt  }
0x51: {  	_ =	shalt  }
0x52: {  	_ =	shalt  }
0x53: {  	_ =	shalt  }
0x54: {  	_ =	shalt  }
0x55: {  	_ =	shalt  }
0x56: {  	_ =	shalt  }
0x57: {  	_ =	shalt  }
0x58: {  	_ =	shalt  }
0x59: {  	_ =	shalt  }
0x5a: {  	_ =	shalt  }
0x5b: {  	_ =	shalt  }
0x5c: {  	_ =	shalt  }
0x5d: {  	_ =	shalt  }
0x5e: {  	_ =	shalt  }
0x5f: {  	_ =	shalt  }
0x60: {  	_ =	shalt  }
0x61: {  	_ =	shalt  }
0x62: {  	_ =	shalt  }
0x63: {  	_ =	shalt  }
0x64: {  	_ =	shalt  }
0x65: {  	_ =	shalt  }
0x66: {  	_ =	shalt  }
0x67: {  	_ =	shalt  }
0x68: {  	_ =	shalt  }
0x69: {  	_ =	shalt  }
0x6a: {  	_ =	shalt  }
0x6b: {  	_ =	shalt  }
0x6c: {  	_ =	shalt  }
0x6d: {  	_ =	shalt  }
0x6e: {  	_ =	shalt  }
0x6f: {  	_ =	shalt  }
0x70: {  	_ =	shalt  }
0x71: {  	_ =	shalt  }
0x72: {  	_ =	shalt  }
0x73: {  	_ =	shalt  }
0x74: {  	_ =	shalt  }
0x75: {  	_ =	shalt  }
0x76: {  	_ =	shalt  }
0x77: {  	_ =	shalt  }
0x78: {  	_ =	shalt  }
0x79: {  	_ =	shalt  }
0x7a: {  	_ =	shalt  }
0x7b: {  	_ =	shalt  }
0x7c: {  	_ =	shalt  }
0x7d: {  	_ =	shalt  }
0x7e: {  	_ =	shalt  }
0x7f: {  	_ =	shalt  }
0x80: {  	_ =	shalt  }
0x81: {  	_ =	shalt  }
0x82: {  	_ =	shalt  }
0x83: {  	_ =	shalt  }
0x84: {  	_ =	shalt  }
0x85: {  	_ =	shalt  }
0x86: {  	_ =	shalt  }
0x87: {  	_ =	shalt  }
.Lfunc_end0:
.L_simem_size_0:
called_computation.1_lowered:
.L_overlay_start_0:
0x88: {  	s2 =	sld [smem:$0x3FD9]  }
0x89: {  	s3 =	sld [smem:$0x3FFE];
	_ =	sdelay $0x1  }
0x8a: {  	s1 =	srdreg.scid  }
0x8b: {  	s0 =	sand.u32 $0x1, s1  }
0x8c: {  	s16 =	sshll.u32 s0, $0xA;
	s2 =	sadd.s32 s3, s2  }
0x8d: {  	s2 =	sadd.s32 s2, s16  }
0x8e: {  	[smem:$0x3FB8] =	sst s2  }
0x8f: {  	_ = 	snop  }
0x90: {  	(tm) =	ssettm $0x1  }
0x91: {  	s17 =	sld [smem:$0x3FFB];
	_ =	sdelay $0x3  }
0x92: {  	_ =	strace s17  }
0x93: {  	s2 =	sld [smem:$0x3FFC];
	_ =	sdelay $0x3  }
0x94: {  	_ =	strace s2  }
0x95: {  	s2 =	sld [smem:$0x3FFD];
	_ =	sdelay $0x3  }
0x96: {  	_ =	strace s2  }
0x97: {  	_ =	strace $0x8FFFFFFF  }
0x98: {  	s18 =	sld [smem:$0x3FDB];
	_ =	sdelay $0x1  }
0x99: {  	s19 =	simm.s32 $_scs_section_size  }
0x9a: {  	s4 =	simm.s32 $_size__tile_overlayer_lowered;
	s5 =	simm.s32 $_tile_overlayer_lowered  }
0x9b: {  	s22 =	simm.s32 $0x1BFF;
	s21 =	sshll.u32 s5, $0x1;
	s2 =	sadd.s32 s19, s18  }
0x9c: {  	s6 =	simm.s32 $0x0;
	s20 =	sshll.u32 s4, $0x1;
	s4 =	sadd.s32 s21, s2  }
0x9d: {  	[timem:s6], [sflag:s22] =	dma.local [hbm:s4], s20  }
0x9e: {  	_ =	swait.ge [sflag:s22], s20  }
0x9f: {  	s3 =	ssub.s32 $0x0, s20;
	[sflag:s22] =	ssyncset.done $0x0  }
0xa0: {  	[sflag:s22] =	ssyncadd.s32 s3;
	_ =	sdelay $0x1  }
0xa1: {  	s23 =	simm.s32 $0x1B8B  }
0xa2: {  	_ =	swait.ge [sflag:s23], $0x1  }
0xa3: {  	[sflag:s23] =	ssyncset.done $0x0  }
0xa4: {  	s25 =	simm.s32 $0x1B8E;
	s24 =	sld [smem:$0x3FFE];
	[sflag:s23] =	ssyncadd.s32 $0xFFFFFFFF  }
0xa5: {  	s26 =	simm.s32 $execute0_lowered;
	[smem:$0x3FD2] =	sst s25  }
0xa6: {  	s4 =	sshll.u32 s26, $0x1;
	_ =	strace $0x80000049;
	[dreg:$0x1] =	wrdreg $0xFFFFFFFF  }
0xa7: {  	s28 =	simm.s32 $_size_execute0_lowered;
	s2 =	sadd.s32 s2, s4;
	[dreg:$0x0] =	wrdreg $0x0  }
0xa8: {  	s4 =	sshll.u32 s28, $0x1;
	[dreg:$0x2] =	wrdreg s2  }
0xa9: {  	[dreg:$0x3] =	wrdreg s4  }
0xaa: {  	[dreg:$0x4] =	wrdreg $0xC0  }
0xab: {  	_ =	task [dreg:s6], $0x5FFFF  }
0xac: {  	[dreg:$0x1] =	wrdreg $0xFFFFFFFF  }
0xad: {  	[dreg:$0x0] =	wrdreg $0x60  }
0xae: {  	[dreg:$0x2] =	wrdreg s24  }
0xaf: {  	[dreg:$0x3] =	wrdreg $0x13A600  }
0xb0: {  	[dreg:$0x4] =	wrdreg $0x162600  }
0xb1: {  	[dreg:$0x5] =	wrdreg $0x9  }
0xb2: {  	_ =	task.clear_ibuf [dreg:s6], $0x6FFFF;
	_ =	strace $0x90000049  }
0xb3: {  	s29 =	simm.s32 $0x9;
	_ =	strace $0x8000004B  }
0xb4: {  	_ =	swait.ge [sflag:s29], $0x1  }
0xb5: {  	[sflag:s29] =	ssyncadd.s32 $0xFFFFFFFF  }
0xb6: {  	_ =	strace $0x9000004B  }
0xb7: {  	_ =	sfence  }
0xb8: {  	s30 =	sld [smem:$0x0];
	_ =	sdelay $0x2  }
0xb9: {  	s31 =	sshll.u32 s1, $0xD;
	s1 =	sshrl.u32 s1, $0x2  }
0xba: {  	s3 =	sand.u32 $0x4000, s31;
	s1 =	sadd.s32 s1, s30  }
0xbb: {  	s0 =	sor.u32 s3, s0;
	s1 =	sshll.u32 s1, $0x11  }
0xbc: {  	s0 =	sor.u32 s1, s0  }
0xbd: {  	s0 =	sadd.s32 $0x8F2B, s0  }
0xbe: {  	[sflag:s0] =	ssyncadd.remote.s32 $0x1  }
0xbf: {  	_ =	sfence.sel $0xFFFF  }
0xc0: {  	[dreg:$0x0] =	wrdreg $0xFFFFFFFF;
	(pc) =	sbr.abs _section_cstart, $3  }
0xc1: {  	[dreg:$0x1] =	wrdreg $0xFFFFFFFF  }
0xc2: {  	_ =	task.clear_ibuf [dreg:s6], $0x2FFFF;
	_ =	strace $0x9FFFFFFF  }
0xc3: {  	(tm) =	ssettm $0x7FFFFFFF  }
tec
execute0_lowered:
.L_overlay_start_1:
0x0: {  	(tag) =	ssettag $0x1  }
0x1: {  	s0 =	rddreg [dreg:$0x0]  }
0x2: {  	s1 =	srdreg.scid;
	s10 =	stileid.u32  }
0x3: {  	s5 =	rddreg [dreg:$0x1];
	s6 =	smul.u32 $0x4E20, s10  }
0x4: {  	s2 =	rddreg [dreg:$0x2];
	s3 =	simm.s32 $0x0;
	s21 =	smul.u32 $0x280, s10  }
0x5: {  	s29 =	simm.s32 $0x2;
	s1 =	sand.u32 $0x1, s1;
	s10 =	smul.u32 $0xA000, s10  }
0x6: {  	s30 =	simm.s32 $0x9C40;
	s31 =	simm.s32 $0xEA60;
	s4 =	smul.u32 $0x4E200, s1  }
0x7: {  	v0 =	vimm.s32 $0xEDCBA987;
	s28 =	simm.s32 $0x0;
	[smem:$0x7FF] =	sst s3;
	s7 =	smul.u32 $0x2800, s1  }
0x8: {  	v5 =	vlaneseq.u32;
	v1 =	vimm.s32 $0x65432100;
	v3 =	vimm.s32 $0xDCBA9876;
	_ =	strace $0x8000004A;
	s9 =	ssub.s32 $0x2, s1;
	p0 =	seq.s32 s1, $0x1  }
0x9: {  	v2 =	vimm.s32 $0x54321000;
	v6 =	vimm.s32 $0xBA987654;
	v7 =	vimm.s32 $0xE40000;
	s1 =	simm.s32 $0x11260;
	s20 =	sshrl.u32 s9, $0x1;
	s22 =	sshrl.u32 s6, $0x3  }
0xa: {  	v8 =	vimm.s32 $0x32100000;
	v9 =	vimm.s32 $0x87654321;
	vm0 =	vcmask $0x3F30;
	s13 =	sshrl.u32 s10, $0x2;
	s4 =	sadd.s32 s6, s4;
	s7 =	sadd.s32 s21, s7  }
0xb: {  	vm1 =	vcmask $0x3F08;
	vm2 =	vcmask $0x3F10;
	v0 =	vunpack.c.l.s4.s8 v0;
	s25 =	ssub.s32 s9, s20;
	s6 =	sadd.s32 s21, s5;
	s13 =	sadd.s32 s13, s5  }
0xc: {  	v1 =	vunpack.c.l.s4.s8 v1;
	v2 =	vunpack.c.l.s4.s8 v2;
	v3 =	vunpack.c.l.s4.s8 v3;
	s5 =	simm.s32 $0x16400;
	s4 =	sshrl.u32 s4, $0x3;
	s7 =	sshrl.u32 s7, $0x3  }
0xd: {  	v6 =	vunpack.c.l.s4.s8 v6;
	v7 =	vunpack.c.l.s2.s4 v7;
	v0 =	vunpack.c.0.s8.s32 v0;
	s9 =	sadd.s32 $0x7800, s6;
	s10 =	sadd.s32 $0xA000, s6;
	s11 =	sadd.s32 $0xC800, s6  }
0xe: {  	v1 =	vunpack.c.0.s8.s32 v1;
	v2 =	vunpack.c.0.s8.s32 v2;
	v3 =	vunpack.c.0.s8.s32 v3;
	s12 =	sadd.s32 $0xF000, s6;
	s14 =	sadd.s32 $0x11800, s6;
	s15 =	sadd.s32 $0x14000, s6  }
0xf: {  	v6 =	vunpack.c.0.s8.s32 v6;
	v7 =	vunpack.c.l.s4.s8 v7;
	s16 =	sadd.s32 $0x16800, s6;
	s5 =	simm.s32 @!p0 $0x2A00;
	s17 =	sadd.s32 $0x19000, s6;
	v0 =	vand.u32 $0xF, v0  }
0x10: {  	s18 =	sadd.s32 $0x1B800, s6;
	s19 =	sadd.s32 $0x1E000, s6;
	s20 =	sadd.s32 $0x20800, s6;
	v0 =	vcombine.low v1, v0;
	v1 =	vand.u32 $0xF, v3;
	v3 =	vunpack.c.l.s4.s8 v8  }
0x11: {  	s26 =	smax.u32 s25, $0x1;
	s25 =	simm.s32 $0x1;
	s8 =	sadd.s32 s4, s0;
	v8 =	vimm.s32 $0xFFEDCBA9;
	v1 =	vcombine.low v2, v1;
	v2 =	vand.u32 $0xF, v6  }
0x12: {  	s4 =	sadd.s32 $0x208C00, s0;
	s24 =	sadd.s32 s7, s0;
	s7 =	sadd.s32 $0x2800, s6;
	v6 =	vunpack.c.0.s8.s32 v7;
	v7 =	vimm.s32 $0x7060504;
	v3 =	vunpack.c.0.s8.s32 v3  }
0x13: {  	v9 =	vunpack.c.l.s4.s8 v9;
	s0 =	sadd.s32 s5, s0;
	[dreg:$0x7] =	wrdreg s26;
	s23 =	sadd.s32 $0x29E00, s8;
	v8 =	vunpack.c.l.s4.s8 v8;
	v7 =	vunpack.c.0.s8.s32 v7  }
0x14: {  	vm3 =	vcmask $0x3F20;
	s26 =	sadd.s32 $0x25800, s6;
	s24 =	sadd.s32 $0x3D800, s24;
	[dreg:$0x4] =	wrdreg s23;
	v6 =	vand.u32 $0x3, v6;
	v2 =	vcombine.low v3, v2  }
0x15: {  	s8 =	sadd.s32 $0x5000, s6;
	s0 =	sadd.s32 s0, s22;
	[dreg:$0x6] =	wrdreg s24;
	v3 =	vsel vm0, v7, v6;
	v6 =	vunpack.c.0.s8.s32 v8;
	v7 =	vunpack.c.0.s8.s32 v9  }
0x16: {  	vm4 =	vcmask $0x3F3C;
	v4 =	vshrl.u32 v5, $0x3;
	v5 =	vand.u32 $0x7, v5;
	s22 =	sadd.s32 $0x23000, s6;
	[dreg:$0x5] =	wrdreg s0;
	s0 =	sadd.s32 $0x9C40, s0  }
0x17: {  	v4 =	vmul.u32 $0x8, v4;
	s23 =	sadd.s32 s21, s2;
	s24 =	simm.s32 $0x10FE0;
	[dreg:$0x8] =	wrdreg s0;
	vm0 =	vcmask $0x3F04;
	v6 =	vcombine.low v7, v6  }
.LBB2_1:
0x18: {  	s0 =	rddreg [dreg:$0x5]  }
0x19: {  	[tilespmem:s3], [sflag:$0x2] =	stream.linear.gather [hbm4b:s0+s3], $0x4E20, $0x38;
	[tilespmem:$0x164E0] =	vst v63  }
0x1a: {  	_ =	swait.ge [sflag:s29], $0x4E20  }
0x1b: {  	[sflag:s29] =	ssyncset.done $0x0  }
0x1c: {  	s21 =	simm.s32 $0x4E20;
	s5 =	rddreg [dreg:$0x8];
	[sflag:s29] =	ssyncadd.s32 $0xFFFFB1E0  }
0x1d: {  	[tilespmem:s21], [sflag:$0x2] =	stream.linear.gather [hbm4b:s5+s3], $0x4E20, $0x38;
	[tilespmem:$0x164E0] =	vst v63  }
0x1e: {  	_ =	swait.ge [sflag:s29], $0x4E20  }
0x1f: {  	[sflag:s29] =	ssyncset.done $0x0  }
0x20: {  	s5 =	rddreg [dreg:$0x4];
	[sflag:s29] =	ssyncadd.s32 $0xFFFFB1E0  }
0x21: {  	[tilespmem:s30], [sflag:$0x2] =	stream.linear.gather [hbm4b:s5+s3], $0x4E20, $0x38;
	[tilespmem:$0x164E0] =	vst v63  }
0x22: {  	_ =	swait.ge [sflag:s29], $0x4E20  }
0x23: {  	[sflag:s29] =	ssyncset.done $0x0  }
0x24: {  	[sflag:s29] =	ssyncadd.s32 $0xFFFFB1E0  }
0x25: {  	[tilespmem:s31], [sflag:$0x2] =	stream.linear.gather [hbm4b:s4+s3], $0x2800, $0x38;
	[tilespmem:$0x164E0] =	vst v63  }
0x26: {  	_ =	swait.ge [sflag:s29], $0x2800  }
0x27: {  	[sflag:s29] =	ssyncset.done $0x0  }
0x28: {  	[sflag:s29] =	ssyncadd.s32 $0xFFFFD800  }
0x29: {  	[tilespmem:s1], [sflag:$0x2] =	stream.linear.gather [hbm4b:s4+s3], $0x2800, $0x38;
	[tilespmem:$0x164E0] =	vst v63  }
0x2a: {  	_ =	swait.ge [sflag:s29], $0x2800  }
0x2b: {  	[sflag:s29] =	ssyncset.done $0x0  }
0x2c: {  	v7 =	vmov s3;
	[sflag:s29] =	ssyncadd.s32 $0xFFFFD800  }
0x2d: {  	v7 =	vshll.u32 v7, $0x3;
	v8 =	vld [tilespmem:s3+$0x0]  }
0x2e: {  	v7 =	vor.u32 v4, v7  }
0x2f: {  	v7 =	vor.u32 v5, v7;
	_ =	sdelay $0x4  }
0x30: {  	v7 =	vld.idx.msk [tilespmem:v7+s30+$0x0], $0xffff  }
0x31: {  	v8 =	vld.idx.msk [tilespmem:v8+s31+$0x0], $0xffff  }
0x32: {  	v9 =	vld [tilespmem:s21+$0x0];
	_ =	sdelay $0x3  }
0x33: {  	v7 =	vmul.f32 v8, v7  }
0x34: {  	v8 =	vxor.u32 $0x80000000, v9  }
0x35: {  	(xrf1) =	vsort.ascd.msk.u32 $0xffff, v8, v7;
	_ =	sdelay $0xd  }
0x36: {  	v7, v8, _ =	vpop (xrf1)  }
0x37: {  	v7 =	vxor.u32 $0x80000000, v7  }
0x38: {  	v9 =	vperm.xlane v7, v0  }
0x39: {  	v10 =	vperm.xlane v8, v0  }
0x3a: {  	vm5 =	veq.s32 v9, v7  }
0x3b: {  	v9 =	vmax.f32 v8, v10;
	vm5 =	vmand vm5, vm0  }
0x3c: {  	v10 =	vperm.xlane v7, v1;
	v8 =	vsel vm5, v9, v8  }
0x3d: {  	v9 =	vperm.xlane v8, v1  }
0x3e: {  	vm5 =	veq.s32 v10, v7;
	v10 =	vperm.xlane v7, v6  }
0x3f: {  	vm5 =	vmand vm5, vm1;
	v9 =	vmax.f32 v8, v9  }
0x40: {  	v11 =	vperm.xlane v7, v2;
	v8 =	vsel vm5, v9, v8;
	vm5 =	vne.s32 v10, v7  }
0x41: {  	v9 =	vperm.xlane v8, v2;
	vm5 =	vmor vm5, vm4  }
0x42: {  	vm6 =	veq.s32 v11, v7  }
0x43: {  	vm6 =	vmand vm6, vm2;
	v9 =	vmax.f32 v8, v9  }
0x44: {  	v9 =	vsel vm6, v9, v8  }
0x45: {  	v10 =	vperm.xlane v7, v3;
	v8 =	vperm.xlane v9, v3;
	_ =	sdelay $0x1  }
0x46: {  	vm6 =	veq.s32 v10, v7;
	v10 =	vmax.f32 v9, v8;
	v8 =	vld.idx.msk [tilespmem:v7+s1+$0x0], vm5;
	_ =	sdelay $0x2  }
0x47: {  	vm6 =	vmand vm6, vm3  }
0x48: {  	s0 =	simm.s32 $0x2;
	s5 =	simm.s32 $0x0;
	v9 =	vsel vm6, v10, v9  }
.LBB2_2:
0x49: {  	p0 =	sne.s32 s0, $0x9C2;
	v8 =	vmax.f32 v9, v8;
	s5 =	sadd.s32 $0x10, s5;
	s21 =	sadd.s32 $0x10, s21  }
0x4a: {  	v9 =	vmov s0;
	s0 =	sadd.s32 $0x2, s0;
	[tilespmem:v7+s1+$0x0] =	vst.idx.msk vm5, v8  }
0x4b: {  	v8 =	vshll.u32 v9, $0x3;
	v7 =	vld [tilespmem:s5+$0x0]  }
0x4c: {  	v8 =	vor.u32 v4, v8  }
0x4d: {  	v8 =	vor.u32 v5, v8;
	_ =	sdelay $0x4  }
0x4e: {  	v8 =	vld.idx.msk [tilespmem:v8+s30+$0x0], $0xffff  }
0x4f: {  	v7 =	vld.idx.msk [tilespmem:v7+s31+$0x0], $0xffff  }
0x50: {  	v9 =	vld [tilespmem:s21+$0x0];
	_ =	sdelay $0x4  }
0x51: {  	v7 =	vmul.f32 v7, v8;
	v8 =	vxor.u32 $0x80000000, v9;
	_ =	sdelay $0x1  }
0x52: {  	(xrf1) =	vsort.ascd.msk.u32 $0xffff, v8, v7;
	_ =	sdelay $0xd  }
0x53: {  	v7, v8, _ =	vpop (xrf1)  }
0x54: {  	v7 =	vxor.u32 $0x80000000, v7;
	v9 =	vperm.xlane v8, v0  }
0x55: {  	v10 =	vperm.xlane v7, v0;
	v11 =	vperm.xlane v7, v6  }
0x56: {  	v12 =	vperm.xlane v7, v1;
	v13 =	vperm.xlane v7, v2;
	v9 =	vmax.f32 v8, v9  }
0x57: {  	vm5 =	veq.s32 v10, v7;
	v10 =	vperm.xlane v7, v3;
	vm6 =	vne.s32 v11, v7  }
0x58: {  	vm7 =	veq.s32 v12, v7;
	vm8 =	veq.s32 v13, v7;
	vm5 =	vmand vm5, vm0  }
0x59: {  	v8 =	vsel vm5, v9, v8;
	vm9 =	veq.s32 v10, v7;
	vm5 =	vmor vm6, vm4  }
0x5a: {  	v9 =	vperm.xlane v8, v1  }
0x5b: {  	vm6 =	vmand vm7, vm1  }
0x5c: {  	v9 =	vmax.f32 v8, v9  }
0x5d: {  	v9 =	vsel vm6, v9, v8  }
0x5e: {  	v10 =	vperm.xlane v9, v2  }
0x5f: {  	vm6 =	vmand vm8, vm2;
	v8 =	vld.idx.msk [tilespmem:v7+s1+$0x0], vm5  }
0x60: {  	v10 =	vmax.f32 v9, v10  }
.Ltmp0:
0x61: {  	v9 =	vsel vm6, v10, v9;
	(pc) =	sbr.rel @p0 .LBB2_2-.Ltmp0, $4  }
0x62: {  	v10 =	vperm.xlane v9, v3  }
0x63: {  	vm6 =	vmand vm9, vm3  }
0x64: {  	v10 =	vmax.f32 v9, v10  }
0x65: {  	v9 =	vsel vm6, v10, v9  }
0x66: {  	_ =	sdelay $0x3  }
0x67: {  	v8 =	vmax.f32 v9, v8  }
0x68: {  	[tilespmem:v7+s1+$0x0] =	vst.idx.msk vm5, v8  }
0x69: {  	[spmem:s13] =	stream.linear.scatter [tilespmem:s1], [sflag:$0x2], $0x2800, $0x38;
	[tilespmem:$0x164E0] =	vst v63  }
0x6a: {  	_ =	swait.ge [sflag:s29], $0x2800  }
0x6b: {  	[sflag:s29] =	ssyncset.done $0x0  }
0x6c: {  	[sflag:s29] =	ssyncadd.s32 $0xFFFFD800  }
0x6d: {  	[bflag:$0x0] =	sbarrier.arrive $0xFFFF  }
0x6e: {  	[tilespmem:s31], [sflag:$0x1] =	stream.linear.gather [spmem:s6], $0x280, $0x38;
	[tilespmem:$0x164E0] =	vst v63  }
0x6f: {  	s0 =	simm.s32 $0xECE0  }
0x70: {  	[tilespmem:s0], [sflag:$0x1] =	stream.linear.gather [spmem:s7], $0x280, $0x38;
	[tilespmem:$0x164E0] =	vst v63  }
0x71: {  	s21 =	simm.s32 $0xEF60  }
0x72: {  	[tilespmem:s21], [sflag:$0x1] =	stream.linear.gather [spmem:s8], $0x280, $0x38;
	[tilespmem:$0x164E0] =	vst v63  }
0x73: {  	s5 =	simm.s32 $0xF1E0  }
0x74: {  	[tilespmem:s5], [sflag:$0x1] =	stream.linear.gather [spmem:s9], $0x280, $0x38;
	[tilespmem:$0x164E0] =	vst v63  }
0x75: {  	s21 =	simm.s32 $0xF460  }
0x76: {  	[tilespmem:s21], [sflag:$0x1] =	stream.linear.gather [spmem:s10], $0x280, $0x38;
	[tilespmem:$0x164E0] =	vst v63  }
0x77: {  	s5 =	simm.s32 $0xF6E0  }
0x78: {  	[tilespmem:s5], [sflag:$0x1] =	stream.linear.gather [spmem:s11], $0x280, $0x38;
	[tilespmem:$0x164E0] =	vst v63  }
0x79: {  	s21 =	simm.s32 $0xF960  }
0x7a: {  	[tilespmem:s21], [sflag:$0x1] =	stream.linear.gather [spmem:s12], $0x280, $0x38;
	[tilespmem:$0x164E0] =	vst v63  }
0x7b: {  	s5 =	simm.s32 $0xFBE0  }
0x7c: {  	[tilespmem:s5], [sflag:$0x1] =	stream.linear.gather [spmem:s14], $0x280, $0x38;
	[tilespmem:$0x164E0] =	vst v63  }
0x7d: {  	s21 =	simm.s32 $0xFE60  }
0x7e: {  	[tilespmem:s21], [sflag:$0x1] =	stream.linear.gather [spmem:s15], $0x280, $0x38;
	[tilespmem:$0x164E0] =	vst v63  }
0x7f: {  	s5 =	simm.s32 $0x100E0  }
0x80: {  	[tilespmem:s5], [sflag:$0x1] =	stream.linear.gather [spmem:s16], $0x280, $0x38;
	[tilespmem:$0x164E0] =	vst v63  }
0x81: {  	s21 =	simm.s32 $0x10360  }
0x82: {  	[tilespmem:s21], [sflag:$0x1] =	stream.linear.gather [spmem:s17], $0x280, $0x38;
	[tilespmem:$0x164E0] =	vst v63  }
0x83: {  	s5 =	simm.s32 $0x105E0  }
0x84: {  	[tilespmem:s5], [sflag:$0x1] =	stream.linear.gather [spmem:s18], $0x280, $0x38;
	[tilespmem:$0x164E0] =	vst v63  }
0x85: {  	s21 =	simm.s32 $0x10860  }
0x86: {  	[tilespmem:s21], [sflag:$0x1] =	stream.linear.gather [spmem:s19], $0x280, $0x38;
	[tilespmem:$0x164E0] =	vst v63  }
0x87: {  	s5 =	simm.s32 $0x10AE0  }
0x88: {  	[tilespmem:s5], [sflag:$0x1] =	stream.linear.gather [spmem:s20], $0x280, $0x38;
	[tilespmem:$0x164E0] =	vst v63  }
0x89: {  	s21 =	simm.s32 $0x10D60  }
0x8a: {  	[tilespmem:s21], [sflag:$0x1] =	stream.linear.gather [spmem:s22], $0x280, $0x38;
	[tilespmem:$0x164E0] =	vst v63  }
0x8b: {  	_ = 	snop  }
0x8c: {  	[tilespmem:s24], [sflag:$0x1] =	stream.linear.gather [spmem:s26], $0x280, $0x38;
	[tilespmem:$0x164E0] =	vst v63  }
0x8d: {  	_ =	swait.ge [sflag:s25], $0x280  }
0x8e: {  	[sflag:s25] =	ssyncset.done $0x0  }
0x8f: {  	[sflag:s25] =	ssyncadd.s32 $0xFFFFFD80  }
0x90: {  	_ =	swait.ge [sflag:s25], $0x280  }
0x91: {  	[sflag:s25] =	ssyncset.done $0x0  }
0x92: {  	[sflag:s25] =	ssyncadd.s32 $0xFFFFFD80  }
0x93: {  	_ =	swait.ge [sflag:s25], $0x280  }
0x94: {  	[sflag:s25] =	ssyncset.done $0x0  }
0x95: {  	[sflag:s25] =	ssyncadd.s32 $0xFFFFFD80  }
0x96: {  	_ =	swait.ge [sflag:s25], $0x280  }
0x97: {  	[sflag:s25] =	ssyncset.done $0x0  }
0x98: {  	[sflag:s25] =	ssyncadd.s32 $0xFFFFFD80  }
0x99: {  	_ =	swait.ge [sflag:s25], $0x280  }
0x9a: {  	[sflag:s25] =	ssyncset.done $0x0  }
0x9b: {  	[sflag:s25] =	ssyncadd.s32 $0xFFFFFD80  }
0x9c: {  	_ =	swait.ge [sflag:s25], $0x280  }
0x9d: {  	[sflag:s25] =	ssyncset.done $0x0  }
0x9e: {  	[sflag:s25] =	ssyncadd.s32 $0xFFFFFD80  }
0x9f: {  	_ =	swait.ge [sflag:s25], $0x280  }
0xa0: {  	[sflag:s25] =	ssyncset.done $0x0  }
0xa1: {  	[sflag:s25] =	ssyncadd.s32 $0xFFFFFD80  }
0xa2: {  	_ =	swait.ge [sflag:s25], $0x280  }
0xa3: {  	[sflag:s25] =	ssyncset.done $0x0  }
0xa4: {  	[sflag:s25] =	ssyncadd.s32 $0xFFFFFD80  }
0xa5: {  	_ =	swait.ge [sflag:s25], $0x280  }
0xa6: {  	[sflag:s25] =	ssyncset.done $0x0  }
0xa7: {  	[sflag:s25] =	ssyncadd.s32 $0xFFFFFD80  }
0xa8: {  	_ =	swait.ge [sflag:s25], $0x280  }
0xa9: {  	[sflag:s25] =	ssyncset.done $0x0  }
0xaa: {  	[sflag:s25] =	ssyncadd.s32 $0xFFFFFD80  }
0xab: {  	_ =	swait.ge [sflag:s25], $0x280  }
0xac: {  	[sflag:s25] =	ssyncset.done $0x0  }
0xad: {  	[sflag:s25] =	ssyncadd.s32 $0xFFFFFD80  }
0xae: {  	_ =	swait.ge [sflag:s25], $0x280  }
0xaf: {  	[sflag:s25] =	ssyncset.done $0x0  }
0xb0: {  	[sflag:s25] =	ssyncadd.s32 $0xFFFFFD80  }
0xb1: {  	_ =	swait.ge [sflag:s25], $0x280  }
0xb2: {  	[sflag:s25] =	ssyncset.done $0x0  }
0xb3: {  	[sflag:s25] =	ssyncadd.s32 $0xFFFFFD80  }
0xb4: {  	_ =	swait.ge [sflag:s25], $0x280  }
0xb5: {  	[sflag:s25] =	ssyncset.done $0x0  }
0xb6: {  	[sflag:s25] =	ssyncadd.s32 $0xFFFFFD80  }
0xb7: {  	_ =	swait.ge [sflag:s25], $0x280  }
0xb8: {  	[sflag:s25] =	ssyncset.done $0x0  }
0xb9: {  	[sflag:s25] =	ssyncadd.s32 $0xFFFFFD80  }
0xba: {  	_ =	swait.ge [sflag:s25], $0x280  }
0xbb: {  	[sflag:s25] =	ssyncset.done $0x0  }
0xbc: {  	s0 =	simm.s32 $0x0;
	[sflag:s25] =	ssyncadd.s32 $0xFFFFFD80  }
0xbd: {  	v7 =	vld [tilespmem:s0+$0xEA60]  }
0xbe: {  	v8 =	vld [tilespmem:s0+$0xECE0]  }
0xbf: {  	v9 =	vld [tilespmem:s0+$0xEF60]  }
0xc0: {  	v10 =	vld [tilespmem:s0+$0xF1E0]  }
0xc1: {  	v11 =	vld [tilespmem:s0+$0xF460]  }
0xc2: {  	v12 =	vld [tilespmem:s0+$0xF6E0]  }
0xc3: {  	v7 =	vmax.f32 v7, v8;
	v8 =	vld [tilespmem:s0+$0xF960]  }
0xc4: {  	v7 =	vmax.f32 v7, v9;
	v9 =	vld [tilespmem:s0+$0xFBE0]  }
0xc5: {  	v7 =	vmax.f32 v7, v10;
	v10 =	vld [tilespmem:s0+$0xFE60]  }
0xc6: {  	v7 =	vmax.f32 v7, v11;
	v11 =	vld [tilespmem:s0+$0x100E0]  }
0xc7: {  	v7 =	vmax.f32 v7, v12;
	v12 =	vld [tilespmem:s0+$0x10360]  }
0xc8: {  	v13 =	vld [tilespmem:s0+$0x105E0];
	v7 =	vmax.f32 v7, v8  }
0xc9: {  	v8 =	vld [tilespmem:s0+$0x10860];
	v7 =	vmax.f32 v7, v9  }
0xca: {  	v9 =	vld [tilespmem:s0+$0x10AE0];
	v7 =	vmax.f32 v7, v10  }
0xcb: {  	v10 =	vld [tilespmem:s0+$0x10D60];
	v7 =	vmax.f32 v7, v11  }
0xcc: {  	s5 =	simm.s32 $0x10;
	v11 =	vld [tilespmem:s0+$0x10FE0];
	v12 =	vmax.f32 v7, v12  }
0xcd: {  	s21 =	simm.s32 $0x80;
	v7 =	vld [tilespmem:s5+$0xEA60];
	v12 =	vmax.f32 v12, v13  }
.LBB2_4:
0xce: {  	p0 =	sne.s32 s21, $0x9C0;
	v13 =	vld [tilespmem:s5+$0xECE0];
	v8 =	vmax.f32 v12, v8  }
0xcf: {  	v12 =	vld [tilespmem:s5+$0xEF60];
	v8 =	vmax.f32 v8, v9  }
0xd0: {  	v9 =	vld [tilespmem:s5+$0xF1E0];
	v8 =	vmax.f32 v8, v10  }
0xd1: {  	v10 =	vld [tilespmem:s5+$0xF460];
	v8 =	vmax.f32 v8, v11  }
0xd2: {  	v11 =	vld [tilespmem:s5+$0xF6E0];
	[tilespmem:s0+$0x11260] =	vst v8;
	s0 =	smov.u32 s5  }
0xd3: {  	v7 =	vmax.f32 v7, v13;
	v8 =	vld [tilespmem:s0+$0xF960]  }
0xd4: {  	v7 =	vmax.f32 v7, v12;
	v12 =	vld [tilespmem:s0+$0xFBE0]  }
0xd5: {  	v7 =	vmax.f32 v7, v9;
	v9 =	vld [tilespmem:s0+$0xFE60]  }
0xd6: {  	v7 =	vmax.f32 v7, v10;
	v10 =	vld [tilespmem:s0+$0x100E0]  }
0xd7: {  	v7 =	vmax.f32 v7, v11;
	v11 =	vld [tilespmem:s0+$0x10360]  }
0xd8: {  	v7 =	vmax.f32 v7, v8;
	v13 =	vld [tilespmem:s0+$0x105E0]  }
.Ltmp1:
0xd9: {  	v7 =	vmax.f32 v7, v12;
	v8 =	vld [tilespmem:s0+$0x10860];
	(pc) =	sbr.rel @p0 .LBB2_4-.Ltmp1, $4  }
0xda: {  	v7 =	vmax.f32 v7, v9;
	v9 =	vld [tilespmem:s0+$0x10AE0]  }
0xdb: {  	v7 =	vmax.f32 v7, v10;
	v10 =	vld [tilespmem:s0+$0x10D60]  }
0xdc: {  	s5 =	sshra.s32 s21, $0x2;
	v12 =	vmax.f32 v7, v11;
	v11 =	vld [tilespmem:s0+$0x10FE0]  }
0xdd: {  	s21 =	sadd.s32 $0x40, s21;
	v7 =	vld [tilespmem:s5+$0xEA60];
	v12 =	vmax.f32 v12, v13  }
0xde: {  	v13 =	vld [tilespmem:s5+$0xECE0];
	v8 =	vmax.f32 v12, v8  }
0xdf: {  	v61 =	vld [tilespmem:s5+$0xEF60];
	v8 =	vmax.f32 v8, v9  }
0xe0: {  	v9 =	vld [tilespmem:s5+$0xF1E0];
	v8 =	vmax.f32 v8, v10  }
0xe1: {  	v10 =	vld [tilespmem:s5+$0xF460];
	v8 =	vmax.f32 v8, v11  }
0xe2: {  	v11 =	vld [tilespmem:s5+$0xF6E0];
	[tilespmem:s0+$0x11260] =	vst v8  }
0xe3: {  	v7 =	vmax.f32 v7, v13;
	v8 =	vld [tilespmem:s5+$0xF960]  }
0xe4: {  	v62 =	vld [tilespmem:s5+$0xFBE0];
	v7 =	vmax.f32 v7, v61  }
0xe5: {  	v7 =	vmax.f32 v7, v9;
	v9 =	vld [tilespmem:s5+$0xFE60]  }
0xe6: {  	v7 =	vmax.f32 v7, v10;
	v10 =	vld [tilespmem:s5+$0x100E0]  }
0xe7: {  	v7 =	vmax.f32 v7, v11;
	v11 =	vld [tilespmem:s5+$0x10360]  }
0xe8: {  	v7 =	vmax.f32 v7, v8;
	v8 =	vld [tilespmem:s5+$0x105E0]  }
0xe9: {  	v63 =	vld [tilespmem:s5+$0x10860];
	v7 =	vmax.f32 v7, v62  }
0xea: {  	v7 =	vmax.f32 v7, v9;
	v9 =	vld [tilespmem:s5+$0x10AE0]  }
0xeb: {  	v7 =	vmax.f32 v7, v10;
	v10 =	vld [tilespmem:s5+$0x10D60]  }
0xec: {  	v7 =	vmax.f32 v7, v11;
	v11 =	vld [tilespmem:s5+$0x10FE0]  }
0xed: {  	v7 =	vmax.f32 v7, v8  }
0xee: {  	v7 =	vmax.f32 v7, v63  }
0xef: {  	v7 =	vmax.f32 v7, v9  }
0xf0: {  	v7 =	vmax.f32 v7, v10  }
0xf1: {  	v7 =	vmax.f32 v7, v11  }
0xf2: {  	[tilespmem:s5+$0x11260] =	vst v7  }
0xf3: {  	[spmem:s23] =	stream.linear.scatter [tilespmem:s1], [sflag:$0x2], $0x280, $0x38;
	[tilespmem:$0x164E0] =	vst v63  }
0xf4: {  	_ =	swait.ge [sflag:s29], $0x280  }
0xf5: {  	[sflag:s29] =	ssyncset.done $0x0  }
0xf6: {  	[sflag:s29] =	ssyncadd.s32 $0xFFFFFD80  }
0xf7: {  	[bflag:$0x0] =	sbarrier.arrive $0xFFFF  }
0xf8: {  	[tilespmem:s31], [sflag:$0x2] =	stream.linear.gather [spmem:s2], $0x2800, $0x38;
	[tilespmem:$0x164E0] =	vst v63  }
0xf9: {  	_ =	swait.ge [sflag:s29], $0x2800  }
0xfa: {  	[sflag:s29] =	ssyncset.done $0x0  }
0xfb: {  	[sflag:s29] =	ssyncadd.s32 $0xFFFFD800  }
0xfc: {  	[tilespmem:s1], [sflag:$0x2] =	stream.linear.gather [spmem:s2], $0x2800, $0x38;
	[tilespmem:$0x164E0] =	vst v63  }
0xfd: {  	_ =	swait.ge [sflag:s29], $0x2800  }
0xfe: {  	s21 =	simm.s32 $0x0;
	[sflag:s29] =	ssyncset.done $0x0  }
0xff: {  	v7 =	vmov s21;
	[sflag:s29] =	ssyncadd.s32 $0xFFFFD800  }
0x100: {  	v7 =	vshll.u32 v7, $0x3;
	v8 =	vld [tilespmem:s21+$0x0]  }
0x101: {  	v7 =	vor.u32 v4, v7  }
0x102: {  	v7 =	vor.u32 v5, v7;
	_ =	sdelay $0x4  }
0x103: {  	v7 =	vld.idx.msk [tilespmem:v7+s30+$0x0], $0xffff  }
0x104: {  	s0 =	simm.s32 $0x4E20;
	v8 =	vld.idx.msk [tilespmem:v8+s31+$0x0], $0xffff  }
0x105: {  	v9 =	vld [tilespmem:s0+$0x0];
	_ =	sdelay $0x3  }
0x106: {  	v7 =	vmul.f32 v8, v7  }
0x107: {  	v8 =	vxor.u32 $0x80000000, v9  }
0x108: {  	(xrf1) =	vsort.ascd.msk.u32 $0xffff, v8, v7;
	_ =	sdelay $0xd  }
0x109: {  	v7, v8, _ =	vpop (xrf1)  }
0x10a: {  	v7 =	vxor.u32 $0x80000000, v7  }
0x10b: {  	v9 =	vperm.xlane v7, v0  }
0x10c: {  	v10 =	vperm.xlane v8, v0  }
0x10d: {  	vm5 =	veq.s32 v9, v7  }
0x10e: {  	v9 =	vmax.f32 v8, v10;
	vm5 =	vmand vm5, vm0  }
0x10f: {  	v10 =	vperm.xlane v7, v1;
	v8 =	vsel vm5, v9, v8  }
0x110: {  	v9 =	vperm.xlane v8, v1  }
0x111: {  	vm5 =	veq.s32 v10, v7;
	v10 =	vperm.xlane v7, v6  }
0x112: {  	vm5 =	vmand vm5, vm1;
	v9 =	vmax.f32 v8, v9  }
0x113: {  	v11 =	vperm.xlane v7, v2;
	v8 =	vsel vm5, v9, v8;
	vm5 =	vne.s32 v10, v7  }
0x114: {  	v9 =	vperm.xlane v8, v2;
	vm5 =	vmor vm5, vm4  }
0x115: {  	vm6 =	veq.s32 v11, v7  }
0x116: {  	vm6 =	vmand vm6, vm2;
	v9 =	vmax.f32 v8, v9  }
0x117: {  	v9 =	vsel vm6, v9, v8  }
0x118: {  	v10 =	vperm.xlane v7, v3;
	v8 =	vperm.xlane v9, v3;
	_ =	sdelay $0x1  }
0x119: {  	vm6 =	veq.s32 v10, v7;
	v10 =	vmax.f32 v9, v8;
	v8 =	vld.idx.msk [tilespmem:v7+s1+$0x0], vm5;
	_ =	sdelay $0x2  }
0x11a: {  	vm6 =	vmand vm6, vm3  }
0x11b: {  	s5 =	simm.s32 $0x2;
	v9 =	vsel vm6, v10, v9  }
.LBB2_6:
0x11c: {  	p0 =	sne.s32 s5, $0x9C2;
	v8 =	vmax.f32 v9, v8;
	s21 =	sadd.s32 $0x10, s21;
	s0 =	sadd.s32 $0x10, s0  }
0x11d: {  	v9 =	vmov s5;
	s5 =	sadd.s32 $0x2, s5;
	[tilespmem:v7+s1+$0x0] =	vst.idx.msk vm5, v8  }
0x11e: {  	v8 =	vshll.u32 v9, $0x3;
	v7 =	vld [tilespmem:s21+$0x0]  }
0x11f: {  	v8 =	vor.u32 v4, v8  }
0x120: {  	v8 =	vor.u32 v5, v8;
	_ =	sdelay $0x4  }
0x121: {  	v8 =	vld.idx.msk [tilespmem:v8+s30+$0x0], $0xffff  }
0x122: {  	v7 =	vld.idx.msk [tilespmem:v7+s31+$0x0], $0xffff  }
0x123: {  	v9 =	vld [tilespmem:s0+$0x0];
	_ =	sdelay $0x4  }
0x124: {  	v7 =	vmul.f32 v7, v8;
	v8 =	vxor.u32 $0x80000000, v9;
	_ =	sdelay $0x1  }
0x125: {  	(xrf1) =	vsort.ascd.msk.u32 $0xffff, v8, v7;
	_ =	sdelay $0xd  }
0x126: {  	v7, v8, _ =	vpop (xrf1)  }
0x127: {  	v7 =	vxor.u32 $0x80000000, v7;
	v9 =	vperm.xlane v8, v0  }
0x128: {  	v10 =	vperm.xlane v7, v0;
	v11 =	vperm.xlane v7, v6  }
0x129: {  	v12 =	vperm.xlane v7, v1;
	v13 =	vperm.xlane v7, v2;
	v9 =	vmax.f32 v8, v9  }
0x12a: {  	vm5 =	veq.s32 v10, v7;
	v10 =	vperm.xlane v7, v3;
	vm6 =	vne.s32 v11, v7  }
0x12b: {  	vm7 =	veq.s32 v12, v7;
	vm8 =	veq.s32 v13, v7;
	vm5 =	vmand vm5, vm0  }
0x12c: {  	v8 =	vsel vm5, v9, v8;
	vm9 =	veq.s32 v10, v7;
	vm5 =	vmor vm6, vm4  }
0x12d: {  	v9 =	vperm.xlane v8, v1  }
0x12e: {  	vm6 =	vmand vm7, vm1  }
0x12f: {  	v9 =	vmax.f32 v8, v9  }
0x130: {  	v9 =	vsel vm6, v9, v8  }
0x131: {  	v10 =	vperm.xlane v9, v2  }
0x132: {  	vm6 =	vmand vm8, vm2;
	v8 =	vld.idx.msk [tilespmem:v7+s1+$0x0], vm5  }
0x133: {  	v10 =	vmax.f32 v9, v10  }
.Ltmp2:
0x134: {  	v9 =	vsel vm6, v10, v9;
	(pc) =	sbr.rel @p0 .LBB2_6-.Ltmp2, $4  }
0x135: {  	v10 =	vperm.xlane v9, v3  }
0x136: {  	vm6 =	vmand vm9, vm3  }
0x137: {  	v10 =	vmax.f32 v9, v10  }
0x138: {  	v9 =	vsel vm6, v10, v9  }
0x139: {  	_ =	sdelay $0x3  }
0x13a: {  	v8 =	vmax.f32 v9, v8  }
0x13b: {  	[tilespmem:v7+s1+$0x0] =	vst.idx.msk vm5, v8  }
0x13c: {  	[spmem:s13] =	stream.linear.scatter [tilespmem:s1], [sflag:$0x2], $0x2800, $0x38;
	[tilespmem:$0x164E0] =	vst v63  }
0x13d: {  	_ =	swait.ge [sflag:s29], $0x2800  }
0x13e: {  	[sflag:s29] =	ssyncset.done $0x0  }
0x13f: {  	[sflag:s29] =	ssyncadd.s32 $0xFFFFD800  }
0x140: {  	[bflag:$0x0] =	sbarrier.arrive $0xFFFF  }
0x141: {  	[tilespmem:s31], [sflag:$0x1] =	stream.linear.gather [spmem:s6], $0x280, $0x38;
	[tilespmem:$0x164E0] =	vst v63  }
0x142: {  	s0 =	simm.s32 $0xECE0  }
0x143: {  	[tilespmem:s0], [sflag:$0x1] =	stream.linear.gather [spmem:s7], $0x280, $0x38;
	[tilespmem:$0x164E0] =	vst v63  }
0x144: {  	s21 =	simm.s32 $0xEF60  }
0x145: {  	[tilespmem:s21], [sflag:$0x1] =	stream.linear.gather [spmem:s8], $0x280, $0x38;
	[tilespmem:$0x164E0] =	vst v63  }
0x146: {  	s5 =	simm.s32 $0xF1E0  }
0x147: {  	[tilespmem:s5], [sflag:$0x1] =	stream.linear.gather [spmem:s9], $0x280, $0x38;
	[tilespmem:$0x164E0] =	vst v63  }
0x148: {  	s21 =	simm.s32 $0xF460  }
0x149: {  	[tilespmem:s21], [sflag:$0x1] =	stream.linear.gather [spmem:s10], $0x280, $0x38;
	[tilespmem:$0x164E0] =	vst v63  }
0x14a: {  	s5 =	simm.s32 $0xF6E0  }
0x14b: {  	[tilespmem:s5], [sflag:$0x1] =	stream.linear.gather [spmem:s11], $0x280, $0x38;
	[tilespmem:$0x164E0] =	vst v63  }
0x14c: {  	s21 =	simm.s32 $0xF960  }
0x14d: {  	[tilespmem:s21], [sflag:$0x1] =	stream.linear.gather [spmem:s12], $0x280, $0x38;
	[tilespmem:$0x164E0] =	vst v63  }
0x14e: {  	s5 =	simm.s32 $0xFBE0  }
0x14f: {  	[tilespmem:s5], [sflag:$0x1] =	stream.linear.gather [spmem:s14], $0x280, $0x38;
	[tilespmem:$0x164E0] =	vst v63  }
0x150: {  	s21 =	simm.s32 $0xFE60  }
0x151: {  	[tilespmem:s21], [sflag:$0x1] =	stream.linear.gather [spmem:s15], $0x280, $0x38;
	[tilespmem:$0x164E0] =	vst v63  }
0x152: {  	s5 =	simm.s32 $0x100E0  }
0x153: {  	[tilespmem:s5], [sflag:$0x1] =	stream.linear.gather [spmem:s16], $0x280, $0x38;
	[tilespmem:$0x164E0] =	vst v63  }
0x154: {  	s21 =	simm.s32 $0x10360  }
0x155: {  	[tilespmem:s21], [sflag:$0x1] =	stream.linear.gather [spmem:s17], $0x280, $0x38;
	[tilespmem:$0x164E0] =	vst v63  }
0x156: {  	s5 =	simm.s32 $0x105E0  }
0x157: {  	[tilespmem:s5], [sflag:$0x1] =	stream.linear.gather [spmem:s18], $0x280, $0x38;
	[tilespmem:$0x164E0] =	vst v63  }
0x158: {  	s21 =	simm.s32 $0x10860  }
0x159: {  	[tilespmem:s21], [sflag:$0x1] =	stream.linear.gather [spmem:s19], $0x280, $0x38;
	[tilespmem:$0x164E0] =	vst v63  }
0x15a: {  	s5 =	simm.s32 $0x10AE0  }
0x15b: {  	[tilespmem:s5], [sflag:$0x1] =	stream.linear.gather [spmem:s20], $0x280, $0x38;
	[tilespmem:$0x164E0] =	vst v63  }
0x15c: {  	s21 =	simm.s32 $0x10D60  }
0x15d: {  	[tilespmem:s21], [sflag:$0x1] =	stream.linear.gather [spmem:s22], $0x280, $0x38;
	[tilespmem:$0x164E0] =	vst v63  }
0x15e: {  	_ = 	snop  }
0x15f: {  	[tilespmem:s24], [sflag:$0x1] =	stream.linear.gather [spmem:s26], $0x280, $0x38;
	[tilespmem:$0x164E0] =	vst v63  }
0x160: {  	_ =	swait.ge [sflag:s25], $0x280  }
0x161: {  	[sflag:s25] =	ssyncset.done $0x0  }
0x162: {  	[sflag:s25] =	ssyncadd.s32 $0xFFFFFD80  }
0x163: {  	_ =	swait.ge [sflag:s25], $0x280  }
0x164: {  	[sflag:s25] =	ssyncset.done $0x0  }
0x165: {  	[sflag:s25] =	ssyncadd.s32 $0xFFFFFD80  }
0x166: {  	_ =	swait.ge [sflag:s25], $0x280  }
0x167: {  	[sflag:s25] =	ssyncset.done $0x0  }
0x168: {  	[sflag:s25] =	ssyncadd.s32 $0xFFFFFD80  }
0x169: {  	_ =	swait.ge [sflag:s25], $0x280  }
0x16a: {  	[sflag:s25] =	ssyncset.done $0x0  }
0x16b: {  	[sflag:s25] =	ssyncadd.s32 $0xFFFFFD80  }
0x16c: {  	_ =	swait.ge [sflag:s25], $0x280  }
0x16d: {  	[sflag:s25] =	ssyncset.done $0x0  }
0x16e: {  	[sflag:s25] =	ssyncadd.s32 $0xFFFFFD80  }
0x16f: {  	_ =	swait.ge [sflag:s25], $0x280  }
0x170: {  	[sflag:s25] =	ssyncset.done $0x0  }
0x171: {  	[sflag:s25] =	ssyncadd.s32 $0xFFFFFD80  }
0x172: {  	_ =	swait.ge [sflag:s25], $0x280  }
0x173: {  	[sflag:s25] =	ssyncset.done $0x0  }
0x174: {  	[sflag:s25] =	ssyncadd.s32 $0xFFFFFD80  }
0x175: {  	_ =	swait.ge [sflag:s25], $0x280  }
0x176: {  	[sflag:s25] =	ssyncset.done $0x0  }
0x177: {  	[sflag:s25] =	ssyncadd.s32 $0xFFFFFD80  }
0x178: {  	_ =	swait.ge [sflag:s25], $0x280  }
0x179: {  	[sflag:s25] =	ssyncset.done $0x0  }
0x17a: {  	[sflag:s25] =	ssyncadd.s32 $0xFFFFFD80  }
0x17b: {  	_ =	swait.ge [sflag:s25], $0x280  }
0x17c: {  	[sflag:s25] =	ssyncset.done $0x0  }
0x17d: {  	[sflag:s25] =	ssyncadd.s32 $0xFFFFFD80  }
0x17e: {  	_ =	swait.ge [sflag:s25], $0x280  }
0x17f: {  	[sflag:s25] =	ssyncset.done $0x0  }
0x180: {  	[sflag:s25] =	ssyncadd.s32 $0xFFFFFD80  }
0x181: {  	_ =	swait.ge [sflag:s25], $0x280  }
0x182: {  	[sflag:s25] =	ssyncset.done $0x0  }
0x183: {  	[sflag:s25] =	ssyncadd.s32 $0xFFFFFD80  }
0x184: {  	_ =	swait.ge [sflag:s25], $0x280  }
0x185: {  	[sflag:s25] =	ssyncset.done $0x0  }
0x186: {  	[sflag:s25] =	ssyncadd.s32 $0xFFFFFD80  }
0x187: {  	_ =	swait.ge [sflag:s25], $0x280  }
0x188: {  	[sflag:s25] =	ssyncset.done $0x0  }
0x189: {  	[sflag:s25] =	ssyncadd.s32 $0xFFFFFD80  }
0x18a: {  	_ =	swait.ge [sflag:s25], $0x280  }
0x18b: {  	[sflag:s25] =	ssyncset.done $0x0  }
0x18c: {  	[sflag:s25] =	ssyncadd.s32 $0xFFFFFD80  }
0x18d: {  	_ =	swait.ge [sflag:s25], $0x280  }
0x18e: {  	[sflag:s25] =	ssyncset.done $0x0  }
0x18f: {  	s0 =	simm.s32 $0x0;
	[sflag:s25] =	ssyncadd.s32 $0xFFFFFD80  }
0x190: {  	v7 =	vld [tilespmem:s0+$0xEA60]  }
0x191: {  	v8 =	vld [tilespmem:s0+$0xECE0]  }
0x192: {  	v9 =	vld [tilespmem:s0+$0xEF60]  }
0x193: {  	v10 =	vld [tilespmem:s0+$0xF1E0]  }
0x194: {  	v11 =	vld [tilespmem:s0+$0xF460]  }
0x195: {  	v12 =	vld [tilespmem:s0+$0xF6E0]  }
0x196: {  	v7 =	vmax.f32 v7, v8;
	v8 =	vld [tilespmem:s0+$0xF960]  }
0x197: {  	v7 =	vmax.f32 v7, v9;
	v9 =	vld [tilespmem:s0+$0xFBE0]  }
0x198: {  	v7 =	vmax.f32 v7, v10;
	v10 =	vld [tilespmem:s0+$0xFE60]  }
0x199: {  	v7 =	vmax.f32 v7, v11;
	v11 =	vld [tilespmem:s0+$0x100E0]  }
0x19a: {  	v7 =	vmax.f32 v7, v12;
	v12 =	vld [tilespmem:s0+$0x10360]  }
0x19b: {  	v13 =	vld [tilespmem:s0+$0x105E0];
	v7 =	vmax.f32 v7, v8  }
0x19c: {  	v8 =	vld [tilespmem:s0+$0x10860];
	v7 =	vmax.f32 v7, v9  }
0x19d: {  	v9 =	vld [tilespmem:s0+$0x10AE0];
	v7 =	vmax.f32 v7, v10  }
0x19e: {  	v10 =	vld [tilespmem:s0+$0x10D60];
	v7 =	vmax.f32 v7, v11  }
0x19f: {  	s5 =	simm.s32 $0x10;
	v11 =	vld [tilespmem:s0+$0x10FE0];
	v12 =	vmax.f32 v7, v12  }
0x1a0: {  	s21 =	simm.s32 $0x80;
	v7 =	vld [tilespmem:s5+$0xEA60];
	v12 =	vmax.f32 v12, v13  }
.LBB2_8:
0x1a1: {  	p0 =	sne.s32 s21, $0x9C0;
	v13 =	vld [tilespmem:s5+$0xECE0];
	v8 =	vmax.f32 v12, v8  }
0x1a2: {  	v12 =	vld [tilespmem:s5+$0xEF60];
	v8 =	vmax.f32 v8, v9  }
0x1a3: {  	v9 =	vld [tilespmem:s5+$0xF1E0];
	v8 =	vmax.f32 v8, v10  }
0x1a4: {  	v10 =	vld [tilespmem:s5+$0xF460];
	v8 =	vmax.f32 v8, v11  }
0x1a5: {  	v11 =	vld [tilespmem:s5+$0xF6E0];
	[tilespmem:s0+$0x11260] =	vst v8;
	s0 =	smov.u32 s5  }
0x1a6: {  	v7 =	vmax.f32 v7, v13;
	v8 =	vld [tilespmem:s0+$0xF960]  }
0x1a7: {  	v7 =	vmax.f32 v7, v12;
	v12 =	vld [tilespmem:s0+$0xFBE0]  }
0x1a8: {  	v7 =	vmax.f32 v7, v9;
	v9 =	vld [tilespmem:s0+$0xFE60]  }
0x1a9: {  	v7 =	vmax.f32 v7, v10;
	v10 =	vld [tilespmem:s0+$0x100E0]  }
0x1aa: {  	v7 =	vmax.f32 v7, v11;
	v11 =	vld [tilespmem:s0+$0x10360]  }
0x1ab: {  	v7 =	vmax.f32 v7, v8;
	v13 =	vld [tilespmem:s0+$0x105E0]  }
.Ltmp3:
0x1ac: {  	v7 =	vmax.f32 v7, v12;
	v8 =	vld [tilespmem:s0+$0x10860];
	(pc) =	sbr.rel @p0 .LBB2_8-.Ltmp3, $4  }
0x1ad: {  	v7 =	vmax.f32 v7, v9;
	v9 =	vld [tilespmem:s0+$0x10AE0]  }
0x1ae: {  	v7 =	vmax.f32 v7, v10;
	v10 =	vld [tilespmem:s0+$0x10D60]  }
0x1af: {  	s5 =	sshra.s32 s21, $0x2;
	v12 =	vmax.f32 v7, v11;
	v11 =	vld [tilespmem:s0+$0x10FE0]  }
0x1b0: {  	s21 =	sadd.s32 $0x40, s21;
	v7 =	vld [tilespmem:s5+$0xEA60];
	v12 =	vmax.f32 v12, v13  }
0x1b1: {  	v13 =	vld [tilespmem:s5+$0xECE0];
	v8 =	vmax.f32 v12, v8  }
0x1b2: {  	v61 =	vld [tilespmem:s5+$0xEF60];
	v8 =	vmax.f32 v8, v9  }
0x1b3: {  	v9 =	vld [tilespmem:s5+$0xF1E0];
	v8 =	vmax.f32 v8, v10  }
0x1b4: {  	v10 =	vld [tilespmem:s5+$0xF460];
	v8 =	vmax.f32 v8, v11  }
0x1b5: {  	v11 =	vld [tilespmem:s5+$0xF6E0];
	[tilespmem:s0+$0x11260] =	vst v8  }
0x1b6: {  	v7 =	vmax.f32 v7, v13;
	v8 =	vld [tilespmem:s5+$0xF960]  }
0x1b7: {  	v62 =	vld [tilespmem:s5+$0xFBE0];
	v7 =	vmax.f32 v7, v61  }
0x1b8: {  	v7 =	vmax.f32 v7, v9;
	v9 =	vld [tilespmem:s5+$0xFE60]  }
0x1b9: {  	v7 =	vmax.f32 v7, v10;
	v10 =	vld [tilespmem:s5+$0x100E0]  }
0x1ba: {  	v7 =	vmax.f32 v7, v11;
	v11 =	vld [tilespmem:s5+$0x10360]  }
0x1bb: {  	v7 =	vmax.f32 v7, v8;
	v8 =	vld [tilespmem:s5+$0x105E0]  }
0x1bc: {  	v63 =	vld [tilespmem:s5+$0x10860];
	v7 =	vmax.f32 v7, v62  }
0x1bd: {  	v7 =	vmax.f32 v7, v9;
	v9 =	vld [tilespmem:s5+$0x10AE0]  }
0x1be: {  	v7 =	vmax.f32 v7, v10;
	v10 =	vld [tilespmem:s5+$0x10D60]  }
0x1bf: {  	v7 =	vmax.f32 v7, v11;
	v11 =	vld [tilespmem:s5+$0x10FE0]  }
0x1c0: {  	v7 =	vmax.f32 v7, v8  }
0x1c1: {  	v7 =	vmax.f32 v7, v63  }
0x1c2: {  	v7 =	vmax.f32 v7, v9  }
0x1c3: {  	v7 =	vmax.f32 v7, v10  }
0x1c4: {  	v7 =	vmax.f32 v7, v11  }
0x1c5: {  	[tilespmem:s5+$0x11260] =	vst v7  }
0x1c6: {  	[spmem:s23] =	stream.linear.scatter [tilespmem:s1], [sflag:$0x2], $0x280, $0x38;
	[tilespmem:$0x164E0] =	vst v63  }
0x1c7: {  	_ =	swait.ge [sflag:s29], $0x280  }
0x1c8: {  	[sflag:s29] =	ssyncset.done $0x0  }
0x1c9: {  	[sflag:s29] =	ssyncadd.s32 $0xFFFFFD80  }
0x1ca: {  	[bflag:$0x0] =	sbarrier.arrive $0xFFFF  }
0x1cb: {  	[tilespmem:s31], [sflag:$0x2] =	stream.linear.gather [spmem:s2], $0x2800, $0x38;
	[tilespmem:$0x164E0] =	vst v63  }
0x1cc: {  	_ =	swait.ge [sflag:s29], $0x2800  }
0x1cd: {  	[sflag:s29] =	ssyncset.done $0x0  }
0x1ce: {  	[sflag:s29] =	ssyncadd.s32 $0xFFFFD800  }
0x1cf: {  	[tilespmem:s1], [sflag:$0x2] =	stream.linear.gather [spmem:s2], $0x2800, $0x38;
	[tilespmem:$0x164E0] =	vst v63  }
0x1d0: {  	_ =	swait.ge [sflag:s29], $0x2800  }
0x1d1: {  	s21 =	simm.s32 $0x0;
	[sflag:s29] =	ssyncset.done $0x0  }
0x1d2: {  	v7 =	vmov s21;
	[sflag:s29] =	ssyncadd.s32 $0xFFFFD800  }
0x1d3: {  	v7 =	vshll.u32 v7, $0x3;
	v8 =	vld [tilespmem:s21+$0x0]  }
0x1d4: {  	v7 =	vor.u32 v4, v7  }
0x1d5: {  	v7 =	vor.u32 v5, v7;
	_ =	sdelay $0x4  }
0x1d6: {  	v7 =	vld.idx.msk [tilespmem:v7+s30+$0x0], $0xffff  }
0x1d7: {  	s0 =	simm.s32 $0x4E20;
	v8 =	vld.idx.msk [tilespmem:v8+s31+$0x0], $0xffff  }
0x1d8: {  	v9 =	vld [tilespmem:s0+$0x0];
	_ =	sdelay $0x3  }
0x1d9: {  	v7 =	vmul.f32 v8, v7  }
0x1da: {  	v8 =	vxor.u32 $0x80000000, v9  }
0x1db: {  	(xrf1) =	vsort.ascd.msk.u32 $0xffff, v8, v7;
	_ =	sdelay $0xd  }
0x1dc: {  	v7, v8, _ =	vpop (xrf1)  }
0x1dd: {  	v7 =	vxor.u32 $0x80000000, v7  }
0x1de: {  	v9 =	vperm.xlane v7, v0  }
0x1df: {  	v10 =	vperm.xlane v8, v0  }
0x1e0: {  	vm5 =	veq.s32 v9, v7  }
0x1e1: {  	v9 =	vmax.f32 v8, v10;
	vm5 =	vmand vm5, vm0  }
0x1e2: {  	v10 =	vperm.xlane v7, v1;
	v8 =	vsel vm5, v9, v8  }
0x1e3: {  	v9 =	vperm.xlane v8, v1  }
0x1e4: {  	vm5 =	veq.s32 v10, v7;
	v10 =	vperm.xlane v7, v6  }
0x1e5: {  	vm5 =	vmand vm5, vm1;
	v9 =	vmax.f32 v8, v9  }
0x1e6: {  	v11 =	vperm.xlane v7, v2;
	v8 =	vsel vm5, v9, v8;
	vm5 =	vne.s32 v10, v7  }
0x1e7: {  	v9 =	vperm.xlane v8, v2;
	vm5 =	vmor vm5, vm4  }
0x1e8: {  	vm6 =	veq.s32 v11, v7  }
0x1e9: {  	vm6 =	vmand vm6, vm2;
	v9 =	vmax.f32 v8, v9  }
0x1ea: {  	v9 =	vsel vm6, v9, v8  }
0x1eb: {  	v10 =	vperm.xlane v7, v3;
	v8 =	vperm.xlane v9, v3;
	_ =	sdelay $0x1  }
0x1ec: {  	vm6 =	veq.s32 v10, v7;
	v10 =	vmax.f32 v9, v8;
	v8 =	vld.idx.msk [tilespmem:v7+s1+$0x0], vm5;
	_ =	sdelay $0x2  }
0x1ed: {  	vm6 =	vmand vm6, vm3  }
0x1ee: {  	s5 =	simm.s32 $0x2;
	v9 =	vsel vm6, v10, v9  }
.LBB2_10:
0x1ef: {  	p0 =	sne.s32 s5, $0x9C2;
	v8 =	vmax.f32 v9, v8;
	s21 =	sadd.s32 $0x10, s21;
	s0 =	sadd.s32 $0x10, s0  }
0x1f0: {  	v9 =	vmov s5;
	s5 =	sadd.s32 $0x2, s5;
	[tilespmem:v7+s1+$0x0] =	vst.idx.msk vm5, v8  }
0x1f1: {  	v8 =	vshll.u32 v9, $0x3;
	v7 =	vld [tilespmem:s21+$0x0]  }
0x1f2: {  	v8 =	vor.u32 v4, v8  }
0x1f3: {  	v8 =	vor.u32 v5, v8;
	_ =	sdelay $0x4  }
0x1f4: {  	v8 =	vld.idx.msk [tilespmem:v8+s30+$0x0], $0xffff  }
0x1f5: {  	v7 =	vld.idx.msk [tilespmem:v7+s31+$0x0], $0xffff  }
0x1f6: {  	v9 =	vld [tilespmem:s0+$0x0];
	_ =	sdelay $0x4  }
0x1f7: {  	v7 =	vmul.f32 v7, v8;
	v8 =	vxor.u32 $0x80000000, v9;
	_ =	sdelay $0x1  }
0x1f8: {  	(xrf1) =	vsort.ascd.msk.u32 $0xffff, v8, v7;
	_ =	sdelay $0xd  }
0x1f9: {  	v7, v8, _ =	vpop (xrf1)  }
0x1fa: {  	v7 =	vxor.u32 $0x80000000, v7;
	v9 =	vperm.xlane v8, v0  }
0x1fb: {  	v10 =	vperm.xlane v7, v0;
	v11 =	vperm.xlane v7, v6  }
0x1fc: {  	v12 =	vperm.xlane v7, v1;
	v13 =	vperm.xlane v7, v2;
	v9 =	vmax.f32 v8, v9  }
0x1fd: {  	vm5 =	veq.s32 v10, v7;
	v10 =	vperm.xlane v7, v3;
	vm6 =	vne.s32 v11, v7  }
0x1fe: {  	vm7 =	veq.s32 v12, v7;
	vm8 =	veq.s32 v13, v7;
	vm5 =	vmand vm5, vm0  }
0x1ff: {  	v8 =	vsel vm5, v9, v8;
	vm9 =	veq.s32 v10, v7;
	vm5 =	vmor vm6, vm4  }
0x200: {  	v9 =	vperm.xlane v8, v1  }
0x201: {  	vm6 =	vmand vm7, vm1  }
0x202: {  	v9 =	vmax.f32 v8, v9  }
0x203: {  	v9 =	vsel vm6, v9, v8  }
0x204: {  	v10 =	vperm.xlane v9, v2  }
0x205: {  	vm6 =	vmand vm8, vm2;
	v8 =	vld.idx.msk [tilespmem:v7+s1+$0x0], vm5  }
0x206: {  	v10 =	vmax.f32 v9, v10  }
.Ltmp4:
0x207: {  	v9 =	vsel vm6, v10, v9;
	(pc) =	sbr.rel @p0 .LBB2_10-.Ltmp4, $4  }
0x208: {  	v10 =	vperm.xlane v9, v3  }
0x209: {  	vm6 =	vmand vm9, vm3  }
0x20a: {  	v10 =	vmax.f32 v9, v10  }
0x20b: {  	v9 =	vsel vm6, v10, v9  }
0x20c: {  	_ =	sdelay $0x3  }
0x20d: {  	v8 =	vmax.f32 v9, v8  }
0x20e: {  	[tilespmem:v7+s1+$0x0] =	vst.idx.msk vm5, v8  }
0x20f: {  	[spmem:s13] =	stream.linear.scatter [tilespmem:s1], [sflag:$0x2], $0x2800, $0x38;
	[tilespmem:$0x164E0] =	vst v63  }
0x210: {  	_ =	swait.ge [sflag:s29], $0x2800  }
0x211: {  	[sflag:s29] =	ssyncset.done $0x0  }
0x212: {  	[sflag:s29] =	ssyncadd.s32 $0xFFFFD800  }
0x213: {  	[bflag:$0x0] =	sbarrier.arrive $0xFFFF  }
0x214: {  	[tilespmem:s31], [sflag:$0x1] =	stream.linear.gather [spmem:s6], $0x280, $0x38;
	[tilespmem:$0x164E0] =	vst v63  }
0x215: {  	s0 =	simm.s32 $0xECE0  }
0x216: {  	[tilespmem:s0], [sflag:$0x1] =	stream.linear.gather [spmem:s7], $0x280, $0x38;
	[tilespmem:$0x164E0] =	vst v63  }
0x217: {  	s21 =	simm.s32 $0xEF60  }
0x218: {  	[tilespmem:s21], [sflag:$0x1] =	stream.linear.gather [spmem:s8], $0x280, $0x38;
	[tilespmem:$0x164E0] =	vst v63  }
0x219: {  	s5 =	simm.s32 $0xF1E0  }
0x21a: {  	[tilespmem:s5], [sflag:$0x1] =	stream.linear.gather [spmem:s9], $0x280, $0x38;
	[tilespmem:$0x164E0] =	vst v63  }
0x21b: {  	s21 =	simm.s32 $0xF460  }
0x21c: {  	[tilespmem:s21], [sflag:$0x1] =	stream.linear.gather [spmem:s10], $0x280, $0x38;
	[tilespmem:$0x164E0] =	vst v63  }
0x21d: {  	s5 =	simm.s32 $0xF6E0  }
0x21e: {  	[tilespmem:s5], [sflag:$0x1] =	stream.linear.gather [spmem:s11], $0x280, $0x38;
	[tilespmem:$0x164E0] =	vst v63  }
0x21f: {  	s21 =	simm.s32 $0xF960  }
0x220: {  	[tilespmem:s21], [sflag:$0x1] =	stream.linear.gather [spmem:s12], $0x280, $0x38;
	[tilespmem:$0x164E0] =	vst v63  }
0x221: {  	s5 =	simm.s32 $0xFBE0  }
0x222: {  	[tilespmem:s5], [sflag:$0x1] =	stream.linear.gather [spmem:s14], $0x280, $0x38;
	[tilespmem:$0x164E0] =	vst v63  }
0x223: {  	s21 =	simm.s32 $0xFE60  }
0x224: {  	[tilespmem:s21], [sflag:$0x1] =	stream.linear.gather [spmem:s15], $0x280, $0x38;
	[tilespmem:$0x164E0] =	vst v63  }
0x225: {  	s5 =	simm.s32 $0x100E0  }
0x226: {  	[tilespmem:s5], [sflag:$0x1] =	stream.linear.gather [spmem:s16], $0x280, $0x38;
	[tilespmem:$0x164E0] =	vst v63  }
0x227: {  	s21 =	simm.s32 $0x10360  }
0x228: {  	[tilespmem:s21], [sflag:$0x1] =	stream.linear.gather [spmem:s17], $0x280, $0x38;
	[tilespmem:$0x164E0] =	vst v63  }
0x229: {  	s5 =	simm.s32 $0x105E0  }
0x22a: {  	[tilespmem:s5], [sflag:$0x1] =	stream.linear.gather [spmem:s18], $0x280, $0x38;
	[tilespmem:$0x164E0] =	vst v63  }
0x22b: {  	s21 =	simm.s32 $0x10860  }
0x22c: {  	[tilespmem:s21], [sflag:$0x1] =	stream.linear.gather [spmem:s19], $0x280, $0x38;
	[tilespmem:$0x164E0] =	vst v63  }
0x22d: {  	s5 =	simm.s32 $0x10AE0  }
0x22e: {  	[tilespmem:s5], [sflag:$0x1] =	stream.linear.gather [spmem:s20], $0x280, $0x38;
	[tilespmem:$0x164E0] =	vst v63  }
0x22f: {  	s21 =	simm.s32 $0x10D60  }
0x230: {  	[tilespmem:s21], [sflag:$0x1] =	stream.linear.gather [spmem:s22], $0x280, $0x38;
	[tilespmem:$0x164E0] =	vst v63  }
0x231: {  	_ = 	snop  }
0x232: {  	[tilespmem:s24], [sflag:$0x1] =	stream.linear.gather [spmem:s26], $0x280, $0x38;
	[tilespmem:$0x164E0] =	vst v63  }
0x233: {  	_ =	swait.ge [sflag:s25], $0x280  }
0x234: {  	[sflag:s25] =	ssyncset.done $0x0  }
0x235: {  	[sflag:s25] =	ssyncadd.s32 $0xFFFFFD80  }
0x236: {  	_ =	swait.ge [sflag:s25], $0x280  }
0x237: {  	[sflag:s25] =	ssyncset.done $0x0  }
0x238: {  	[sflag:s25] =	ssyncadd.s32 $0xFFFFFD80  }
0x239: {  	_ =	swait.ge [sflag:s25], $0x280  }
0x23a: {  	[sflag:s25] =	ssyncset.done $0x0  }
0x23b: {  	[sflag:s25] =	ssyncadd.s32 $0xFFFFFD80  }
0x23c: {  	_ =	swait.ge [sflag:s25], $0x280  }
0x23d: {  	[sflag:s25] =	ssyncset.done $0x0  }
0x23e: {  	[sflag:s25] =	ssyncadd.s32 $0xFFFFFD80  }
0x23f: {  	_ =	swait.ge [sflag:s25], $0x280  }
0x240: {  	[sflag:s25] =	ssyncset.done $0x0  }
0x241: {  	[sflag:s25] =	ssyncadd.s32 $0xFFFFFD80  }
0x242: {  	_ =	swait.ge [sflag:s25], $0x280  }
0x243: {  	[sflag:s25] =	ssyncset.done $0x0  }
0x244: {  	[sflag:s25] =	ssyncadd.s32 $0xFFFFFD80  }
0x245: {  	_ =	swait.ge [sflag:s25], $0x280  }
0x246: {  	[sflag:s25] =	ssyncset.done $0x0  }
0x247: {  	[sflag:s25] =	ssyncadd.s32 $0xFFFFFD80  }
0x248: {  	_ =	swait.ge [sflag:s25], $0x280  }
0x249: {  	[sflag:s25] =	ssyncset.done $0x0  }
0x24a: {  	[sflag:s25] =	ssyncadd.s32 $0xFFFFFD80  }
0x24b: {  	_ =	swait.ge [sflag:s25], $0x280  }
0x24c: {  	[sflag:s25] =	ssyncset.done $0x0  }
0x24d: {  	[sflag:s25] =	ssyncadd.s32 $0xFFFFFD80  }
0x24e: {  	_ =	swait.ge [sflag:s25], $0x280  }
0x24f: {  	[sflag:s25] =	ssyncset.done $0x0  }
0x250: {  	[sflag:s25] =	ssyncadd.s32 $0xFFFFFD80  }
0x251: {  	_ =	swait.ge [sflag:s25], $0x280  }
0x252: {  	[sflag:s25] =	ssyncset.done $0x0  }
0x253: {  	[sflag:s25] =	ssyncadd.s32 $0xFFFFFD80  }
0x254: {  	_ =	swait.ge [sflag:s25], $0x280  }
0x255: {  	[sflag:s25] =	ssyncset.done $0x0  }
0x256: {  	[sflag:s25] =	ssyncadd.s32 $0xFFFFFD80  }
0x257: {  	_ =	swait.ge [sflag:s25], $0x280  }
0x258: {  	[sflag:s25] =	ssyncset.done $0x0  }
0x259: {  	[sflag:s25] =	ssyncadd.s32 $0xFFFFFD80  }
0x25a: {  	_ =	swait.ge [sflag:s25], $0x280  }
0x25b: {  	[sflag:s25] =	ssyncset.done $0x0  }
0x25c: {  	[sflag:s25] =	ssyncadd.s32 $0xFFFFFD80  }
0x25d: {  	_ =	swait.ge [sflag:s25], $0x280  }
0x25e: {  	[sflag:s25] =	ssyncset.done $0x0  }
0x25f: {  	[sflag:s25] =	ssyncadd.s32 $0xFFFFFD80  }
0x260: {  	_ =	swait.ge [sflag:s25], $0x280  }
0x261: {  	[sflag:s25] =	ssyncset.done $0x0  }
0x262: {  	s0 =	simm.s32 $0x0;
	[sflag:s25] =	ssyncadd.s32 $0xFFFFFD80  }
0x263: {  	v7 =	vld [tilespmem:s0+$0xEA60]  }
0x264: {  	v8 =	vld [tilespmem:s0+$0xECE0]  }
0x265: {  	v9 =	vld [tilespmem:s0+$0xEF60]  }
0x266: {  	v10 =	vld [tilespmem:s0+$0xF1E0]  }
0x267: {  	v11 =	vld [tilespmem:s0+$0xF460]  }
0x268: {  	v12 =	vld [tilespmem:s0+$0xF6E0]  }
0x269: {  	v7 =	vmax.f32 v7, v8;
	v8 =	vld [tilespmem:s0+$0xF960]  }
0x26a: {  	v7 =	vmax.f32 v7, v9;
	v9 =	vld [tilespmem:s0+$0xFBE0]  }
0x26b: {  	v7 =	vmax.f32 v7, v10;
	v10 =	vld [tilespmem:s0+$0xFE60]  }
0x26c: {  	v7 =	vmax.f32 v7, v11;
	v11 =	vld [tilespmem:s0+$0x100E0]  }
0x26d: {  	v7 =	vmax.f32 v7, v12;
	v12 =	vld [tilespmem:s0+$0x10360]  }
0x26e: {  	v13 =	vld [tilespmem:s0+$0x105E0];
	v7 =	vmax.f32 v7, v8  }
0x26f: {  	v8 =	vld [tilespmem:s0+$0x10860];
	v7 =	vmax.f32 v7, v9  }
0x270: {  	v9 =	vld [tilespmem:s0+$0x10AE0];
	v7 =	vmax.f32 v7, v10  }
0x271: {  	v10 =	vld [tilespmem:s0+$0x10D60];
	v7 =	vmax.f32 v7, v11  }
0x272: {  	s5 =	simm.s32 $0x10;
	v11 =	vld [tilespmem:s0+$0x10FE0];
	v12 =	vmax.f32 v7, v12  }
0x273: {  	s21 =	simm.s32 $0x80;
	v7 =	vld [tilespmem:s5+$0xEA60];
	v12 =	vmax.f32 v12, v13  }
.LBB2_12:
0x274: {  	p0 =	sne.s32 s21, $0x9C0;
	v13 =	vld [tilespmem:s5+$0xECE0];
	v8 =	vmax.f32 v12, v8  }
0x275: {  	v12 =	vld [tilespmem:s5+$0xEF60];
	v8 =	vmax.f32 v8, v9  }
0x276: {  	v9 =	vld [tilespmem:s5+$0xF1E0];
	v8 =	vmax.f32 v8, v10  }
0x277: {  	v10 =	vld [tilespmem:s5+$0xF460];
	v8 =	vmax.f32 v8, v11  }
0x278: {  	v11 =	vld [tilespmem:s5+$0xF6E0];
	[tilespmem:s0+$0x11260] =	vst v8;
	s0 =	smov.u32 s5  }
0x279: {  	v7 =	vmax.f32 v7, v13;
	v8 =	vld [tilespmem:s0+$0xF960]  }
0x27a: {  	v7 =	vmax.f32 v7, v12;
	v12 =	vld [tilespmem:s0+$0xFBE0]  }
0x27b: {  	v7 =	vmax.f32 v7, v9;
	v9 =	vld [tilespmem:s0+$0xFE60]  }
0x27c: {  	v7 =	vmax.f32 v7, v10;
	v10 =	vld [tilespmem:s0+$0x100E0]  }
0x27d: {  	v7 =	vmax.f32 v7, v11;
	v11 =	vld [tilespmem:s0+$0x10360]  }
0x27e: {  	v7 =	vmax.f32 v7, v8;
	v13 =	vld [tilespmem:s0+$0x105E0]  }
.Ltmp5:
0x27f: {  	v7 =	vmax.f32 v7, v12;
	v8 =	vld [tilespmem:s0+$0x10860];
	(pc) =	sbr.rel @p0 .LBB2_12-.Ltmp5, $4  }
0x280: {  	v7 =	vmax.f32 v7, v9;
	v9 =	vld [tilespmem:s0+$0x10AE0]  }
0x281: {  	v7 =	vmax.f32 v7, v10;
	v10 =	vld [tilespmem:s0+$0x10D60]  }
0x282: {  	s5 =	sshra.s32 s21, $0x2;
	v12 =	vmax.f32 v7, v11;
	v11 =	vld [tilespmem:s0+$0x10FE0]  }
0x283: {  	s21 =	sadd.s32 $0x40, s21;
	v7 =	vld [tilespmem:s5+$0xEA60];
	v12 =	vmax.f32 v12, v13  }
0x284: {  	v13 =	vld [tilespmem:s5+$0xECE0];
	v8 =	vmax.f32 v12, v8  }
0x285: {  	v52 =	vld [tilespmem:s5+$0xEF60];
	v8 =	vmax.f32 v8, v9  }
0x286: {  	v53 =	vld [tilespmem:s5+$0xF1E0];
	v8 =	vmax.f32 v8, v10  }
0x287: {  	v54 =	vld [tilespmem:s5+$0xF460];
	v8 =	vmax.f32 v8, v11  }
0x288: {  	v55 =	vld [tilespmem:s5+$0xF6E0];
	[tilespmem:s0+$0x11260] =	vst v8  }
0x289: {  	v7 =	vmax.f32 v7, v13;
	v8 =	vld [tilespmem:s5+$0xF960]  }
0x28a: {  	v56 =	vld [tilespmem:s5+$0xFBE0];
	v7 =	vmax.f32 v7, v52  }
0x28b: {  	v57 =	vld [tilespmem:s5+$0xFE60];
	v7 =	vmax.f32 v7, v53  }
0x28c: {  	v58 =	vld [tilespmem:s5+$0x100E0];
	v7 =	vmax.f32 v7, v54  }
0x28d: {  	v59 =	vld [tilespmem:s5+$0x10360];
	v7 =	vmax.f32 v7, v55  }
0x28e: {  	v7 =	vmax.f32 v7, v8;
	v8 =	vld [tilespmem:s5+$0x105E0]  }
0x28f: {  	v60 =	vld [tilespmem:s5+$0x10860];
	v7 =	vmax.f32 v7, v56  }
0x290: {  	v61 =	vld [tilespmem:s5+$0x10AE0];
	v7 =	vmax.f32 v7, v57  }
0x291: {  	v62 =	vld [tilespmem:s5+$0x10D60];
	v7 =	vmax.f32 v7, v58  }
0x292: {  	v63 =	vld [tilespmem:s5+$0x10FE0];
	v7 =	vmax.f32 v7, v59  }
0x293: {  	v7 =	vmax.f32 v7, v8  }
0x294: {  	v7 =	vmax.f32 v7, v60  }
0x295: {  	v7 =	vmax.f32 v7, v61  }
0x296: {  	v7 =	vmax.f32 v7, v62  }
0x297: {  	v7 =	vmax.f32 v7, v63  }
0x298: {  	[tilespmem:s5+$0x11260] =	vst v7;
	s5 =	rddreg [dreg:$0x6]  }
0x299: {  	[hbm4b:s5+s3] =	stream.linear.scatter [tilespmem:s1], [sflag:$0x2], $0x280, $0x38;
	[tilespmem:$0x164E0] =	vst v63  }
0x29a: {  	_ =	swait.ge [sflag:s29], $0x280  }
0x29b: {  	s28 =	sadd.s32 $0x1, s28;
	s21 =	rddreg [dreg:$0x7]  }
0x29c: {  	p0 =	sne.s32 s28, s21  }
.Ltmp6:
0x29d: {  	_ = 	snop;
	(pc) =	sbr.rel @p0 .LBB2_1-.Ltmp6, $3  }
0x29e: {  	_ =	sdelay $0x1  }
0x29f: {  	[sflag:s29] =	ssyncset.done $0x0  }
0x2a0: {  	[sflag:s29] =	ssyncadd.s32 $0xFFFFFD80  }
0x2a1: {  	_ =	sfence.sel $0x180000  }
0x2a2: {  	[bflag:$0x0] =	sbarrier.arrive $0xFFFF  }
0x2a3: {  	_ =	strace $0x9000004A  }
0x2a4: {  	s0 =	stileid.u32;
	[bflag:$0x2] =	sbarrier.arrive $0xFFFF  }
0x2a5: {  	p0 =	sne.s32 s0, $0x0;
	s0 =	rddreg [dreg:$0x3]  }
0x2a6: {  	s0 =	sadd.s32 @!p0 $0x100000, s0  }
0x2a7: {  	[sflag:s0] =	ssyncadd.tile.s32 @!p0 $0x1;
	_ =	shalt  }
.Lfunc_end2:
_tile_overlayer_lowered:
.L_overlay_start_2:
0x2a8: {  	(tag) =	ssettag $0x2  }
0x2a9: {  	s0 =	rddreg [dreg:$0x0];
	s2 =	stileid.u32  }
0x2aa: {  	s1 =	rddreg [dreg:$0x1];
	p0 =	sne.s32 s2, $0x0  }
0x2ab: {  	s3 =	rddreg [dreg:$0x2];
	[bflag:$0x3] =	sbarrier.arrive $0xFFFF;
	s2 =	simm.s32 @!p0 $0x1C02  }
0x2ac: {  	[timem:s3], [sflag:s2] =	dma.local @!p0 [hbm:s0], s1  }
0x2ad: {  	s0 =	simm.s32 @!p0 $0x2  }
0x2ae: {  	_ =	swait.ge @!p0 [sflag:s0], s1  }
0x2af: {  	s1 =	ssub.s32 @!p0 $0x0, s1;
	[sflag:s0] =	ssyncset.done @!p0 $0x0  }
0x2b0: {  	[sflag:s0] =	ssyncadd.s32 @!p0 s1  }
0x2b1: {  	[bflag:$0x3] =	sbarrier.arrive $0xFFFF  }
0x2b2: {  	_ =	shalt  }

// kernel: kernel.7.cloned.1.call-start
scs
__scs_entry_jumppad:
0x0: {  	(pc) =	sbr.rel $0x88, $3  }
0x1: {  	(tag) =	ssettag $0x0;
	lr =	simm.s32 $0x1  }
0x2: {  	[smem:$0x3F91] =	sst lr;
	_ =	strace $0xD0000000  }
0x3: {  	_ = 	snop  }
0x4: {  	_ = 	snop  }
0x5: {  	_ = 	snop  }
0x6: {  	_ = 	snop  }
0x7: {  	_ = 	snop  }
__scs_overlays_trampoline_lowered:
0x8: {  	[smem:$0x3FA0] =	sst s0  }
0x9: {  	[smem:$0x3FA1] =	sst s1  }
0xa: {  	[smem:$0x3FA2] =	sst s2  }
0xb: {  	[smem:$0x3FA3] =	sst s3  }
0xc: {  	[smem:$0x3FA4] =	sst s4  }
0xd: {  	[smem:$0x3FA5] =	sst s5  }
0xe: {  	[smem:$0x3FA6] =	sst s6  }
0xf: {  	[smem:$0x3FA7] =	sst s7  }
0x10: {  	[smem:$0x3FA8] =	sst s8  }
0x11: {  	[smem:$0x3FA9] =	sst s9;
	s0 =	simm.s32 @!p0 $0x0  }
0x12: {  	s1 =	sld [smem:$0x3F8F];
	s0 =	simm.s32 @p0 $0x1  }
0x13: {  	[smem:$0x3FAA] =	sst s0;
	s0 =	simm.s32 @!p1 $0x0  }
0x14: {  	s2 =	sld [smem:$0x3F8E];
	s0 =	simm.s32 @p1 $0x1  }
0x15: {  	[smem:$0x3FAB] =	sst s0;
	s0 =	simm.s32 @!p2 $0x0  }
0x16: {  	s3 =	sld [smem:$0x3FDB];
	s0 =	simm.s32 @p2 $0x1  }
0x17: {  	s4 =	simm.s32 $0x1BF5;
	[smem:$0x3FAD] =	sst s0  }
0x18: {  	s0 =	sld [smem:$0x3F90];
	_ =	swait.ge [sflag:s4], $0x0  }
0x19: {  	s7 =	sld [smem:$0x3F91]  }
0x1a: {  	s8 =	sadd.s32 $0xFFFFE003, lr  }
0x1b: {  	s9 =	sadd.s32 $0xFFFFFEF7, lr;
	s5 =	simm.s32 $0xFFFFFFFF;
	p2 =	slt.u32 s8, $0xFFFFF086  }
0x1c: {  	p1 =	slt.u32 s9, $0xF7A;
	s5 =	simm.s32 @!p2 $0x0  }
0x1d: {  	s5 =	simm.s32 @p1 $0x1;
	p0 =	seq.s32 s7, s2  }
0x1e: {  	s7 =	smul.u32 @!p0 $0xF7A, s2;
	p2 =	seq.s32 @!p0 s5, $0x0  }
0x1f: {  	s9 =	smul.u32 $0xF7A, s1;
	s8 =	simm.s32 @!p0 $0x1BF5;
	p2 =	por !p2, p0  }
0x20: {  	[sflag:s8] =	ssyncset.s32 @!p0 $0xFFFFF086;
	s6 =	sadd.s32 @!p0 s3, s7;
	s7 =	simm.s32 @!p0 $0x108  }
0x21: {  	s3 =	sadd.s32 s3, s9;
	s6 =	sadd.s32 @!p0 $0x88, s6;
	s7 =	simm.s32 @p2 $0x1082  }
0x22: {  	[simem:s7], [sflag:s8] =	dma.local @!p0 [hbm:s6], $0xF7A  }
0x23: {  	s9 =	sor.u32 $0xD0000000, s2;
	s6 =	simm.s32 $0x108;
	_ =	swait.ge @!p0 [sflag:s8], $0x0  }
0x24: {  	s3 =	sadd.s32 $0x88, s3;
	s6 =	simm.s32 @!p1 $0x1082;
	[sflag:s4] =	ssyncset.s32 $0xFFFFF086  }
0x25: {  	[simem:s6], [sflag:s4] =	dma.local [hbm:s3], $0xF7A  }
0x26: {  	[smem:$0x3F91] =	sst s1;
	(tag) =	ssettag s2;
	_ =	strace s9  }
0x27: {  	s1 =	sld [smem:$0x3FA1]  }
0x28: {  	s2 =	sld [smem:$0x3FA2]  }
0x29: {  	s4 =	sld [smem:$0x3FA4]  }
0x2a: {  	p0 =	seq.s32 s5, $0x0;
	s5 =	sld [smem:$0x3FA5]  }
0x2b: {  	s6 =	sld [smem:$0x3FA6]  }
0x2c: {  	s7 =	sld [smem:$0x3FA7]  }
0x2d: {  	s3 =	simm.s32 $0x108;
	s8 =	sld [smem:$0x3FA8]  }
0x2e: {  	s3 =	simm.s32 @!p0 $0x1082;
	s9 =	sld [smem:$0x3FA9]  }
0x2f: {  	lr =	sadd.s32 s0, s3;
	s0 =	sld [smem:$0x3FA0]  }
0x30: {  	s3 =	sld [smem:$0x3FA3]  }
0x31: {  	[smem:$0x3FAC] =	sst s10  }
0x32: {  	s10 =	sld [smem:$0x3FAA];
	_ =	sdelay $0x3  }
0x33: {  	p0 =	seq.s32 s10, $0x1;
	s10 =	sld [smem:$0x3FAC];
	_ =	sdelay $0x3  }
0x34: {  	[smem:$0x3FAC] =	sst s10  }
0x35: {  	s10 =	sld [smem:$0x3FAB];
	_ =	sdelay $0x3  }
0x36: {  	p1 =	seq.s32 s10, $0x1;
	s10 =	sld [smem:$0x3FAC];
	_ =	sdelay $0x3  }
0x37: {  	[smem:$0x3FAC] =	sst s10  }
0x38: {  	s10 =	sld [smem:$0x3FAD]  }
0x39: {  	_ = 	snop;
	(pc) =	sbr.ind lr, $3  }
0x3a: {  	_ = 	snop  }
0x3b: {  	_ = 	snop  }
0x3c: {  	p2 =	seq.s32 s10, $0x1;
	s10 =	sld [smem:$0x3FAC]  }
0x3d: {  	_ =	shalt  }
0x3e: {  	_ =	shalt  }
0x3f: {  	_ =	shalt  }
0x40: {  	_ =	shalt  }
0x41: {  	_ =	shalt  }
0x42: {  	_ =	shalt  }
0x43: {  	_ =	shalt  }
0x44: {  	_ =	shalt  }
0x45: {  	_ =	shalt  }
0x46: {  	_ =	shalt  }
0x47: {  	_ =	shalt  }
0x48: {  	_ =	shalt  }
0x49: {  	_ =	shalt  }
0x4a: {  	_ =	shalt  }
0x4b: {  	_ =	shalt  }
0x4c: {  	_ =	shalt  }
0x4d: {  	_ =	shalt  }
0x4e: {  	_ =	shalt  }
0x4f: {  	_ =	shalt  }
0x50: {  	_ =	shalt  }
0x51: {  	_ =	shalt  }
0x52: {  	_ =	shalt  }
0x53: {  	_ =	shalt  }
0x54: {  	_ =	shalt  }
0x55: {  	_ =	shalt  }
0x56: {  	_ =	shalt  }
0x57: {  	_ =	shalt  }
0x58: {  	_ =	shalt  }
0x59: {  	_ =	shalt  }
0x5a: {  	_ =	shalt  }
0x5b: {  	_ =	shalt  }
0x5c: {  	_ =	shalt  }
0x5d: {  	_ =	shalt  }
0x5e: {  	_ =	shalt  }
0x5f: {  	_ =	shalt  }
0x60: {  	_ =	shalt  }
0x61: {  	_ =	shalt  }
0x62: {  	_ =	shalt  }
0x63: {  	_ =	shalt  }
0x64: {  	_ =	shalt  }
0x65: {  	_ =	shalt  }
0x66: {  	_ =	shalt  }
0x67: {  	_ =	shalt  }
0x68: {  	_ =	shalt  }
0x69: {  	_ =	shalt  }
0x6a: {  	_ =	shalt  }
0x6b: {  	_ =	shalt  }
0x6c: {  	_ =	shalt  }
0x6d: {  	_ =	shalt  }
0x6e: {  	_ =	shalt  }
0x6f: {  	_ =	shalt  }
0x70: {  	_ =	shalt  }
0x71: {  	_ =	shalt  }
0x72: {  	_ =	shalt  }
0x73: {  	_ =	shalt  }
0x74: {  	_ =	shalt  }
0x75: {  	_ =	shalt  }
0x76: {  	_ =	shalt  }
0x77: {  	_ =	shalt  }
0x78: {  	_ =	shalt  }
0x79: {  	_ =	shalt  }
0x7a: {  	_ =	shalt  }
0x7b: {  	_ =	shalt  }
0x7c: {  	_ =	shalt  }
0x7d: {  	_ =	shalt  }
0x7e: {  	_ =	shalt  }
0x7f: {  	_ =	shalt  }
0x80: {  	_ =	shalt  }
0x81: {  	_ =	shalt  }
0x82: {  	_ =	shalt  }
0x83: {  	_ =	shalt  }
0x84: {  	_ =	shalt  }
0x85: {  	_ =	shalt  }
0x86: {  	_ =	shalt  }
0x87: {  	_ =	shalt  }
.Lfunc_end0:
.L_simem_size_0:
called_computation_lowered:
.L_overlay_start_0:
0x88: {  	s2 =	sld [smem:$0x3FD9]  }
0x89: {  	s3 =	sld [smem:$0x3FFE];
	_ =	sdelay $0x1  }
0x8a: {  	s1 =	srdreg.scid  }
0x8b: {  	s0 =	sand.u32 $0x1, s1  }
0x8c: {  	s16 =	sshll.u32 s0, $0xA;
	s2 =	sadd.s32 s3, s2  }
0x8d: {  	s2 =	sadd.s32 s2, s16  }
0x8e: {  	[smem:$0x3FB8] =	sst s2  }
0x8f: {  	_ = 	snop  }
0x90: {  	(tm) =	ssettm $0x1  }
0x91: {  	s17 =	sld [smem:$0x3FFB];
	_ =	sdelay $0x3  }
0x92: {  	_ =	strace s17  }
0x93: {  	s2 =	sld [smem:$0x3FFC];
	_ =	sdelay $0x3  }
0x94: {  	_ =	strace s2  }
0x95: {  	s2 =	sld [smem:$0x3FFD];
	_ =	sdelay $0x3  }
0x96: {  	_ =	strace s2  }
0x97: {  	_ =	strace $0x8FFFFFFF  }
0x98: {  	s18 =	sld [smem:$0x3FDB];
	_ =	sdelay $0x1  }
0x99: {  	s19 =	simm.s32 $_scs_section_size  }
0x9a: {  	s4 =	simm.s32 $_size__tile_overlayer_lowered;
	s5 =	simm.s32 $_tile_overlayer_lowered  }
0x9b: {  	s22 =	simm.s32 $0x1BFF;
	s21 =	sshll.u32 s5, $0x1;
	s2 =	sadd.s32 s19, s18  }
0x9c: {  	s6 =	simm.s32 $0x0;
	s20 =	sshll.u32 s4, $0x1;
	s4 =	sadd.s32 s21, s2  }
0x9d: {  	[timem:s6], [sflag:s22] =	dma.local [hbm:s4], s20  }
0x9e: {  	_ =	swait.ge [sflag:s22], s20  }
0x9f: {  	s3 =	ssub.s32 $0x0, s20;
	[sflag:s22] =	ssyncset.done $0x0  }
0xa0: {  	[sflag:s22] =	ssyncadd.s32 s3;
	_ =	sdelay $0x1  }
0xa1: {  	s23 =	simm.s32 $0x1B8B  }
0xa2: {  	_ =	swait.ge [sflag:s23], $0x1  }
0xa3: {  	[sflag:s23] =	ssyncset.done $0x0  }
0xa4: {  	s25 =	simm.s32 $0x1B8E;
	s24 =	sld [smem:$0x3FFE];
	[sflag:s23] =	ssyncadd.s32 $0xFFFFFFFF  }
0xa5: {  	s26 =	simm.s32 $execute0_lowered;
	[smem:$0x3FD2] =	sst s25  }
0xa6: {  	s4 =	sshll.u32 s26, $0x1;
	_ =	strace $0x80000046;
	[dreg:$0x1] =	wrdreg $0xFFFFFFFF  }
0xa7: {  	s28 =	simm.s32 $_size_execute0_lowered;
	s2 =	sadd.s32 s2, s4;
	[dreg:$0x0] =	wrdreg $0x0  }
0xa8: {  	s4 =	sshll.u32 s28, $0x1;
	[dreg:$0x2] =	wrdreg s2  }
0xa9: {  	[dreg:$0x3] =	wrdreg s4  }
0xaa: {  	[dreg:$0x4] =	wrdreg $0xC0  }
0xab: {  	_ =	task [dreg:s6], $0x5FFFF  }
0xac: {  	[dreg:$0x1] =	wrdreg $0xFFFFFFFF  }
0xad: {  	[dreg:$0x0] =	wrdreg $0x60  }
0xae: {  	[dreg:$0x2] =	wrdreg s24  }
0xaf: {  	[dreg:$0x3] =	wrdreg $0x132400  }
0xb0: {  	[dreg:$0x4] =	wrdreg $0x15A400  }
0xb1: {  	[dreg:$0x5] =	wrdreg $0x9  }
0xb2: {  	_ =	task.clear_ibuf [dreg:s6], $0x6FFFF;
	_ =	strace $0x90000046  }
0xb3: {  	s29 =	simm.s32 $0x9;
	_ =	strace $0x80000048  }
0xb4: {  	_ =	swait.ge [sflag:s29], $0x1  }
0xb5: {  	[sflag:s29] =	ssyncadd.s32 $0xFFFFFFFF  }
0xb6: {  	_ =	strace $0x90000048  }
0xb7: {  	_ =	sfence  }
0xb8: {  	s30 =	sld [smem:$0x0];
	_ =	sdelay $0x2  }
0xb9: {  	s31 =	sshll.u32 s1, $0xD;
	s1 =	sshrl.u32 s1, $0x2  }
0xba: {  	s3 =	sand.u32 $0x4000, s31;
	s1 =	sadd.s32 s1, s30  }
0xbb: {  	s0 =	sor.u32 s3, s0;
	s1 =	sshll.u32 s1, $0x11  }
0xbc: {  	s0 =	sor.u32 s1, s0  }
0xbd: {  	s0 =	sadd.s32 $0x8F2B, s0  }
0xbe: {  	[sflag:s0] =	ssyncadd.remote.s32 $0x1  }
0xbf: {  	_ =	sfence.sel $0xFFFF  }
0xc0: {  	[dreg:$0x0] =	wrdreg $0xFFFFFFFF;
	(pc) =	sbr.abs _section_cstart, $3  }
0xc1: {  	[dreg:$0x1] =	wrdreg $0xFFFFFFFF  }
0xc2: {  	_ =	task.clear_ibuf [dreg:s6], $0x2FFFF;
	_ =	strace $0x9FFFFFFF  }
0xc3: {  	(tm) =	ssettm $0x7FFFFFFF  }
tec
execute0_lowered:
.L_overlay_start_1:
0x0: {  	(tag) =	ssettag $0x1  }
0x1: {  	s0 =	rddreg [dreg:$0x0]  }
0x2: {  	s2 =	rddreg [dreg:$0x1]  }
0x3: {  	s3 =	rddreg [dreg:$0x2]  }
0x4: {  	s10 =	stileid.u32;
	s1 =	srdreg.scid  }
0x5: {  	s5 =	simm.s32 $0x0;
	s18 =	simm.s32 $0x50;
	s19 =	simm.s32 $0x3  }
0x6: {  	s21 =	simm.s32 $0x4;
	s23 =	simm.s32 $0x5;
	s28 =	simm.s32 $0x7  }
0x7: {  	s30 =	simm.s32 $0x8;
	s17 =	simm.s32 $0xA;
	s4 =	smul.u32 $0x2800, s10  }
0x8: {  	s1 =	sand.u32 $0x1, s1;
	[smem:$0x7FF] =	sst s5;
	s5 =	sadd.s32 $0x33E00, s0  }
0x9: {  	s6 =	ssub.s32 $0x2, s1;
	_ =	strace $0x80000047;
	p0 =	seq.s32 s1, $0x1  }
0xa: {  	s24 =	sshrl.u32 s4, $0x3;
	s7 =	sshrl.u32 s6, $0x1;
	s9 =	sadd.s32 s4, s2  }
0xb: {  	s4 =	sadd.s32 s4, s3;
	s8 =	sadd.s32 s24, s0;
	s7 =	ssub.s32 s6, s7  }
0xc: {  	s6 =	smul.u32 $0x4E20, s10;
	s10 =	sshll.u32 s10, $0x6;
	s29 =	sshrl.u32 s9, $0x3  }
0xd: {  	s31 =	sshrl.u32 s4, $0x3;
	s11 =	sadd.s32 $0x29E00, s8;
	[dreg:$0xa] =	wrdreg s29  }
0xe: {  	s10 =	sor.u32 $0x1C15, s10;
	s8 =	sadd.s32 $0x2EE00, s8;
	[dreg:$0xb] =	wrdreg s31  }
0xf: {  	s26 =	smax.u32 s7, $0x1;
	[dreg:$0x4] =	wrdreg s11;
	s11 =	simm.s32 $0x16400  }
0x10: {  	s7 =	simm.s32 $0x0;
	[dreg:$0x5] =	wrdreg s10;
	s11 =	simm.s32 @!p0 $0x2A00  }
0x11: {  	[dreg:$0x6] =	wrdreg s8;
	s25 =	sshrl.u32 s6, $0x3;
	s0 =	sadd.s32 s11, s0  }
0x12: {  	s10 =	smul.u32 $0x4E2000, s1;
	[dreg:$0x7] =	wrdreg s26;
	s0 =	sadd.s32 s0, s25  }
0x13: {  	s8 =	simm.s32 $0x2;
	[dreg:$0x8] =	wrdreg s0;
	s0 =	sadd.s32 $0x9C40, s0  }
0x14: {  	s25 =	simm.s32 $0x6;
	[dreg:$0x9] =	wrdreg s0;
	s0 =	simm.s32 $0x9  }
.LBB2_1:
0x15: {  	[dreg:$0xc] =	wrdreg s7  }
0x16: {  	s1 =	rddreg [dreg:$0x4]  }
0x17: {  	s4 =	rddreg [dreg:$0x5]  }
0x18: {  	s16 =	rddreg [dreg:$0xa];
	s20 =	simm.s32 $0x15  }
0x19: {  	[spmem:s16], [sflag:s4] =	dma.local [hbm:s1], $0x500  }
0x1a: {  	_ =	swait.ge [sflag:s20], $0x500  }
0x1b: {  	[sflag:s20] =	ssyncset.done $0x0;
	s22 =	rddreg [dreg:$0x6]  }
0x1c: {  	s9 =	rddreg [dreg:$0xb];
	[sflag:s20] =	ssyncadd.s32 $0xFFFFFB00  }
0x1d: {  	[spmem:s9], [sflag:s4] =	dma.local [hbm:s22], $0x500  }
0x1e: {  	_ =	swait.ge [sflag:s20], $0x500  }
0x1f: {  	[sflag:s20] =	ssyncset.done $0x0  }
0x20: {  	s24 =	simm.s32 $0x0;
	s26 =	rddreg [dreg:$0x8];
	[sflag:s20] =	ssyncadd.s32 $0xFFFFFB00  }
0x21: {  	[tilespmem:s24], [sflag:$0x15] =	stream.linear.gather [hbm4b:s26+s24], $0x4E20, $0x38;
	[tilespmem:$0x18240] =	vst v63  }
0x22: {  	_ =	swait.ge [sflag:s20], $0x4E20  }
0x23: {  	[sflag:s20] =	ssyncset.done $0x0  }
0x24: {  	s31 =	simm.s32 $0x4E20;
	s29 =	rddreg [dreg:$0x9];
	[sflag:s20] =	ssyncadd.s32 $0xFFFFB1E0  }
0x25: {  	[tilespmem:s31], [sflag:$0x15] =	stream.linear.gather [hbm4b:s29+s24], $0x4E20, $0x38;
	[tilespmem:$0x18240] =	vst v63  }
0x26: {  	_ =	swait.ge [sflag:s20], $0x4E20  }
0x27: {  	[sflag:s20] =	ssyncset.done $0x0  }
0x28: {  	[sflag:s20] =	ssyncadd.s32 $0xFFFFB1E0  }
0x29: {  	s9 =	simm.s32 $0x0;
	[bflag:$0x0] =	sbarrier.arrive $0xFFFF  }
.LBB2_2:
0x2a: {  	p0 =	seq.s32 s9, $0x0  }
0x2b: {  	s1 =	simm.s32 @!p0 $0xB  }
0x2c: {  	_ =	swait.ge @!p0 [sflag:s1], $0x500  }
0x2d: {  	s26 =	smul.u32 $0x320, s9;
	[sflag:s1] =	ssyncset.done @!p0 $0x0  }
0x2e: {  	s14 =	simm.s32 $0x9C40;
	[sflag:s1] =	ssyncadd.s32 @!p0 $0xFFFFFB00  }
0x2f: {  	[tilespmem:s14], [sflag:$0x1] =	stream.indirect.gather [spmem:s2], $0x10, s26, s18, $0xb8;
	[tilespmem:$0x18240] =	vst v63  }
0x30: {  	s4 =	simm.s32 $0xCE40;
	s15 =	sadd.s32 $0x4E20, s26;
	s1 =	simm.s32 @!p0 $0xC  }
0x31: {  	[tilespmem:s4], [sflag:$0x1] =	stream.indirect.gather [spmem:s3], $0x10, s15, s18, $0xb8;
	[tilespmem:$0x18240] =	vst v63  }
0x32: {  	_ =	swait.ge @!p0 [sflag:s1], $0x500  }
0x33: {  	[sflag:s1] =	ssyncset.done @!p0 $0x0  }
0x34: {  	s16 =	simm.s32 $0xA140;
	s24 =	sadd.s32 $0x50, s26;
	[sflag:s1] =	ssyncadd.s32 @!p0 $0xFFFFFB00  }
0x35: {  	[tilespmem:s16], [sflag:$0x2] =	stream.indirect.gather [spmem:s2], $0x10, s24, s18, $0xb8;
	[tilespmem:$0x18240] =	vst v63  }
0x36: {  	s22 =	simm.s32 $0xD340;
	s20 =	sadd.s32 $0x4E70, s26;
	s1 =	simm.s32 @!p0 $0xD  }
0x37: {  	[tilespmem:s22], [sflag:$0x2] =	stream.indirect.gather [spmem:s3], $0x10, s20, s18, $0xb8;
	[tilespmem:$0x18240] =	vst v63  }
0x38: {  	_ =	swait.ge @!p0 [sflag:s1], $0x500  }
0x39: {  	[sflag:s1] =	ssyncset.done @!p0 $0x0  }
0x3a: {  	s7 =	simm.s32 $0xA640;
	s22 =	sadd.s32 $0xA0, s26;
	[sflag:s1] =	ssyncadd.s32 @!p0 $0xFFFFFB00  }
0x3b: {  	[tilespmem:s7], [sflag:$0x3] =	stream.indirect.gather [spmem:s2], $0x10, s22, s18, $0xb8;
	[tilespmem:$0x18240] =	vst v63  }
0x3c: {  	s12 =	simm.s32 $0xD840;
	s11 =	sadd.s32 $0x4EC0, s26;
	s1 =	simm.s32 @!p0 $0xE  }
0x3d: {  	[tilespmem:s12], [sflag:$0x3] =	stream.indirect.gather [spmem:s3], $0x10, s11, s18, $0xb8;
	[tilespmem:$0x18240] =	vst v63  }
0x3e: {  	_ =	swait.ge @!p0 [sflag:s1], $0x500  }
0x3f: {  	[sflag:s1] =	ssyncset.done @!p0 $0x0  }
0x40: {  	s13 =	simm.s32 $0xAB40;
	s20 =	sadd.s32 $0xF0, s26;
	[sflag:s1] =	ssyncadd.s32 @!p0 $0xFFFFFB00  }
0x41: {  	[tilespmem:s13], [sflag:$0x4] =	stream.indirect.gather [spmem:s2], $0x10, s20, s18, $0xb8;
	[tilespmem:$0x18240] =	vst v63  }
0x42: {  	s14 =	sadd.s32 $0x4F10, s26;
	s15 =	simm.s32 $0xDD40;
	s1 =	simm.s32 @!p0 $0xF  }
0x43: {  	[tilespmem:s15], [sflag:$0x4] =	stream.indirect.gather [spmem:s3], $0x10, s14, s18, $0xb8;
	[tilespmem:$0x18240] =	vst v63  }
0x44: {  	_ =	swait.ge @!p0 [sflag:s1], $0x500  }
0x45: {  	[sflag:s1] =	ssyncset.done @!p0 $0x0  }
0x46: {  	s16 =	simm.s32 $0xB040;
	s15 =	sadd.s32 $0x140, s26;
	[sflag:s1] =	ssyncadd.s32 @!p0 $0xFFFFFB00  }
0x47: {  	[tilespmem:s16], [sflag:$0x5] =	stream.indirect.gather [spmem:s2], $0x10, s15, s18, $0xb8;
	[tilespmem:$0x18240] =	vst v63  }
0x48: {  	s4 =	sadd.s32 $0x4F60, s26;
	s7 =	simm.s32 $0xE240;
	s1 =	simm.s32 @!p0 $0x10  }
0x49: {  	[tilespmem:s7], [sflag:$0x5] =	stream.indirect.gather [spmem:s3], $0x10, s4, s18, $0xb8;
	[tilespmem:$0x18240] =	vst v63  }
0x4a: {  	_ =	swait.ge @!p0 [sflag:s1], $0x500  }
0x4b: {  	[sflag:s1] =	ssyncset.done @!p0 $0x0  }
0x4c: {  	s12 =	sadd.s32 $0x190, s26;
	s11 =	simm.s32 $0xB540;
	[sflag:s1] =	ssyncadd.s32 @!p0 $0xFFFFFB00  }
0x4d: {  	[tilespmem:s11], [sflag:$0x6] =	stream.indirect.gather [spmem:s2], $0x10, s12, s18, $0xb8;
	[tilespmem:$0x18240] =	vst v63  }
0x4e: {  	s13 =	sadd.s32 $0x4FB0, s26;
	s14 =	simm.s32 $0xE740;
	s1 =	simm.s32 @!p0 $0x11  }
0x4f: {  	[tilespmem:s14], [sflag:$0x6] =	stream.indirect.gather [spmem:s3], $0x10, s13, s18, $0xb8;
	[tilespmem:$0x18240] =	vst v63  }
0x50: {  	_ =	swait.ge @!p0 [sflag:s1], $0x500  }
0x51: {  	[sflag:s1] =	ssyncset.done @!p0 $0x0  }
0x52: {  	s16 =	simm.s32 $0xBA40;
	s14 =	sadd.s32 $0x1E0, s26;
	[sflag:s1] =	ssyncadd.s32 @!p0 $0xFFFFFB00  }
0x53: {  	[tilespmem:s16], [sflag:$0x7] =	stream.indirect.gather [spmem:s2], $0x10, s14, s18, $0xb8;
	[tilespmem:$0x18240] =	vst v63  }
0x54: {  	s4 =	sadd.s32 $0x5000, s26;
	s7 =	simm.s32 $0xEC40;
	s1 =	simm.s32 @!p0 $0x12  }
0x55: {  	[tilespmem:s7], [sflag:$0x7] =	stream.indirect.gather [spmem:s3], $0x10, s4, s18, $0xb8;
	[tilespmem:$0x18240] =	vst v63  }
0x56: {  	_ =	swait.ge @!p0 [sflag:s1], $0x500  }
0x57: {  	[sflag:s1] =	ssyncset.done @!p0 $0x0  }
0x58: {  	s11 =	simm.s32 $0xBF40;
	s4 =	sadd.s32 $0x230, s26;
	[sflag:s1] =	ssyncadd.s32 @!p0 $0xFFFFFB00  }
0x59: {  	[tilespmem:s11], [sflag:$0x8] =	stream.indirect.gather [spmem:s2], $0x10, s4, s18, $0xb8;
	[tilespmem:$0x18240] =	vst v63  }
0x5a: {  	s13 =	sadd.s32 $0x5050, s26;
	s7 =	simm.s32 $0xF140;
	s1 =	simm.s32 @!p0 $0x13  }
0x5b: {  	[tilespmem:s7], [sflag:$0x8] =	stream.indirect.gather [spmem:s3], $0x10, s13, s18, $0xb8;
	[tilespmem:$0x18240] =	vst v63  }
0x5c: {  	_ =	swait.ge @!p0 [sflag:s1], $0x500  }
0x5d: {  	[sflag:s1] =	ssyncset.done @!p0 $0x0  }
0x5e: {  	s16 =	simm.s32 $0xC440;
	s13 =	sadd.s32 $0x280, s26;
	[sflag:s1] =	ssyncadd.s32 @!p0 $0xFFFFFB00  }
0x5f: {  	[tilespmem:s16], [sflag:$0x9] =	stream.indirect.gather [spmem:s2], $0x10, s13, s18, $0xb8;
	[tilespmem:$0x18240] =	vst v63  }
0x60: {  	s11 =	simm.s32 $0xF640;
	s7 =	sadd.s32 $0x50A0, s26;
	s1 =	simm.s32 @!p0 $0x14  }
0x61: {  	[tilespmem:s11], [sflag:$0x9] =	stream.indirect.gather [spmem:s3], $0x10, s7, s18, $0xb8;
	[tilespmem:$0x18240] =	vst v63  }
0x62: {  	_ =	swait.ge @!p0 [sflag:s1], $0x500  }
0x63: {  	[sflag:s1] =	ssyncset.done @!p0 $0x0  }
0x64: {  	s16 =	simm.s32 $0xC940;
	s11 =	sadd.s32 $0x2D0, s26;
	[sflag:s1] =	ssyncadd.s32 @!p0 $0xFFFFFB00  }
0x65: {  	[tilespmem:s16], [sflag:$0xA] =	stream.indirect.gather [spmem:s2], $0x10, s11, s18, $0xb8;
	[tilespmem:$0x18240] =	vst v63  }
0x66: {  	s7 =	sadd.s32 $0x50F0, s26;
	s16 =	simm.s32 $0xFB40  }
0x67: {  	[tilespmem:s16], [sflag:$0xA] =	stream.indirect.gather [spmem:s3], $0x10, s7, s18, $0xb8;
	[tilespmem:$0x18240] =	vst v63  }
0x68: {  	s7 =	simm.s32 $0x1  }
0x69: {  	_ =	swait.ge [sflag:s7], $0x500  }
0x6a: {  	[sflag:s7] =	ssyncset.done $0x0  }
0x6b: {  	[sflag:s7] =	ssyncadd.s32 $0xFFFFFB00  }
0x6c: {  	_ =	swait.ge [sflag:s7], $0x500  }
0x6d: {  	[sflag:s7] =	ssyncset.done $0x0  }
0x6e: {  	s16 =	simm.s32 $0x0;
	[sflag:s7] =	ssyncadd.s32 $0xFFFFFB00  }
0x6f: {  	v0 =	vld [tilespmem:s16+$0xCE40]  }
0x70: {  	v1 =	vld [tilespmem:s16+$0x9C40];
	_ =	sdelay $0x2  }
0x71: {  	s29 =	simm.s32 $0x0  }
0x72: {  	s7 =	sand.u32 $0x1E00, s29  }
0x73: {  	s16 =	sand.u32 $0x70, s29;
	s1 =	sshrl.u32 s7, $0x2;
	v0 =	vadd.f32 v0, v1  }
0x74: {  	s1 =	sor.u32 s16, s1  }
0x75: {  	s7 =	simm.s32 $0x10;
	[tilespmem:s1+$0x10040] =	vst v0  }
0x76: {  	s31 =	simm.s32 $0x80;
	s1 =	simm.s32 $0x40;
	v0 =	vld [tilespmem:s7+$0xCE40]  }
.LBB2_3:
0x77: {  	p0 =	sne.s32 s31, $0x13C0;
	v1 =	vld [tilespmem:s7+$0x9C40];
	_ =	sdelay $0x3  }
.Ltmp0:
0x78: {  	s1 =	sand.u32 $0x1E00, s1;
	s29 =	sadd.s32 $0x10, s29;
	(pc) =	sbr.rel @p0 .LBB2_3-.Ltmp0, $4  }
0x79: {  	s7 =	sand.u32 $0x70, s29;
	s16 =	sshrl.u32 s1, $0x2;
	s1 =	smov.u32 s31;
	v0 =	vadd.f32 v0, v1  }
0x7a: {  	s16 =	sor.u32 s7, s16  }
0x7b: {  	s7 =	sshra.s32 s31, $0x2;
	[tilespmem:s16+$0x10040] =	vst v0  }
0x7c: {  	s31 =	sadd.s32 $0x40, s31;
	v0 =	vld [tilespmem:s7+$0xCE40]  }
0x7d: {  	v1 =	vld [tilespmem:s7+$0x9C40];
	_ =	sdelay $0x2  }
0x7e: {  	s31 =	sadd.s32 s6, s26  }
0x7f: {  	s1 =	sand.u32 $0x1E00, s1;
	s16 =	sadd.s32 $0x10, s29;
	s7 =	sshll.u32 s31, $0x4  }
0x80: {  	s16 =	sand.u32 $0x70, s16;
	s1 =	sshrl.u32 s1, $0x2;
	s7 =	sadd.s32 s10, s7;
	v0 =	vadd.f32 v0, v1  }
0x81: {  	s1 =	sor.u32 s16, s1;
	s7 =	sshrl.u32 s7, $0x3  }
0x82: {  	s26 =	simm.s32 $0x0;
	s31 =	simm.s32 $0x10040;
	s16 =	sadd.s32 s5, s7;
	[tilespmem:s1+$0x10040] =	vst v0  }
0x83: {  	[hbm4b:s16+s26] =	stream.linear.scatter [tilespmem:s31], [sflag:$0xB], $0x500, $0x38;
	[tilespmem:$0x18240] =	vst v63  }
0x84: {  	_ =	swait.ge [sflag:s8], $0x500  }
0x85: {  	[sflag:s8] =	ssyncset.done $0x0  }
0x86: {  	[sflag:s8] =	ssyncadd.s32 $0xFFFFFB00  }
0x87: {  	_ =	swait.ge [sflag:s8], $0x500  }
0x88: {  	[sflag:s8] =	ssyncset.done $0x0  }
0x89: {  	s7 =	simm.s32 $0x0;
	[sflag:s8] =	ssyncadd.s32 $0xFFFFFB00  }
0x8a: {  	v0 =	vld [tilespmem:s7+$0xD340]  }
0x8b: {  	v1 =	vld [tilespmem:s7+$0xA140];
	_ =	sdelay $0x3  }
0x8c: {  	s16 =	sand.u32 $0x1E00, s26  }
0x8d: {  	s31 =	sand.u32 $0x70, s26;
	s1 =	sshrl.u32 s16, $0x2;
	v0 =	vadd.f32 v0, v1  }
0x8e: {  	s1 =	sor.u32 s31, s1  }
0x8f: {  	s7 =	simm.s32 $0x10;
	[tilespmem:s1+$0x10540] =	vst v0  }
0x90: {  	s29 =	simm.s32 $0x80;
	s1 =	simm.s32 $0x40;
	v0 =	vld [tilespmem:s7+$0xD340]  }
.LBB2_5:
0x91: {  	p0 =	sne.s32 s29, $0x13C0;
	v1 =	vld [tilespmem:s7+$0xA140];
	_ =	sdelay $0x3  }
.Ltmp1:
0x92: {  	s1 =	sand.u32 $0x1E00, s1;
	s26 =	sadd.s32 $0x10, s26;
	(pc) =	sbr.rel @p0 .LBB2_5-.Ltmp1, $4  }
0x93: {  	s7 =	sand.u32 $0x70, s26;
	s16 =	sshrl.u32 s1, $0x2;
	s1 =	smov.u32 s29;
	v0 =	vadd.f32 v0, v1  }
0x94: {  	s16 =	sor.u32 s7, s16  }
0x95: {  	s7 =	sshra.s32 s29, $0x2;
	[tilespmem:s16+$0x10540] =	vst v0  }
0x96: {  	s29 =	sadd.s32 $0x40, s29;
	v0 =	vld [tilespmem:s7+$0xD340]  }
0x97: {  	v1 =	vld [tilespmem:s7+$0xA140];
	_ =	sdelay $0x2  }
0x98: {  	s31 =	sadd.s32 s6, s24  }
0x99: {  	s1 =	sand.u32 $0x1E00, s1;
	s16 =	sadd.s32 $0x10, s26;
	s7 =	sshll.u32 s31, $0x4  }
0x9a: {  	s16 =	sand.u32 $0x70, s16;
	s1 =	sshrl.u32 s1, $0x2;
	s7 =	sadd.s32 s10, s7;
	v0 =	vadd.f32 v0, v1  }
0x9b: {  	s1 =	sor.u32 s16, s1;
	s7 =	sshrl.u32 s7, $0x3  }
0x9c: {  	s24 =	simm.s32 $0x0;
	s16 =	simm.s32 $0x10540;
	s7 =	sadd.s32 s5, s7;
	[tilespmem:s1+$0x10540] =	vst v0  }
0x9d: {  	[hbm4b:s7+s24] =	stream.linear.scatter [tilespmem:s16], [sflag:$0xC], $0x500, $0x38;
	[tilespmem:$0x18240] =	vst v63  }
0x9e: {  	_ =	swait.ge [sflag:s19], $0x500  }
0x9f: {  	[sflag:s19] =	ssyncset.done $0x0  }
0xa0: {  	[sflag:s19] =	ssyncadd.s32 $0xFFFFFB00  }
0xa1: {  	_ =	swait.ge [sflag:s19], $0x500  }
0xa2: {  	[sflag:s19] =	ssyncset.done $0x0  }
0xa3: {  	s26 =	simm.s32 $0x0;
	[sflag:s19] =	ssyncadd.s32 $0xFFFFFB00  }
0xa4: {  	v0 =	vld [tilespmem:s26+$0xD840]  }
0xa5: {  	v1 =	vld [tilespmem:s26+$0xA640];
	_ =	sdelay $0x3  }
0xa6: {  	s29 =	sand.u32 $0x1E00, s24  }
0xa7: {  	s31 =	sand.u32 $0x70, s24;
	s1 =	sshrl.u32 s29, $0x2;
	v0 =	vadd.f32 v0, v1  }
0xa8: {  	s1 =	sor.u32 s31, s1  }
0xa9: {  	s7 =	simm.s32 $0x10;
	[tilespmem:s1+$0x10A40] =	vst v0  }
0xaa: {  	s26 =	simm.s32 $0x80;
	s1 =	simm.s32 $0x40;
	v0 =	vld [tilespmem:s7+$0xD840]  }
.LBB2_7:
0xab: {  	p0 =	sne.s32 s26, $0x13C0;
	v1 =	vld [tilespmem:s7+$0xA640];
	_ =	sdelay $0x3  }
.Ltmp2:
0xac: {  	s1 =	sand.u32 $0x1E00, s1;
	s24 =	sadd.s32 $0x10, s24;
	(pc) =	sbr.rel @p0 .LBB2_7-.Ltmp2, $4  }
0xad: {  	s7 =	sand.u32 $0x70, s24;
	s16 =	sshrl.u32 s1, $0x2;
	s1 =	smov.u32 s26;
	v0 =	vadd.f32 v0, v1  }
0xae: {  	s16 =	sor.u32 s7, s16  }
0xaf: {  	s7 =	sshra.s32 s26, $0x2;
	[tilespmem:s16+$0x10A40] =	vst v0  }
0xb0: {  	s26 =	sadd.s32 $0x40, s26;
	v0 =	vld [tilespmem:s7+$0xD840]  }
0xb1: {  	v1 =	vld [tilespmem:s7+$0xA640];
	_ =	sdelay $0x2  }
0xb2: {  	s31 =	sadd.s32 s6, s22  }
0xb3: {  	s1 =	sand.u32 $0x1E00, s1;
	s16 =	sadd.s32 $0x10, s24;
	s7 =	sshll.u32 s31, $0x4  }
0xb4: {  	s16 =	sand.u32 $0x70, s16;
	s1 =	sshrl.u32 s1, $0x2;
	s7 =	sadd.s32 s10, s7;
	v0 =	vadd.f32 v0, v1  }
0xb5: {  	s1 =	sor.u32 s16, s1;
	s7 =	sshrl.u32 s7, $0x3  }
0xb6: {  	s22 =	simm.s32 $0x0;
	s24 =	simm.s32 $0x10A40;
	s16 =	sadd.s32 s5, s7;
	[tilespmem:s1+$0x10A40] =	vst v0  }
0xb7: {  	[hbm4b:s16+s22] =	stream.linear.scatter [tilespmem:s24], [sflag:$0xD], $0x500, $0x38;
	[tilespmem:$0x18240] =	vst v63  }
0xb8: {  	_ =	swait.ge [sflag:s21], $0x500  }
0xb9: {  	[sflag:s21] =	ssyncset.done $0x0  }
0xba: {  	[sflag:s21] =	ssyncadd.s32 $0xFFFFFB00  }
0xbb: {  	_ =	swait.ge [sflag:s21], $0x500  }
0xbc: {  	[sflag:s21] =	ssyncset.done $0x0  }
0xbd: {  	s26 =	simm.s32 $0x0;
	[sflag:s21] =	ssyncadd.s32 $0xFFFFFB00  }
0xbe: {  	v0 =	vld [tilespmem:s26+$0xDD40]  }
0xbf: {  	v1 =	vld [tilespmem:s26+$0xAB40];
	_ =	sdelay $0x3  }
0xc0: {  	s29 =	sand.u32 $0x1E00, s22  }
0xc1: {  	s31 =	sand.u32 $0x70, s22;
	s1 =	sshrl.u32 s29, $0x2;
	v0 =	vadd.f32 v0, v1  }
0xc2: {  	s1 =	sor.u32 s31, s1  }
0xc3: {  	s7 =	simm.s32 $0x10;
	[tilespmem:s1+$0x10F40] =	vst v0  }
0xc4: {  	s24 =	simm.s32 $0x80;
	s1 =	simm.s32 $0x40;
	v0 =	vld [tilespmem:s7+$0xDD40]  }
.LBB2_9:
0xc5: {  	p0 =	sne.s32 s24, $0x13C0;
	v1 =	vld [tilespmem:s7+$0xAB40];
	_ =	sdelay $0x3  }
.Ltmp3:
0xc6: {  	s1 =	sand.u32 $0x1E00, s1;
	s22 =	sadd.s32 $0x10, s22;
	(pc) =	sbr.rel @p0 .LBB2_9-.Ltmp3, $4  }
0xc7: {  	s7 =	sand.u32 $0x70, s22;
	s16 =	sshrl.u32 s1, $0x2;
	s1 =	smov.u32 s24;
	v0 =	vadd.f32 v0, v1  }
0xc8: {  	s16 =	sor.u32 s7, s16  }
0xc9: {  	s7 =	sshra.s32 s24, $0x2;
	[tilespmem:s16+$0x10F40] =	vst v0  }
0xca: {  	s24 =	sadd.s32 $0x40, s24;
	v0 =	vld [tilespmem:s7+$0xDD40]  }
0xcb: {  	v1 =	vld [tilespmem:s7+$0xAB40];
	_ =	sdelay $0x2  }
0xcc: {  	s20 =	sadd.s32 s6, s20  }
0xcd: {  	s1 =	sand.u32 $0x1E00, s1;
	s16 =	sadd.s32 $0x10, s22;
	s7 =	sshll.u32 s20, $0x4  }
0xce: {  	s16 =	sand.u32 $0x70, s16;
	s1 =	sshrl.u32 s1, $0x2;
	s7 =	sadd.s32 s10, s7;
	v0 =	vadd.f32 v0, v1  }
0xcf: {  	s1 =	sor.u32 s16, s1;
	s7 =	sshrl.u32 s7, $0x3  }
0xd0: {  	s24 =	simm.s32 $0x10F40;
	s20 =	simm.s32 $0x0;
	s22 =	sadd.s32 s5, s7;
	[tilespmem:s1+$0x10F40] =	vst v0  }
0xd1: {  	[hbm4b:s22+s20] =	stream.linear.scatter [tilespmem:s24], [sflag:$0xE], $0x500, $0x38;
	[tilespmem:$0x18240] =	vst v63  }
0xd2: {  	_ =	swait.ge [sflag:s23], $0x500  }
0xd3: {  	[sflag:s23] =	ssyncset.done $0x0  }
0xd4: {  	[sflag:s23] =	ssyncadd.s32 $0xFFFFFB00  }
0xd5: {  	_ =	swait.ge [sflag:s23], $0x500  }
0xd6: {  	[sflag:s23] =	ssyncset.done $0x0  }
0xd7: {  	s26 =	simm.s32 $0x0;
	[sflag:s23] =	ssyncadd.s32 $0xFFFFFB00  }
0xd8: {  	v0 =	vld [tilespmem:s26+$0xE240]  }
0xd9: {  	v1 =	vld [tilespmem:s26+$0xB040];
	_ =	sdelay $0x3  }
0xda: {  	s29 =	sand.u32 $0x1E00, s20  }
0xdb: {  	s31 =	sand.u32 $0x70, s20;
	s1 =	sshrl.u32 s29, $0x2;
	v0 =	vadd.f32 v0, v1  }
0xdc: {  	s1 =	sor.u32 s31, s1  }
0xdd: {  	s7 =	simm.s32 $0x10;
	[tilespmem:s1+$0x11440] =	vst v0  }
0xde: {  	s22 =	simm.s32 $0x80;
	s1 =	simm.s32 $0x40;
	v0 =	vld [tilespmem:s7+$0xE240]  }
.LBB2_11:
0xdf: {  	p0 =	sne.s32 s22, $0x13C0;
	v1 =	vld [tilespmem:s7+$0xB040];
	_ =	sdelay $0x3  }
.Ltmp4:
0xe0: {  	s1 =	sand.u32 $0x1E00, s1;
	s20 =	sadd.s32 $0x10, s20;
	(pc) =	sbr.rel @p0 .LBB2_11-.Ltmp4, $4  }
0xe1: {  	s7 =	sand.u32 $0x70, s20;
	s16 =	sshrl.u32 s1, $0x2;
	s1 =	smov.u32 s22;
	v0 =	vadd.f32 v0, v1  }
0xe2: {  	s16 =	sor.u32 s7, s16  }
0xe3: {  	s7 =	sshra.s32 s22, $0x2;
	[tilespmem:s16+$0x11440] =	vst v0  }
0xe4: {  	s22 =	sadd.s32 $0x40, s22;
	v0 =	vld [tilespmem:s7+$0xE240]  }
0xe5: {  	v1 =	vld [tilespmem:s7+$0xB040];
	_ =	sdelay $0x2  }
0xe6: {  	s16 =	sadd.s32 s6, s15  }
0xe7: {  	s1 =	sand.u32 $0x1E00, s1;
	s20 =	sadd.s32 $0x10, s20;
	s7 =	sshll.u32 s16, $0x4  }
0xe8: {  	s15 =	sand.u32 $0x70, s20;
	s1 =	sshrl.u32 s1, $0x2;
	s7 =	sadd.s32 s10, s7;
	v0 =	vadd.f32 v0, v1  }
0xe9: {  	s1 =	sor.u32 s15, s1;
	s7 =	sshrl.u32 s7, $0x3  }
0xea: {  	s24 =	simm.s32 $0x11440;
	s15 =	simm.s32 $0x0;
	s22 =	sadd.s32 s5, s7;
	[tilespmem:s1+$0x11440] =	vst v0  }
0xeb: {  	[hbm4b:s22+s15] =	stream.linear.scatter [tilespmem:s24], [sflag:$0xF], $0x500, $0x38;
	[tilespmem:$0x18240] =	vst v63  }
0xec: {  	_ =	swait.ge [sflag:s25], $0x500  }
0xed: {  	[sflag:s25] =	ssyncset.done $0x0  }
0xee: {  	[sflag:s25] =	ssyncadd.s32 $0xFFFFFB00  }
0xef: {  	_ =	swait.ge [sflag:s25], $0x500  }
0xf0: {  	[sflag:s25] =	ssyncset.done $0x0  }
0xf1: {  	s26 =	simm.s32 $0x0;
	[sflag:s25] =	ssyncadd.s32 $0xFFFFFB00  }
0xf2: {  	v0 =	vld [tilespmem:s26+$0xE740]  }
0xf3: {  	v1 =	vld [tilespmem:s26+$0xB540];
	_ =	sdelay $0x3  }
0xf4: {  	s29 =	sand.u32 $0x1E00, s15  }
0xf5: {  	s31 =	sand.u32 $0x70, s15;
	s1 =	sshrl.u32 s29, $0x2;
	v0 =	vadd.f32 v0, v1  }
0xf6: {  	s1 =	sor.u32 s31, s1  }
0xf7: {  	s7 =	simm.s32 $0x10;
	[tilespmem:s1+$0x11940] =	vst v0  }
0xf8: {  	s20 =	simm.s32 $0x80;
	s1 =	simm.s32 $0x40;
	v0 =	vld [tilespmem:s7+$0xE740]  }
.LBB2_13:
0xf9: {  	p0 =	sne.s32 s20, $0x13C0;
	v1 =	vld [tilespmem:s7+$0xB540];
	_ =	sdelay $0x3  }
.Ltmp5:
0xfa: {  	s1 =	sand.u32 $0x1E00, s1;
	s15 =	sadd.s32 $0x10, s15;
	(pc) =	sbr.rel @p0 .LBB2_13-.Ltmp5, $4  }
0xfb: {  	s7 =	sand.u32 $0x70, s15;
	s16 =	sshrl.u32 s1, $0x2;
	s1 =	smov.u32 s20;
	v0 =	vadd.f32 v0, v1  }
0xfc: {  	s16 =	sor.u32 s7, s16  }
0xfd: {  	s7 =	sshra.s32 s20, $0x2;
	[tilespmem:s16+$0x11940] =	vst v0  }
0xfe: {  	s20 =	sadd.s32 $0x40, s20;
	v0 =	vld [tilespmem:s7+$0xE740]  }
0xff: {  	v1 =	vld [tilespmem:s7+$0xB540];
	_ =	sdelay $0x2  }
0x100: {  	s16 =	sadd.s32 s6, s12  }
0x101: {  	s1 =	sand.u32 $0x1E00, s1;
	s20 =	sadd.s32 $0x10, s15;
	s7 =	sshll.u32 s16, $0x4  }
0x102: {  	s12 =	sand.u32 $0x70, s20;
	s1 =	sshrl.u32 s1, $0x2;
	s7 =	sadd.s32 s10, s7;
	v0 =	vadd.f32 v0, v1  }
0x103: {  	s1 =	sor.u32 s12, s1;
	s7 =	sshrl.u32 s7, $0x3  }
0x104: {  	s24 =	simm.s32 $0x11940;
	s12 =	simm.s32 $0x0;
	s22 =	sadd.s32 s5, s7;
	[tilespmem:s1+$0x11940] =	vst v0  }
0x105: {  	[hbm4b:s22+s12] =	stream.linear.scatter [tilespmem:s24], [sflag:$0x10], $0x500, $0x38;
	[tilespmem:$0x18240] =	vst v63  }
0x106: {  	_ =	swait.ge [sflag:s28], $0x500  }
0x107: {  	[sflag:s28] =	ssyncset.done $0x0  }
0x108: {  	[sflag:s28] =	ssyncadd.s32 $0xFFFFFB00  }
0x109: {  	_ =	swait.ge [sflag:s28], $0x500  }
0x10a: {  	[sflag:s28] =	ssyncset.done $0x0  }
0x10b: {  	s26 =	simm.s32 $0x0;
	[sflag:s28] =	ssyncadd.s32 $0xFFFFFB00  }
0x10c: {  	v0 =	vld [tilespmem:s26+$0xEC40]  }
0x10d: {  	v1 =	vld [tilespmem:s26+$0xBA40];
	_ =	sdelay $0x3  }
0x10e: {  	s29 =	sand.u32 $0x1E00, s12  }
0x10f: {  	s31 =	sand.u32 $0x70, s12;
	s1 =	sshrl.u32 s29, $0x2;
	v0 =	vadd.f32 v0, v1  }
0x110: {  	s1 =	sor.u32 s31, s1  }
0x111: {  	s7 =	simm.s32 $0x10;
	[tilespmem:s1+$0x11E40] =	vst v0  }
0x112: {  	s15 =	simm.s32 $0x80;
	s1 =	simm.s32 $0x40;
	v0 =	vld [tilespmem:s7+$0xEC40]  }
.LBB2_15:
0x113: {  	p0 =	sne.s32 s15, $0x13C0;
	v1 =	vld [tilespmem:s7+$0xBA40];
	_ =	sdelay $0x3  }
.Ltmp6:
0x114: {  	s1 =	sand.u32 $0x1E00, s1;
	s12 =	sadd.s32 $0x10, s12;
	(pc) =	sbr.rel @p0 .LBB2_15-.Ltmp6, $4  }
0x115: {  	s7 =	sand.u32 $0x70, s12;
	s16 =	sshrl.u32 s1, $0x2;
	s1 =	smov.u32 s15;
	v0 =	vadd.f32 v0, v1  }
0x116: {  	s16 =	sor.u32 s7, s16  }
0x117: {  	s7 =	sshra.s32 s15, $0x2;
	[tilespmem:s16+$0x11E40] =	vst v0  }
0x118: {  	s15 =	sadd.s32 $0x40, s15;
	v0 =	vld [tilespmem:s7+$0xEC40]  }
0x119: {  	v1 =	vld [tilespmem:s7+$0xBA40];
	_ =	sdelay $0x2  }
0x11a: {  	s20 =	sadd.s32 s6, s14  }
0x11b: {  	s1 =	sand.u32 $0x1E00, s1;
	s12 =	sadd.s32 $0x10, s12;
	s7 =	sshll.u32 s20, $0x4  }
0x11c: {  	s12 =	sand.u32 $0x70, s12;
	s1 =	sshrl.u32 s1, $0x2;
	s7 =	sadd.s32 s10, s7;
	v0 =	vadd.f32 v0, v1  }
0x11d: {  	s1 =	sor.u32 s12, s1;
	s7 =	sshrl.u32 s7, $0x3  }
0x11e: {  	s24 =	simm.s32 $0x11E40;
	s12 =	simm.s32 $0x0;
	s22 =	sadd.s32 s5, s7;
	[tilespmem:s1+$0x11E40] =	vst v0  }
0x11f: {  	[hbm4b:s22+s12] =	stream.linear.scatter [tilespmem:s24], [sflag:$0x11], $0x500, $0x38;
	[tilespmem:$0x18240] =	vst v63  }
0x120: {  	_ =	swait.ge [sflag:s30], $0x500  }
0x121: {  	[sflag:s30] =	ssyncset.done $0x0  }
0x122: {  	[sflag:s30] =	ssyncadd.s32 $0xFFFFFB00  }
0x123: {  	_ =	swait.ge [sflag:s30], $0x500  }
0x124: {  	[sflag:s30] =	ssyncset.done $0x0  }
0x125: {  	s26 =	simm.s32 $0x0;
	[sflag:s30] =	ssyncadd.s32 $0xFFFFFB00  }
0x126: {  	v0 =	vld [tilespmem:s26+$0xF140]  }
0x127: {  	v1 =	vld [tilespmem:s26+$0xBF40];
	_ =	sdelay $0x3  }
0x128: {  	s29 =	sand.u32 $0x1E00, s12  }
0x129: {  	s31 =	sand.u32 $0x70, s12;
	s1 =	sshrl.u32 s29, $0x2;
	v0 =	vadd.f32 v0, v1  }
0x12a: {  	s1 =	sor.u32 s31, s1  }
0x12b: {  	s7 =	simm.s32 $0x10;
	[tilespmem:s1+$0x12340] =	vst v0  }
0x12c: {  	s14 =	simm.s32 $0x80;
	s1 =	simm.s32 $0x40;
	v0 =	vld [tilespmem:s7+$0xF140]  }
.LBB2_17:
0x12d: {  	p0 =	sne.s32 s14, $0x13C0;
	v1 =	vld [tilespmem:s7+$0xBF40];
	_ =	sdelay $0x3  }
.Ltmp7:
0x12e: {  	s1 =	sand.u32 $0x1E00, s1;
	s12 =	sadd.s32 $0x10, s12;
	(pc) =	sbr.rel @p0 .LBB2_17-.Ltmp7, $4  }
0x12f: {  	s7 =	sand.u32 $0x70, s12;
	s15 =	sshrl.u32 s1, $0x2;
	s1 =	smov.u32 s14;
	v0 =	vadd.f32 v0, v1  }
0x130: {  	s15 =	sor.u32 s7, s15  }
0x131: {  	s7 =	sshra.s32 s14, $0x2;
	[tilespmem:s15+$0x12340] =	vst v0  }
0x132: {  	s14 =	sadd.s32 $0x40, s14;
	v0 =	vld [tilespmem:s7+$0xF140]  }
0x133: {  	v1 =	vld [tilespmem:s7+$0xBF40];
	_ =	sdelay $0x2  }
0x134: {  	s4 =	sadd.s32 s6, s4  }
0x135: {  	s1 =	sand.u32 $0x1E00, s1;
	s20 =	sadd.s32 $0x10, s12;
	s4 =	sshll.u32 s4, $0x4  }
0x136: {  	s7 =	sand.u32 $0x70, s20;
	s1 =	sshrl.u32 s1, $0x2;
	s4 =	sadd.s32 s10, s4;
	v0 =	vadd.f32 v0, v1  }
0x137: {  	s1 =	sor.u32 s7, s1;
	s4 =	sshrl.u32 s4, $0x3  }
0x138: {  	s24 =	simm.s32 $0x12340;
	s22 =	sadd.s32 s5, s4;
	s4 =	simm.s32 $0x0;
	[tilespmem:s1+$0x12340] =	vst v0  }
0x139: {  	[hbm4b:s22+s4] =	stream.linear.scatter [tilespmem:s24], [sflag:$0x12], $0x500, $0x38;
	[tilespmem:$0x18240] =	vst v63  }
0x13a: {  	_ =	swait.ge [sflag:s0], $0x500  }
0x13b: {  	[sflag:s0] =	ssyncset.done $0x0  }
0x13c: {  	[sflag:s0] =	ssyncadd.s32 $0xFFFFFB00  }
0x13d: {  	_ =	swait.ge [sflag:s0], $0x500  }
0x13e: {  	[sflag:s0] =	ssyncset.done $0x0  }
0x13f: {  	s26 =	simm.s32 $0x0;
	[sflag:s0] =	ssyncadd.s32 $0xFFFFFB00  }
0x140: {  	v0 =	vld [tilespmem:s26+$0xF640]  }
0x141: {  	v1 =	vld [tilespmem:s26+$0xC440];
	_ =	sdelay $0x3  }
0x142: {  	s29 =	sand.u32 $0x1E00, s4  }
0x143: {  	s31 =	sand.u32 $0x70, s4;
	s1 =	sshrl.u32 s29, $0x2;
	v0 =	vadd.f32 v0, v1  }
0x144: {  	s1 =	sor.u32 s31, s1  }
0x145: {  	s7 =	simm.s32 $0x10;
	[tilespmem:s1+$0x12840] =	vst v0  }
0x146: {  	s12 =	simm.s32 $0x80;
	s1 =	simm.s32 $0x40;
	v0 =	vld [tilespmem:s7+$0xF640]  }
.LBB2_19:
0x147: {  	p0 =	sne.s32 s12, $0x13C0;
	v1 =	vld [tilespmem:s7+$0xC440];
	_ =	sdelay $0x3  }
.Ltmp8:
0x148: {  	s1 =	sand.u32 $0x1E00, s1;
	s4 =	sadd.s32 $0x10, s4;
	(pc) =	sbr.rel @p0 .LBB2_19-.Ltmp8, $4  }
0x149: {  	s7 =	sand.u32 $0x70, s4;
	s14 =	sshrl.u32 s1, $0x2;
	s1 =	smov.u32 s12;
	v0 =	vadd.f32 v0, v1  }
0x14a: {  	s14 =	sor.u32 s7, s14  }
0x14b: {  	s7 =	sshra.s32 s12, $0x2;
	[tilespmem:s14+$0x12840] =	vst v0  }
0x14c: {  	s12 =	sadd.s32 $0x40, s12;
	v0 =	vld [tilespmem:s7+$0xF640]  }
0x14d: {  	v1 =	vld [tilespmem:s7+$0xC440];
	_ =	sdelay $0x2  }
0x14e: {  	s16 =	sadd.s32 s6, s13  }
0x14f: {  	s1 =	sand.u32 $0x1E00, s1;
	s4 =	sadd.s32 $0x10, s4;
	s7 =	sshll.u32 s16, $0x4  }
0x150: {  	s4 =	sand.u32 $0x70, s4;
	s1 =	sshrl.u32 s1, $0x2;
	s7 =	sadd.s32 s10, s7;
	v0 =	vadd.f32 v0, v1  }
0x151: {  	s1 =	sor.u32 s4, s1;
	s20 =	sshrl.u32 s7, $0x3  }
0x152: {  	s24 =	simm.s32 $0x12840;
	s4 =	simm.s32 $0x0;
	s22 =	sadd.s32 s5, s20;
	[tilespmem:s1+$0x12840] =	vst v0  }
0x153: {  	[hbm4b:s22+s4] =	stream.linear.scatter [tilespmem:s24], [sflag:$0x13], $0x500, $0x38;
	[tilespmem:$0x18240] =	vst v63  }
0x154: {  	_ =	swait.ge [sflag:s17], $0x500  }
0x155: {  	[sflag:s17] =	ssyncset.done $0x0  }
0x156: {  	[sflag:s17] =	ssyncadd.s32 $0xFFFFFB00  }
0x157: {  	_ =	swait.ge [sflag:s17], $0x500  }
0x158: {  	[sflag:s17] =	ssyncset.done $0x0  }
0x159: {  	s26 =	simm.s32 $0x0;
	[sflag:s17] =	ssyncadd.s32 $0xFFFFFB00  }
0x15a: {  	v0 =	vld [tilespmem:s26+$0xFB40]  }
0x15b: {  	v1 =	vld [tilespmem:s26+$0xC940];
	_ =	sdelay $0x3  }
0x15c: {  	s29 =	sand.u32 $0x1E00, s4  }
0x15d: {  	s31 =	sand.u32 $0x70, s4;
	s1 =	sshrl.u32 s29, $0x2;
	v0 =	vadd.f32 v0, v1  }
0x15e: {  	s1 =	sor.u32 s31, s1  }
0x15f: {  	s7 =	simm.s32 $0x10;
	[tilespmem:s1+$0x12D40] =	vst v0  }
0x160: {  	s12 =	simm.s32 $0x80;
	s1 =	simm.s32 $0x40;
	v0 =	vld [tilespmem:s7+$0xFB40]  }
.LBB2_21:
0x161: {  	p0 =	sne.s32 s12, $0x13C0;
	v1 =	vld [tilespmem:s7+$0xC940];
	_ =	sdelay $0x3  }
.Ltmp9:
0x162: {  	s1 =	sand.u32 $0x1E00, s1;
	s4 =	sadd.s32 $0x10, s4;
	(pc) =	sbr.rel @p0 .LBB2_21-.Ltmp9, $4  }
0x163: {  	s7 =	sand.u32 $0x70, s4;
	s13 =	sshrl.u32 s1, $0x2;
	s1 =	smov.u32 s12;
	v0 =	vadd.f32 v0, v1  }
0x164: {  	s13 =	sor.u32 s7, s13  }
0x165: {  	s7 =	sshra.s32 s12, $0x2;
	[tilespmem:s13+$0x12D40] =	vst v0  }
0x166: {  	s12 =	sadd.s32 $0x40, s12;
	v0 =	vld [tilespmem:s7+$0xFB40]  }
0x167: {  	v1 =	vld [tilespmem:s7+$0xC940];
	_ =	sdelay $0x1  }
0x168: {  	s9 =	sadd.s32 $0x1, s9  }
0x169: {  	s22 =	sadd.s32 s6, s11;
	s1 =	sand.u32 $0x1E00, s1;
	p0 =	sne.s32 s9, $0x19  }
.Ltmp10:
0x16a: {  	s4 =	sadd.s32 $0x10, s4;
	s7 =	sshll.u32 s22, $0x4;
	(pc) =	sbr.rel @p0 .LBB2_2-.Ltmp10, $4  }
0x16b: {  	s4 =	sand.u32 $0x70, s4;
	s1 =	sshrl.u32 s1, $0x2;
	s7 =	sadd.s32 s10, s7;
	v0 =	vadd.f32 v0, v1  }
0x16c: {  	s1 =	sor.u32 s4, s1;
	s24 =	sshrl.u32 s7, $0x3  }
0x16d: {  	s29 =	simm.s32 $0x0;
	s31 =	simm.s32 $0x12D40;
	s26 =	sadd.s32 s5, s24;
	[tilespmem:s1+$0x12D40] =	vst v0  }
0x16e: {  	[hbm4b:s26+s29] =	stream.linear.scatter [tilespmem:s31], [sflag:$0x14], $0x500, $0x38;
	[tilespmem:$0x18240] =	vst v63  }
0x16f: {  	s1 =	simm.s32 $0xB  }
0x170: {  	_ =	swait.ge [sflag:s1], $0x500  }
0x171: {  	[sflag:s1] =	ssyncset.done $0x0  }
0x172: {  	s14 =	simm.s32 $0xC;
	[sflag:s1] =	ssyncadd.s32 $0xFFFFFB00  }
0x173: {  	_ =	swait.ge [sflag:s14], $0x500  }
0x174: {  	[sflag:s14] =	ssyncset.done $0x0  }
0x175: {  	s15 =	simm.s32 $0xD;
	[sflag:s14] =	ssyncadd.s32 $0xFFFFFB00  }
0x176: {  	_ =	swait.ge [sflag:s15], $0x500  }
0x177: {  	[sflag:s15] =	ssyncset.done $0x0  }
0x178: {  	s16 =	simm.s32 $0xE;
	[sflag:s15] =	ssyncadd.s32 $0xFFFFFB00  }
0x179: {  	_ =	swait.ge [sflag:s16], $0x500  }
0x17a: {  	[sflag:s16] =	ssyncset.done $0x0  }
0x17b: {  	s20 =	simm.s32 $0xF;
	[sflag:s16] =	ssyncadd.s32 $0xFFFFFB00  }
0x17c: {  	_ =	swait.ge [sflag:s20], $0x500  }
0x17d: {  	[sflag:s20] =	ssyncset.done $0x0  }
0x17e: {  	s22 =	simm.s32 $0x10;
	[sflag:s20] =	ssyncadd.s32 $0xFFFFFB00  }
0x17f: {  	_ =	swait.ge [sflag:s22], $0x500  }
0x180: {  	[sflag:s22] =	ssyncset.done $0x0  }
0x181: {  	s24 =	simm.s32 $0x11;
	[sflag:s22] =	ssyncadd.s32 $0xFFFFFB00  }
0x182: {  	_ =	swait.ge [sflag:s24], $0x500  }
0x183: {  	[sflag:s24] =	ssyncset.done $0x0  }
0x184: {  	s26 =	simm.s32 $0x12;
	[sflag:s24] =	ssyncadd.s32 $0xFFFFFB00  }
0x185: {  	_ =	swait.ge [sflag:s26], $0x500  }
0x186: {  	[sflag:s26] =	ssyncset.done $0x0  }
0x187: {  	s29 =	simm.s32 $0x13;
	[sflag:s26] =	ssyncadd.s32 $0xFFFFFB00  }
0x188: {  	_ =	swait.ge [sflag:s29], $0x500  }
0x189: {  	[sflag:s29] =	ssyncset.done $0x0  }
0x18a: {  	s4 =	simm.s32 $0x14;
	[sflag:s29] =	ssyncadd.s32 $0xFFFFFB00  }
0x18b: {  	_ =	swait.ge [sflag:s4], $0x500  }
0x18c: {  	s7 =	rddreg [dreg:$0xc]  }
0x18d: {  	s31 =	rddreg [dreg:$0x7];
	s7 =	sadd.s32 $0x1, s7  }
0x18e: {  	p0 =	sne.s32 s7, s31  }
.Ltmp11:
0x18f: {  	_ = 	snop;
	(pc) =	sbr.rel @p0 .LBB2_1-.Ltmp11, $3  }
0x190: {  	_ =	sdelay $0x1  }
0x191: {  	[sflag:s4] =	ssyncset.done $0x0  }
0x192: {  	[sflag:s4] =	ssyncadd.s32 $0xFFFFFB00  }
0x193: {  	_ =	sfence.sel $0x180000  }
0x194: {  	[bflag:$0x0] =	sbarrier.arrive $0xFFFF  }
0x195: {  	_ =	strace $0x90000047  }
0x196: {  	s0 =	stileid.u32;
	[bflag:$0x2] =	sbarrier.arrive $0xFFFF  }
0x197: {  	p0 =	sne.s32 s0, $0x0;
	s0 =	rddreg [dreg:$0x3]  }
0x198: {  	s0 =	sadd.s32 @!p0 $0x100000, s0  }
0x199: {  	[sflag:s0] =	ssyncadd.tile.s32 @!p0 $0x1;
	_ =	shalt  }
.Lfunc_end2:
_tile_overlayer_lowered:
.L_overlay_start_2:
0x19a: {  	(tag) =	ssettag $0x2  }
0x19b: {  	s0 =	rddreg [dreg:$0x0];
	s2 =	stileid.u32  }
0x19c: {  	s1 =	rddreg [dreg:$0x1];
	p0 =	sne.s32 s2, $0x0  }
0x19d: {  	s3 =	rddreg [dreg:$0x2];
	[bflag:$0x3] =	sbarrier.arrive $0xFFFF;
	s2 =	simm.s32 @!p0 $0x1C15  }
0x19e: {  	[timem:s3], [sflag:s2] =	dma.local @!p0 [hbm:s0], s1  }
0x19f: {  	s0 =	simm.s32 @!p0 $0x15  }
0x1a0: {  	_ =	swait.ge @!p0 [sflag:s0], s1  }
0x1a1: {  	s1 =	ssub.s32 @!p0 $0x0, s1;
	[sflag:s0] =	ssyncset.done @!p0 $0x0  }
0x1a2: {  	[sflag:s0] =	ssyncadd.s32 @!p0 s1  }
0x1a3: {  	[bflag:$0x3] =	sbarrier.arrive $0xFFFF  }
0x1a4: {  	_ =	shalt  }

</sc_bundles>
